<compile_context>
chip_gen: v7x
topology: tpu7x:2x2x1
jax: 0.10.2.dev20260603
libtpu: 0.0.44.dev20260713+nightly
codegen_flags: <defaults>
</compile_context>

<pallas_src>
import functools

import jax
import jax.numpy as jnp
from jax import lax
from jax.experimental import pallas as pl
from jax.experimental.pallas import tpu as pltpu
from jax.experimental.pallas import tpu_sc as plsc

_N = 10000
_E = 320000
_D = 128
_DE = 16
_H = 128
_EPS = 1e-5

_GW = 128
_BE = 6400
_BN = 1000
_NPAD = 10240
_NSUB = 16
_NCORE = 2
_NCHUNK = 2
_EC = _E // _NCHUNK


def _sc_gather(x, edge_index, chunk):
    d = x.shape[1]
    win0 = chunk * (_EC // _GW)
    mesh = plsc.VectorSubcoreMesh(core_axis_name="core", subcore_axis_name="subcore")

    @functools.partial(
        pl.kernel,
        out_type=jax.ShapeDtypeStruct((_EC, d), x.dtype),
        mesh=mesh,
    )
    def k(x_hbm, i_hbm, o_hbm):
        def body(i_vmem, o_vmem):
            pltpu.sync_copy(x_hbm.at[i_vmem.at[0]], o_vmem)

        pltpu.emit_pipeline(
            body,
            grid=(_EC // _GW,),
            in_specs=[pl.BlockSpec((1, _GW), lambda i: (0, i + win0))],
            out_specs=[pl.BlockSpec((_GW, d), lambda i: (i, 0))],
            core_axis_name=("core", "subcore"),
            dimension_semantics=(pltpu.PARALLEL,),
        )(i_hbm, o_hbm)

    return k(x, edge_index)


def _sc_scatter_add(m, dst2d, chunk):
    d = m.shape[1]
    n = _NPAD
    rows_per = n // _NSUB
    zrows = 64
    nblk = _EC // _GW
    blk0 = chunk * nblk
    mesh = plsc.VectorSubcoreMesh(core_axis_name="core", subcore_axis_name="subcore")

    @functools.partial(
        pl.kernel,
        out_type=jax.ShapeDtypeStruct((_NCORE, n, d), jnp.float32),
        mesh=mesh,
        scratch_types=[pltpu.VMEM_SHARED((n, d), jnp.float32),
                       pltpu.VMEM((zrows, d), jnp.float32)],
    )
    def k(m_hbm, i_hbm, o_hbm, shared, zbuf):
        cid = lax.axis_index("core")
        sid = lax.axis_index("subcore")
        row0 = sid * rows_per

        @pl.loop(0, zrows)
        def _(r):
            @pl.loop(0, d, step=16)
            def _(c):
                zbuf[r, pl.ds(c, 16)] = jnp.zeros((16,), jnp.float32)

        @pl.loop(0, rows_per, step=zrows)
        def _(r):
            pltpu.sync_copy(zbuf, shared.at[pl.ds(row0 + r, zrows)])

        plsc.subcore_barrier()

        def body(m_vmem, i_vmem):
            pltpu.sync_copy(m_vmem, shared.at[i_vmem.at[0]], add=True)

        pltpu.emit_pipeline(
            body,
            grid=(nblk,),
            in_specs=[
                pl.BlockSpec((_GW, d), lambda i: (i, 0)),
                pl.BlockSpec((1, _GW), lambda i: (i + blk0, 0)),
            ],
            out_specs=[],
            core_axis_name=("core", "subcore"),
            dimension_semantics=(pltpu.PARALLEL,),
        )(m_hbm, i_hbm)

        plsc.subcore_barrier()
        pltpu.sync_copy(shared.at[pl.ds(row0, rows_per)],
                        o_hbm.at[cid, pl.ds(row0, rows_per)])

    return k(m, dst2d)


def _mlp_body(xj_ref, eat_ref, w1a_ref, w1b_ref, b1_ref, w2_ref, b2_ref, m_ref):
    h = jnp.dot(xj_ref[...].astype(jnp.bfloat16), w1a_ref[...],
                preferred_element_type=jnp.float32)
    h = h + lax.dot_general(
        eat_ref[...].astype(jnp.bfloat16), w1b_ref[...],
        dimension_numbers=(((0,), (0,)), ((), ())),
        preferred_element_type=jnp.float32)
    h = jnp.maximum(h + b1_ref[...], 0.0)
    m = jnp.dot(h.astype(jnp.bfloat16), w2_ref[...],
                preferred_element_type=jnp.float32) + b2_ref[...]
    m_ref[...] = jnp.maximum(m, 0.0)


def _tc_mlp(xj, ea_t, w1a, w1b, b1, w2, b2, chunk):
    d = xj.shape[1]
    de = ea_t.shape[0]
    h = w2.shape[0]
    blk0 = chunk * (_EC // _BE)
    return pl.pallas_call(
        _mlp_body,
        grid=(_EC // _BE,),
        in_specs=[
            pl.BlockSpec((_BE, d), lambda i: (i, 0)),
            pl.BlockSpec((de, _BE), lambda i: (0, i + blk0)),
            pl.BlockSpec((d, h), lambda i: (0, 0)),
            pl.BlockSpec((de, h), lambda i: (0, 0)),
            pl.BlockSpec((1, h), lambda i: (0, 0)),
            pl.BlockSpec((h, d), lambda i: (0, 0)),
            pl.BlockSpec((1, d), lambda i: (0, 0)),
        ],
        out_specs=pl.BlockSpec((_BE, d), lambda i: (i, 0)),
        out_shape=jax.ShapeDtypeStruct((_EC, d), jnp.float32),
    )(xj, ea_t, w1a, w1b, b1, w2, b2)


def _upd_body(x_ref, p_ref, q_ref, g_ref, be_ref, w3_ref, b3_ref, o_ref):
    s = x_ref[...] + (p_ref[0] + p_ref[1]) + (q_ref[0] + q_ref[1])
    mu = jnp.mean(s, axis=1, keepdims=True)
    c = s - mu
    var = jnp.mean(c * c, axis=1, keepdims=True)
    y = c * lax.rsqrt(var + _EPS) * g_ref[...] + be_ref[...]
    y = jnp.maximum(y, 0.0)
    o_ref[...] = jnp.dot(y, w3_ref[...], preferred_element_type=jnp.float32) + b3_ref[...]


def _tc_update(x, parts, gamma, beta, w3, b3):
    n, d = x.shape
    grid = (n // _BN,)
    pspec = pl.BlockSpec((_NCORE, _BN, d), lambda i: (0, i, 0))
    return pl.pallas_call(
        _upd_body,
        grid=grid,
        in_specs=[
            pl.BlockSpec((_BN, d), lambda i: (i, 0)),
            pspec, pspec,
            pl.BlockSpec((1, d), lambda i: (0, 0)),
            pl.BlockSpec((1, d), lambda i: (0, 0)),
            pl.BlockSpec((d, d), lambda i: (0, 0)),
            pl.BlockSpec((1, d), lambda i: (0, 0)),
        ],
        out_specs=pl.BlockSpec((_BN, d), lambda i: (i, 0)),
        out_shape=jax.ShapeDtypeStruct((n, d), jnp.float32),
    )(x, *parts, gamma, beta, w3, b3)


def kernel(x, edge_index, edge_attr, W1, b1, W2, b2, gamma, beta, W3, b3):
    ea_t = edge_attr.T
    w1a = W1[:_D].astype(jnp.bfloat16)
    w1b = W1[_D:].astype(jnp.bfloat16)
    w2 = W2.astype(jnp.bfloat16)
    b1r = b1.reshape(1, _H)
    b2r = b2.reshape(1, _D)

    xjs = [None] * _NCHUNK
    ms = [None] * _NCHUNK
    parts = [None] * _NCHUNK
    dst2d = edge_index[1].reshape(_E // _GW, _GW)
    xjs[0] = _sc_gather(x, edge_index, 0)
    for c in range(_NCHUNK):
        ms[c] = _tc_mlp(xjs[c], ea_t, w1a, w1b, b1r, w2, b2r, c)
        if c + 1 < _NCHUNK:
            xjs[c + 1] = _sc_gather(x, edge_index, c + 1)
        parts[c] = _sc_scatter_add(ms[c], dst2d, c)
    return _tc_update(
        x, parts,
        gamma.reshape(1, _D), beta.reshape(1, _D), W3, b3.reshape(1, _D),
    )

# --- scband reference (transcript-rebuilt; emitter-appended) ---
"""Pipeline reference for scband-gineblock-65034394796266 (READ-ONLY COPY).

The authoritative reference and input builder live on the scoring server;
editing this copy changes nothing except your own understanding.
"""

import jax, jax.numpy as jnp
import numpy as np

N = 10000
E = 320000
D = 128
DE = 16
H = 128
EPS = 1e-5


def setup_inputs(seed: int = 0) -> dict:
    key = jax.random.key(seed)
    ks = jax.random.split(key, 12)
    x = jax.random.normal(ks[0], (N, D), dtype=jnp.float32)
    edge_index = jax.random.randint(ks[1], (2, E), 0, N, dtype=jnp.int32)
    edge_attr = jax.random.normal(ks[2], (E, DE), dtype=jnp.float32)
    # msg_mlp: Linear(D+DE -> H), ReLU, Dropout(0), Linear(H -> D)
    W1 = jax.random.normal(ks[3], (D + DE, H), dtype=jnp.float32) * 0.05
    b1 = jnp.zeros((H,), dtype=jnp.float32)
    W2 = jax.random.normal(ks[4], (H, D), dtype=jnp.float32) * 0.05
    b2 = jnp.zeros((D,), dtype=jnp.float32)
    # upd: LayerNorm(D), ReLU, Dropout(0), Linear(D -> D)
    gamma = jnp.ones((D,), dtype=jnp.float32)
    beta = jnp.zeros((D,), dtype=jnp.float32)
    W3 = jax.random.normal(ks[5], (D, D), dtype=jnp.float32) * 0.05
    b3 = jnp.zeros((D,), dtype=jnp.float32)
    return {"x": x, "edge_index": edge_index, "edge_attr": edge_attr,
            "W1": W1, "b1": b1, "W2": W2, "b2": b2,
            "gamma": gamma, "beta": beta, "W3": W3, "b3": b3}


def reference(x, edge_index, edge_attr, W1, b1, W2, b2, gamma, beta, W3, b3):
    src = edge_index[0]
    dst = edge_index[1]
    xj = jnp.take(x, src, axis=0)                      # [E, D] gather
    m_in = jnp.concatenate([xj, edge_attr], axis=-1)   # [E, D+DE]
    h = jnp.maximum(m_in @ W1 + b1, 0.0)               # Linear + ReLU (dropout=0 -> identity)
    m = h @ W2 + b2                                    # Linear
    m = jnp.maximum(m, 0.0)                            # ReLU
    agg = jax.ops.segment_sum(m, dst, num_segments=N)  # scatter-add over dst
    out = x + agg
    # upd: LayerNorm -> ReLU -> Dropout(0) -> Linear
    mu = jnp.mean(out, axis=-1, keepdims=True)
    var = jnp.mean((out - mu) ** 2, axis=-1, keepdims=True)
    out = (out - mu) / jnp.sqrt(var + EPS) * gamma + beta
    out = jnp.maximum(out, 0.0)
    out = out @ W3 + b3
    return out

if __name__ == "__main__":
    import jax
    _d = setup_inputs()
    print(jax.jit(kernel)(*tuple(_d.values())))

</pallas_src>

<mosaic_0001>
#map = affine_map<(d0, d1) -> (0, 0)>
module attributes {stable_mosaic.version = 14 : i64} {
  func.func @k(%arg0: i32, %arg1: i32, %arg2: memref<10000x128xf32, #tpu.memory_space<hbm>>, %arg3: memref<2x320000xi32, #tpu.memory_space<hbm>>, %arg4: memref<160000x128xf32, #tpu.memory_space<hbm>>) attributes {dimension_semantics = [#tpu.dimension_semantics<core_parallel>, #tpu.dimension_semantics<subcore_parallel>], iteration_bounds = array<i64: 2, 16>, scalar_prefetch = 0 : i64, scratch_operands = 0 : i64, tpu.core_type = #tpu.core_type<sc_vector_subcore>, window_params = [{transform_indices = #map}, {transform_indices = #map}, {transform_indices = #map}]} {
    %mul3A = arith.constant 1 : i32
    %mul3A_0 = arith.muli %arg1, %mul3A : i32
    %add3A = arith.constant 0 : i32
    %add3A_1 = arith.addi %add3A, %mul3A_0 : i32
    %mul3A_2 = arith.constant 16 : i32
    %mul3A_3 = arith.muli %arg0, %mul3A_2 : i32
    %add3A_4 = arith.addi %add3A_1, %mul3A_3 : i32
    %lt3A = arith.constant 2 : i32
    %lt3A_5 = arith.cmpi slt, %add3A_4, %lt3A : i32
    %jit3A = arith.constant 40 : i32
    %jit3A_6 = arith.constant 39 : i32
    %select_n3A = arith.select %lt3A_5, %jit3A, %jit3A_6 : i32
    %lt3A_7 = arith.constant 2 : i32
    %lt3A_8 = arith.cmpi slt, %add3A_4, %lt3A_7 : i32
    %mul3A_9 = arith.muli %add3A_4, %select_n3A : i32
    %mul3A_10 = arith.constant 39 : i32
    %mul3A_11 = arith.muli %add3A_4, %mul3A_10 : i32
    %add3A_12 = arith.constant 2 : i32
    %add3A_13 = arith.addi %mul3A_11, %add3A_12 : i32
    %select_n3A_14 = arith.select %lt3A_8, %mul3A_9, %add3A_13 : i32
    %mul3A_15 = arith.constant 1 : i32
    %mul3A_16 = arith.muli %mul3A_15, %select_n3A : i32
    "tpu.region"() ({
      %run_scoped3A = memref.alloca() : memref<2x1x128xi32, #tpu.memory_space<vmem>>
      %run_scoped3A_17 = tpu.sem_alloc : memref<2x!tpu.dma_semaphore, #tpu.memory_space<semaphore_mem>>
      %run_scoped3A_18 = memref.alloca() : memref<2x128x128xf32, #tpu.memory_space<vmem>>
      %run_scoped3A_19 = tpu.sem_alloc : memref<2x!tpu.dma_semaphore, #tpu.memory_space<semaphore_mem>>
      %gt3A = arith.constant 0 : i32
      %gt3A_20 = arith.cmpi sgt, %mul3A_16, %gt3A : i32
      %convert_element_type3A = arith.extui %gt3A_20 : i1 to i32
      %cond3A = arith.constant 0 : i32
      %cond3A_21 = arith.cmpi ne, %convert_element_type3A, %cond3A : i32
      scf.if %cond3A_21 {
        %mul3A_22 = arith.constant 1 : i32
        %mul3A_23 = arith.muli %mul3A_22, %select_n3A : i32
        %sub3A = arith.constant 1 : i32
        %sub3A_24 = arith.subi %mul3A_23, %sub3A : i32
        %eq3A = arith.constant 0 : i32
        %eq3A_25 = arith.cmpi eq, %sub3A_24, %eq3A : i32
        %add3A_26 = arith.constant 0 : i32
        %add3A_27 = arith.addi %add3A_26, %select_n3A_14 : i32
        %select_n3A_28 = arith.constant true
        %select_n3A_29 = arith.constant 0 : i32
        %select_n3A_30 = arith.constant -1 : i32
        %select_n3A_31 = arith.select %select_n3A_28, %select_n3A_30, %select_n3A_29 : i32
        %eq3A_32 = arith.constant -1 : i32
        %eq3A_33 = arith.cmpi eq, %select_n3A_31, %eq3A_32 : i32
        %sub3A_34 = arith.constant 1 : i32
        %sub3A_35 = arith.subi %select_n3A, %sub3A_34 : i32
        %select_n3A_36 = arith.select %eq3A_33, %sub3A_35, %select_n3A_31 : i32
        %add3A_37 = arith.addi %select_n3A_36, %select_n3A_14 : i32
        %select_n3A_38 = arith.constant true
        %select_n3A_39 = arith.constant 0 : i32
        %select_n3A_40 = arith.constant 1 : i32
        %select_n3A_41 = arith.select %select_n3A_38, %select_n3A_40, %select_n3A_39 : i32
        %eq3A_42 = arith.cmpi eq, %select_n3A_41, %select_n3A : i32
        %select_n3A_43 = arith.constant 0 : i32
        %select_n3A_44 = arith.select %eq3A_42, %select_n3A_43, %select_n3A_41 : i32
        %add3A_45 = arith.addi %select_n3A_44, %select_n3A_14 : i32
        %add3A_46 = arith.constant 1 : i32
        %add3A_47 = arith.addi %select_n3A_44, %add3A_46 : i32
        %select_n3A_48 = arith.constant true
        %select_n3A_49 = arith.select %select_n3A_48, %add3A_47, %select_n3A_44 : i32
        %eq3A_50 = arith.cmpi eq, %select_n3A_49, %select_n3A : i32
        %select_n3A_51 = arith.constant 0 : i32
        %select_n3A_52 = arith.select %eq3A_50, %select_n3A_51, %select_n3A_49 : i32
        %add3A_53 = arith.addi %select_n3A_52, %select_n3A_14 : i32
        "tpu.trace_start"() <{level = 10 : i32, message = "ep_initialize_0"}> : () -> ()
        %rem3A = arith.constant 0 : i32
        %rem3A_54 = arith.constant 2 : i32
        %rem3A_55 = arith.remui %rem3A, %rem3A_54 : i32
        %add3A_56 = arith.constant 1250 : i32
        %add3A_57 = arith.addi %add3A_27, %add3A_56 : i32
        %mul3A_58 = arith.constant 128 : i32
        %mul3A_59 = arith.muli %mul3A_58, %add3A_57 : i32
        %dma_start3A = arith.constant 0 : i32
        %dma_start3A_60 = arith.constant 0 : i32
        %dma_start3A_61 = tpu.memref_slice %run_scoped3A[%rem3A_55, %dma_start3A, %dma_start3A_60] : memref<2x1x128xi32, #tpu.memory_space<vmem>> -> memref<1x1x128xi32, #tpu.memory_space<vmem>>
        %dma_start3A_62 = tpu.memref_squeeze %dma_start3A_61 : memref<1x1x128xi32, #tpu.memory_space<vmem>> -> memref<1x128xi32, #tpu.memory_space<vmem>>
        %dma_start3A_63 = arith.constant 0 : i32
        %dma_start3A_64 = tpu.memref_slice %arg3[%dma_start3A_63, %mul3A_59] : memref<2x320000xi32, #tpu.memory_space<hbm>> -> memref<1x128xi32, #tpu.memory_space<hbm>>
        %dma_start3A_65 = tpu.memref_slice %run_scoped3A_17[%rem3A_55] : memref<2x!tpu.dma_semaphore, #tpu.memory_space<semaphore_mem>> -> memref<1x!tpu.dma_semaphore, #tpu.memory_space<semaphore_mem>>
        %dma_start3A_66 = tpu.memref_squeeze %dma_start3A_65 : memref<1x!tpu.dma_semaphore, #tpu.memory_space<semaphore_mem>> -> memref<!tpu.dma_semaphore, #tpu.memory_space<semaphore_mem>>
        %dma_start3A_67 = arith.constant 0 : i32
        %dma_start3A_68 = arith.constant 0 : i32
        %dma_start3A_69 = tpu.memref_slice %run_scoped3A[%rem3A_55, %dma_start3A_67, %dma_start3A_68] : memref<2x1x128xi32, #tpu.memory_space<vmem>> -> memref<1x1x128xi32, #tpu.memory_space<vmem>>
        %dma_start3A_70 = tpu.memref_squeeze %dma_start3A_69 : memref<1x1x128xi32, #tpu.memory_space<vmem>> -> memref<1x128xi32, #tpu.memory_space<vmem>>
        %dma_start3A_71 = arith.constant 0 : i32
        %dma_start3A_72 = tpu.memref_slice %arg3[%dma_start3A_71, %mul3A_59] : memref<2x320000xi32, #tpu.memory_space<hbm>> -> memref<1x128xi32, #tpu.memory_space<hbm>>
        tpu.enqueue_dma source(%dma_start3A_72 : memref<1x128xi32, #tpu.memory_space<hbm>>) target(%dma_start3A_70 : memref<1x128xi32, #tpu.memory_space<vmem>>) target_semaphore(%dma_start3A_66 : memref<!tpu.dma_semaphore, #tpu.memory_space<semaphore_mem>>)
        %add3A_73 = arith.constant 0 : i32
        %add3A_74 = arith.constant 1 : i32
        %add3A_75 = arith.addi %add3A_73, %add3A_74 : i32
        %select_n3A_76 = arith.constant true
        %select_n3A_77 = arith.constant 0 : i32
        %select_n3A_78 = arith.select %select_n3A_76, %add3A_75, %select_n3A_77 : i32
        %while3A = arith.constant 0 : i32
        %while3A_79 = arith.constant 0 : i32
        %while3A_80 = arith.constant 0 : i32
        %while3A_81 = arith.constant 0 : i32
        %while3A_82 = arith.constant 0 : i32
        "tpu.trace_stop"() : () -> ()
        %while3A_83 = arith.subi %mul3A_16, %while3A : i32
        %while3A_84 = arith.addi %while3A, %while3A_83 : i32
        %while3A_85 = arith.constant 1 : i32
        %while3A_86 = arith.divsi %while3A_83, %while3A_85 : i32
        %while3A_87 = arith.muli %while3A_86, %while3A_85 : i32
        %while3A_88 = arith.addi %while3A, %while3A_87 : i32
        %while3A_89 = arith.constant 1 : i32
        %while3A_90:5 = scf.for %while3A_144 = %while3A to %while3A_88 step %while3A_89 iter_args(%while3A_145 = %select_n3A_78, %while3A_146 = %while3A_79, %while3A_147 = %while3A_80, %while3A_148 = %while3A_81, %while3A_149 = %while3A_82) -> (i32, i32, i32, i32, i32)  : i32 {
          %mul3A_150 = arith.constant 1 : i32
          %mul3A_151 = arith.muli %mul3A_150, %select_n3A : i32
          %eq3A_152 = arith.constant 0 : i32
          %eq3A_153 = arith.cmpi eq, %while3A_144, %eq3A_152 : i32
          %sub3A_154 = arith.constant 1 : i32
          %sub3A_155 = arith.subi %mul3A_151, %sub3A_154 : i32
          %eq3A_156 = arith.cmpi eq, %while3A_144, %sub3A_155 : i32
          %add3A_157 = arith.addi %while3A_149, %select_n3A_14 : i32
          %sub3A_158 = arith.constant 1 : i32
          %sub3A_159 = arith.subi %while3A_149, %sub3A_158 : i32
          %select_n3A_160 = arith.constant true
          %select_n3A_161 = arith.select %select_n3A_160, %sub3A_159, %while3A_149 : i32
          %eq3A_162 = arith.constant -1 : i32
          %eq3A_163 = arith.cmpi eq, %select_n3A_161, %eq3A_162 : i32
          %sub3A_164 = arith.constant 1 : i32
          %sub3A_165 = arith.subi %select_n3A, %sub3A_164 : i32
          %select_n3A_166 = arith.select %eq3A_163, %sub3A_165, %select_n3A_161 : i32
          %add3A_167 = arith.addi %select_n3A_166, %select_n3A_14 : i32
          %add3A_168 = arith.constant 1 : i32
          %add3A_169 = arith.addi %while3A_149, %add3A_168 : i32
          %select_n3A_170 = arith.constant true
          %select_n3A_171 = arith.select %select_n3A_170, %add3A_169, %while3A_149 : i32
          %eq3A_172 = arith.cmpi eq, %select_n3A_171, %select_n3A : i32
          %select_n3A_173 = arith.constant 0 : i32
          %select_n3A_174 = arith.select %eq3A_172, %select_n3A_173, %select_n3A_171 : i32
          %add3A_175 = arith.addi %select_n3A_174, %select_n3A_14 : i32
          %add3A_176 = arith.constant 1 : i32
          %add3A_177 = arith.addi %select_n3A_174, %add3A_176 : i32
          %select_n3A_178 = arith.constant true
          %select_n3A_179 = arith.select %select_n3A_178, %add3A_177, %select_n3A_174 : i32
          %eq3A_180 = arith.cmpi eq, %select_n3A_179, %select_n3A : i32
          %select_n3A_181 = arith.constant 0 : i32
          %select_n3A_182 = arith.select %eq3A_180, %select_n3A_181, %select_n3A_179 : i32
          %add3A_183 = arith.addi %select_n3A_182, %select_n3A_14 : i32
          %add3A_184 = arith.constant 1250 : i32
          %add3A_185 = arith.addi %add3A_157, %add3A_184 : i32
          %add3A_186 = arith.constant 1250 : i32
          %add3A_187 = arith.addi %add3A_175, %add3A_186 : i32
          %ne3A = arith.cmpi ne, %add3A_185, %add3A_187 : i32
          %or3A = arith.constant false
          %or3A_188 = arith.ori %or3A, %ne3A : i1
          %sub3A_189 = arith.constant 2 : i32
          %sub3A_190 = arith.subi %mul3A_151, %sub3A_189 : i32
          %add3A_191 = arith.constant 1 : i32
          %add3A_192 = arith.addi %sub3A_190, %add3A_191 : i32
          %ge3A = arith.cmpi sge, %while3A_144, %add3A_192 : i32
          %not3A = arith.constant true
          %not3A_193 = arith.xori %ge3A, %not3A : i1
          %and3A = arith.andi %or3A_188, %not3A_193 : i1
          %convert_element_type3A_194 = arith.extui %and3A : i1 to i32
          %cond3A_195 = arith.constant 0 : i32
          %cond3A_196 = arith.cmpi ne, %convert_element_type3A_194, %cond3A_195 : i32
          scf.if %cond3A_196 {
            "tpu.trace_start"() <{level = 10 : i32, message = "ep_copy_in"}> : () -> ()
            %rem3A_316 = arith.constant 2 : i32
            %rem3A_317 = arith.remui %while3A_145, %rem3A_316 : i32
            %add3A_318 = arith.constant 1250 : i32
            %add3A_319 = arith.addi %add3A_175, %add3A_318 : i32
            %mul3A_320 = arith.constant 128 : i32
            %mul3A_321 = arith.muli %mul3A_320, %add3A_319 : i32
            %dma_start3A_322 = arith.constant 0 : i32
            %dma_start3A_323 = arith.constant 0 : i32
            %dma_start3A_324 = tpu.memref_slice %run_scoped3A[%rem3A_317, %dma_start3A_322, %dma_start3A_323] : memref<2x1x128xi32, #tpu.memory_space<vmem>> -> memref<1x1x128xi32, #tpu.memory_space<vmem>>
            %dma_start3A_325 = tpu.memref_squeeze %dma_start3A_324 : memref<1x1x128xi32, #tpu.memory_space<vmem>> -> memref<1x128xi32, #tpu.memory_space<vmem>>
            %dma_start3A_326 = arith.constant 0 : i32
            %dma_start3A_327 = tpu.memref_slice %arg3[%dma_start3A_326, %mul3A_321] : memref<2x320000xi32, #tpu.memory_space<hbm>> -> memref<1x128xi32, #tpu.memory_space<hbm>>
            %dma_start3A_328 = tpu.memref_slice %run_scoped3A_17[%rem3A_317] : memref<2x!tpu.dma_semaphore, #tpu.memory_space<semaphore_mem>> -> memref<1x!tpu.dma_semaphore, #tpu.memory_space<semaphore_mem>>
            %dma_start3A_329 = tpu.memref_squeeze %dma_start3A_328 : memref<1x!tpu.dma_semaphore, #tpu.memory_space<semaphore_mem>> -> memref<!tpu.dma_semaphore, #tpu.memory_space<semaphore_mem>>
            %dma_start3A_330 = arith.constant 0 : i32
            %dma_start3A_331 = arith.constant 0 : i32
            %dma_start3A_332 = tpu.memref_slice %run_scoped3A[%rem3A_317, %dma_start3A_330, %dma_start3A_331] : memref<2x1x128xi32, #tpu.memory_space<vmem>> -> memref<1x1x128xi32, #tpu.memory_space<vmem>>
            %dma_start3A_333 = tpu.memref_squeeze %dma_start3A_332 : memref<1x1x128xi32, #tpu.memory_space<vmem>> -> memref<1x128xi32, #tpu.memory_space<vmem>>
            %dma_start3A_334 = arith.constant 0 : i32
            %dma_start3A_335 = tpu.memref_slice %arg3[%dma_start3A_334, %mul3A_321] : memref<2x320000xi32, #tpu.memory_space<hbm>> -> memref<1x128xi32, #tpu.memory_space<hbm>>
            tpu.enqueue_dma source(%dma_start3A_335 : memref<1x128xi32, #tpu.memory_space<hbm>>) target(%dma_start3A_333 : memref<1x128xi32, #tpu.memory_space<vmem>>) target_semaphore(%dma_start3A_329 : memref<!tpu.dma_semaphore, #tpu.memory_space<semaphore_mem>>)
            "tpu.trace_stop"() : () -> ()
          } else {
          }
          %and3A_197 = arith.constant true
          %and3A_198 = arith.andi %and3A, %and3A_197 : i1
          %add3A_199 = arith.constant 1 : i32
          %add3A_200 = arith.addi %while3A_145, %add3A_199 : i32
          %select_n3A_201 = arith.select %and3A_198, %add3A_200, %while3A_145 : i32
          %ne3A_202 = arith.cmpi ne, %add3A_157, %add3A_175 : i32
          %or3A_203 = arith.constant false
          %or3A_204 = arith.ori %or3A_203, %ne3A_202 : i1
          %or3A_205 = arith.constant false
          %or3A_206 = arith.ori %or3A_204, %or3A_205 : i1
          %sub3A_207 = arith.constant 2 : i32
          %sub3A_208 = arith.subi %mul3A_151, %sub3A_207 : i32
          %add3A_209 = arith.constant 1 : i32
          %add3A_210 = arith.addi %sub3A_208, %add3A_209 : i32
          %ge3A_211 = arith.cmpi sge, %while3A_144, %add3A_210 : i32
          %not3A_212 = arith.constant true
          %not3A_213 = arith.xori %ge3A_211, %not3A_212 : i1
          %and3A_214 = arith.andi %or3A_206, %not3A_213 : i1
          %add3A_215 = arith.constant 1250 : i32
          %add3A_216 = arith.addi %add3A_157, %add3A_215 : i32
          %add3A_217 = arith.constant 1250 : i32
          %add3A_218 = arith.addi %add3A_167, %add3A_217 : i32
          %ne3A_219 = arith.cmpi ne, %add3A_216, %add3A_218 : i32
          %or3A_220 = arith.constant false
          %or3A_221 = arith.ori %or3A_220, %ne3A_219 : i1
          %or3A_222 = arith.ori %or3A_221, %eq3A_153 : i1
          %convert_element_type3A_223 = arith.extui %or3A_222 : i1 to i32
          %cond3A_224 = arith.constant 0 : i32
          %cond3A_225 = arith.cmpi ne, %convert_element_type3A_223, %cond3A_224 : i32
          scf.if %cond3A_225 {
            "tpu.trace_start"() <{level = 10 : i32, message = "ep_wait_in"}> : () -> ()
            %add3A_316 = arith.constant 1250 : i32
            %add3A_317 = arith.addi %add3A_157, %add3A_316 : i32
            %mul3A_318 = arith.constant 128 : i32
            %mul3A_319 = arith.muli %mul3A_318, %add3A_317 : i32
            %rem3A_320 = arith.constant 2 : i32
            %rem3A_321 = arith.remui %while3A_146, %rem3A_320 : i32
            %dma_wait3A = arith.constant 0 : i32
            %dma_wait3A_322 = arith.constant 0 : i32
            %dma_wait3A_323 = tpu.memref_slice %run_scoped3A[%rem3A_321, %dma_wait3A, %dma_wait3A_322] : memref<2x1x128xi32, #tpu.memory_space<vmem>> -> memref<1x1x128xi32, #tpu.memory_space<vmem>>
            %dma_wait3A_324 = tpu.memref_squeeze %dma_wait3A_323 : memref<1x1x128xi32, #tpu.memory_space<vmem>> -> memref<1x128xi32, #tpu.memory_space<vmem>>
            %dma_wait3A_325 = arith.constant 0 : i32
            %dma_wait3A_326 = tpu.memref_slice %arg3[%dma_wait3A_325, %mul3A_319] : memref<2x320000xi32, #tpu.memory_space<hbm>> -> memref<1x128xi32, #tpu.memory_space<hbm>>
            %dma_wait3A_327 = tpu.memref_slice %run_scoped3A_17[%rem3A_321] : memref<2x!tpu.dma_semaphore, #tpu.memory_space<semaphore_mem>> -> memref<1x!tpu.dma_semaphore, #tpu.memory_space<semaphore_mem>>
            %dma_wait3A_328 = tpu.memref_squeeze %dma_wait3A_327 : memref<1x!tpu.dma_semaphore, #tpu.memory_space<semaphore_mem>> -> memref<!tpu.dma_semaphore, #tpu.memory_space<semaphore_mem>>
            %dma_wait3A_329 = arith.constant 0 : i32
            %dma_wait3A_330 = arith.constant 0 : i32
            %dma_wait3A_331 = tpu.memref_slice %run_scoped3A[%rem3A_321, %dma_wait3A_329, %dma_wait3A_330] : memref<2x1x128xi32, #tpu.memory_space<vmem>> -> memref<1x1x128xi32, #tpu.memory_space<vmem>>
            %dma_wait3A_332 = tpu.memref_squeeze %dma_wait3A_331 : memref<1x1x128xi32, #tpu.memory_space<vmem>> -> memref<1x128xi32, #tpu.memory_space<vmem>>
            %dma_wait3A_333 = arith.constant 0 : i32
            %dma_wait3A_334 = tpu.memref_slice %arg3[%dma_wait3A_333, %mul3A_319] : memref<2x320000xi32, #tpu.memory_space<hbm>> -> memref<1x128xi32, #tpu.memory_space<hbm>>
            tpu.wait_dma2 semaphore(%dma_wait3A_328 : memref<!tpu.dma_semaphore, #tpu.memory_space<semaphore_mem>>) src(%dma_wait3A_334 : memref<1x128xi32, #tpu.memory_space<hbm>>) dst(%dma_wait3A_332 : memref<1x128xi32, #tpu.memory_space<vmem>>)
            "tpu.trace_stop"() : () -> ()
          } else {
          }
          %ne3A_226 = arith.cmpi ne, %add3A_157, %add3A_167 : i32
          %or3A_227 = arith.constant false
          %or3A_228 = arith.ori %or3A_227, %ne3A_226 : i1
          %or3A_229 = arith.constant false
          %or3A_230 = arith.ori %or3A_228, %or3A_229 : i1
          %or3A_231 = arith.ori %or3A_230, %eq3A_153 : i1
          %convert_element_type3A_232 = arith.extui %or3A_231 : i1 to i32
          %cond3A_233 = arith.constant 0 : i32
          %cond3A_234 = arith.cmpi ne, %convert_element_type3A_232, %cond3A_233 : i32
          scf.if %cond3A_234 {
          } else {
          }
          %rem3A_235 = arith.constant 2 : i32
          %rem3A_236 = arith.remui %while3A_146, %rem3A_235 : i32
          %rem3A_237 = arith.constant 2 : i32
          %rem3A_238 = arith.remui %while3A_147, %rem3A_237 : i32
          %run_scoped3A_239 = arith.constant 0 : i32
          "tpu.trace_start"() <{level = 10 : i32, message = "ep_run_kernel"}> : () -> ()
          "tpu.region"() ({
            %run_scoped3A_316 = tpu.sem_alloc : memref<!tpu.dma_semaphore, #tpu.memory_space<semaphore_mem>>
            %dma_start3A_317 = arith.constant 0 : i32
            %dma_start3A_318 = arith.constant 0 : i32
            %dma_start3A_319 = tpu.memref_slice %run_scoped3A_18[%rem3A_238, %dma_start3A_317, %dma_start3A_318] : memref<2x128x128xf32, #tpu.memory_space<vmem>> -> memref<1x128x128xf32, #tpu.memory_space<vmem>>
            %dma_start3A_320 = tpu.memref_squeeze %dma_start3A_319 : memref<1x128x128xf32, #tpu.memory_space<vmem>> -> memref<128x128xf32, #tpu.memory_space<vmem>>
            %dma_start3A_321 = arith.constant 0 : i32
            %dma_start3A_322 = arith.constant 0 : i32
            %dma_start3A_323 = tpu.memref_slice %run_scoped3A[%rem3A_236, %dma_start3A_321, %dma_start3A_322] : memref<2x1x128xi32, #tpu.memory_space<vmem>> -> memref<1x1x128xi32, #tpu.memory_space<vmem>>
            %dma_start3A_324 = tpu.memref_squeeze %dma_start3A_323 : memref<1x1x128xi32, #tpu.memory_space<vmem>> -> memref<1x128xi32, #tpu.memory_space<vmem>>
            %dma_start3A_325 = arith.constant 0 : i32
            %dma_start3A_326 = tpu.memref_slice %dma_start3A_324[%run_scoped3A_239, %dma_start3A_325] : memref<1x128xi32, #tpu.memory_space<vmem>> -> memref<1x128xi32, #tpu.memory_space<vmem>>
            %dma_start3A_327 = tpu.memref_squeeze %dma_start3A_326 : memref<1x128xi32, #tpu.memory_space<vmem>> -> memref<128xi32, #tpu.memory_space<vmem>>
            %dma_start3A_328 = arith.constant 0 : i32
            %dma_start3A_329 = arith.constant 0 : i32
            %dma_start3A_330 = tpu.memref_slice %arg2[%dma_start3A_328, %dma_start3A_329] : memref<10000x128xf32, #tpu.memory_space<hbm>> -> memref<10000x128xf32, #tpu.memory_space<hbm>>
            tpu.enqueue_indirect_dma source(%dma_start3A_330 : memref<10000x128xf32, #tpu.memory_space<hbm>>) target(%dma_start3A_320 : memref<128x128xf32, #tpu.memory_space<vmem>>) offsets(%dma_start3A_327 : memref<128xi32, #tpu.memory_space<vmem>>) semaphore(%run_scoped3A_316 : memref<!tpu.dma_semaphore, #tpu.memory_space<semaphore_mem>>)
            %dma_wait3A = arith.constant 0 : i32
            %dma_wait3A_331 = arith.constant 0 : i32
            %dma_wait3A_332 = tpu.memref_slice %run_scoped3A_18[%rem3A_238, %dma_wait3A, %dma_wait3A_331] : memref<2x128x128xf32, #tpu.memory_space<vmem>> -> memref<1x128x128xf32, #tpu.memory_space<vmem>>
            %dma_wait3A_333 = tpu.memref_squeeze %dma_wait3A_332 : memref<1x128x128xf32, #tpu.memory_space<vmem>> -> memref<128x128xf32, #tpu.memory_space<vmem>>
            %dma_wait3A_334 = arith.constant 0 : i32
            %dma_wait3A_335 = arith.constant 0 : i32
            %dma_wait3A_336 = tpu.memref_slice %run_scoped3A[%rem3A_236, %dma_wait3A_334, %dma_wait3A_335] : memref<2x1x128xi32, #tpu.memory_space<vmem>> -> memref<1x1x128xi32, #tpu.memory_space<vmem>>
            %dma_wait3A_337 = tpu.memref_squeeze %dma_wait3A_336 : memref<1x1x128xi32, #tpu.memory_space<vmem>> -> memref<1x128xi32, #tpu.memory_space<vmem>>
            %dma_wait3A_338 = arith.constant 0 : i32
            %dma_wait3A_339 = tpu.memref_slice %dma_wait3A_337[%run_scoped3A_239, %dma_wait3A_338] : memref<1x128xi32, #tpu.memory_space<vmem>> -> memref<1x128xi32, #tpu.memory_space<vmem>>
            %dma_wait3A_340 = tpu.memref_squeeze %dma_wait3A_339 : memref<1x128xi32, #tpu.memory_space<vmem>> -> memref<128xi32, #tpu.memory_space<vmem>>
            %dma_wait3A_341 = arith.constant 0 : i32
            %dma_wait3A_342 = arith.constant 0 : i32
            %dma_wait3A_343 = tpu.memref_slice %arg2[%dma_wait3A_341, %dma_wait3A_342] : memref<10000x128xf32, #tpu.memory_space<hbm>> -> memref<10000x128xf32, #tpu.memory_space<hbm>>
            tpu.wait_indirect_dma semaphore(%run_scoped3A_316 : memref<!tpu.dma_semaphore, #tpu.memory_space<semaphore_mem>>) src(%dma_wait3A_343 : memref<10000x128xf32, #tpu.memory_space<hbm>>) dst(%dma_wait3A_333 : memref<128x128xf32, #tpu.memory_space<vmem>>)
            tpu.yield
          }) : () -> ()
          "tpu.trace_stop"() : () -> ()
          %add3A_240 = arith.constant 1250 : i32
          %add3A_241 = arith.addi %add3A_157, %add3A_240 : i32
          %add3A_242 = arith.constant 1250 : i32
          %add3A_243 = arith.addi %add3A_175, %add3A_242 : i32
          %ne3A_244 = arith.cmpi ne, %add3A_241, %add3A_243 : i32
          %or3A_245 = arith.constant false
          %or3A_246 = arith.ori %or3A_245, %ne3A_244 : i1
          %or3A_247 = arith.ori %or3A_246, %eq3A_156 : i1
          %convert_element_type3A_248 = arith.extui %or3A_247 : i1 to i32
          %cond3A_249 = arith.constant 0 : i32
          %cond3A_250 = arith.cmpi ne, %convert_element_type3A_248, %cond3A_249 : i32
          scf.if %cond3A_250 {
          } else {
          }
          %and3A_251 = arith.constant false
          %and3A_252 = arith.andi %or3A_247, %and3A_251 : i1
          %ne3A_253 = arith.cmpi ne, %add3A_157, %add3A_175 : i32
          %or3A_254 = arith.constant false
          %or3A_255 = arith.ori %or3A_254, %ne3A_253 : i1
          %or3A_256 = arith.constant false
          %or3A_257 = arith.ori %or3A_255, %or3A_256 : i1
          %or3A_258 = arith.ori %or3A_257, %eq3A_156 : i1
          %convert_element_type3A_259 = arith.extui %or3A_258 : i1 to i32
          %cond3A_260 = arith.constant 0 : i32
          %cond3A_261 = arith.cmpi ne, %convert_element_type3A_259, %cond3A_260 : i32
          scf.if %cond3A_261 {
            "tpu.trace_start"() <{level = 10 : i32, message = "ep_copy_out"}> : () -> ()
            %rem3A_316 = arith.constant 2 : i32
            %rem3A_317 = arith.remui %while3A_147, %rem3A_316 : i32
            %mul3A_318 = arith.constant 128 : i32
            %mul3A_319 = arith.muli %mul3A_318, %add3A_157 : i32
            %dma_start3A_320 = arith.constant 0 : i32
            %dma_start3A_321 = arith.constant 0 : i32
            %dma_start3A_322 = tpu.memref_slice %run_scoped3A_18[%rem3A_317, %dma_start3A_320, %dma_start3A_321] : memref<2x128x128xf32, #tpu.memory_space<vmem>> -> memref<1x128x128xf32, #tpu.memory_space<vmem>>
            %dma_start3A_323 = tpu.memref_squeeze %dma_start3A_322 : memref<1x128x128xf32, #tpu.memory_space<vmem>> -> memref<128x128xf32, #tpu.memory_space<vmem>>
            %dma_start3A_324 = arith.constant 0 : i32
            %dma_start3A_325 = tpu.memref_slice %arg4[%mul3A_319, %dma_start3A_324] : memref<160000x128xf32, #tpu.memory_space<hbm>> -> memref<128x128xf32, #tpu.memory_space<hbm>>
            %dma_start3A_326 = tpu.memref_slice %run_scoped3A_19[%rem3A_317] : memref<2x!tpu.dma_semaphore, #tpu.memory_space<semaphore_mem>> -> memref<1x!tpu.dma_semaphore, #tpu.memory_space<semaphore_mem>>
            %dma_start3A_327 = tpu.memref_squeeze %dma_start3A_326 : memref<1x!tpu.dma_semaphore, #tpu.memory_space<semaphore_mem>> -> memref<!tpu.dma_semaphore, #tpu.memory_space<semaphore_mem>>
            %dma_start3A_328 = arith.constant 0 : i32
            %dma_start3A_329 = tpu.memref_slice %arg4[%mul3A_319, %dma_start3A_328] : memref<160000x128xf32, #tpu.memory_space<hbm>> -> memref<128x128xf32, #tpu.memory_space<hbm>>
            %dma_start3A_330 = arith.constant 0 : i32
            %dma_start3A_331 = arith.constant 0 : i32
            %dma_start3A_332 = tpu.memref_slice %run_scoped3A_18[%rem3A_317, %dma_start3A_330, %dma_start3A_331] : memref<2x128x128xf32, #tpu.memory_space<vmem>> -> memref<1x128x128xf32, #tpu.memory_space<vmem>>
            %dma_start3A_333 = tpu.memref_squeeze %dma_start3A_332 : memref<1x128x128xf32, #tpu.memory_space<vmem>> -> memref<128x128xf32, #tpu.memory_space<vmem>>
            tpu.enqueue_dma source(%dma_start3A_333 : memref<128x128xf32, #tpu.memory_space<vmem>>) target(%dma_start3A_329 : memref<128x128xf32, #tpu.memory_space<hbm>>) target_semaphore(%dma_start3A_327 : memref<!tpu.dma_semaphore, #tpu.memory_space<semaphore_mem>>)
            "tpu.trace_stop"() : () -> ()
          } else {
          }
          %and3A_262 = arith.constant true
          %and3A_263 = arith.andi %or3A_258, %and3A_262 : i1
          %add3A_264 = arith.constant 1 : i32
          %add3A_265 = arith.addi %while3A_147, %add3A_264 : i32
          %select_n3A_266 = arith.select %and3A_263, %add3A_265, %while3A_147 : i32
          %add3A_267 = arith.constant 1250 : i32
          %add3A_268 = arith.addi %add3A_157, %add3A_267 : i32
          %add3A_269 = arith.constant 1250 : i32
          %add3A_270 = arith.addi %add3A_167, %add3A_269 : i32
          %ne3A_271 = arith.cmpi ne, %add3A_268, %add3A_270 : i32
          %or3A_272 = arith.constant false
          %or3A_273 = arith.ori %or3A_272, %ne3A_271 : i1
          %not3A_274 = arith.constant true
          %not3A_275 = arith.xori %eq3A_153, %not3A_274 : i1
          %and3A_276 = arith.andi %or3A_273, %not3A_275 : i1
          %convert_element_type3A_277 = arith.extui %and3A_276 : i1 to i32
          %cond3A_278 = arith.constant 0 : i32
          %cond3A_279 = arith.cmpi ne, %convert_element_type3A_277, %cond3A_278 : i32
          scf.if %cond3A_279 {
          } else {
          }
          %and3A_280 = arith.constant false
          %and3A_281 = arith.andi %and3A_276, %and3A_280 : i1
          %ne3A_282 = arith.cmpi ne, %add3A_157, %add3A_167 : i32
          %or3A_283 = arith.constant false
          %or3A_284 = arith.ori %or3A_283, %ne3A_282 : i1
          %or3A_285 = arith.constant false
          %or3A_286 = arith.ori %or3A_284, %or3A_285 : i1
          %not3A_287 = arith.constant true
          %not3A_288 = arith.xori %eq3A_153, %not3A_287 : i1
          %and3A_289 = arith.andi %or3A_286, %not3A_288 : i1
          %convert_element_type3A_290 = arith.extui %and3A_289 : i1 to i32
          %cond3A_291 = arith.constant 0 : i32
          %cond3A_292 = arith.cmpi ne, %convert_element_type3A_290, %cond3A_291 : i32
          scf.if %cond3A_292 {
            "tpu.trace_start"() <{level = 10 : i32, message = "ep_wait_out"}> : () -> ()
            %rem3A_316 = arith.constant 2 : i32
            %rem3A_317 = arith.remui %while3A_148, %rem3A_316 : i32
            %mul3A_318 = arith.constant 128 : i32
            %mul3A_319 = arith.muli %mul3A_318, %add3A_167 : i32
            %dma_wait3A = arith.constant 0 : i32
            %dma_wait3A_320 = arith.constant 0 : i32
            %dma_wait3A_321 = tpu.memref_slice %run_scoped3A_18[%rem3A_317, %dma_wait3A, %dma_wait3A_320] : memref<2x128x128xf32, #tpu.memory_space<vmem>> -> memref<1x128x128xf32, #tpu.memory_space<vmem>>
            %dma_wait3A_322 = tpu.memref_squeeze %dma_wait3A_321 : memref<1x128x128xf32, #tpu.memory_space<vmem>> -> memref<128x128xf32, #tpu.memory_space<vmem>>
            %dma_wait3A_323 = arith.constant 0 : i32
            %dma_wait3A_324 = tpu.memref_slice %arg4[%mul3A_319, %dma_wait3A_323] : memref<160000x128xf32, #tpu.memory_space<hbm>> -> memref<128x128xf32, #tpu.memory_space<hbm>>
            %dma_wait3A_325 = tpu.memref_slice %run_scoped3A_19[%rem3A_317] : memref<2x!tpu.dma_semaphore, #tpu.memory_space<semaphore_mem>> -> memref<1x!tpu.dma_semaphore, #tpu.memory_space<semaphore_mem>>
            %dma_wait3A_326 = tpu.memref_squeeze %dma_wait3A_325 : memref<1x!tpu.dma_semaphore, #tpu.memory_space<semaphore_mem>> -> memref<!tpu.dma_semaphore, #tpu.memory_space<semaphore_mem>>
            %dma_wait3A_327 = arith.constant 0 : i32
            %dma_wait3A_328 = tpu.memref_slice %arg4[%mul3A_319, %dma_wait3A_327] : memref<160000x128xf32, #tpu.memory_space<hbm>> -> memref<128x128xf32, #tpu.memory_space<hbm>>
            %dma_wait3A_329 = arith.constant 0 : i32
            %dma_wait3A_330 = arith.constant 0 : i32
            %dma_wait3A_331 = tpu.memref_slice %run_scoped3A_18[%rem3A_317, %dma_wait3A_329, %dma_wait3A_330] : memref<2x128x128xf32, #tpu.memory_space<vmem>> -> memref<1x128x128xf32, #tpu.memory_space<vmem>>
            %dma_wait3A_332 = tpu.memref_squeeze %dma_wait3A_331 : memref<1x128x128xf32, #tpu.memory_space<vmem>> -> memref<128x128xf32, #tpu.memory_space<vmem>>
            tpu.wait_dma2 semaphore(%dma_wait3A_326 : memref<!tpu.dma_semaphore, #tpu.memory_space<semaphore_mem>>) src(%dma_wait3A_332 : memref<128x128xf32, #tpu.memory_space<vmem>>) dst(%dma_wait3A_328 : memref<128x128xf32, #tpu.memory_space<hbm>>)
            "tpu.trace_stop"() : () -> ()
          } else {
          }
          %and3A_293 = arith.constant true
          %and3A_294 = arith.andi %and3A_289, %and3A_293 : i1
          %add3A_295 = arith.constant 1 : i32
          %add3A_296 = arith.addi %while3A_148, %add3A_295 : i32
          %select_n3A_297 = arith.select %and3A_294, %add3A_296, %while3A_148 : i32
          %add3A_298 = arith.constant 1250 : i32
          %add3A_299 = arith.addi %add3A_157, %add3A_298 : i32
          %add3A_300 = arith.constant 1250 : i32
          %add3A_301 = arith.addi %add3A_175, %add3A_300 : i32
          %ne3A_302 = arith.cmpi ne, %add3A_299, %add3A_301 : i32
          %or3A_303 = arith.constant false
          %or3A_304 = arith.ori %or3A_303, %ne3A_302 : i1
          %or3A_305 = arith.ori %or3A_304, %eq3A_156 : i1
          %add3A_306 = arith.constant 1 : i32
          %add3A_307 = arith.addi %while3A_146, %add3A_306 : i32
          %select_n3A_308 = arith.select %or3A_305, %add3A_307, %while3A_146 : i32
          %add3A_309 = arith.constant 1 : i32
          %add3A_310 = arith.addi %while3A_149, %add3A_309 : i32
          %select_n3A_311 = arith.constant true
          %select_n3A_312 = arith.select %select_n3A_311, %add3A_310, %while3A_149 : i32
          %eq3A_313 = arith.cmpi eq, %select_n3A_312, %select_n3A : i32
          %select_n3A_314 = arith.constant 0 : i32
          %select_n3A_315 = arith.select %eq3A_313, %select_n3A_314, %select_n3A_312 : i32
          scf.yield %select_n3A_201, %select_n3A_308, %select_n3A_266, %select_n3A_297, %select_n3A_315 : i32, i32, i32, i32, i32
        }
        %while3A_91 = arith.constant 1 : i32
        %while3A_92:5 = scf.for %while3A_144 = %while3A_88 to %while3A_84 step %while3A_91 iter_args(%while3A_145 = %while3A_90#0, %while3A_146 = %while3A_90#1, %while3A_147 = %while3A_90#2, %while3A_148 = %while3A_90#3, %while3A_149 = %while3A_90#4) -> (i32, i32, i32, i32, i32)  : i32 {
          %mul3A_150 = arith.constant 1 : i32
          %mul3A_151 = arith.muli %mul3A_150, %select_n3A : i32
          %eq3A_152 = arith.constant 0 : i32
          %eq3A_153 = arith.cmpi eq, %while3A_144, %eq3A_152 : i32
          %sub3A_154 = arith.constant 1 : i32
          %sub3A_155 = arith.subi %mul3A_151, %sub3A_154 : i32
          %eq3A_156 = arith.cmpi eq, %while3A_144, %sub3A_155 : i32
          %add3A_157 = arith.addi %while3A_149, %select_n3A_14 : i32
          %sub3A_158 = arith.constant 1 : i32
          %sub3A_159 = arith.subi %while3A_149, %sub3A_158 : i32
          %select_n3A_160 = arith.constant true
          %select_n3A_161 = arith.select %select_n3A_160, %sub3A_159, %while3A_149 : i32
          %eq3A_162 = arith.constant -1 : i32
          %eq3A_163 = arith.cmpi eq, %select_n3A_161, %eq3A_162 : i32
          %sub3A_164 = arith.constant 1 : i32
          %sub3A_165 = arith.subi %select_n3A, %sub3A_164 : i32
          %select_n3A_166 = arith.select %eq3A_163, %sub3A_165, %select_n3A_161 : i32
          %add3A_167 = arith.addi %select_n3A_166, %select_n3A_14 : i32
          %add3A_168 = arith.constant 1 : i32
          %add3A_169 = arith.addi %while3A_149, %add3A_168 : i32
          %select_n3A_170 = arith.constant true
          %select_n3A_171 = arith.select %select_n3A_170, %add3A_169, %while3A_149 : i32
          %eq3A_172 = arith.cmpi eq, %select_n3A_171, %select_n3A : i32
          %select_n3A_173 = arith.constant 0 : i32
          %select_n3A_174 = arith.select %eq3A_172, %select_n3A_173, %select_n3A_171 : i32
          %add3A_175 = arith.addi %select_n3A_174, %select_n3A_14 : i32
          %add3A_176 = arith.constant 1 : i32
          %add3A_177 = arith.addi %select_n3A_174, %add3A_176 : i32
          %select_n3A_178 = arith.constant true
          %select_n3A_179 = arith.select %select_n3A_178, %add3A_177, %select_n3A_174 : i32
          %eq3A_180 = arith.cmpi eq, %select_n3A_179, %select_n3A : i32
          %select_n3A_181 = arith.constant 0 : i32
          %select_n3A_182 = arith.select %eq3A_180, %select_n3A_181, %select_n3A_179 : i32
          %add3A_183 = arith.addi %select_n3A_182, %select_n3A_14 : i32
          %add3A_184 = arith.constant 1250 : i32
          %add3A_185 = arith.addi %add3A_157, %add3A_184 : i32
          %add3A_186 = arith.constant 1250 : i32
          %add3A_187 = arith.addi %add3A_175, %add3A_186 : i32
          %ne3A = arith.cmpi ne, %add3A_185, %add3A_187 : i32
          %or3A = arith.constant false
          %or3A_188 = arith.ori %or3A, %ne3A : i1
          %sub3A_189 = arith.constant 2 : i32
          %sub3A_190 = arith.subi %mul3A_151, %sub3A_189 : i32
          %add3A_191 = arith.constant 1 : i32
          %add3A_192 = arith.addi %sub3A_190, %add3A_191 : i32
          %ge3A = arith.cmpi sge, %while3A_144, %add3A_192 : i32
          %not3A = arith.constant true
          %not3A_193 = arith.xori %ge3A, %not3A : i1
          %and3A = arith.andi %or3A_188, %not3A_193 : i1
          %convert_element_type3A_194 = arith.extui %and3A : i1 to i32
          %cond3A_195 = arith.constant 0 : i32
          %cond3A_196 = arith.cmpi ne, %convert_element_type3A_194, %cond3A_195 : i32
          scf.if %cond3A_196 {
            "tpu.trace_start"() <{level = 10 : i32, message = "ep_copy_in"}> : () -> ()
            %rem3A_316 = arith.constant 2 : i32
            %rem3A_317 = arith.remui %while3A_145, %rem3A_316 : i32
            %add3A_318 = arith.constant 1250 : i32
            %add3A_319 = arith.addi %add3A_175, %add3A_318 : i32
            %mul3A_320 = arith.constant 128 : i32
            %mul3A_321 = arith.muli %mul3A_320, %add3A_319 : i32
            %dma_start3A_322 = arith.constant 0 : i32
            %dma_start3A_323 = arith.constant 0 : i32
            %dma_start3A_324 = tpu.memref_slice %run_scoped3A[%rem3A_317, %dma_start3A_322, %dma_start3A_323] : memref<2x1x128xi32, #tpu.memory_space<vmem>> -> memref<1x1x128xi32, #tpu.memory_space<vmem>>
            %dma_start3A_325 = tpu.memref_squeeze %dma_start3A_324 : memref<1x1x128xi32, #tpu.memory_space<vmem>> -> memref<1x128xi32, #tpu.memory_space<vmem>>
            %dma_start3A_326 = arith.constant 0 : i32
            %dma_start3A_327 = tpu.memref_slice %arg3[%dma_start3A_326, %mul3A_321] : memref<2x320000xi32, #tpu.memory_space<hbm>> -> memref<1x128xi32, #tpu.memory_space<hbm>>
            %dma_start3A_328 = tpu.memref_slice %run_scoped3A_17[%rem3A_317] : memref<2x!tpu.dma_semaphore, #tpu.memory_space<semaphore_mem>> -> memref<1x!tpu.dma_semaphore, #tpu.memory_space<semaphore_mem>>
            %dma_start3A_329 = tpu.memref_squeeze %dma_start3A_328 : memref<1x!tpu.dma_semaphore, #tpu.memory_space<semaphore_mem>> -> memref<!tpu.dma_semaphore, #tpu.memory_space<semaphore_mem>>
            %dma_start3A_330 = arith.constant 0 : i32
            %dma_start3A_331 = arith.constant 0 : i32
            %dma_start3A_332 = tpu.memref_slice %run_scoped3A[%rem3A_317, %dma_start3A_330, %dma_start3A_331] : memref<2x1x128xi32, #tpu.memory_space<vmem>> -> memref<1x1x128xi32, #tpu.memory_space<vmem>>
            %dma_start3A_333 = tpu.memref_squeeze %dma_start3A_332 : memref<1x1x128xi32, #tpu.memory_space<vmem>> -> memref<1x128xi32, #tpu.memory_space<vmem>>
            %dma_start3A_334 = arith.constant 0 : i32
            %dma_start3A_335 = tpu.memref_slice %arg3[%dma_start3A_334, %mul3A_321] : memref<2x320000xi32, #tpu.memory_space<hbm>> -> memref<1x128xi32, #tpu.memory_space<hbm>>
            tpu.enqueue_dma source(%dma_start3A_335 : memref<1x128xi32, #tpu.memory_space<hbm>>) target(%dma_start3A_333 : memref<1x128xi32, #tpu.memory_space<vmem>>) target_semaphore(%dma_start3A_329 : memref<!tpu.dma_semaphore, #tpu.memory_space<semaphore_mem>>)
            "tpu.trace_stop"() : () -> ()
          } else {
          }
          %and3A_197 = arith.constant true
          %and3A_198 = arith.andi %and3A, %and3A_197 : i1
          %add3A_199 = arith.constant 1 : i32
          %add3A_200 = arith.addi %while3A_145, %add3A_199 : i32
          %select_n3A_201 = arith.select %and3A_198, %add3A_200, %while3A_145 : i32
          %ne3A_202 = arith.cmpi ne, %add3A_157, %add3A_175 : i32
          %or3A_203 = arith.constant false
          %or3A_204 = arith.ori %or3A_203, %ne3A_202 : i1
          %or3A_205 = arith.constant false
          %or3A_206 = arith.ori %or3A_204, %or3A_205 : i1
          %sub3A_207 = arith.constant 2 : i32
          %sub3A_208 = arith.subi %mul3A_151, %sub3A_207 : i32
          %add3A_209 = arith.constant 1 : i32
          %add3A_210 = arith.addi %sub3A_208, %add3A_209 : i32
          %ge3A_211 = arith.cmpi sge, %while3A_144, %add3A_210 : i32
          %not3A_212 = arith.constant true
          %not3A_213 = arith.xori %ge3A_211, %not3A_212 : i1
          %and3A_214 = arith.andi %or3A_206, %not3A_213 : i1
          %add3A_215 = arith.constant 1250 : i32
          %add3A_216 = arith.addi %add3A_157, %add3A_215 : i32
          %add3A_217 = arith.constant 1250 : i32
          %add3A_218 = arith.addi %add3A_167, %add3A_217 : i32
          %ne3A_219 = arith.cmpi ne, %add3A_216, %add3A_218 : i32
          %or3A_220 = arith.constant false
          %or3A_221 = arith.ori %or3A_220, %ne3A_219 : i1
          %or3A_222 = arith.ori %or3A_221, %eq3A_153 : i1
          %convert_element_type3A_223 = arith.extui %or3A_222 : i1 to i32
          %cond3A_224 = arith.constant 0 : i32
          %cond3A_225 = arith.cmpi ne, %convert_element_type3A_223, %cond3A_224 : i32
          scf.if %cond3A_225 {
            "tpu.trace_start"() <{level = 10 : i32, message = "ep_wait_in"}> : () -> ()
            %add3A_316 = arith.constant 1250 : i32
            %add3A_317 = arith.addi %add3A_157, %add3A_316 : i32
            %mul3A_318 = arith.constant 128 : i32
            %mul3A_319 = arith.muli %mul3A_318, %add3A_317 : i32
            %rem3A_320 = arith.constant 2 : i32
            %rem3A_321 = arith.remui %while3A_146, %rem3A_320 : i32
            %dma_wait3A = arith.constant 0 : i32
            %dma_wait3A_322 = arith.constant 0 : i32
            %dma_wait3A_323 = tpu.memref_slice %run_scoped3A[%rem3A_321, %dma_wait3A, %dma_wait3A_322] : memref<2x1x128xi32, #tpu.memory_space<vmem>> -> memref<1x1x128xi32, #tpu.memory_space<vmem>>
            %dma_wait3A_324 = tpu.memref_squeeze %dma_wait3A_323 : memref<1x1x128xi32, #tpu.memory_space<vmem>> -> memref<1x128xi32, #tpu.memory_space<vmem>>
            %dma_wait3A_325 = arith.constant 0 : i32
            %dma_wait3A_326 = tpu.memref_slice %arg3[%dma_wait3A_325, %mul3A_319] : memref<2x320000xi32, #tpu.memory_space<hbm>> -> memref<1x128xi32, #tpu.memory_space<hbm>>
            %dma_wait3A_327 = tpu.memref_slice %run_scoped3A_17[%rem3A_321] : memref<2x!tpu.dma_semaphore, #tpu.memory_space<semaphore_mem>> -> memref<1x!tpu.dma_semaphore, #tpu.memory_space<semaphore_mem>>
            %dma_wait3A_328 = tpu.memref_squeeze %dma_wait3A_327 : memref<1x!tpu.dma_semaphore, #tpu.memory_space<semaphore_mem>> -> memref<!tpu.dma_semaphore, #tpu.memory_space<semaphore_mem>>
            %dma_wait3A_329 = arith.constant 0 : i32
            %dma_wait3A_330 = arith.constant 0 : i32
            %dma_wait3A_331 = tpu.memref_slice %run_scoped3A[%rem3A_321, %dma_wait3A_329, %dma_wait3A_330] : memref<2x1x128xi32, #tpu.memory_space<vmem>> -> memref<1x1x128xi32, #tpu.memory_space<vmem>>
            %dma_wait3A_332 = tpu.memref_squeeze %dma_wait3A_331 : memref<1x1x128xi32, #tpu.memory_space<vmem>> -> memref<1x128xi32, #tpu.memory_space<vmem>>
            %dma_wait3A_333 = arith.constant 0 : i32
            %dma_wait3A_334 = tpu.memref_slice %arg3[%dma_wait3A_333, %mul3A_319] : memref<2x320000xi32, #tpu.memory_space<hbm>> -> memref<1x128xi32, #tpu.memory_space<hbm>>
            tpu.wait_dma2 semaphore(%dma_wait3A_328 : memref<!tpu.dma_semaphore, #tpu.memory_space<semaphore_mem>>) src(%dma_wait3A_334 : memref<1x128xi32, #tpu.memory_space<hbm>>) dst(%dma_wait3A_332 : memref<1x128xi32, #tpu.memory_space<vmem>>)
            "tpu.trace_stop"() : () -> ()
          } else {
          }
          %ne3A_226 = arith.cmpi ne, %add3A_157, %add3A_167 : i32
          %or3A_227 = arith.constant false
          %or3A_228 = arith.ori %or3A_227, %ne3A_226 : i1
          %or3A_229 = arith.constant false
          %or3A_230 = arith.ori %or3A_228, %or3A_229 : i1
          %or3A_231 = arith.ori %or3A_230, %eq3A_153 : i1
          %convert_element_type3A_232 = arith.extui %or3A_231 : i1 to i32
          %cond3A_233 = arith.constant 0 : i32
          %cond3A_234 = arith.cmpi ne, %convert_element_type3A_232, %cond3A_233 : i32
          scf.if %cond3A_234 {
          } else {
          }
          %rem3A_235 = arith.constant 2 : i32
          %rem3A_236 = arith.remui %while3A_146, %rem3A_235 : i32
          %rem3A_237 = arith.constant 2 : i32
          %rem3A_238 = arith.remui %while3A_147, %rem3A_237 : i32
          %run_scoped3A_239 = arith.constant 0 : i32
          "tpu.trace_start"() <{level = 10 : i32, message = "ep_run_kernel"}> : () -> ()
          "tpu.region"() ({
            %run_scoped3A_316 = tpu.sem_alloc : memref<!tpu.dma_semaphore, #tpu.memory_space<semaphore_mem>>
            %dma_start3A_317 = arith.constant 0 : i32
            %dma_start3A_318 = arith.constant 0 : i32
            %dma_start3A_319 = tpu.memref_slice %run_scoped3A_18[%rem3A_238, %dma_start3A_317, %dma_start3A_318] : memref<2x128x128xf32, #tpu.memory_space<vmem>> -> memref<1x128x128xf32, #tpu.memory_space<vmem>>
            %dma_start3A_320 = tpu.memref_squeeze %dma_start3A_319 : memref<1x128x128xf32, #tpu.memory_space<vmem>> -> memref<128x128xf32, #tpu.memory_space<vmem>>
            %dma_start3A_321 = arith.constant 0 : i32
            %dma_start3A_322 = arith.constant 0 : i32
            %dma_start3A_323 = tpu.memref_slice %run_scoped3A[%rem3A_236, %dma_start3A_321, %dma_start3A_322] : memref<2x1x128xi32, #tpu.memory_space<vmem>> -> memref<1x1x128xi32, #tpu.memory_space<vmem>>
            %dma_start3A_324 = tpu.memref_squeeze %dma_start3A_323 : memref<1x1x128xi32, #tpu.memory_space<vmem>> -> memref<1x128xi32, #tpu.memory_space<vmem>>
            %dma_start3A_325 = arith.constant 0 : i32
            %dma_start3A_326 = tpu.memref_slice %dma_start3A_324[%run_scoped3A_239, %dma_start3A_325] : memref<1x128xi32, #tpu.memory_space<vmem>> -> memref<1x128xi32, #tpu.memory_space<vmem>>
            %dma_start3A_327 = tpu.memref_squeeze %dma_start3A_326 : memref<1x128xi32, #tpu.memory_space<vmem>> -> memref<128xi32, #tpu.memory_space<vmem>>
            %dma_start3A_328 = arith.constant 0 : i32
            %dma_start3A_329 = arith.constant 0 : i32
            %dma_start3A_330 = tpu.memref_slice %arg2[%dma_start3A_328, %dma_start3A_329] : memref<10000x128xf32, #tpu.memory_space<hbm>> -> memref<10000x128xf32, #tpu.memory_space<hbm>>
            tpu.enqueue_indirect_dma source(%dma_start3A_330 : memref<10000x128xf32, #tpu.memory_space<hbm>>) target(%dma_start3A_320 : memref<128x128xf32, #tpu.memory_space<vmem>>) offsets(%dma_start3A_327 : memref<128xi32, #tpu.memory_space<vmem>>) semaphore(%run_scoped3A_316 : memref<!tpu.dma_semaphore, #tpu.memory_space<semaphore_mem>>)
            %dma_wait3A = arith.constant 0 : i32
            %dma_wait3A_331 = arith.constant 0 : i32
            %dma_wait3A_332 = tpu.memref_slice %run_scoped3A_18[%rem3A_238, %dma_wait3A, %dma_wait3A_331] : memref<2x128x128xf32, #tpu.memory_space<vmem>> -> memref<1x128x128xf32, #tpu.memory_space<vmem>>
            %dma_wait3A_333 = tpu.memref_squeeze %dma_wait3A_332 : memref<1x128x128xf32, #tpu.memory_space<vmem>> -> memref<128x128xf32, #tpu.memory_space<vmem>>
            %dma_wait3A_334 = arith.constant 0 : i32
            %dma_wait3A_335 = arith.constant 0 : i32
            %dma_wait3A_336 = tpu.memref_slice %run_scoped3A[%rem3A_236, %dma_wait3A_334, %dma_wait3A_335] : memref<2x1x128xi32, #tpu.memory_space<vmem>> -> memref<1x1x128xi32, #tpu.memory_space<vmem>>
            %dma_wait3A_337 = tpu.memref_squeeze %dma_wait3A_336 : memref<1x1x128xi32, #tpu.memory_space<vmem>> -> memref<1x128xi32, #tpu.memory_space<vmem>>
            %dma_wait3A_338 = arith.constant 0 : i32
            %dma_wait3A_339 = tpu.memref_slice %dma_wait3A_337[%run_scoped3A_239, %dma_wait3A_338] : memref<1x128xi32, #tpu.memory_space<vmem>> -> memref<1x128xi32, #tpu.memory_space<vmem>>
            %dma_wait3A_340 = tpu.memref_squeeze %dma_wait3A_339 : memref<1x128xi32, #tpu.memory_space<vmem>> -> memref<128xi32, #tpu.memory_space<vmem>>
            %dma_wait3A_341 = arith.constant 0 : i32
            %dma_wait3A_342 = arith.constant 0 : i32
            %dma_wait3A_343 = tpu.memref_slice %arg2[%dma_wait3A_341, %dma_wait3A_342] : memref<10000x128xf32, #tpu.memory_space<hbm>> -> memref<10000x128xf32, #tpu.memory_space<hbm>>
            tpu.wait_indirect_dma semaphore(%run_scoped3A_316 : memref<!tpu.dma_semaphore, #tpu.memory_space<semaphore_mem>>) src(%dma_wait3A_343 : memref<10000x128xf32, #tpu.memory_space<hbm>>) dst(%dma_wait3A_333 : memref<128x128xf32, #tpu.memory_space<vmem>>)
            tpu.yield
          }) : () -> ()
          "tpu.trace_stop"() : () -> ()
          %add3A_240 = arith.constant 1250 : i32
          %add3A_241 = arith.addi %add3A_157, %add3A_240 : i32
          %add3A_242 = arith.constant 1250 : i32
          %add3A_243 = arith.addi %add3A_175, %add3A_242 : i32
          %ne3A_244 = arith.cmpi ne, %add3A_241, %add3A_243 : i32
          %or3A_245 = arith.constant false
          %or3A_246 = arith.ori %or3A_245, %ne3A_244 : i1
          %or3A_247 = arith.ori %or3A_246, %eq3A_156 : i1
          %convert_element_type3A_248 = arith.extui %or3A_247 : i1 to i32
          %cond3A_249 = arith.constant 0 : i32
          %cond3A_250 = arith.cmpi ne, %convert_element_type3A_248, %cond3A_249 : i32
          scf.if %cond3A_250 {
          } else {
          }
          %and3A_251 = arith.constant false
          %and3A_252 = arith.andi %or3A_247, %and3A_251 : i1
          %ne3A_253 = arith.cmpi ne, %add3A_157, %add3A_175 : i32
          %or3A_254 = arith.constant false
          %or3A_255 = arith.ori %or3A_254, %ne3A_253 : i1
          %or3A_256 = arith.constant false
          %or3A_257 = arith.ori %or3A_255, %or3A_256 : i1
          %or3A_258 = arith.ori %or3A_257, %eq3A_156 : i1
          %convert_element_type3A_259 = arith.extui %or3A_258 : i1 to i32
          %cond3A_260 = arith.constant 0 : i32
          %cond3A_261 = arith.cmpi ne, %convert_element_type3A_259, %cond3A_260 : i32
          scf.if %cond3A_261 {
            "tpu.trace_start"() <{level = 10 : i32, message = "ep_copy_out"}> : () -> ()
            %rem3A_316 = arith.constant 2 : i32
            %rem3A_317 = arith.remui %while3A_147, %rem3A_316 : i32
            %mul3A_318 = arith.constant 128 : i32
            %mul3A_319 = arith.muli %mul3A_318, %add3A_157 : i32
            %dma_start3A_320 = arith.constant 0 : i32
            %dma_start3A_321 = arith.constant 0 : i32
            %dma_start3A_322 = tpu.memref_slice %run_scoped3A_18[%rem3A_317, %dma_start3A_320, %dma_start3A_321] : memref<2x128x128xf32, #tpu.memory_space<vmem>> -> memref<1x128x128xf32, #tpu.memory_space<vmem>>
            %dma_start3A_323 = tpu.memref_squeeze %dma_start3A_322 : memref<1x128x128xf32, #tpu.memory_space<vmem>> -> memref<128x128xf32, #tpu.memory_space<vmem>>
            %dma_start3A_324 = arith.constant 0 : i32
            %dma_start3A_325 = tpu.memref_slice %arg4[%mul3A_319, %dma_start3A_324] : memref<160000x128xf32, #tpu.memory_space<hbm>> -> memref<128x128xf32, #tpu.memory_space<hbm>>
            %dma_start3A_326 = tpu.memref_slice %run_scoped3A_19[%rem3A_317] : memref<2x!tpu.dma_semaphore, #tpu.memory_space<semaphore_mem>> -> memref<1x!tpu.dma_semaphore, #tpu.memory_space<semaphore_mem>>
            %dma_start3A_327 = tpu.memref_squeeze %dma_start3A_326 : memref<1x!tpu.dma_semaphore, #tpu.memory_space<semaphore_mem>> -> memref<!tpu.dma_semaphore, #tpu.memory_space<semaphore_mem>>
            %dma_start3A_328 = arith.constant 0 : i32
            %dma_start3A_329 = tpu.memref_slice %arg4[%mul3A_319, %dma_start3A_328] : memref<160000x128xf32, #tpu.memory_space<hbm>> -> memref<128x128xf32, #tpu.memory_space<hbm>>
            %dma_start3A_330 = arith.constant 0 : i32
            %dma_start3A_331 = arith.constant 0 : i32
            %dma_start3A_332 = tpu.memref_slice %run_scoped3A_18[%rem3A_317, %dma_start3A_330, %dma_start3A_331] : memref<2x128x128xf32, #tpu.memory_space<vmem>> -> memref<1x128x128xf32, #tpu.memory_space<vmem>>
            %dma_start3A_333 = tpu.memref_squeeze %dma_start3A_332 : memref<1x128x128xf32, #tpu.memory_space<vmem>> -> memref<128x128xf32, #tpu.memory_space<vmem>>
            tpu.enqueue_dma source(%dma_start3A_333 : memref<128x128xf32, #tpu.memory_space<vmem>>) target(%dma_start3A_329 : memref<128x128xf32, #tpu.memory_space<hbm>>) target_semaphore(%dma_start3A_327 : memref<!tpu.dma_semaphore, #tpu.memory_space<semaphore_mem>>)
            "tpu.trace_stop"() : () -> ()
          } else {
          }
          %and3A_262 = arith.constant true
          %and3A_263 = arith.andi %or3A_258, %and3A_262 : i1
          %add3A_264 = arith.constant 1 : i32
          %add3A_265 = arith.addi %while3A_147, %add3A_264 : i32
          %select_n3A_266 = arith.select %and3A_263, %add3A_265, %while3A_147 : i32
          %add3A_267 = arith.constant 1250 : i32
          %add3A_268 = arith.addi %add3A_157, %add3A_267 : i32
          %add3A_269 = arith.constant 1250 : i32
          %add3A_270 = arith.addi %add3A_167, %add3A_269 : i32
          %ne3A_271 = arith.cmpi ne, %add3A_268, %add3A_270 : i32
          %or3A_272 = arith.constant false
          %or3A_273 = arith.ori %or3A_272, %ne3A_271 : i1
          %not3A_274 = arith.constant true
          %not3A_275 = arith.xori %eq3A_153, %not3A_274 : i1
          %and3A_276 = arith.andi %or3A_273, %not3A_275 : i1
          %convert_element_type3A_277 = arith.extui %and3A_276 : i1 to i32
          %cond3A_278 = arith.constant 0 : i32
          %cond3A_279 = arith.cmpi ne, %convert_element_type3A_277, %cond3A_278 : i32
          scf.if %cond3A_279 {
          } else {
          }
          %and3A_280 = arith.constant false
          %and3A_281 = arith.andi %and3A_276, %and3A_280 : i1
          %ne3A_282 = arith.cmpi ne, %add3A_157, %add3A_167 : i32
          %or3A_283 = arith.constant false
          %or3A_284 = arith.ori %or3A_283, %ne3A_282 : i1
          %or3A_285 = arith.constant false
          %or3A_286 = arith.ori %or3A_284, %or3A_285 : i1
          %not3A_287 = arith.constant true
          %not3A_288 = arith.xori %eq3A_153, %not3A_287 : i1
          %and3A_289 = arith.andi %or3A_286, %not3A_288 : i1
          %convert_element_type3A_290 = arith.extui %and3A_289 : i1 to i32
          %cond3A_291 = arith.constant 0 : i32
          %cond3A_292 = arith.cmpi ne, %convert_element_type3A_290, %cond3A_291 : i32
          scf.if %cond3A_292 {
            "tpu.trace_start"() <{level = 10 : i32, message = "ep_wait_out"}> : () -> ()
            %rem3A_316 = arith.constant 2 : i32
            %rem3A_317 = arith.remui %while3A_148, %rem3A_316 : i32
            %mul3A_318 = arith.constant 128 : i32
            %mul3A_319 = arith.muli %mul3A_318, %add3A_167 : i32
            %dma_wait3A = arith.constant 0 : i32
            %dma_wait3A_320 = arith.constant 0 : i32
            %dma_wait3A_321 = tpu.memref_slice %run_scoped3A_18[%rem3A_317, %dma_wait3A, %dma_wait3A_320] : memref<2x128x128xf32, #tpu.memory_space<vmem>> -> memref<1x128x128xf32, #tpu.memory_space<vmem>>
            %dma_wait3A_322 = tpu.memref_squeeze %dma_wait3A_321 : memref<1x128x128xf32, #tpu.memory_space<vmem>> -> memref<128x128xf32, #tpu.memory_space<vmem>>
            %dma_wait3A_323 = arith.constant 0 : i32
            %dma_wait3A_324 = tpu.memref_slice %arg4[%mul3A_319, %dma_wait3A_323] : memref<160000x128xf32, #tpu.memory_space<hbm>> -> memref<128x128xf32, #tpu.memory_space<hbm>>
            %dma_wait3A_325 = tpu.memref_slice %run_scoped3A_19[%rem3A_317] : memref<2x!tpu.dma_semaphore, #tpu.memory_space<semaphore_mem>> -> memref<1x!tpu.dma_semaphore, #tpu.memory_space<semaphore_mem>>
            %dma_wait3A_326 = tpu.memref_squeeze %dma_wait3A_325 : memref<1x!tpu.dma_semaphore, #tpu.memory_space<semaphore_mem>> -> memref<!tpu.dma_semaphore, #tpu.memory_space<semaphore_mem>>
            %dma_wait3A_327 = arith.constant 0 : i32
            %dma_wait3A_328 = tpu.memref_slice %arg4[%mul3A_319, %dma_wait3A_327] : memref<160000x128xf32, #tpu.memory_space<hbm>> -> memref<128x128xf32, #tpu.memory_space<hbm>>
            %dma_wait3A_329 = arith.constant 0 : i32
            %dma_wait3A_330 = arith.constant 0 : i32
            %dma_wait3A_331 = tpu.memref_slice %run_scoped3A_18[%rem3A_317, %dma_wait3A_329, %dma_wait3A_330] : memref<2x128x128xf32, #tpu.memory_space<vmem>> -> memref<1x128x128xf32, #tpu.memory_space<vmem>>
            %dma_wait3A_332 = tpu.memref_squeeze %dma_wait3A_331 : memref<1x128x128xf32, #tpu.memory_space<vmem>> -> memref<128x128xf32, #tpu.memory_space<vmem>>
            tpu.wait_dma2 semaphore(%dma_wait3A_326 : memref<!tpu.dma_semaphore, #tpu.memory_space<semaphore_mem>>) src(%dma_wait3A_332 : memref<128x128xf32, #tpu.memory_space<vmem>>) dst(%dma_wait3A_328 : memref<128x128xf32, #tpu.memory_space<hbm>>)
            "tpu.trace_stop"() : () -> ()
          } else {
          }
          %and3A_293 = arith.constant true
          %and3A_294 = arith.andi %and3A_289, %and3A_293 : i1
          %add3A_295 = arith.constant 1 : i32
          %add3A_296 = arith.addi %while3A_148, %add3A_295 : i32
          %select_n3A_297 = arith.select %and3A_294, %add3A_296, %while3A_148 : i32
          %add3A_298 = arith.constant 1250 : i32
          %add3A_299 = arith.addi %add3A_157, %add3A_298 : i32
          %add3A_300 = arith.constant 1250 : i32
          %add3A_301 = arith.addi %add3A_175, %add3A_300 : i32
          %ne3A_302 = arith.cmpi ne, %add3A_299, %add3A_301 : i32
          %or3A_303 = arith.constant false
          %or3A_304 = arith.ori %or3A_303, %ne3A_302 : i1
          %or3A_305 = arith.ori %or3A_304, %eq3A_156 : i1
          %add3A_306 = arith.constant 1 : i32
          %add3A_307 = arith.addi %while3A_146, %add3A_306 : i32
          %select_n3A_308 = arith.select %or3A_305, %add3A_307, %while3A_146 : i32
          %add3A_309 = arith.constant 1 : i32
          %add3A_310 = arith.addi %while3A_149, %add3A_309 : i32
          %select_n3A_311 = arith.constant true
          %select_n3A_312 = arith.select %select_n3A_311, %add3A_310, %while3A_149 : i32
          %eq3A_313 = arith.cmpi eq, %select_n3A_312, %select_n3A : i32
          %select_n3A_314 = arith.constant 0 : i32
          %select_n3A_315 = arith.select %eq3A_313, %select_n3A_314, %select_n3A_312 : i32
          scf.yield %select_n3A_201, %select_n3A_308, %select_n3A_266, %select_n3A_297, %select_n3A_315 : i32, i32, i32, i32, i32
        }
        %sub3A_93 = arith.constant 1 : i32
        %sub3A_94 = arith.subi %while3A_92#4, %sub3A_93 : i32
        %select_n3A_95 = arith.constant true
        %select_n3A_96 = arith.select %select_n3A_95, %sub3A_94, %while3A_92#4 : i32
        %eq3A_97 = arith.constant -1 : i32
        %eq3A_98 = arith.cmpi eq, %select_n3A_96, %eq3A_97 : i32
        %sub3A_99 = arith.constant 1 : i32
        %sub3A_100 = arith.subi %select_n3A, %sub3A_99 : i32
        %select_n3A_101 = arith.select %eq3A_98, %sub3A_100, %select_n3A_96 : i32
        %sub3A_102 = arith.constant 1 : i32
        %sub3A_103 = arith.subi %mul3A_16, %sub3A_102 : i32
        %mul3A_104 = arith.constant 1 : i32
        %mul3A_105 = arith.muli %mul3A_104, %select_n3A : i32
        %eq3A_106 = arith.constant 0 : i32
        %eq3A_107 = arith.cmpi eq, %sub3A_103, %eq3A_106 : i32
        %sub3A_108 = arith.constant 1 : i32
        %sub3A_109 = arith.subi %mul3A_105, %sub3A_108 : i32
        %eq3A_110 = arith.cmpi eq, %sub3A_103, %sub3A_109 : i32
        %add3A_111 = arith.addi %select_n3A_101, %select_n3A_14 : i32
        %sub3A_112 = arith.constant 1 : i32
        %sub3A_113 = arith.subi %select_n3A_101, %sub3A_112 : i32
        %select_n3A_114 = arith.constant true
        %select_n3A_115 = arith.select %select_n3A_114, %sub3A_113, %select_n3A_101 : i32
        %eq3A_116 = arith.constant -1 : i32
        %eq3A_117 = arith.cmpi eq, %select_n3A_115, %eq3A_116 : i32
        %sub3A_118 = arith.constant 1 : i32
        %sub3A_119 = arith.subi %select_n3A, %sub3A_118 : i32
        %select_n3A_120 = arith.select %eq3A_117, %sub3A_119, %select_n3A_115 : i32
        %add3A_121 = arith.addi %select_n3A_120, %select_n3A_14 : i32
        %add3A_122 = arith.constant 1 : i32
        %add3A_123 = arith.addi %select_n3A_101, %add3A_122 : i32
        %select_n3A_124 = arith.constant true
        %select_n3A_125 = arith.select %select_n3A_124, %add3A_123, %select_n3A_101 : i32
        %eq3A_126 = arith.cmpi eq, %select_n3A_125, %select_n3A : i32
        %select_n3A_127 = arith.constant 0 : i32
        %select_n3A_128 = arith.select %eq3A_126, %select_n3A_127, %select_n3A_125 : i32
        %add3A_129 = arith.addi %select_n3A_128, %select_n3A_14 : i32
        %add3A_130 = arith.constant 1 : i32
        %add3A_131 = arith.addi %select_n3A_128, %add3A_130 : i32
        %select_n3A_132 = arith.constant true
        %select_n3A_133 = arith.select %select_n3A_132, %add3A_131, %select_n3A_128 : i32
        %eq3A_134 = arith.cmpi eq, %select_n3A_133, %select_n3A : i32
        %select_n3A_135 = arith.constant 0 : i32
        %select_n3A_136 = arith.select %eq3A_134, %select_n3A_135, %select_n3A_133 : i32
        %add3A_137 = arith.addi %select_n3A_136, %select_n3A_14 : i32
        %convert_element_type3A_138 = arith.extui %eq3A_110 : i1 to i32
        %cond3A_139 = arith.constant 0 : i32
        %cond3A_140 = arith.cmpi ne, %convert_element_type3A_138, %cond3A_139 : i32
        scf.if %cond3A_140 {
        } else {
        }
        %convert_element_type3A_141 = arith.extui %eq3A_110 : i1 to i32
        %cond3A_142 = arith.constant 0 : i32
        %cond3A_143 = arith.cmpi ne, %convert_element_type3A_141, %cond3A_142 : i32
        scf.if %cond3A_143 {
          "tpu.trace_start"() <{level = 10 : i32, message = "ep_finalize"}> : () -> ()
          %rem3A_144 = arith.constant 2 : i32
          %rem3A_145 = arith.remui %while3A_92#3, %rem3A_144 : i32
          %mul3A_146 = arith.constant 128 : i32
          %mul3A_147 = arith.muli %mul3A_146, %add3A_111 : i32
          %dma_wait3A = arith.constant 0 : i32
          %dma_wait3A_148 = arith.constant 0 : i32
          %dma_wait3A_149 = tpu.memref_slice %run_scoped3A_18[%rem3A_145, %dma_wait3A, %dma_wait3A_148] : memref<2x128x128xf32, #tpu.memory_space<vmem>> -> memref<1x128x128xf32, #tpu.memory_space<vmem>>
          %dma_wait3A_150 = tpu.memref_squeeze %dma_wait3A_149 : memref<1x128x128xf32, #tpu.memory_space<vmem>> -> memref<128x128xf32, #tpu.memory_space<vmem>>
          %dma_wait3A_151 = arith.constant 0 : i32
          %dma_wait3A_152 = tpu.memref_slice %arg4[%mul3A_147, %dma_wait3A_151] : memref<160000x128xf32, #tpu.memory_space<hbm>> -> memref<128x128xf32, #tpu.memory_space<hbm>>
          %dma_wait3A_153 = tpu.memref_slice %run_scoped3A_19[%rem3A_145] : memref<2x!tpu.dma_semaphore, #tpu.memory_space<semaphore_mem>> -> memref<1x!tpu.dma_semaphore, #tpu.memory_space<semaphore_mem>>
          %dma_wait3A_154 = tpu.memref_squeeze %dma_wait3A_153 : memref<1x!tpu.dma_semaphore, #tpu.memory_space<semaphore_mem>> -> memref<!tpu.dma_semaphore, #tpu.memory_space<semaphore_mem>>
          %dma_wait3A_155 = arith.constant 0 : i32
          %dma_wait3A_156 = tpu.memref_slice %arg4[%mul3A_147, %dma_wait3A_155] : memref<160000x128xf32, #tpu.memory_space<hbm>> -> memref<128x128xf32, #tpu.memory_space<hbm>>
          %dma_wait3A_157 = arith.constant 0 : i32
          %dma_wait3A_158 = arith.constant 0 : i32
          %dma_wait3A_159 = tpu.memref_slice %run_scoped3A_18[%rem3A_145, %dma_wait3A_157, %dma_wait3A_158] : memref<2x128x128xf32, #tpu.memory_space<vmem>> -> memref<1x128x128xf32, #tpu.memory_space<vmem>>
          %dma_wait3A_160 = tpu.memref_squeeze %dma_wait3A_159 : memref<1x128x128xf32, #tpu.memory_space<vmem>> -> memref<128x128xf32, #tpu.memory_space<vmem>>
          tpu.wait_dma2 semaphore(%dma_wait3A_154 : memref<!tpu.dma_semaphore, #tpu.memory_space<semaphore_mem>>) src(%dma_wait3A_160 : memref<128x128xf32, #tpu.memory_space<vmem>>) dst(%dma_wait3A_156 : memref<128x128xf32, #tpu.memory_space<hbm>>)
          "tpu.trace_stop"() : () -> ()
        } else {
        }
      } else {
      }
      tpu.yield
    }) : () -> ()
    return
  }
}

#map = affine_map<(d0, d1) -> (0, 0)>
#map1 = affine_map<(d0, d1) -> (0, 0, 0)>
module attributes {stable_mosaic.version = 14 : i64} {
  func.func @k(%arg0: i32, %arg1: i32, %arg2: memref<160000x128xf32, #tpu.memory_space<hbm>>, %arg3: memref<2500x128xi32, #tpu.memory_space<hbm>>, %arg4: memref<2x10240x128xf32, #tpu.memory_space<hbm>>, %arg5: memref<10240x128xf32, #tpu.memory_space<vmem_shared>>, %arg6: memref<64x128xf32, #tpu.memory_space<vmem>>) attributes {dimension_semantics = [#tpu.dimension_semantics<core_parallel>, #tpu.dimension_semantics<subcore_parallel>], iteration_bounds = array<i64: 2, 16>, scalar_prefetch = 0 : i64, scratch_operands = 2 : i64, tpu.core_type = #tpu.core_type<sc_vector_subcore>, window_params = [{transform_indices = #map}, {transform_indices = #map}, {transform_indices = #map1}]} {
    %mul3A = arith.constant 640 : i32
    %mul3A_0 = arith.muli %arg1, %mul3A : i32
    %scan3A = arith.constant 0 : i32
    %scan3A_1 = arith.constant 64 : i32
    %scan3A_2 = arith.addi %scan3A, %scan3A_1 : i32
    %scan3A_3 = arith.constant 1 : i32
    scf.for %scan3A_29 = %scan3A to %scan3A_2 step %scan3A_3  : i32 {
      %mul3A_30 = arith.constant 1 : i32
      %mul3A_31 = arith.muli %scan3A_29, %mul3A_30 : i32
      %add3A_32 = arith.constant 0 : i32
      %add3A_33 = arith.addi %add3A_32, %mul3A_31 : i32
      %scan3A_34 = arith.constant 0 : i32
      %scan3A_35 = arith.constant 8 : i32
      %scan3A_36 = arith.addi %scan3A_34, %scan3A_35 : i32
      %scan3A_37 = arith.constant 1 : i32
      scf.for %scan3A_39 = %scan3A_34 to %scan3A_36 step %scan3A_37  : i32 {
        %mul3A_40 = arith.constant 16 : i32
        %mul3A_41 = arith.muli %scan3A_39, %mul3A_40 : i32
        %add3A_42 = arith.constant 0 : i32
        %add3A_43 = arith.addi %add3A_42, %mul3A_41 : i32
        %broadcast_in_dim3A = arith.constant 0.000000e+00 : f32
        %broadcast_in_dim3A_44 = vector.broadcast %broadcast_in_dim3A : f32 to vector<16xf32>
        %swap3A = arith.index_cast %add3A_33 : i32 to index
        %swap3A_45 = arith.index_cast %add3A_43 : i32 to index
        %swap3A_46 = tpu.vector_load %arg6[%swap3A, %swap3A_45] {strides = array<i32>} : memref<64x128xf32, #tpu.memory_space<vmem>>, vector<1x16xf32>,
        %swap3A_47 = vector.shape_cast %swap3A_46 : vector<1x16xf32> to vector<16xf32>
        %swap3A_48 = vector.shape_cast %broadcast_in_dim3A_44 : vector<16xf32> to vector<1x16xf32>
        tpu.vector_store %arg6[%swap3A, %swap3A_45], %swap3A_48 {strides = array<i32>} : memref<64x128xf32, #tpu.memory_space<vmem>>, vector<1x16xf32>,
      }
      %scan3A_38 = arith.constant 8 : i32
    }
    %scan3A_4 = arith.constant 64 : i32
    %scan3A_5 = arith.constant 0 : i32
    %scan3A_6 = arith.constant 10 : i32
    %scan3A_7 = arith.addi %scan3A_5, %scan3A_6 : i32
    %scan3A_8 = arith.constant 1 : i32
    scf.for %scan3A_29 = %scan3A_5 to %scan3A_7 step %scan3A_8  : i32 {
      %mul3A_30 = arith.constant 64 : i32
      %mul3A_31 = arith.muli %scan3A_29, %mul3A_30 : i32
      %add3A_32 = arith.constant 0 : i32
      %add3A_33 = arith.addi %add3A_32, %mul3A_31 : i32
      %add3A_34 = arith.addi %mul3A_0, %add3A_33 : i32
      "tpu.region"() ({
        %run_scoped3A = tpu.sem_alloc : memref<!tpu.dma_semaphore, #tpu.memory_space<semaphore_mem>>
        %dma_start3A = arith.constant 0 : i32
        %dma_start3A_35 = tpu.memref_slice %arg5[%add3A_34, %dma_start3A] : memref<10240x128xf32, #tpu.memory_space<vmem_shared>> -> memref<64x128xf32, #tpu.memory_space<vmem_shared>>
        %dma_start3A_36 = arith.constant 0 : i32
        %dma_start3A_37 = tpu.memref_slice %arg5[%add3A_34, %dma_start3A_36] : memref<10240x128xf32, #tpu.memory_space<vmem_shared>> -> memref<64x128xf32, #tpu.memory_space<vmem_shared>>
        tpu.enqueue_dma source(%arg6 : memref<64x128xf32, #tpu.memory_space<vmem>>) target(%dma_start3A_37 : memref<64x128xf32, #tpu.memory_space<vmem_shared>>) target_semaphore(%run_scoped3A : memref<!tpu.dma_semaphore, #tpu.memory_space<semaphore_mem>>)
        %dma_wait3A = arith.constant 0 : i32
        %dma_wait3A_38 = tpu.memref_slice %arg5[%add3A_34, %dma_wait3A] : memref<10240x128xf32, #tpu.memory_space<vmem_shared>> -> memref<64x128xf32, #tpu.memory_space<vmem_shared>>
        %dma_wait3A_39 = arith.constant 0 : i32
        %dma_wait3A_40 = tpu.memref_slice %arg5[%add3A_34, %dma_wait3A_39] : memref<10240x128xf32, #tpu.memory_space<vmem_shared>> -> memref<64x128xf32, #tpu.memory_space<vmem_shared>>
        tpu.wait_dma2 semaphore(%run_scoped3A : memref<!tpu.dma_semaphore, #tpu.memory_space<semaphore_mem>>) src(%arg6 : memref<64x128xf32, #tpu.memory_space<vmem>>) dst(%dma_wait3A_40 : memref<64x128xf32, #tpu.memory_space<vmem_shared>>)
        tpu.yield
      }) : () -> ()
    }
    %scan3A_9 = arith.constant 10 : i32
    %barrier3A = arith.constant 0 : index
    tpu.barrier barrier_id(%barrier3A)
    %mul3A_10 = arith.constant 1 : i32
    %mul3A_11 = arith.muli %arg1, %mul3A_10 : i32
    %add3A = arith.constant 0 : i32
    %add3A_12 = arith.addi %add3A, %mul3A_11 : i32
    %mul3A_13 = arith.constant 16 : i32
    %mul3A_14 = arith.muli %arg0, %mul3A_13 : i32
    %add3A_15 = arith.addi %add3A_12, %mul3A_14 : i32
    %lt3A = arith.constant 2 : i32
    %lt3A_16 = arith.cmpi slt, %add3A_15, %lt3A : i32
    %jit3A = arith.constant 40 : i32
    %jit3A_17 = arith.constant 39 : i32
    %select_n3A = arith.select %lt3A_16, %jit3A, %jit3A_17 : i32
    %lt3A_18 = arith.constant 2 : i32
    %lt3A_19 = arith.cmpi slt, %add3A_15, %lt3A_18 : i32
    %mul3A_20 = arith.muli %add3A_15, %select_n3A : i32
    %mul3A_21 = arith.constant 39 : i32
    %mul3A_22 = arith.muli %add3A_15, %mul3A_21 : i32
    %add3A_23 = arith.constant 2 : i32
    %add3A_24 = arith.addi %mul3A_22, %add3A_23 : i32
    %select_n3A_25 = arith.select %lt3A_19, %mul3A_20, %add3A_24 : i32
    %mul3A_26 = arith.constant 1 : i32
    %mul3A_27 = arith.muli %mul3A_26, %select_n3A : i32
    "tpu.region"() ({
      %run_scoped3A = memref.alloca() : memref<2x128x128xf32, #tpu.memory_space<vmem>>
      %run_scoped3A_29 = tpu.sem_alloc : memref<2x!tpu.dma_semaphore, #tpu.memory_space<semaphore_mem>>
      %run_scoped3A_30 = memref.alloca() : memref<2x1x128xi32, #tpu.memory_space<vmem>>
      %run_scoped3A_31 = tpu.sem_alloc : memref<2x!tpu.dma_semaphore, #tpu.memory_space<semaphore_mem>>
      %gt3A = arith.constant 0 : i32
      %gt3A_32 = arith.cmpi sgt, %mul3A_27, %gt3A : i32
      %convert_element_type3A = arith.extui %gt3A_32 : i1 to i32
      %cond3A = arith.constant 0 : i32
      %cond3A_33 = arith.cmpi ne, %convert_element_type3A, %cond3A : i32
      scf.if %cond3A_33 {
        %mul3A_34 = arith.constant 1 : i32
        %mul3A_35 = arith.muli %mul3A_34, %select_n3A : i32
        %sub3A = arith.constant 1 : i32
        %sub3A_36 = arith.subi %mul3A_35, %sub3A : i32
        %eq3A = arith.constant 0 : i32
        %eq3A_37 = arith.cmpi eq, %sub3A_36, %eq3A : i32
        %add3A_38 = arith.constant 0 : i32
        %add3A_39 = arith.addi %add3A_38, %select_n3A_25 : i32
        %select_n3A_40 = arith.constant true
        %select_n3A_41 = arith.constant 0 : i32
        %select_n3A_42 = arith.constant -1 : i32
        %select_n3A_43 = arith.select %select_n3A_40, %select_n3A_42, %select_n3A_41 : i32
        %eq3A_44 = arith.constant -1 : i32
        %eq3A_45 = arith.cmpi eq, %select_n3A_43, %eq3A_44 : i32
        %sub3A_46 = arith.constant 1 : i32
        %sub3A_47 = arith.subi %select_n3A, %sub3A_46 : i32
        %select_n3A_48 = arith.select %eq3A_45, %sub3A_47, %select_n3A_43 : i32
        %add3A_49 = arith.addi %select_n3A_48, %select_n3A_25 : i32
        %select_n3A_50 = arith.constant true
        %select_n3A_51 = arith.constant 0 : i32
        %select_n3A_52 = arith.constant 1 : i32
        %select_n3A_53 = arith.select %select_n3A_50, %select_n3A_52, %select_n3A_51 : i32
        %eq3A_54 = arith.cmpi eq, %select_n3A_53, %select_n3A : i32
        %select_n3A_55 = arith.constant 0 : i32
        %select_n3A_56 = arith.select %eq3A_54, %select_n3A_55, %select_n3A_53 : i32
        %add3A_57 = arith.addi %select_n3A_56, %select_n3A_25 : i32
        %add3A_58 = arith.constant 1 : i32
        %add3A_59 = arith.addi %select_n3A_56, %add3A_58 : i32
        %select_n3A_60 = arith.constant true
        %select_n3A_61 = arith.select %select_n3A_60, %add3A_59, %select_n3A_56 : i32
        %eq3A_62 = arith.cmpi eq, %select_n3A_61, %select_n3A : i32
        %select_n3A_63 = arith.constant 0 : i32
        %select_n3A_64 = arith.select %eq3A_62, %select_n3A_63, %select_n3A_61 : i32
        %add3A_65 = arith.addi %select_n3A_64, %select_n3A_25 : i32
        "tpu.trace_start"() <{level = 10 : i32, message = "ep_initialize_0"}> : () -> ()
        %rem3A = arith.constant 0 : i32
        %rem3A_66 = arith.constant 2 : i32
        %rem3A_67 = arith.remui %rem3A, %rem3A_66 : i32
        %mul3A_68 = arith.constant 128 : i32
        %mul3A_69 = arith.muli %mul3A_68, %add3A_39 : i32
        %dma_start3A = arith.constant 0 : i32
        %dma_start3A_70 = arith.constant 0 : i32
        %dma_start3A_71 = tpu.memref_slice %run_scoped3A[%rem3A_67, %dma_start3A, %dma_start3A_70] : memref<2x128x128xf32, #tpu.memory_space<vmem>> -> memref<1x128x128xf32, #tpu.memory_space<vmem>>
        %dma_start3A_72 = tpu.memref_squeeze %dma_start3A_71 : memref<1x128x128xf32, #tpu.memory_space<vmem>> -> memref<128x128xf32, #tpu.memory_space<vmem>>
        %dma_start3A_73 = arith.constant 0 : i32
        %dma_start3A_74 = tpu.memref_slice %arg2[%mul3A_69, %dma_start3A_73] : memref<160000x128xf32, #tpu.memory_space<hbm>> -> memref<128x128xf32, #tpu.memory_space<hbm>>
        %dma_start3A_75 = tpu.memref_slice %run_scoped3A_29[%rem3A_67] : memref<2x!tpu.dma_semaphore, #tpu.memory_space<semaphore_mem>> -> memref<1x!tpu.dma_semaphore, #tpu.memory_space<semaphore_mem>>
        %dma_start3A_76 = tpu.memref_squeeze %dma_start3A_75 : memref<1x!tpu.dma_semaphore, #tpu.memory_space<semaphore_mem>> -> memref<!tpu.dma_semaphore, #tpu.memory_space<semaphore_mem>>
        %dma_start3A_77 = arith.constant 0 : i32
        %dma_start3A_78 = arith.constant 0 : i32
        %dma_start3A_79 = tpu.memref_slice %run_scoped3A[%rem3A_67, %dma_start3A_77, %dma_start3A_78] : memref<2x128x128xf32, #tpu.memory_space<vmem>> -> memref<1x128x128xf32, #tpu.memory_space<vmem>>
        %dma_start3A_80 = tpu.memref_squeeze %dma_start3A_79 : memref<1x128x128xf32, #tpu.memory_space<vmem>> -> memref<128x128xf32, #tpu.memory_space<vmem>>
        %dma_start3A_81 = arith.constant 0 : i32
        %dma_start3A_82 = tpu.memref_slice %arg2[%mul3A_69, %dma_start3A_81] : memref<160000x128xf32, #tpu.memory_space<hbm>> -> memref<128x128xf32, #tpu.memory_space<hbm>>
        tpu.enqueue_dma source(%dma_start3A_82 : memref<128x128xf32, #tpu.memory_space<hbm>>) target(%dma_start3A_80 : memref<128x128xf32, #tpu.memory_space<vmem>>) target_semaphore(%dma_start3A_76 : memref<!tpu.dma_semaphore, #tpu.memory_space<semaphore_mem>>)
        %add3A_83 = arith.constant 0 : i32
        %add3A_84 = arith.constant 1 : i32
        %add3A_85 = arith.addi %add3A_83, %add3A_84 : i32
        %select_n3A_86 = arith.constant true
        %select_n3A_87 = arith.constant 0 : i32
        %select_n3A_88 = arith.select %select_n3A_86, %add3A_85, %select_n3A_87 : i32
        %rem3A_89 = arith.constant 0 : i32
        %rem3A_90 = arith.constant 2 : i32
        %rem3A_91 = arith.remui %rem3A_89, %rem3A_90 : i32
        %add3A_92 = arith.constant 1250 : i32
        %add3A_93 = arith.addi %add3A_39, %add3A_92 : i32
        %mul3A_94 = arith.constant 1 : i32
        %mul3A_95 = arith.muli %mul3A_94, %add3A_93 : i32
        %dma_start3A_96 = arith.constant 0 : i32
        %dma_start3A_97 = arith.constant 0 : i32
        %dma_start3A_98 = tpu.memref_slice %run_scoped3A_30[%rem3A_91, %dma_start3A_96, %dma_start3A_97] : memref<2x1x128xi32, #tpu.memory_space<vmem>> -> memref<1x1x128xi32, #tpu.memory_space<vmem>>
        %dma_start3A_99 = tpu.memref_squeeze %dma_start3A_98 : memref<1x1x128xi32, #tpu.memory_space<vmem>> -> memref<1x128xi32, #tpu.memory_space<vmem>>
        %dma_start3A_100 = arith.constant 0 : i32
        %dma_start3A_101 = tpu.memref_slice %arg3[%mul3A_95, %dma_start3A_100] : memref<2500x128xi32, #tpu.memory_space<hbm>> -> memref<1x128xi32, #tpu.memory_space<hbm>>
        %dma_start3A_102 = tpu.memref_slice %run_scoped3A_31[%rem3A_91] : memref<2x!tpu.dma_semaphore, #tpu.memory_space<semaphore_mem>> -> memref<1x!tpu.dma_semaphore, #tpu.memory_space<semaphore_mem>>
        %dma_start3A_103 = tpu.memref_squeeze %dma_start3A_102 : memref<1x!tpu.dma_semaphore, #tpu.memory_space<semaphore_mem>> -> memref<!tpu.dma_semaphore, #tpu.memory_space<semaphore_mem>>
        %dma_start3A_104 = arith.constant 0 : i32
        %dma_start3A_105 = arith.constant 0 : i32
        %dma_start3A_106 = tpu.memref_slice %run_scoped3A_30[%rem3A_91, %dma_start3A_104, %dma_start3A_105] : memref<2x1x128xi32, #tpu.memory_space<vmem>> -> memref<1x1x128xi32, #tpu.memory_space<vmem>>
        %dma_start3A_107 = tpu.memref_squeeze %dma_start3A_106 : memref<1x1x128xi32, #tpu.memory_space<vmem>> -> memref<1x128xi32, #tpu.memory_space<vmem>>
        %dma_start3A_108 = arith.constant 0 : i32
        %dma_start3A_109 = tpu.memref_slice %arg3[%mul3A_95, %dma_start3A_108] : memref<2500x128xi32, #tpu.memory_space<hbm>> -> memref<1x128xi32, #tpu.memory_space<hbm>>
        tpu.enqueue_dma source(%dma_start3A_109 : memref<1x128xi32, #tpu.memory_space<hbm>>) target(%dma_start3A_107 : memref<1x128xi32, #tpu.memory_space<vmem>>) target_semaphore(%dma_start3A_103 : memref<!tpu.dma_semaphore, #tpu.memory_space<semaphore_mem>>)
        %add3A_110 = arith.constant 0 : i32
        %add3A_111 = arith.constant 1 : i32
        %add3A_112 = arith.addi %add3A_110, %add3A_111 : i32
        %select_n3A_113 = arith.constant true
        %select_n3A_114 = arith.constant 0 : i32
        %select_n3A_115 = arith.select %select_n3A_113, %add3A_112, %select_n3A_114 : i32
        %while3A = arith.constant 0 : i32
        %while3A_116 = arith.constant 0 : i32
        %while3A_117 = arith.constant 0 : i32
        %while3A_118 = arith.constant 0 : i32
        "tpu.trace_stop"() : () -> ()
        %while3A_119 = arith.subi %mul3A_27, %while3A : i32
        %while3A_120 = arith.addi %while3A, %while3A_119 : i32
        %while3A_121 = arith.constant 1 : i32
        %while3A_122 = arith.divsi %while3A_119, %while3A_121 : i32
        %while3A_123 = arith.muli %while3A_122, %while3A_121 : i32
        %while3A_124 = arith.addi %while3A, %while3A_123 : i32
        %while3A_125 = arith.constant 1 : i32
        %while3A_126:5 = scf.for %while3A_180 = %while3A to %while3A_124 step %while3A_125 iter_args(%while3A_181 = %select_n3A_88, %while3A_182 = %while3A_116, %while3A_183 = %select_n3A_115, %while3A_184 = %while3A_117, %while3A_185 = %while3A_118) -> (i32, i32, i32, i32, i32)  : i32 {
          %mul3A_186 = arith.constant 1 : i32
          %mul3A_187 = arith.muli %mul3A_186, %select_n3A : i32
          %eq3A_188 = arith.constant 0 : i32
          %eq3A_189 = arith.cmpi eq, %while3A_180, %eq3A_188 : i32
          %sub3A_190 = arith.constant 1 : i32
          %sub3A_191 = arith.subi %mul3A_187, %sub3A_190 : i32
          %eq3A_192 = arith.cmpi eq, %while3A_180, %sub3A_191 : i32
          %add3A_193 = arith.addi %while3A_185, %select_n3A_25 : i32
          %sub3A_194 = arith.constant 1 : i32
          %sub3A_195 = arith.subi %while3A_185, %sub3A_194 : i32
          %select_n3A_196 = arith.constant true
          %select_n3A_197 = arith.select %select_n3A_196, %sub3A_195, %while3A_185 : i32
          %eq3A_198 = arith.constant -1 : i32
          %eq3A_199 = arith.cmpi eq, %select_n3A_197, %eq3A_198 : i32
          %sub3A_200 = arith.constant 1 : i32
          %sub3A_201 = arith.subi %select_n3A, %sub3A_200 : i32
          %select_n3A_202 = arith.select %eq3A_199, %sub3A_201, %select_n3A_197 : i32
          %add3A_203 = arith.addi %select_n3A_202, %select_n3A_25 : i32
          %add3A_204 = arith.constant 1 : i32
          %add3A_205 = arith.addi %while3A_185, %add3A_204 : i32
          %select_n3A_206 = arith.constant true
          %select_n3A_207 = arith.select %select_n3A_206, %add3A_205, %while3A_185 : i32
          %eq3A_208 = arith.cmpi eq, %select_n3A_207, %select_n3A : i32
          %select_n3A_209 = arith.constant 0 : i32
          %select_n3A_210 = arith.select %eq3A_208, %select_n3A_209, %select_n3A_207 : i32
          %add3A_211 = arith.addi %select_n3A_210, %select_n3A_25 : i32
          %add3A_212 = arith.constant 1 : i32
          %add3A_213 = arith.addi %select_n3A_210, %add3A_212 : i32
          %select_n3A_214 = arith.constant true
          %select_n3A_215 = arith.select %select_n3A_214, %add3A_213, %select_n3A_210 : i32
          %eq3A_216 = arith.cmpi eq, %select_n3A_215, %select_n3A : i32
          %select_n3A_217 = arith.constant 0 : i32
          %select_n3A_218 = arith.select %eq3A_216, %select_n3A_217, %select_n3A_215 : i32
          %add3A_219 = arith.addi %select_n3A_218, %select_n3A_25 : i32
          %ne3A = arith.cmpi ne, %add3A_193, %add3A_211 : i32
          %or3A = arith.constant false
          %or3A_220 = arith.ori %or3A, %ne3A : i1
          %or3A_221 = arith.constant false
          %or3A_222 = arith.ori %or3A_220, %or3A_221 : i1
          %sub3A_223 = arith.constant 2 : i32
          %sub3A_224 = arith.subi %mul3A_187, %sub3A_223 : i32
          %add3A_225 = arith.constant 1 : i32
          %add3A_226 = arith.addi %sub3A_224, %add3A_225 : i32
          %ge3A = arith.cmpi sge, %while3A_180, %add3A_226 : i32
          %not3A = arith.constant true
          %not3A_227 = arith.xori %ge3A, %not3A : i1
          %and3A = arith.andi %or3A_222, %not3A_227 : i1
          %convert_element_type3A_228 = arith.extui %and3A : i1 to i32
          %cond3A_229 = arith.constant 0 : i32
          %cond3A_230 = arith.cmpi ne, %convert_element_type3A_228, %cond3A_229 : i32
          scf.if %cond3A_230 {
            "tpu.trace_start"() <{level = 10 : i32, message = "ep_copy_in"}> : () -> ()
            %rem3A_373 = arith.constant 2 : i32
            %rem3A_374 = arith.remui %while3A_181, %rem3A_373 : i32
            %mul3A_375 = arith.constant 128 : i32
            %mul3A_376 = arith.muli %mul3A_375, %add3A_211 : i32
            %dma_start3A_377 = arith.constant 0 : i32
            %dma_start3A_378 = arith.constant 0 : i32
            %dma_start3A_379 = tpu.memref_slice %run_scoped3A[%rem3A_374, %dma_start3A_377, %dma_start3A_378] : memref<2x128x128xf32, #tpu.memory_space<vmem>> -> memref<1x128x128xf32, #tpu.memory_space<vmem>>
            %dma_start3A_380 = tpu.memref_squeeze %dma_start3A_379 : memref<1x128x128xf32, #tpu.memory_space<vmem>> -> memref<128x128xf32, #tpu.memory_space<vmem>>
            %dma_start3A_381 = arith.constant 0 : i32
            %dma_start3A_382 = tpu.memref_slice %arg2[%mul3A_376, %dma_start3A_381] : memref<160000x128xf32, #tpu.memory_space<hbm>> -> memref<128x128xf32, #tpu.memory_space<hbm>>
            %dma_start3A_383 = tpu.memref_slice %run_scoped3A_29[%rem3A_374] : memref<2x!tpu.dma_semaphore, #tpu.memory_space<semaphore_mem>> -> memref<1x!tpu.dma_semaphore, #tpu.memory_space<semaphore_mem>>
            %dma_start3A_384 = tpu.memref_squeeze %dma_start3A_383 : memref<1x!tpu.dma_semaphore, #tpu.memory_space<semaphore_mem>> -> memref<!tpu.dma_semaphore, #tpu.memory_space<semaphore_mem>>
            %dma_start3A_385 = arith.constant 0 : i32
            %dma_start3A_386 = arith.constant 0 : i32
            %dma_start3A_387 = tpu.memref_slice %run_scoped3A[%rem3A_374, %dma_start3A_385, %dma_start3A_386] : memref<2x128x128xf32, #tpu.memory_space<vmem>> -> memref<1x128x128xf32, #tpu.memory_space<vmem>>
            %dma_start3A_388 = tpu.memref_squeeze %dma_start3A_387 : memref<1x128x128xf32, #tpu.memory_space<vmem>> -> memref<128x128xf32, #tpu.memory_space<vmem>>
            %dma_start3A_389 = arith.constant 0 : i32
            %dma_start3A_390 = tpu.memref_slice %arg2[%mul3A_376, %dma_start3A_389] : memref<160000x128xf32, #tpu.memory_space<hbm>> -> memref<128x128xf32, #tpu.memory_space<hbm>>
            tpu.enqueue_dma source(%dma_start3A_390 : memref<128x128xf32, #tpu.memory_space<hbm>>) target(%dma_start3A_388 : memref<128x128xf32, #tpu.memory_space<vmem>>) target_semaphore(%dma_start3A_384 : memref<!tpu.dma_semaphore, #tpu.memory_space<semaphore_mem>>)
            "tpu.trace_stop"() : () -> ()
          } else {
          }
          %and3A_231 = arith.constant true
          %and3A_232 = arith.andi %and3A, %and3A_231 : i1
          %add3A_233 = arith.constant 1 : i32
          %add3A_234 = arith.addi %while3A_181, %add3A_233 : i32
          %select_n3A_235 = arith.select %and3A_232, %add3A_234, %while3A_181 : i32
          %add3A_236 = arith.constant 1250 : i32
          %add3A_237 = arith.addi %add3A_193, %add3A_236 : i32
          %add3A_238 = arith.constant 1250 : i32
          %add3A_239 = arith.addi %add3A_211, %add3A_238 : i32
          %ne3A_240 = arith.cmpi ne, %add3A_237, %add3A_239 : i32
          %or3A_241 = arith.constant false
          %or3A_242 = arith.ori %or3A_241, %ne3A_240 : i1
          %or3A_243 = arith.constant false
          %or3A_244 = arith.ori %or3A_242, %or3A_243 : i1
          %sub3A_245 = arith.constant 2 : i32
          %sub3A_246 = arith.subi %mul3A_187, %sub3A_245 : i32
          %add3A_247 = arith.constant 1 : i32
          %add3A_248 = arith.addi %sub3A_246, %add3A_247 : i32
          %ge3A_249 = arith.cmpi sge, %while3A_180, %add3A_248 : i32
          %not3A_250 = arith.constant true
          %not3A_251 = arith.xori %ge3A_249, %not3A_250 : i1
          %and3A_252 = arith.andi %or3A_244, %not3A_251 : i1
          %convert_element_type3A_253 = arith.extui %and3A_252 : i1 to i32
          %cond3A_254 = arith.constant 0 : i32
          %cond3A_255 = arith.cmpi ne, %convert_element_type3A_253, %cond3A_254 : i32
          scf.if %cond3A_255 {
            "tpu.trace_start"() <{level = 10 : i32, message = "ep_copy_in"}> : () -> ()
            %rem3A_373 = arith.constant 2 : i32
            %rem3A_374 = arith.remui %while3A_183, %rem3A_373 : i32
            %add3A_375 = arith.constant 1250 : i32
            %add3A_376 = arith.addi %add3A_211, %add3A_375 : i32
            %mul3A_377 = arith.constant 1 : i32
            %mul3A_378 = arith.muli %mul3A_377, %add3A_376 : i32
            %dma_start3A_379 = arith.constant 0 : i32
            %dma_start3A_380 = arith.constant 0 : i32
            %dma_start3A_381 = tpu.memref_slice %run_scoped3A_30[%rem3A_374, %dma_start3A_379, %dma_start3A_380] : memref<2x1x128xi32, #tpu.memory_space<vmem>> -> memref<1x1x128xi32, #tpu.memory_space<vmem>>
            %dma_start3A_382 = tpu.memref_squeeze %dma_start3A_381 : memref<1x1x128xi32, #tpu.memory_space<vmem>> -> memref<1x128xi32, #tpu.memory_space<vmem>>
            %dma_start3A_383 = arith.constant 0 : i32
            %dma_start3A_384 = tpu.memref_slice %arg3[%mul3A_378, %dma_start3A_383] : memref<2500x128xi32, #tpu.memory_space<hbm>> -> memref<1x128xi32, #tpu.memory_space<hbm>>
            %dma_start3A_385 = tpu.memref_slice %run_scoped3A_31[%rem3A_374] : memref<2x!tpu.dma_semaphore, #tpu.memory_space<semaphore_mem>> -> memref<1x!tpu.dma_semaphore, #tpu.memory_space<semaphore_mem>>
            %dma_start3A_386 = tpu.memref_squeeze %dma_start3A_385 : memref<1x!tpu.dma_semaphore, #tpu.memory_space<semaphore_mem>> -> memref<!tpu.dma_semaphore, #tpu.memory_space<semaphore_mem>>
            %dma_start3A_387 = arith.constant 0 : i32
            %dma_start3A_388 = arith.constant 0 : i32
            %dma_start3A_389 = tpu.memref_slice %run_scoped3A_30[%rem3A_374, %dma_start3A_387, %dma_start3A_388] : memref<2x1x128xi32, #tpu.memory_space<vmem>> -> memref<1x1x128xi32, #tpu.memory_space<vmem>>
            %dma_start3A_390 = tpu.memref_squeeze %dma_start3A_389 : memref<1x1x128xi32, #tpu.memory_space<vmem>> -> memref<1x128xi32, #tpu.memory_space<vmem>>
            %dma_start3A_391 = arith.constant 0 : i32
            %dma_start3A_392 = tpu.memref_slice %arg3[%mul3A_378, %dma_start3A_391] : memref<2500x128xi32, #tpu.memory_space<hbm>> -> memref<1x128xi32, #tpu.memory_space<hbm>>
            tpu.enqueue_dma source(%dma_start3A_392 : memref<1x128xi32, #tpu.memory_space<hbm>>) target(%dma_start3A_390 : memref<1x128xi32, #tpu.memory_space<vmem>>) target_semaphore(%dma_start3A_386 : memref<!tpu.dma_semaphore, #tpu.memory_space<semaphore_mem>>)
            "tpu.trace_stop"() : () -> ()
          } else {
          }
          %and3A_256 = arith.constant true
          %and3A_257 = arith.andi %and3A_252, %and3A_256 : i1
          %add3A_258 = arith.constant 1 : i32
          %add3A_259 = arith.addi %while3A_183, %add3A_258 : i32
          %select_n3A_260 = arith.select %and3A_257, %add3A_259, %while3A_183 : i32
          %ne3A_261 = arith.cmpi ne, %add3A_193, %add3A_203 : i32
          %or3A_262 = arith.constant false
          %or3A_263 = arith.ori %or3A_262, %ne3A_261 : i1
          %or3A_264 = arith.constant false
          %or3A_265 = arith.ori %or3A_263, %or3A_264 : i1
          %or3A_266 = arith.ori %or3A_265, %eq3A_189 : i1
          %convert_element_type3A_267 = arith.extui %or3A_266 : i1 to i32
          %cond3A_268 = arith.constant 0 : i32
          %cond3A_269 = arith.cmpi ne, %convert_element_type3A_267, %cond3A_268 : i32
          scf.if %cond3A_269 {
            "tpu.trace_start"() <{level = 10 : i32, message = "ep_wait_in"}> : () -> ()
            %mul3A_373 = arith.constant 128 : i32
            %mul3A_374 = arith.muli %mul3A_373, %add3A_193 : i32
            %rem3A_375 = arith.constant 2 : i32
            %rem3A_376 = arith.remui %while3A_182, %rem3A_375 : i32
            %dma_wait3A = arith.constant 0 : i32
            %dma_wait3A_377 = arith.constant 0 : i32
            %dma_wait3A_378 = tpu.memref_slice %run_scoped3A[%rem3A_376, %dma_wait3A, %dma_wait3A_377] : memref<2x128x128xf32, #tpu.memory_space<vmem>> -> memref<1x128x128xf32, #tpu.memory_space<vmem>>
            %dma_wait3A_379 = tpu.memref_squeeze %dma_wait3A_378 : memref<1x128x128xf32, #tpu.memory_space<vmem>> -> memref<128x128xf32, #tpu.memory_space<vmem>>
            %dma_wait3A_380 = arith.constant 0 : i32
            %dma_wait3A_381 = tpu.memref_slice %arg2[%mul3A_374, %dma_wait3A_380] : memref<160000x128xf32, #tpu.memory_space<hbm>> -> memref<128x128xf32, #tpu.memory_space<hbm>>
            %dma_wait3A_382 = tpu.memref_slice %run_scoped3A_29[%rem3A_376] : memref<2x!tpu.dma_semaphore, #tpu.memory_space<semaphore_mem>> -> memref<1x!tpu.dma_semaphore, #tpu.memory_space<semaphore_mem>>
            %dma_wait3A_383 = tpu.memref_squeeze %dma_wait3A_382 : memref<1x!tpu.dma_semaphore, #tpu.memory_space<semaphore_mem>> -> memref<!tpu.dma_semaphore, #tpu.memory_space<semaphore_mem>>
            %dma_wait3A_384 = arith.constant 0 : i32
            %dma_wait3A_385 = arith.constant 0 : i32
            %dma_wait3A_386 = tpu.memref_slice %run_scoped3A[%rem3A_376, %dma_wait3A_384, %dma_wait3A_385] : memref<2x128x128xf32, #tpu.memory_space<vmem>> -> memref<1x128x128xf32, #tpu.memory_space<vmem>>
            %dma_wait3A_387 = tpu.memref_squeeze %dma_wait3A_386 : memref<1x128x128xf32, #tpu.memory_space<vmem>> -> memref<128x128xf32, #tpu.memory_space<vmem>>
            %dma_wait3A_388 = arith.constant 0 : i32
            %dma_wait3A_389 = tpu.memref_slice %arg2[%mul3A_374, %dma_wait3A_388] : memref<160000x128xf32, #tpu.memory_space<hbm>> -> memref<128x128xf32, #tpu.memory_space<hbm>>
            tpu.wait_dma2 semaphore(%dma_wait3A_383 : memref<!tpu.dma_semaphore, #tpu.memory_space<semaphore_mem>>) src(%dma_wait3A_389 : memref<128x128xf32, #tpu.memory_space<hbm>>) dst(%dma_wait3A_387 : memref<128x128xf32, #tpu.memory_space<vmem>>)
            "tpu.trace_stop"() : () -> ()
          } else {
          }
          %add3A_270 = arith.constant 1250 : i32
          %add3A_271 = arith.addi %add3A_193, %add3A_270 : i32
          %add3A_272 = arith.constant 1250 : i32
          %add3A_273 = arith.addi %add3A_203, %add3A_272 : i32
          %ne3A_274 = arith.cmpi ne, %add3A_271, %add3A_273 : i32
          %or3A_275 = arith.constant false
          %or3A_276 = arith.ori %or3A_275, %ne3A_274 : i1
          %or3A_277 = arith.constant false
          %or3A_278 = arith.ori %or3A_276, %or3A_277 : i1
          %or3A_279 = arith.ori %or3A_278, %eq3A_189 : i1
          %convert_element_type3A_280 = arith.extui %or3A_279 : i1 to i32
          %cond3A_281 = arith.constant 0 : i32
          %cond3A_282 = arith.cmpi ne, %convert_element_type3A_280, %cond3A_281 : i32
          scf.if %cond3A_282 {
            "tpu.trace_start"() <{level = 10 : i32, message = "ep_wait_in"}> : () -> ()
            %add3A_373 = arith.constant 1250 : i32
            %add3A_374 = arith.addi %add3A_193, %add3A_373 : i32
            %mul3A_375 = arith.constant 1 : i32
            %mul3A_376 = arith.muli %mul3A_375, %add3A_374 : i32
            %rem3A_377 = arith.constant 2 : i32
            %rem3A_378 = arith.remui %while3A_184, %rem3A_377 : i32
            %dma_wait3A = arith.constant 0 : i32
            %dma_wait3A_379 = arith.constant 0 : i32
            %dma_wait3A_380 = tpu.memref_slice %run_scoped3A_30[%rem3A_378, %dma_wait3A, %dma_wait3A_379] : memref<2x1x128xi32, #tpu.memory_space<vmem>> -> memref<1x1x128xi32, #tpu.memory_space<vmem>>
            %dma_wait3A_381 = tpu.memref_squeeze %dma_wait3A_380 : memref<1x1x128xi32, #tpu.memory_space<vmem>> -> memref<1x128xi32, #tpu.memory_space<vmem>>
            %dma_wait3A_382 = arith.constant 0 : i32
            %dma_wait3A_383 = tpu.memref_slice %arg3[%mul3A_376, %dma_wait3A_382] : memref<2500x128xi32, #tpu.memory_space<hbm>> -> memref<1x128xi32, #tpu.memory_space<hbm>>
            %dma_wait3A_384 = tpu.memref_slice %run_scoped3A_31[%rem3A_378] : memref<2x!tpu.dma_semaphore, #tpu.memory_space<semaphore_mem>> -> memref<1x!tpu.dma_semaphore, #tpu.memory_space<semaphore_mem>>
            %dma_wait3A_385 = tpu.memref_squeeze %dma_wait3A_384 : memref<1x!tpu.dma_semaphore, #tpu.memory_space<semaphore_mem>> -> memref<!tpu.dma_semaphore, #tpu.memory_space<semaphore_mem>>
            %dma_wait3A_386 = arith.constant 0 : i32
            %dma_wait3A_387 = arith.constant 0 : i32
            %dma_wait3A_388 = tpu.memref_slice %run_scoped3A_30[%rem3A_378, %dma_wait3A_386, %dma_wait3A_387] : memref<2x1x128xi32, #tpu.memory_space<vmem>> -> memref<1x1x128xi32, #tpu.memory_space<vmem>>
            %dma_wait3A_389 = tpu.memref_squeeze %dma_wait3A_388 : memref<1x1x128xi32, #tpu.memory_space<vmem>> -> memref<1x128xi32, #tpu.memory_space<vmem>>
            %dma_wait3A_390 = arith.constant 0 : i32
            %dma_wait3A_391 = tpu.memref_slice %arg3[%mul3A_376, %dma_wait3A_390] : memref<2500x128xi32, #tpu.memory_space<hbm>> -> memref<1x128xi32, #tpu.memory_space<hbm>>
            tpu.wait_dma2 semaphore(%dma_wait3A_385 : memref<!tpu.dma_semaphore, #tpu.memory_space<semaphore_mem>>) src(%dma_wait3A_391 : memref<1x128xi32, #tpu.memory_space<hbm>>) dst(%dma_wait3A_389 : memref<1x128xi32, #tpu.memory_space<vmem>>)
            "tpu.trace_stop"() : () -> ()
          } else {
          }
          %rem3A_283 = arith.constant 2 : i32
          %rem3A_284 = arith.remui %while3A_182, %rem3A_283 : i32
          %rem3A_285 = arith.constant 2 : i32
          %rem3A_286 = arith.remui %while3A_184, %rem3A_285 : i32
          %run_scoped3A_287 = arith.constant 0 : i32
          "tpu.trace_start"() <{level = 10 : i32, message = "ep_run_kernel"}> : () -> ()
          "tpu.region"() ({
            %run_scoped3A_373 = tpu.sem_alloc : memref<!tpu.dma_semaphore, #tpu.memory_space<semaphore_mem>>
            %dma_start3A_374 = arith.constant 0 : i32
            %dma_start3A_375 = arith.constant 0 : i32
            %dma_start3A_376 = tpu.memref_slice %run_scoped3A[%rem3A_284, %dma_start3A_374, %dma_start3A_375] : memref<2x128x128xf32, #tpu.memory_space<vmem>> -> memref<1x128x128xf32, #tpu.memory_space<vmem>>
            %dma_start3A_377 = tpu.memref_squeeze %dma_start3A_376 : memref<1x128x128xf32, #tpu.memory_space<vmem>> -> memref<128x128xf32, #tpu.memory_space<vmem>>
            %dma_start3A_378 = arith.constant 0 : i32
            %dma_start3A_379 = arith.constant 0 : i32
            %dma_start3A_380 = tpu.memref_slice %run_scoped3A_30[%rem3A_286, %dma_start3A_378, %dma_start3A_379] : memref<2x1x128xi32, #tpu.memory_space<vmem>> -> memref<1x1x128xi32, #tpu.memory_space<vmem>>
            %dma_start3A_381 = tpu.memref_squeeze %dma_start3A_380 : memref<1x1x128xi32, #tpu.memory_space<vmem>> -> memref<1x128xi32, #tpu.memory_space<vmem>>
            %dma_start3A_382 = arith.constant 0 : i32
            %dma_start3A_383 = tpu.memref_slice %dma_start3A_381[%run_scoped3A_287, %dma_start3A_382] : memref<1x128xi32, #tpu.memory_space<vmem>> -> memref<1x128xi32, #tpu.memory_space<vmem>>
            %dma_start3A_384 = tpu.memref_squeeze %dma_start3A_383 : memref<1x128xi32, #tpu.memory_space<vmem>> -> memref<128xi32, #tpu.memory_space<vmem>>
            %dma_start3A_385 = arith.constant 0 : i32
            %dma_start3A_386 = arith.constant 0 : i32
            %dma_start3A_387 = tpu.memref_slice %arg5[%dma_start3A_385, %dma_start3A_386] : memref<10240x128xf32, #tpu.memory_space<vmem_shared>> -> memref<10240x128xf32, #tpu.memory_space<vmem_shared>>
            tpu.enqueue_indirect_dma source(%dma_start3A_377 : memref<128x128xf32, #tpu.memory_space<vmem>>) target(%dma_start3A_387 : memref<10240x128xf32, #tpu.memory_space<vmem_shared>>) offsets(%dma_start3A_384 : memref<128xi32, #tpu.memory_space<vmem>>) semaphore(%run_scoped3A_373 : memref<!tpu.dma_semaphore, #tpu.memory_space<semaphore_mem>>) {add = true}
            %dma_wait3A = arith.constant 0 : i32
            %dma_wait3A_388 = arith.constant 0 : i32
            %dma_wait3A_389 = tpu.memref_slice %run_scoped3A[%rem3A_284, %dma_wait3A, %dma_wait3A_388] : memref<2x128x128xf32, #tpu.memory_space<vmem>> -> memref<1x128x128xf32, #tpu.memory_space<vmem>>
            %dma_wait3A_390 = tpu.memref_squeeze %dma_wait3A_389 : memref<1x128x128xf32, #tpu.memory_space<vmem>> -> memref<128x128xf32, #tpu.memory_space<vmem>>
            %dma_wait3A_391 = arith.constant 0 : i32
            %dma_wait3A_392 = arith.constant 0 : i32
            %dma_wait3A_393 = tpu.memref_slice %run_scoped3A_30[%rem3A_286, %dma_wait3A_391, %dma_wait3A_392] : memref<2x1x128xi32, #tpu.memory_space<vmem>> -> memref<1x1x128xi32, #tpu.memory_space<vmem>>
            %dma_wait3A_394 = tpu.memref_squeeze %dma_wait3A_393 : memref<1x1x128xi32, #tpu.memory_space<vmem>> -> memref<1x128xi32, #tpu.memory_space<vmem>>
            %dma_wait3A_395 = arith.constant 0 : i32
            %dma_wait3A_396 = tpu.memref_slice %dma_wait3A_394[%run_scoped3A_287, %dma_wait3A_395] : memref<1x128xi32, #tpu.memory_space<vmem>> -> memref<1x128xi32, #tpu.memory_space<vmem>>
            %dma_wait3A_397 = tpu.memref_squeeze %dma_wait3A_396 : memref<1x128xi32, #tpu.memory_space<vmem>> -> memref<128xi32, #tpu.memory_space<vmem>>
            %dma_wait3A_398 = arith.constant 0 : i32
            %dma_wait3A_399 = arith.constant 0 : i32
            %dma_wait3A_400 = tpu.memref_slice %arg5[%dma_wait3A_398, %dma_wait3A_399] : memref<10240x128xf32, #tpu.memory_space<vmem_shared>> -> memref<10240x128xf32, #tpu.memory_space<vmem_shared>>
            tpu.wait_indirect_dma semaphore(%run_scoped3A_373 : memref<!tpu.dma_semaphore, #tpu.memory_space<semaphore_mem>>) src(%dma_wait3A_390 : memref<128x128xf32, #tpu.memory_space<vmem>>) dst(%dma_wait3A_400 : memref<10240x128xf32, #tpu.memory_space<vmem_shared>>)
            tpu.yield
          }) : () -> ()
          "tpu.trace_stop"() : () -> ()
          %ne3A_288 = arith.cmpi ne, %add3A_193, %add3A_211 : i32
          %or3A_289 = arith.constant false
          %or3A_290 = arith.ori %or3A_289, %ne3A_288 : i1
          %or3A_291 = arith.constant false
          %or3A_292 = arith.ori %or3A_290, %or3A_291 : i1
          %or3A_293 = arith.ori %or3A_292, %eq3A_192 : i1
          %convert_element_type3A_294 = arith.extui %or3A_293 : i1 to i32
          %cond3A_295 = arith.constant 0 : i32
          %cond3A_296 = arith.cmpi ne, %convert_element_type3A_294, %cond3A_295 : i32
          scf.if %cond3A_296 {
          } else {
          }
          %and3A_297 = arith.constant false
          %and3A_298 = arith.andi %or3A_293, %and3A_297 : i1
          %add3A_299 = arith.constant 1250 : i32
          %add3A_300 = arith.addi %add3A_193, %add3A_299 : i32
          %add3A_301 = arith.constant 1250 : i32
          %add3A_302 = arith.addi %add3A_211, %add3A_301 : i32
          %ne3A_303 = arith.cmpi ne, %add3A_300, %add3A_302 : i32
          %or3A_304 = arith.constant false
          %or3A_305 = arith.ori %or3A_304, %ne3A_303 : i1
          %or3A_306 = arith.constant false
          %or3A_307 = arith.ori %or3A_305, %or3A_306 : i1
          %or3A_308 = arith.ori %or3A_307, %eq3A_192 : i1
          %convert_element_type3A_309 = arith.extui %or3A_308 : i1 to i32
          %cond3A_310 = arith.constant 0 : i32
          %cond3A_311 = arith.cmpi ne, %convert_element_type3A_309, %cond3A_310 : i32
          scf.if %cond3A_311 {
          } else {
          }
          %and3A_312 = arith.constant false
          %and3A_313 = arith.andi %or3A_308, %and3A_312 : i1
          %ne3A_314 = arith.cmpi ne, %add3A_193, %add3A_203 : i32
          %or3A_315 = arith.constant false
          %or3A_316 = arith.ori %or3A_315, %ne3A_314 : i1
          %or3A_317 = arith.constant false
          %or3A_318 = arith.ori %or3A_316, %or3A_317 : i1
          %not3A_319 = arith.constant true
          %not3A_320 = arith.xori %eq3A_189, %not3A_319 : i1
          %and3A_321 = arith.andi %or3A_318, %not3A_320 : i1
          %convert_element_type3A_322 = arith.extui %and3A_321 : i1 to i32
          %cond3A_323 = arith.constant 0 : i32
          %cond3A_324 = arith.cmpi ne, %convert_element_type3A_322, %cond3A_323 : i32
          scf.if %cond3A_324 {
          } else {
          }
          %and3A_325 = arith.constant false
          %and3A_326 = arith.andi %and3A_321, %and3A_325 : i1
          %add3A_327 = arith.constant 1250 : i32
          %add3A_328 = arith.addi %add3A_193, %add3A_327 : i32
          %add3A_329 = arith.constant 1250 : i32
          %add3A_330 = arith.addi %add3A_203, %add3A_329 : i32
          %ne3A_331 = arith.cmpi ne, %add3A_328, %add3A_330 : i32
          %or3A_332 = arith.constant false
          %or3A_333 = arith.ori %or3A_332, %ne3A_331 : i1
          %or3A_334 = arith.constant false
          %or3A_335 = arith.ori %or3A_333, %or3A_334 : i1
          %not3A_336 = arith.constant true
          %not3A_337 = arith.xori %eq3A_189, %not3A_336 : i1
          %and3A_338 = arith.andi %or3A_335, %not3A_337 : i1
          %convert_element_type3A_339 = arith.extui %and3A_338 : i1 to i32
          %cond3A_340 = arith.constant 0 : i32
          %cond3A_341 = arith.cmpi ne, %convert_element_type3A_339, %cond3A_340 : i32
          scf.if %cond3A_341 {
          } else {
          }
          %and3A_342 = arith.constant false
          %and3A_343 = arith.andi %and3A_338, %and3A_342 : i1
          %ne3A_344 = arith.cmpi ne, %add3A_193, %add3A_211 : i32
          %or3A_345 = arith.constant false
          %or3A_346 = arith.ori %or3A_345, %ne3A_344 : i1
          %or3A_347 = arith.constant false
          %or3A_348 = arith.ori %or3A_346, %or3A_347 : i1
          %or3A_349 = arith.ori %or3A_348, %eq3A_192 : i1
          %add3A_350 = arith.constant 1 : i32
          %add3A_351 = arith.addi %while3A_182, %add3A_350 : i32
          %select_n3A_352 = arith.select %or3A_349, %add3A_351, %while3A_182 : i32
          %add3A_353 = arith.constant 1250 : i32
          %add3A_354 = arith.addi %add3A_193, %add3A_353 : i32
          %add3A_355 = arith.constant 1250 : i32
          %add3A_356 = arith.addi %add3A_211, %add3A_355 : i32
          %ne3A_357 = arith.cmpi ne, %add3A_354, %add3A_356 : i32
          %or3A_358 = arith.constant false
          %or3A_359 = arith.ori %or3A_358, %ne3A_357 : i1
          %or3A_360 = arith.constant false
          %or3A_361 = arith.ori %or3A_359, %or3A_360 : i1
          %or3A_362 = arith.ori %or3A_361, %eq3A_192 : i1
          %add3A_363 = arith.constant 1 : i32
          %add3A_364 = arith.addi %while3A_184, %add3A_363 : i32
          %select_n3A_365 = arith.select %or3A_362, %add3A_364, %while3A_184 : i32
          %add3A_366 = arith.constant 1 : i32
          %add3A_367 = arith.addi %while3A_185, %add3A_366 : i32
          %select_n3A_368 = arith.constant true
          %select_n3A_369 = arith.select %select_n3A_368, %add3A_367, %while3A_185 : i32
          %eq3A_370 = arith.cmpi eq, %select_n3A_369, %select_n3A : i32
          %select_n3A_371 = arith.constant 0 : i32
          %select_n3A_372 = arith.select %eq3A_370, %select_n3A_371, %select_n3A_369 : i32
          scf.yield %select_n3A_235, %select_n3A_352, %select_n3A_260, %select_n3A_365, %select_n3A_372 : i32, i32, i32, i32, i32
        }
        %while3A_127 = arith.constant 1 : i32
        %while3A_128:5 = scf.for %while3A_180 = %while3A_124 to %while3A_120 step %while3A_127 iter_args(%while3A_181 = %while3A_126#0, %while3A_182 = %while3A_126#1, %while3A_183 = %while3A_126#2, %while3A_184 = %while3A_126#3, %while3A_185 = %while3A_126#4) -> (i32, i32, i32, i32, i32)  : i32 {
          %mul3A_186 = arith.constant 1 : i32
          %mul3A_187 = arith.muli %mul3A_186, %select_n3A : i32
          %eq3A_188 = arith.constant 0 : i32
          %eq3A_189 = arith.cmpi eq, %while3A_180, %eq3A_188 : i32
          %sub3A_190 = arith.constant 1 : i32
          %sub3A_191 = arith.subi %mul3A_187, %sub3A_190 : i32
          %eq3A_192 = arith.cmpi eq, %while3A_180, %sub3A_191 : i32
          %add3A_193 = arith.addi %while3A_185, %select_n3A_25 : i32
          %sub3A_194 = arith.constant 1 : i32
          %sub3A_195 = arith.subi %while3A_185, %sub3A_194 : i32
          %select_n3A_196 = arith.constant true
          %select_n3A_197 = arith.select %select_n3A_196, %sub3A_195, %while3A_185 : i32
          %eq3A_198 = arith.constant -1 : i32
          %eq3A_199 = arith.cmpi eq, %select_n3A_197, %eq3A_198 : i32
          %sub3A_200 = arith.constant 1 : i32
          %sub3A_201 = arith.subi %select_n3A, %sub3A_200 : i32
          %select_n3A_202 = arith.select %eq3A_199, %sub3A_201, %select_n3A_197 : i32
          %add3A_203 = arith.addi %select_n3A_202, %select_n3A_25 : i32
          %add3A_204 = arith.constant 1 : i32
          %add3A_205 = arith.addi %while3A_185, %add3A_204 : i32
          %select_n3A_206 = arith.constant true
          %select_n3A_207 = arith.select %select_n3A_206, %add3A_205, %while3A_185 : i32
          %eq3A_208 = arith.cmpi eq, %select_n3A_207, %select_n3A : i32
          %select_n3A_209 = arith.constant 0 : i32
          %select_n3A_210 = arith.select %eq3A_208, %select_n3A_209, %select_n3A_207 : i32
          %add3A_211 = arith.addi %select_n3A_210, %select_n3A_25 : i32
          %add3A_212 = arith.constant 1 : i32
          %add3A_213 = arith.addi %select_n3A_210, %add3A_212 : i32
          %select_n3A_214 = arith.constant true
          %select_n3A_215 = arith.select %select_n3A_214, %add3A_213, %select_n3A_210 : i32
          %eq3A_216 = arith.cmpi eq, %select_n3A_215, %select_n3A : i32
          %select_n3A_217 = arith.constant 0 : i32
          %select_n3A_218 = arith.select %eq3A_216, %select_n3A_217, %select_n3A_215 : i32
          %add3A_219 = arith.addi %select_n3A_218, %select_n3A_25 : i32
          %ne3A = arith.cmpi ne, %add3A_193, %add3A_211 : i32
          %or3A = arith.constant false
          %or3A_220 = arith.ori %or3A, %ne3A : i1
          %or3A_221 = arith.constant false
          %or3A_222 = arith.ori %or3A_220, %or3A_221 : i1
          %sub3A_223 = arith.constant 2 : i32
          %sub3A_224 = arith.subi %mul3A_187, %sub3A_223 : i32
          %add3A_225 = arith.constant 1 : i32
          %add3A_226 = arith.addi %sub3A_224, %add3A_225 : i32
          %ge3A = arith.cmpi sge, %while3A_180, %add3A_226 : i32
          %not3A = arith.constant true
          %not3A_227 = arith.xori %ge3A, %not3A : i1
          %and3A = arith.andi %or3A_222, %not3A_227 : i1
          %convert_element_type3A_228 = arith.extui %and3A : i1 to i32
          %cond3A_229 = arith.constant 0 : i32
          %cond3A_230 = arith.cmpi ne, %convert_element_type3A_228, %cond3A_229 : i32
          scf.if %cond3A_230 {
            "tpu.trace_start"() <{level = 10 : i32, message = "ep_copy_in"}> : () -> ()
            %rem3A_373 = arith.constant 2 : i32
            %rem3A_374 = arith.remui %while3A_181, %rem3A_373 : i32
            %mul3A_375 = arith.constant 128 : i32
            %mul3A_376 = arith.muli %mul3A_375, %add3A_211 : i32
            %dma_start3A_377 = arith.constant 0 : i32
            %dma_start3A_378 = arith.constant 0 : i32
            %dma_start3A_379 = tpu.memref_slice %run_scoped3A[%rem3A_374, %dma_start3A_377, %dma_start3A_378] : memref<2x128x128xf32, #tpu.memory_space<vmem>> -> memref<1x128x128xf32, #tpu.memory_space<vmem>>
            %dma_start3A_380 = tpu.memref_squeeze %dma_start3A_379 : memref<1x128x128xf32, #tpu.memory_space<vmem>> -> memref<128x128xf32, #tpu.memory_space<vmem>>
            %dma_start3A_381 = arith.constant 0 : i32
            %dma_start3A_382 = tpu.memref_slice %arg2[%mul3A_376, %dma_start3A_381] : memref<160000x128xf32, #tpu.memory_space<hbm>> -> memref<128x128xf32, #tpu.memory_space<hbm>>
            %dma_start3A_383 = tpu.memref_slice %run_scoped3A_29[%rem3A_374] : memref<2x!tpu.dma_semaphore, #tpu.memory_space<semaphore_mem>> -> memref<1x!tpu.dma_semaphore, #tpu.memory_space<semaphore_mem>>
            %dma_start3A_384 = tpu.memref_squeeze %dma_start3A_383 : memref<1x!tpu.dma_semaphore, #tpu.memory_space<semaphore_mem>> -> memref<!tpu.dma_semaphore, #tpu.memory_space<semaphore_mem>>
            %dma_start3A_385 = arith.constant 0 : i32
            %dma_start3A_386 = arith.constant 0 : i32
            %dma_start3A_387 = tpu.memref_slice %run_scoped3A[%rem3A_374, %dma_start3A_385, %dma_start3A_386] : memref<2x128x128xf32, #tpu.memory_space<vmem>> -> memref<1x128x128xf32, #tpu.memory_space<vmem>>
            %dma_start3A_388 = tpu.memref_squeeze %dma_start3A_387 : memref<1x128x128xf32, #tpu.memory_space<vmem>> -> memref<128x128xf32, #tpu.memory_space<vmem>>
            %dma_start3A_389 = arith.constant 0 : i32
            %dma_start3A_390 = tpu.memref_slice %arg2[%mul3A_376, %dma_start3A_389] : memref<160000x128xf32, #tpu.memory_space<hbm>> -> memref<128x128xf32, #tpu.memory_space<hbm>>
            tpu.enqueue_dma source(%dma_start3A_390 : memref<128x128xf32, #tpu.memory_space<hbm>>) target(%dma_start3A_388 : memref<128x128xf32, #tpu.memory_space<vmem>>) target_semaphore(%dma_start3A_384 : memref<!tpu.dma_semaphore, #tpu.memory_space<semaphore_mem>>)
            "tpu.trace_stop"() : () -> ()
          } else {
          }
          %and3A_231 = arith.constant true
          %and3A_232 = arith.andi %and3A, %and3A_231 : i1
          %add3A_233 = arith.constant 1 : i32
          %add3A_234 = arith.addi %while3A_181, %add3A_233 : i32
          %select_n3A_235 = arith.select %and3A_232, %add3A_234, %while3A_181 : i32
          %add3A_236 = arith.constant 1250 : i32
          %add3A_237 = arith.addi %add3A_193, %add3A_236 : i32
          %add3A_238 = arith.constant 1250 : i32
          %add3A_239 = arith.addi %add3A_211, %add3A_238 : i32
          %ne3A_240 = arith.cmpi ne, %add3A_237, %add3A_239 : i32
          %or3A_241 = arith.constant false
          %or3A_242 = arith.ori %or3A_241, %ne3A_240 : i1
          %or3A_243 = arith.constant false
          %or3A_244 = arith.ori %or3A_242, %or3A_243 : i1
          %sub3A_245 = arith.constant 2 : i32
          %sub3A_246 = arith.subi %mul3A_187, %sub3A_245 : i32
          %add3A_247 = arith.constant 1 : i32
          %add3A_248 = arith.addi %sub3A_246, %add3A_247 : i32
          %ge3A_249 = arith.cmpi sge, %while3A_180, %add3A_248 : i32
          %not3A_250 = arith.constant true
          %not3A_251 = arith.xori %ge3A_249, %not3A_250 : i1
          %and3A_252 = arith.andi %or3A_244, %not3A_251 : i1
          %convert_element_type3A_253 = arith.extui %and3A_252 : i1 to i32
          %cond3A_254 = arith.constant 0 : i32
          %cond3A_255 = arith.cmpi ne, %convert_element_type3A_253, %cond3A_254 : i32
          scf.if %cond3A_255 {
            "tpu.trace_start"() <{level = 10 : i32, message = "ep_copy_in"}> : () -> ()
            %rem3A_373 = arith.constant 2 : i32
            %rem3A_374 = arith.remui %while3A_183, %rem3A_373 : i32
            %add3A_375 = arith.constant 1250 : i32
            %add3A_376 = arith.addi %add3A_211, %add3A_375 : i32
            %mul3A_377 = arith.constant 1 : i32
            %mul3A_378 = arith.muli %mul3A_377, %add3A_376 : i32
            %dma_start3A_379 = arith.constant 0 : i32
            %dma_start3A_380 = arith.constant 0 : i32
            %dma_start3A_381 = tpu.memref_slice %run_scoped3A_30[%rem3A_374, %dma_start3A_379, %dma_start3A_380] : memref<2x1x128xi32, #tpu.memory_space<vmem>> -> memref<1x1x128xi32, #tpu.memory_space<vmem>>
            %dma_start3A_382 = tpu.memref_squeeze %dma_start3A_381 : memref<1x1x128xi32, #tpu.memory_space<vmem>> -> memref<1x128xi32, #tpu.memory_space<vmem>>
            %dma_start3A_383 = arith.constant 0 : i32
            %dma_start3A_384 = tpu.memref_slice %arg3[%mul3A_378, %dma_start3A_383] : memref<2500x128xi32, #tpu.memory_space<hbm>> -> memref<1x128xi32, #tpu.memory_space<hbm>>
            %dma_start3A_385 = tpu.memref_slice %run_scoped3A_31[%rem3A_374] : memref<2x!tpu.dma_semaphore, #tpu.memory_space<semaphore_mem>> -> memref<1x!tpu.dma_semaphore, #tpu.memory_space<semaphore_mem>>
            %dma_start3A_386 = tpu.memref_squeeze %dma_start3A_385 : memref<1x!tpu.dma_semaphore, #tpu.memory_space<semaphore_mem>> -> memref<!tpu.dma_semaphore, #tpu.memory_space<semaphore_mem>>
            %dma_start3A_387 = arith.constant 0 : i32
            %dma_start3A_388 = arith.constant 0 : i32
            %dma_start3A_389 = tpu.memref_slice %run_scoped3A_30[%rem3A_374, %dma_start3A_387, %dma_start3A_388] : memref<2x1x128xi32, #tpu.memory_space<vmem>> -> memref<1x1x128xi32, #tpu.memory_space<vmem>>
            %dma_start3A_390 = tpu.memref_squeeze %dma_start3A_389 : memref<1x1x128xi32, #tpu.memory_space<vmem>> -> memref<1x128xi32, #tpu.memory_space<vmem>>
            %dma_start3A_391 = arith.constant 0 : i32
            %dma_start3A_392 = tpu.memref_slice %arg3[%mul3A_378, %dma_start3A_391] : memref<2500x128xi32, #tpu.memory_space<hbm>> -> memref<1x128xi32, #tpu.memory_space<hbm>>
            tpu.enqueue_dma source(%dma_start3A_392 : memref<1x128xi32, #tpu.memory_space<hbm>>) target(%dma_start3A_390 : memref<1x128xi32, #tpu.memory_space<vmem>>) target_semaphore(%dma_start3A_386 : memref<!tpu.dma_semaphore, #tpu.memory_space<semaphore_mem>>)
            "tpu.trace_stop"() : () -> ()
          } else {
          }
          %and3A_256 = arith.constant true
          %and3A_257 = arith.andi %and3A_252, %and3A_256 : i1
          %add3A_258 = arith.constant 1 : i32
          %add3A_259 = arith.addi %while3A_183, %add3A_258 : i32
          %select_n3A_260 = arith.select %and3A_257, %add3A_259, %while3A_183 : i32
          %ne3A_261 = arith.cmpi ne, %add3A_193, %add3A_203 : i32
          %or3A_262 = arith.constant false
          %or3A_263 = arith.ori %or3A_262, %ne3A_261 : i1
          %or3A_264 = arith.constant false
          %or3A_265 = arith.ori %or3A_263, %or3A_264 : i1
          %or3A_266 = arith.ori %or3A_265, %eq3A_189 : i1
          %convert_element_type3A_267 = arith.extui %or3A_266 : i1 to i32
          %cond3A_268 = arith.constant 0 : i32
          %cond3A_269 = arith.cmpi ne, %convert_element_type3A_267, %cond3A_268 : i32
          scf.if %cond3A_269 {
            "tpu.trace_start"() <{level = 10 : i32, message = "ep_wait_in"}> : () -> ()
            %mul3A_373 = arith.constant 128 : i32
            %mul3A_374 = arith.muli %mul3A_373, %add3A_193 : i32
            %rem3A_375 = arith.constant 2 : i32
            %rem3A_376 = arith.remui %while3A_182, %rem3A_375 : i32
            %dma_wait3A = arith.constant 0 : i32
            %dma_wait3A_377 = arith.constant 0 : i32
            %dma_wait3A_378 = tpu.memref_slice %run_scoped3A[%rem3A_376, %dma_wait3A, %dma_wait3A_377] : memref<2x128x128xf32, #tpu.memory_space<vmem>> -> memref<1x128x128xf32, #tpu.memory_space<vmem>>
            %dma_wait3A_379 = tpu.memref_squeeze %dma_wait3A_378 : memref<1x128x128xf32, #tpu.memory_space<vmem>> -> memref<128x128xf32, #tpu.memory_space<vmem>>
            %dma_wait3A_380 = arith.constant 0 : i32
            %dma_wait3A_381 = tpu.memref_slice %arg2[%mul3A_374, %dma_wait3A_380] : memref<160000x128xf32, #tpu.memory_space<hbm>> -> memref<128x128xf32, #tpu.memory_space<hbm>>
            %dma_wait3A_382 = tpu.memref_slice %run_scoped3A_29[%rem3A_376] : memref<2x!tpu.dma_semaphore, #tpu.memory_space<semaphore_mem>> -> memref<1x!tpu.dma_semaphore, #tpu.memory_space<semaphore_mem>>
            %dma_wait3A_383 = tpu.memref_squeeze %dma_wait3A_382 : memref<1x!tpu.dma_semaphore, #tpu.memory_space<semaphore_mem>> -> memref<!tpu.dma_semaphore, #tpu.memory_space<semaphore_mem>>
            %dma_wait3A_384 = arith.constant 0 : i32
            %dma_wait3A_385 = arith.constant 0 : i32
            %dma_wait3A_386 = tpu.memref_slice %run_scoped3A[%rem3A_376, %dma_wait3A_384, %dma_wait3A_385] : memref<2x128x128xf32, #tpu.memory_space<vmem>> -> memref<1x128x128xf32, #tpu.memory_space<vmem>>
            %dma_wait3A_387 = tpu.memref_squeeze %dma_wait3A_386 : memref<1x128x128xf32, #tpu.memory_space<vmem>> -> memref<128x128xf32, #tpu.memory_space<vmem>>
            %dma_wait3A_388 = arith.constant 0 : i32
            %dma_wait3A_389 = tpu.memref_slice %arg2[%mul3A_374, %dma_wait3A_388] : memref<160000x128xf32, #tpu.memory_space<hbm>> -> memref<128x128xf32, #tpu.memory_space<hbm>>
            tpu.wait_dma2 semaphore(%dma_wait3A_383 : memref<!tpu.dma_semaphore, #tpu.memory_space<semaphore_mem>>) src(%dma_wait3A_389 : memref<128x128xf32, #tpu.memory_space<hbm>>) dst(%dma_wait3A_387 : memref<128x128xf32, #tpu.memory_space<vmem>>)
            "tpu.trace_stop"() : () -> ()
          } else {
          }
          %add3A_270 = arith.constant 1250 : i32
          %add3A_271 = arith.addi %add3A_193, %add3A_270 : i32
          %add3A_272 = arith.constant 1250 : i32
          %add3A_273 = arith.addi %add3A_203, %add3A_272 : i32
          %ne3A_274 = arith.cmpi ne, %add3A_271, %add3A_273 : i32
          %or3A_275 = arith.constant false
          %or3A_276 = arith.ori %or3A_275, %ne3A_274 : i1
          %or3A_277 = arith.constant false
          %or3A_278 = arith.ori %or3A_276, %or3A_277 : i1
          %or3A_279 = arith.ori %or3A_278, %eq3A_189 : i1
          %convert_element_type3A_280 = arith.extui %or3A_279 : i1 to i32
          %cond3A_281 = arith.constant 0 : i32
          %cond3A_282 = arith.cmpi ne, %convert_element_type3A_280, %cond3A_281 : i32
          scf.if %cond3A_282 {
            "tpu.trace_start"() <{level = 10 : i32, message = "ep_wait_in"}> : () -> ()
            %add3A_373 = arith.constant 1250 : i32
            %add3A_374 = arith.addi %add3A_193, %add3A_373 : i32
            %mul3A_375 = arith.constant 1 : i32
            %mul3A_376 = arith.muli %mul3A_375, %add3A_374 : i32
            %rem3A_377 = arith.constant 2 : i32
            %rem3A_378 = arith.remui %while3A_184, %rem3A_377 : i32
            %dma_wait3A = arith.constant 0 : i32
            %dma_wait3A_379 = arith.constant 0 : i32
            %dma_wait3A_380 = tpu.memref_slice %run_scoped3A_30[%rem3A_378, %dma_wait3A, %dma_wait3A_379] : memref<2x1x128xi32, #tpu.memory_space<vmem>> -> memref<1x1x128xi32, #tpu.memory_space<vmem>>
            %dma_wait3A_381 = tpu.memref_squeeze %dma_wait3A_380 : memref<1x1x128xi32, #tpu.memory_space<vmem>> -> memref<1x128xi32, #tpu.memory_space<vmem>>
            %dma_wait3A_382 = arith.constant 0 : i32
            %dma_wait3A_383 = tpu.memref_slice %arg3[%mul3A_376, %dma_wait3A_382] : memref<2500x128xi32, #tpu.memory_space<hbm>> -> memref<1x128xi32, #tpu.memory_space<hbm>>
            %dma_wait3A_384 = tpu.memref_slice %run_scoped3A_31[%rem3A_378] : memref<2x!tpu.dma_semaphore, #tpu.memory_space<semaphore_mem>> -> memref<1x!tpu.dma_semaphore, #tpu.memory_space<semaphore_mem>>
            %dma_wait3A_385 = tpu.memref_squeeze %dma_wait3A_384 : memref<1x!tpu.dma_semaphore, #tpu.memory_space<semaphore_mem>> -> memref<!tpu.dma_semaphore, #tpu.memory_space<semaphore_mem>>
            %dma_wait3A_386 = arith.constant 0 : i32
            %dma_wait3A_387 = arith.constant 0 : i32
            %dma_wait3A_388 = tpu.memref_slice %run_scoped3A_30[%rem3A_378, %dma_wait3A_386, %dma_wait3A_387] : memref<2x1x128xi32, #tpu.memory_space<vmem>> -> memref<1x1x128xi32, #tpu.memory_space<vmem>>
            %dma_wait3A_389 = tpu.memref_squeeze %dma_wait3A_388 : memref<1x1x128xi32, #tpu.memory_space<vmem>> -> memref<1x128xi32, #tpu.memory_space<vmem>>
            %dma_wait3A_390 = arith.constant 0 : i32
            %dma_wait3A_391 = tpu.memref_slice %arg3[%mul3A_376, %dma_wait3A_390] : memref<2500x128xi32, #tpu.memory_space<hbm>> -> memref<1x128xi32, #tpu.memory_space<hbm>>
            tpu.wait_dma2 semaphore(%dma_wait3A_385 : memref<!tpu.dma_semaphore, #tpu.memory_space<semaphore_mem>>) src(%dma_wait3A_391 : memref<1x128xi32, #tpu.memory_space<hbm>>) dst(%dma_wait3A_389 : memref<1x128xi32, #tpu.memory_space<vmem>>)
            "tpu.trace_stop"() : () -> ()
          } else {
          }
          %rem3A_283 = arith.constant 2 : i32
          %rem3A_284 = arith.remui %while3A_182, %rem3A_283 : i32
          %rem3A_285 = arith.constant 2 : i32
          %rem3A_286 = arith.remui %while3A_184, %rem3A_285 : i32
          %run_scoped3A_287 = arith.constant 0 : i32
          "tpu.trace_start"() <{level = 10 : i32, message = "ep_run_kernel"}> : () -> ()
          "tpu.region"() ({
            %run_scoped3A_373 = tpu.sem_alloc : memref<!tpu.dma_semaphore, #tpu.memory_space<semaphore_mem>>
            %dma_start3A_374 = arith.constant 0 : i32
            %dma_start3A_375 = arith.constant 0 : i32
            %dma_start3A_376 = tpu.memref_slice %run_scoped3A[%rem3A_284, %dma_start3A_374, %dma_start3A_375] : memref<2x128x128xf32, #tpu.memory_space<vmem>> -> memref<1x128x128xf32, #tpu.memory_space<vmem>>
            %dma_start3A_377 = tpu.memref_squeeze %dma_start3A_376 : memref<1x128x128xf32, #tpu.memory_space<vmem>> -> memref<128x128xf32, #tpu.memory_space<vmem>>
            %dma_start3A_378 = arith.constant 0 : i32
            %dma_start3A_379 = arith.constant 0 : i32
            %dma_start3A_380 = tpu.memref_slice %run_scoped3A_30[%rem3A_286, %dma_start3A_378, %dma_start3A_379] : memref<2x1x128xi32, #tpu.memory_space<vmem>> -> memref<1x1x128xi32, #tpu.memory_space<vmem>>
            %dma_start3A_381 = tpu.memref_squeeze %dma_start3A_380 : memref<1x1x128xi32, #tpu.memory_space<vmem>> -> memref<1x128xi32, #tpu.memory_space<vmem>>
            %dma_start3A_382 = arith.constant 0 : i32
            %dma_start3A_383 = tpu.memref_slice %dma_start3A_381[%run_scoped3A_287, %dma_start3A_382] : memref<1x128xi32, #tpu.memory_space<vmem>> -> memref<1x128xi32, #tpu.memory_space<vmem>>
            %dma_start3A_384 = tpu.memref_squeeze %dma_start3A_383 : memref<1x128xi32, #tpu.memory_space<vmem>> -> memref<128xi32, #tpu.memory_space<vmem>>
            %dma_start3A_385 = arith.constant 0 : i32
            %dma_start3A_386 = arith.constant 0 : i32
            %dma_start3A_387 = tpu.memref_slice %arg5[%dma_start3A_385, %dma_start3A_386] : memref<10240x128xf32, #tpu.memory_space<vmem_shared>> -> memref<10240x128xf32, #tpu.memory_space<vmem_shared>>
            tpu.enqueue_indirect_dma source(%dma_start3A_377 : memref<128x128xf32, #tpu.memory_space<vmem>>) target(%dma_start3A_387 : memref<10240x128xf32, #tpu.memory_space<vmem_shared>>) offsets(%dma_start3A_384 : memref<128xi32, #tpu.memory_space<vmem>>) semaphore(%run_scoped3A_373 : memref<!tpu.dma_semaphore, #tpu.memory_space<semaphore_mem>>) {add = true}
            %dma_wait3A = arith.constant 0 : i32
            %dma_wait3A_388 = arith.constant 0 : i32
            %dma_wait3A_389 = tpu.memref_slice %run_scoped3A[%rem3A_284, %dma_wait3A, %dma_wait3A_388] : memref<2x128x128xf32, #tpu.memory_space<vmem>> -> memref<1x128x128xf32, #tpu.memory_space<vmem>>
            %dma_wait3A_390 = tpu.memref_squeeze %dma_wait3A_389 : memref<1x128x128xf32, #tpu.memory_space<vmem>> -> memref<128x128xf32, #tpu.memory_space<vmem>>
            %dma_wait3A_391 = arith.constant 0 : i32
            %dma_wait3A_392 = arith.constant 0 : i32
            %dma_wait3A_393 = tpu.memref_slice %run_scoped3A_30[%rem3A_286, %dma_wait3A_391, %dma_wait3A_392] : memref<2x1x128xi32, #tpu.memory_space<vmem>> -> memref<1x1x128xi32, #tpu.memory_space<vmem>>
            %dma_wait3A_394 = tpu.memref_squeeze %dma_wait3A_393 : memref<1x1x128xi32, #tpu.memory_space<vmem>> -> memref<1x128xi32, #tpu.memory_space<vmem>>
            %dma_wait3A_395 = arith.constant 0 : i32
            %dma_wait3A_396 = tpu.memref_slice %dma_wait3A_394[%run_scoped3A_287, %dma_wait3A_395] : memref<1x128xi32, #tpu.memory_space<vmem>> -> memref<1x128xi32, #tpu.memory_space<vmem>>
            %dma_wait3A_397 = tpu.memref_squeeze %dma_wait3A_396 : memref<1x128xi32, #tpu.memory_space<vmem>> -> memref<128xi32, #tpu.memory_space<vmem>>
            %dma_wait3A_398 = arith.constant 0 : i32
            %dma_wait3A_399 = arith.constant 0 : i32
            %dma_wait3A_400 = tpu.memref_slice %arg5[%dma_wait3A_398, %dma_wait3A_399] : memref<10240x128xf32, #tpu.memory_space<vmem_shared>> -> memref<10240x128xf32, #tpu.memory_space<vmem_shared>>
            tpu.wait_indirect_dma semaphore(%run_scoped3A_373 : memref<!tpu.dma_semaphore, #tpu.memory_space<semaphore_mem>>) src(%dma_wait3A_390 : memref<128x128xf32, #tpu.memory_space<vmem>>) dst(%dma_wait3A_400 : memref<10240x128xf32, #tpu.memory_space<vmem_shared>>)
            tpu.yield
          }) : () -> ()
          "tpu.trace_stop"() : () -> ()
          %ne3A_288 = arith.cmpi ne, %add3A_193, %add3A_211 : i32
          %or3A_289 = arith.constant false
          %or3A_290 = arith.ori %or3A_289, %ne3A_288 : i1
          %or3A_291 = arith.constant false
          %or3A_292 = arith.ori %or3A_290, %or3A_291 : i1
          %or3A_293 = arith.ori %or3A_292, %eq3A_192 : i1
          %convert_element_type3A_294 = arith.extui %or3A_293 : i1 to i32
          %cond3A_295 = arith.constant 0 : i32
          %cond3A_296 = arith.cmpi ne, %convert_element_type3A_294, %cond3A_295 : i32
          scf.if %cond3A_296 {
          } else {
          }
          %and3A_297 = arith.constant false
          %and3A_298 = arith.andi %or3A_293, %and3A_297 : i1
          %add3A_299 = arith.constant 1250 : i32
          %add3A_300 = arith.addi %add3A_193, %add3A_299 : i32
          %add3A_301 = arith.constant 1250 : i32
          %add3A_302 = arith.addi %add3A_211, %add3A_301 : i32
          %ne3A_303 = arith.cmpi ne, %add3A_300, %add3A_302 : i32
          %or3A_304 = arith.constant false
          %or3A_305 = arith.ori %or3A_304, %ne3A_303 : i1
          %or3A_306 = arith.constant false
          %or3A_307 = arith.ori %or3A_305, %or3A_306 : i1
          %or3A_308 = arith.ori %or3A_307, %eq3A_192 : i1
          %convert_element_type3A_309 = arith.extui %or3A_308 : i1 to i32
          %cond3A_310 = arith.constant 0 : i32
          %cond3A_311 = arith.cmpi ne, %convert_element_type3A_309, %cond3A_310 : i32
          scf.if %cond3A_311 {
          } else {
          }
          %and3A_312 = arith.constant false
          %and3A_313 = arith.andi %or3A_308, %and3A_312 : i1
          %ne3A_314 = arith.cmpi ne, %add3A_193, %add3A_203 : i32
          %or3A_315 = arith.constant false
          %or3A_316 = arith.ori %or3A_315, %ne3A_314 : i1
          %or3A_317 = arith.constant false
          %or3A_318 = arith.ori %or3A_316, %or3A_317 : i1
          %not3A_319 = arith.constant true
          %not3A_320 = arith.xori %eq3A_189, %not3A_319 : i1
          %and3A_321 = arith.andi %or3A_318, %not3A_320 : i1
          %convert_element_type3A_322 = arith.extui %and3A_321 : i1 to i32
          %cond3A_323 = arith.constant 0 : i32
          %cond3A_324 = arith.cmpi ne, %convert_element_type3A_322, %cond3A_323 : i32
          scf.if %cond3A_324 {
          } else {
          }
          %and3A_325 = arith.constant false
          %and3A_326 = arith.andi %and3A_321, %and3A_325 : i1
          %add3A_327 = arith.constant 1250 : i32
          %add3A_328 = arith.addi %add3A_193, %add3A_327 : i32
          %add3A_329 = arith.constant 1250 : i32
          %add3A_330 = arith.addi %add3A_203, %add3A_329 : i32
          %ne3A_331 = arith.cmpi ne, %add3A_328, %add3A_330 : i32
          %or3A_332 = arith.constant false
          %or3A_333 = arith.ori %or3A_332, %ne3A_331 : i1
          %or3A_334 = arith.constant false
          %or3A_335 = arith.ori %or3A_333, %or3A_334 : i1
          %not3A_336 = arith.constant true
          %not3A_337 = arith.xori %eq3A_189, %not3A_336 : i1
          %and3A_338 = arith.andi %or3A_335, %not3A_337 : i1
          %convert_element_type3A_339 = arith.extui %and3A_338 : i1 to i32
          %cond3A_340 = arith.constant 0 : i32
          %cond3A_341 = arith.cmpi ne, %convert_element_type3A_339, %cond3A_340 : i32
          scf.if %cond3A_341 {
          } else {
          }
          %and3A_342 = arith.constant false
          %and3A_343 = arith.andi %and3A_338, %and3A_342 : i1
          %ne3A_344 = arith.cmpi ne, %add3A_193, %add3A_211 : i32
          %or3A_345 = arith.constant false
          %or3A_346 = arith.ori %or3A_345, %ne3A_344 : i1
          %or3A_347 = arith.constant false
          %or3A_348 = arith.ori %or3A_346, %or3A_347 : i1
          %or3A_349 = arith.ori %or3A_348, %eq3A_192 : i1
          %add3A_350 = arith.constant 1 : i32
          %add3A_351 = arith.addi %while3A_182, %add3A_350 : i32
          %select_n3A_352 = arith.select %or3A_349, %add3A_351, %while3A_182 : i32
          %add3A_353 = arith.constant 1250 : i32
          %add3A_354 = arith.addi %add3A_193, %add3A_353 : i32
          %add3A_355 = arith.constant 1250 : i32
          %add3A_356 = arith.addi %add3A_211, %add3A_355 : i32
          %ne3A_357 = arith.cmpi ne, %add3A_354, %add3A_356 : i32
          %or3A_358 = arith.constant false
          %or3A_359 = arith.ori %or3A_358, %ne3A_357 : i1
          %or3A_360 = arith.constant false
          %or3A_361 = arith.ori %or3A_359, %or3A_360 : i1
          %or3A_362 = arith.ori %or3A_361, %eq3A_192 : i1
          %add3A_363 = arith.constant 1 : i32
          %add3A_364 = arith.addi %while3A_184, %add3A_363 : i32
          %select_n3A_365 = arith.select %or3A_362, %add3A_364, %while3A_184 : i32
          %add3A_366 = arith.constant 1 : i32
          %add3A_367 = arith.addi %while3A_185, %add3A_366 : i32
          %select_n3A_368 = arith.constant true
          %select_n3A_369 = arith.select %select_n3A_368, %add3A_367, %while3A_185 : i32
          %eq3A_370 = arith.cmpi eq, %select_n3A_369, %select_n3A : i32
          %select_n3A_371 = arith.constant 0 : i32
          %select_n3A_372 = arith.select %eq3A_370, %select_n3A_371, %select_n3A_369 : i32
          scf.yield %select_n3A_235, %select_n3A_352, %select_n3A_260, %select_n3A_365, %select_n3A_372 : i32, i32, i32, i32, i32
        }
        %sub3A_129 = arith.constant 1 : i32
        %sub3A_130 = arith.subi %while3A_128#4, %sub3A_129 : i32
        %select_n3A_131 = arith.constant true
        %select_n3A_132 = arith.select %select_n3A_131, %sub3A_130, %while3A_128#4 : i32
        %eq3A_133 = arith.constant -1 : i32
        %eq3A_134 = arith.cmpi eq, %select_n3A_132, %eq3A_133 : i32
        %sub3A_135 = arith.constant 1 : i32
        %sub3A_136 = arith.subi %select_n3A, %sub3A_135 : i32
        %select_n3A_137 = arith.select %eq3A_134, %sub3A_136, %select_n3A_132 : i32
        %sub3A_138 = arith.constant 1 : i32
        %sub3A_139 = arith.subi %mul3A_27, %sub3A_138 : i32
        %mul3A_140 = arith.constant 1 : i32
        %mul3A_141 = arith.muli %mul3A_140, %select_n3A : i32
        %eq3A_142 = arith.constant 0 : i32
        %eq3A_143 = arith.cmpi eq, %sub3A_139, %eq3A_142 : i32
        %sub3A_144 = arith.constant 1 : i32
        %sub3A_145 = arith.subi %mul3A_141, %sub3A_144 : i32
        %eq3A_146 = arith.cmpi eq, %sub3A_139, %sub3A_145 : i32
        %add3A_147 = arith.addi %select_n3A_137, %select_n3A_25 : i32
        %sub3A_148 = arith.constant 1 : i32
        %sub3A_149 = arith.subi %select_n3A_137, %sub3A_148 : i32
        %select_n3A_150 = arith.constant true
        %select_n3A_151 = arith.select %select_n3A_150, %sub3A_149, %select_n3A_137 : i32
        %eq3A_152 = arith.constant -1 : i32
        %eq3A_153 = arith.cmpi eq, %select_n3A_151, %eq3A_152 : i32
        %sub3A_154 = arith.constant 1 : i32
        %sub3A_155 = arith.subi %select_n3A, %sub3A_154 : i32
        %select_n3A_156 = arith.select %eq3A_153, %sub3A_155, %select_n3A_151 : i32
        %add3A_157 = arith.addi %select_n3A_156, %select_n3A_25 : i32
        %add3A_158 = arith.constant 1 : i32
        %add3A_159 = arith.addi %select_n3A_137, %add3A_158 : i32
        %select_n3A_160 = arith.constant true
        %select_n3A_161 = arith.select %select_n3A_160, %add3A_159, %select_n3A_137 : i32
        %eq3A_162 = arith.cmpi eq, %select_n3A_161, %select_n3A : i32
        %select_n3A_163 = arith.constant 0 : i32
        %select_n3A_164 = arith.select %eq3A_162, %select_n3A_163, %select_n3A_161 : i32
        %add3A_165 = arith.addi %select_n3A_164, %select_n3A_25 : i32
        %add3A_166 = arith.constant 1 : i32
        %add3A_167 = arith.addi %select_n3A_164, %add3A_166 : i32
        %select_n3A_168 = arith.constant true
        %select_n3A_169 = arith.select %select_n3A_168, %add3A_167, %select_n3A_164 : i32
        %eq3A_170 = arith.cmpi eq, %select_n3A_169, %select_n3A : i32
        %select_n3A_171 = arith.constant 0 : i32
        %select_n3A_172 = arith.select %eq3A_170, %select_n3A_171, %select_n3A_169 : i32
        %add3A_173 = arith.addi %select_n3A_172, %select_n3A_25 : i32
        %convert_element_type3A_174 = arith.extui %eq3A_146 : i1 to i32
        %cond3A_175 = arith.constant 0 : i32
        %cond3A_176 = arith.cmpi ne, %convert_element_type3A_174, %cond3A_175 : i32
        scf.if %cond3A_176 {
        } else {
        }
        %convert_element_type3A_177 = arith.extui %eq3A_146 : i1 to i32
        %cond3A_178 = arith.constant 0 : i32
        %cond3A_179 = arith.cmpi ne, %convert_element_type3A_177, %cond3A_178 : i32
        scf.if %cond3A_179 {
        } else {
        }
      } else {
      }
      tpu.yield
    }) : () -> ()
    %barrier3A_28 = arith.constant 0 : index
    tpu.barrier barrier_id(%barrier3A_28)
    "tpu.region"() ({
      %run_scoped3A = tpu.sem_alloc : memref<!tpu.dma_semaphore, #tpu.memory_space<semaphore_mem>>
      %dma_start3A = arith.constant 0 : i32
      %dma_start3A_29 = tpu.memref_slice %arg4[%arg0, %mul3A_0, %dma_start3A] : memref<2x10240x128xf32, #tpu.memory_space<hbm>> -> memref<1x640x128xf32, #tpu.memory_space<hbm>>
      %dma_start3A_30 = tpu.memref_squeeze %dma_start3A_29 : memref<1x640x128xf32, #tpu.memory_space<hbm>> -> memref<640x128xf32, #tpu.memory_space<hbm>>
      %dma_start3A_31 = arith.constant 0 : i32
      %dma_start3A_32 = tpu.memref_slice %arg5[%mul3A_0, %dma_start3A_31] : memref<10240x128xf32, #tpu.memory_space<vmem_shared>> -> memref<640x128xf32, #tpu.memory_space<vmem_shared>>
      tpu.enqueue_dma source(%dma_start3A_32 : memref<640x128xf32, #tpu.memory_space<vmem_shared>>) target(%dma_start3A_30 : memref<640x128xf32, #tpu.memory_space<hbm>>) target_semaphore(%run_scoped3A : memref<!tpu.dma_semaphore, #tpu.memory_space<semaphore_mem>>)
      %dma_wait3A = arith.constant 0 : i32
      %dma_wait3A_33 = tpu.memref_slice %arg4[%arg0, %mul3A_0, %dma_wait3A] : memref<2x10240x128xf32, #tpu.memory_space<hbm>> -> memref<1x640x128xf32, #tpu.memory_space<hbm>>
      %dma_wait3A_34 = tpu.memref_squeeze %dma_wait3A_33 : memref<1x640x128xf32, #tpu.memory_space<hbm>> -> memref<640x128xf32, #tpu.memory_space<hbm>>
      %dma_wait3A_35 = arith.constant 0 : i32
      %dma_wait3A_36 = tpu.memref_slice %arg5[%mul3A_0, %dma_wait3A_35] : memref<10240x128xf32, #tpu.memory_space<vmem_shared>> -> memref<640x128xf32, #tpu.memory_space<vmem_shared>>
      tpu.wait_dma2 semaphore(%run_scoped3A : memref<!tpu.dma_semaphore, #tpu.memory_space<semaphore_mem>>) src(%dma_wait3A_36 : memref<640x128xf32, #tpu.memory_space<vmem_shared>>) dst(%dma_wait3A_34 : memref<640x128xf32, #tpu.memory_space<hbm>>)
      tpu.yield
    }) : () -> ()
    return
  }
}

#map = affine_map<(d0, d1) -> (0, 0)>
module attributes {stable_mosaic.version = 14 : i64} {
  func.func @k(%arg0: i32, %arg1: i32, %arg2: memref<10000x128xf32, #tpu.memory_space<hbm>>, %arg3: memref<2x320000xi32, #tpu.memory_space<hbm>>, %arg4: memref<160000x128xf32, #tpu.memory_space<hbm>>) attributes {dimension_semantics = [#tpu.dimension_semantics<core_parallel>, #tpu.dimension_semantics<subcore_parallel>], iteration_bounds = array<i64: 2, 16>, scalar_prefetch = 0 : i64, scratch_operands = 0 : i64, tpu.core_type = #tpu.core_type<sc_vector_subcore>, window_params = [{transform_indices = #map}, {transform_indices = #map}, {transform_indices = #map}]} {
    %mul3A = arith.constant 1 : i32
    %mul3A_0 = arith.muli %arg1, %mul3A : i32
    %add3A = arith.constant 0 : i32
    %add3A_1 = arith.addi %add3A, %mul3A_0 : i32
    %mul3A_2 = arith.constant 16 : i32
    %mul3A_3 = arith.muli %arg0, %mul3A_2 : i32
    %add3A_4 = arith.addi %add3A_1, %mul3A_3 : i32
    %lt3A = arith.constant 2 : i32
    %lt3A_5 = arith.cmpi slt, %add3A_4, %lt3A : i32
    %jit3A = arith.constant 40 : i32
    %jit3A_6 = arith.constant 39 : i32
    %select_n3A = arith.select %lt3A_5, %jit3A, %jit3A_6 : i32
    %lt3A_7 = arith.constant 2 : i32
    %lt3A_8 = arith.cmpi slt, %add3A_4, %lt3A_7 : i32
    %mul3A_9 = arith.muli %add3A_4, %select_n3A : i32
    %mul3A_10 = arith.constant 39 : i32
    %mul3A_11 = arith.muli %add3A_4, %mul3A_10 : i32
    %add3A_12 = arith.constant 2 : i32
    %add3A_13 = arith.addi %mul3A_11, %add3A_12 : i32
    %select_n3A_14 = arith.select %lt3A_8, %mul3A_9, %add3A_13 : i32
    %mul3A_15 = arith.constant 1 : i32
    %mul3A_16 = arith.muli %mul3A_15, %select_n3A : i32
    "tpu.region"() ({
      %run_scoped3A = memref.alloca() : memref<2x1x128xi32, #tpu.memory_space<vmem>>
      %run_scoped3A_17 = tpu.sem_alloc : memref<2x!tpu.dma_semaphore, #tpu.memory_space<semaphore_mem>>
      %run_scoped3A_18 = memref.alloca() : memref<2x128x128xf32, #tpu.memory_space<vmem>>
      %run_scoped3A_19 = tpu.sem_alloc : memref<2x!tpu.dma_semaphore, #tpu.memory_space<semaphore_mem>>
      %gt3A = arith.constant 0 : i32
      %gt3A_20 = arith.cmpi sgt, %mul3A_16, %gt3A : i32
      %convert_element_type3A = arith.extui %gt3A_20 : i1 to i32
      %cond3A = arith.constant 0 : i32
      %cond3A_21 = arith.cmpi ne, %convert_element_type3A, %cond3A : i32
      scf.if %cond3A_21 {
        %mul3A_22 = arith.constant 1 : i32
        %mul3A_23 = arith.muli %mul3A_22, %select_n3A : i32
        %sub3A = arith.constant 1 : i32
        %sub3A_24 = arith.subi %mul3A_23, %sub3A : i32
        %eq3A = arith.constant 0 : i32
        %eq3A_25 = arith.cmpi eq, %sub3A_24, %eq3A : i32
        %add3A_26 = arith.constant 0 : i32
        %add3A_27 = arith.addi %add3A_26, %select_n3A_14 : i32
        %select_n3A_28 = arith.constant true
        %select_n3A_29 = arith.constant 0 : i32
        %select_n3A_30 = arith.constant -1 : i32
        %select_n3A_31 = arith.select %select_n3A_28, %select_n3A_30, %select_n3A_29 : i32
        %eq3A_32 = arith.constant -1 : i32
        %eq3A_33 = arith.cmpi eq, %select_n3A_31, %eq3A_32 : i32
        %sub3A_34 = arith.constant 1 : i32
        %sub3A_35 = arith.subi %select_n3A, %sub3A_34 : i32
        %select_n3A_36 = arith.select %eq3A_33, %sub3A_35, %select_n3A_31 : i32
        %add3A_37 = arith.addi %select_n3A_36, %select_n3A_14 : i32
        %select_n3A_38 = arith.constant true
        %select_n3A_39 = arith.constant 0 : i32
        %select_n3A_40 = arith.constant 1 : i32
        %select_n3A_41 = arith.select %select_n3A_38, %select_n3A_40, %select_n3A_39 : i32
        %eq3A_42 = arith.cmpi eq, %select_n3A_41, %select_n3A : i32
        %select_n3A_43 = arith.constant 0 : i32
        %select_n3A_44 = arith.select %eq3A_42, %select_n3A_43, %select_n3A_41 : i32
        %add3A_45 = arith.addi %select_n3A_44, %select_n3A_14 : i32
        %add3A_46 = arith.constant 1 : i32
        %add3A_47 = arith.addi %select_n3A_44, %add3A_46 : i32
        %select_n3A_48 = arith.constant true
        %select_n3A_49 = arith.select %select_n3A_48, %add3A_47, %select_n3A_44 : i32
        %eq3A_50 = arith.cmpi eq, %select_n3A_49, %select_n3A : i32
        %select_n3A_51 = arith.constant 0 : i32
        %select_n3A_52 = arith.select %eq3A_50, %select_n3A_51, %select_n3A_49 : i32
        %add3A_53 = arith.addi %select_n3A_52, %select_n3A_14 : i32
        "tpu.trace_start"() <{level = 10 : i32, message = "ep_initialize_0"}> : () -> ()
        %rem3A = arith.constant 0 : i32
        %rem3A_54 = arith.constant 2 : i32
        %rem3A_55 = arith.remui %rem3A, %rem3A_54 : i32
        %add3A_56 = arith.constant 0 : i32
        %add3A_57 = arith.addi %add3A_27, %add3A_56 : i32
        %mul3A_58 = arith.constant 128 : i32
        %mul3A_59 = arith.muli %mul3A_58, %add3A_57 : i32
        %dma_start3A = arith.constant 0 : i32
        %dma_start3A_60 = arith.constant 0 : i32
        %dma_start3A_61 = tpu.memref_slice %run_scoped3A[%rem3A_55, %dma_start3A, %dma_start3A_60] : memref<2x1x128xi32, #tpu.memory_space<vmem>> -> memref<1x1x128xi32, #tpu.memory_space<vmem>>
        %dma_start3A_62 = tpu.memref_squeeze %dma_start3A_61 : memref<1x1x128xi32, #tpu.memory_space<vmem>> -> memref<1x128xi32, #tpu.memory_space<vmem>>
        %dma_start3A_63 = arith.constant 0 : i32
        %dma_start3A_64 = tpu.memref_slice %arg3[%dma_start3A_63, %mul3A_59] : memref<2x320000xi32, #tpu.memory_space<hbm>> -> memref<1x128xi32, #tpu.memory_space<hbm>>
        %dma_start3A_65 = tpu.memref_slice %run_scoped3A_17[%rem3A_55] : memref<2x!tpu.dma_semaphore, #tpu.memory_space<semaphore_mem>> -> memref<1x!tpu.dma_semaphore, #tpu.memory_space<semaphore_mem>>
        %dma_start3A_66 = tpu.memref_squeeze %dma_start3A_65 : memref<1x!tpu.dma_semaphore, #tpu.memory_space<semaphore_mem>> -> memref<!tpu.dma_semaphore, #tpu.memory_space<semaphore_mem>>
        %dma_start3A_67 = arith.constant 0 : i32
        %dma_start3A_68 = arith.constant 0 : i32
        %dma_start3A_69 = tpu.memref_slice %run_scoped3A[%rem3A_55, %dma_start3A_67, %dma_start3A_68] : memref<2x1x128xi32, #tpu.memory_space<vmem>> -> memref<1x1x128xi32, #tpu.memory_space<vmem>>
        %dma_start3A_70 = tpu.memref_squeeze %dma_start3A_69 : memref<1x1x128xi32, #tpu.memory_space<vmem>> -> memref<1x128xi32, #tpu.memory_space<vmem>>
        %dma_start3A_71 = arith.constant 0 : i32
        %dma_start3A_72 = tpu.memref_slice %arg3[%dma_start3A_71, %mul3A_59] : memref<2x320000xi32, #tpu.memory_space<hbm>> -> memref<1x128xi32, #tpu.memory_space<hbm>>
        tpu.enqueue_dma source(%dma_start3A_72 : memref<1x128xi32, #tpu.memory_space<hbm>>) target(%dma_start3A_70 : memref<1x128xi32, #tpu.memory_space<vmem>>) target_semaphore(%dma_start3A_66 : memref<!tpu.dma_semaphore, #tpu.memory_space<semaphore_mem>>)
        %add3A_73 = arith.constant 0 : i32
        %add3A_74 = arith.constant 1 : i32
        %add3A_75 = arith.addi %add3A_73, %add3A_74 : i32
        %select_n3A_76 = arith.constant true
        %select_n3A_77 = arith.constant 0 : i32
        %select_n3A_78 = arith.select %select_n3A_76, %add3A_75, %select_n3A_77 : i32
        %while3A = arith.constant 0 : i32
        %while3A_79 = arith.constant 0 : i32
        %while3A_80 = arith.constant 0 : i32
        %while3A_81 = arith.constant 0 : i32
        %while3A_82 = arith.constant 0 : i32
        "tpu.trace_stop"() : () -> ()
        %while3A_83 = arith.subi %mul3A_16, %while3A : i32
        %while3A_84 = arith.addi %while3A, %while3A_83 : i32
        %while3A_85 = arith.constant 1 : i32
        %while3A_86 = arith.divsi %while3A_83, %while3A_85 : i32
        %while3A_87 = arith.muli %while3A_86, %while3A_85 : i32
        %while3A_88 = arith.addi %while3A, %while3A_87 : i32
        %while3A_89 = arith.constant 1 : i32
        %while3A_90:5 = scf.for %while3A_144 = %while3A to %while3A_88 step %while3A_89 iter_args(%while3A_145 = %select_n3A_78, %while3A_146 = %while3A_79, %while3A_147 = %while3A_80, %while3A_148 = %while3A_81, %while3A_149 = %while3A_82) -> (i32, i32, i32, i32, i32)  : i32 {
          %mul3A_150 = arith.constant 1 : i32
          %mul3A_151 = arith.muli %mul3A_150, %select_n3A : i32
          %eq3A_152 = arith.constant 0 : i32
          %eq3A_153 = arith.cmpi eq, %while3A_144, %eq3A_152 : i32
          %sub3A_154 = arith.constant 1 : i32
          %sub3A_155 = arith.subi %mul3A_151, %sub3A_154 : i32
          %eq3A_156 = arith.cmpi eq, %while3A_144, %sub3A_155 : i32
          %add3A_157 = arith.addi %while3A_149, %select_n3A_14 : i32
          %sub3A_158 = arith.constant 1 : i32
          %sub3A_159 = arith.subi %while3A_149, %sub3A_158 : i32
          %select_n3A_160 = arith.constant true
          %select_n3A_161 = arith.select %select_n3A_160, %sub3A_159, %while3A_149 : i32
          %eq3A_162 = arith.constant -1 : i32
          %eq3A_163 = arith.cmpi eq, %select_n3A_161, %eq3A_162 : i32
          %sub3A_164 = arith.constant 1 : i32
          %sub3A_165 = arith.subi %select_n3A, %sub3A_164 : i32
          %select_n3A_166 = arith.select %eq3A_163, %sub3A_165, %select_n3A_161 : i32
          %add3A_167 = arith.addi %select_n3A_166, %select_n3A_14 : i32
          %add3A_168 = arith.constant 1 : i32
          %add3A_169 = arith.addi %while3A_149, %add3A_168 : i32
          %select_n3A_170 = arith.constant true
          %select_n3A_171 = arith.select %select_n3A_170, %add3A_169, %while3A_149 : i32
          %eq3A_172 = arith.cmpi eq, %select_n3A_171, %select_n3A : i32
          %select_n3A_173 = arith.constant 0 : i32
          %select_n3A_174 = arith.select %eq3A_172, %select_n3A_173, %select_n3A_171 : i32
          %add3A_175 = arith.addi %select_n3A_174, %select_n3A_14 : i32
          %add3A_176 = arith.constant 1 : i32
          %add3A_177 = arith.addi %select_n3A_174, %add3A_176 : i32
          %select_n3A_178 = arith.constant true
          %select_n3A_179 = arith.select %select_n3A_178, %add3A_177, %select_n3A_174 : i32
          %eq3A_180 = arith.cmpi eq, %select_n3A_179, %select_n3A : i32
          %select_n3A_181 = arith.constant 0 : i32
          %select_n3A_182 = arith.select %eq3A_180, %select_n3A_181, %select_n3A_179 : i32
          %add3A_183 = arith.addi %select_n3A_182, %select_n3A_14 : i32
          %add3A_184 = arith.constant 0 : i32
          %add3A_185 = arith.addi %add3A_157, %add3A_184 : i32
          %add3A_186 = arith.constant 0 : i32
          %add3A_187 = arith.addi %add3A_175, %add3A_186 : i32
          %ne3A = arith.cmpi ne, %add3A_185, %add3A_187 : i32
          %or3A = arith.constant false
          %or3A_188 = arith.ori %or3A, %ne3A : i1
          %sub3A_189 = arith.constant 2 : i32
          %sub3A_190 = arith.subi %mul3A_151, %sub3A_189 : i32
          %add3A_191 = arith.constant 1 : i32
          %add3A_192 = arith.addi %sub3A_190, %add3A_191 : i32
          %ge3A = arith.cmpi sge, %while3A_144, %add3A_192 : i32
          %not3A = arith.constant true
          %not3A_193 = arith.xori %ge3A, %not3A : i1
          %and3A = arith.andi %or3A_188, %not3A_193 : i1
          %convert_element_type3A_194 = arith.extui %and3A : i1 to i32
          %cond3A_195 = arith.constant 0 : i32
          %cond3A_196 = arith.cmpi ne, %convert_element_type3A_194, %cond3A_195 : i32
          scf.if %cond3A_196 {
            "tpu.trace_start"() <{level = 10 : i32, message = "ep_copy_in"}> : () -> ()
            %rem3A_316 = arith.constant 2 : i32
            %rem3A_317 = arith.remui %while3A_145, %rem3A_316 : i32
            %add3A_318 = arith.constant 0 : i32
            %add3A_319 = arith.addi %add3A_175, %add3A_318 : i32
            %mul3A_320 = arith.constant 128 : i32
            %mul3A_321 = arith.muli %mul3A_320, %add3A_319 : i32
            %dma_start3A_322 = arith.constant 0 : i32
            %dma_start3A_323 = arith.constant 0 : i32
            %dma_start3A_324 = tpu.memref_slice %run_scoped3A[%rem3A_317, %dma_start3A_322, %dma_start3A_323] : memref<2x1x128xi32, #tpu.memory_space<vmem>> -> memref<1x1x128xi32, #tpu.memory_space<vmem>>
            %dma_start3A_325 = tpu.memref_squeeze %dma_start3A_324 : memref<1x1x128xi32, #tpu.memory_space<vmem>> -> memref<1x128xi32, #tpu.memory_space<vmem>>
            %dma_start3A_326 = arith.constant 0 : i32
            %dma_start3A_327 = tpu.memref_slice %arg3[%dma_start3A_326, %mul3A_321] : memref<2x320000xi32, #tpu.memory_space<hbm>> -> memref<1x128xi32, #tpu.memory_space<hbm>>
            %dma_start3A_328 = tpu.memref_slice %run_scoped3A_17[%rem3A_317] : memref<2x!tpu.dma_semaphore, #tpu.memory_space<semaphore_mem>> -> memref<1x!tpu.dma_semaphore, #tpu.memory_space<semaphore_mem>>
            %dma_start3A_329 = tpu.memref_squeeze %dma_start3A_328 : memref<1x!tpu.dma_semaphore, #tpu.memory_space<semaphore_mem>> -> memref<!tpu.dma_semaphore, #tpu.memory_space<semaphore_mem>>
            %dma_start3A_330 = arith.constant 0 : i32
            %dma_start3A_331 = arith.constant 0 : i32
            %dma_start3A_332 = tpu.memref_slice %run_scoped3A[%rem3A_317, %dma_start3A_330, %dma_start3A_331] : memref<2x1x128xi32, #tpu.memory_space<vmem>> -> memref<1x1x128xi32, #tpu.memory_space<vmem>>
            %dma_start3A_333 = tpu.memref_squeeze %dma_start3A_332 : memref<1x1x128xi32, #tpu.memory_space<vmem>> -> memref<1x128xi32, #tpu.memory_space<vmem>>
            %dma_start3A_334 = arith.constant 0 : i32
            %dma_start3A_335 = tpu.memref_slice %arg3[%dma_start3A_334, %mul3A_321] : memref<2x320000xi32, #tpu.memory_space<hbm>> -> memref<1x128xi32, #tpu.memory_space<hbm>>
            tpu.enqueue_dma source(%dma_start3A_335 : memref<1x128xi32, #tpu.memory_space<hbm>>) target(%dma_start3A_333 : memref<1x128xi32, #tpu.memory_space<vmem>>) target_semaphore(%dma_start3A_329 : memref<!tpu.dma_semaphore, #tpu.memory_space<semaphore_mem>>)
            "tpu.trace_stop"() : () -> ()
          } else {
          }
          %and3A_197 = arith.constant true
          %and3A_198 = arith.andi %and3A, %and3A_197 : i1
          %add3A_199 = arith.constant 1 : i32
          %add3A_200 = arith.addi %while3A_145, %add3A_199 : i32
          %select_n3A_201 = arith.select %and3A_198, %add3A_200, %while3A_145 : i32
          %ne3A_202 = arith.cmpi ne, %add3A_157, %add3A_175 : i32
          %or3A_203 = arith.constant false
          %or3A_204 = arith.ori %or3A_203, %ne3A_202 : i1
          %or3A_205 = arith.constant false
          %or3A_206 = arith.ori %or3A_204, %or3A_205 : i1
          %sub3A_207 = arith.constant 2 : i32
          %sub3A_208 = arith.subi %mul3A_151, %sub3A_207 : i32
          %add3A_209 = arith.constant 1 : i32
          %add3A_210 = arith.addi %sub3A_208, %add3A_209 : i32
          %ge3A_211 = arith.cmpi sge, %while3A_144, %add3A_210 : i32
          %not3A_212 = arith.constant true
          %not3A_213 = arith.xori %ge3A_211, %not3A_212 : i1
          %and3A_214 = arith.andi %or3A_206, %not3A_213 : i1
          %add3A_215 = arith.constant 0 : i32
          %add3A_216 = arith.addi %add3A_157, %add3A_215 : i32
          %add3A_217 = arith.constant 0 : i32
          %add3A_218 = arith.addi %add3A_167, %add3A_217 : i32
          %ne3A_219 = arith.cmpi ne, %add3A_216, %add3A_218 : i32
          %or3A_220 = arith.constant false
          %or3A_221 = arith.ori %or3A_220, %ne3A_219 : i1
          %or3A_222 = arith.ori %or3A_221, %eq3A_153 : i1
          %convert_element_type3A_223 = arith.extui %or3A_222 : i1 to i32
          %cond3A_224 = arith.constant 0 : i32
          %cond3A_225 = arith.cmpi ne, %convert_element_type3A_223, %cond3A_224 : i32
          scf.if %cond3A_225 {
            "tpu.trace_start"() <{level = 10 : i32, message = "ep_wait_in"}> : () -> ()
            %add3A_316 = arith.constant 0 : i32
            %add3A_317 = arith.addi %add3A_157, %add3A_316 : i32
            %mul3A_318 = arith.constant 128 : i32
            %mul3A_319 = arith.muli %mul3A_318, %add3A_317 : i32
            %rem3A_320 = arith.constant 2 : i32
            %rem3A_321 = arith.remui %while3A_146, %rem3A_320 : i32
            %dma_wait3A = arith.constant 0 : i32
            %dma_wait3A_322 = arith.constant 0 : i32
            %dma_wait3A_323 = tpu.memref_slice %run_scoped3A[%rem3A_321, %dma_wait3A, %dma_wait3A_322] : memref<2x1x128xi32, #tpu.memory_space<vmem>> -> memref<1x1x128xi32, #tpu.memory_space<vmem>>
            %dma_wait3A_324 = tpu.memref_squeeze %dma_wait3A_323 : memref<1x1x128xi32, #tpu.memory_space<vmem>> -> memref<1x128xi32, #tpu.memory_space<vmem>>
            %dma_wait3A_325 = arith.constant 0 : i32
            %dma_wait3A_326 = tpu.memref_slice %arg3[%dma_wait3A_325, %mul3A_319] : memref<2x320000xi32, #tpu.memory_space<hbm>> -> memref<1x128xi32, #tpu.memory_space<hbm>>
            %dma_wait3A_327 = tpu.memref_slice %run_scoped3A_17[%rem3A_321] : memref<2x!tpu.dma_semaphore, #tpu.memory_space<semaphore_mem>> -> memref<1x!tpu.dma_semaphore, #tpu.memory_space<semaphore_mem>>
            %dma_wait3A_328 = tpu.memref_squeeze %dma_wait3A_327 : memref<1x!tpu.dma_semaphore, #tpu.memory_space<semaphore_mem>> -> memref<!tpu.dma_semaphore, #tpu.memory_space<semaphore_mem>>
            %dma_wait3A_329 = arith.constant 0 : i32
            %dma_wait3A_330 = arith.constant 0 : i32
            %dma_wait3A_331 = tpu.memref_slice %run_scoped3A[%rem3A_321, %dma_wait3A_329, %dma_wait3A_330] : memref<2x1x128xi32, #tpu.memory_space<vmem>> -> memref<1x1x128xi32, #tpu.memory_space<vmem>>
            %dma_wait3A_332 = tpu.memref_squeeze %dma_wait3A_331 : memref<1x1x128xi32, #tpu.memory_space<vmem>> -> memref<1x128xi32, #tpu.memory_space<vmem>>
            %dma_wait3A_333 = arith.constant 0 : i32
            %dma_wait3A_334 = tpu.memref_slice %arg3[%dma_wait3A_333, %mul3A_319] : memref<2x320000xi32, #tpu.memory_space<hbm>> -> memref<1x128xi32, #tpu.memory_space<hbm>>
            tpu.wait_dma2 semaphore(%dma_wait3A_328 : memref<!tpu.dma_semaphore, #tpu.memory_space<semaphore_mem>>) src(%dma_wait3A_334 : memref<1x128xi32, #tpu.memory_space<hbm>>) dst(%dma_wait3A_332 : memref<1x128xi32, #tpu.memory_space<vmem>>)
            "tpu.trace_stop"() : () -> ()
          } else {
          }
          %ne3A_226 = arith.cmpi ne, %add3A_157, %add3A_167 : i32
          %or3A_227 = arith.constant false
          %or3A_228 = arith.ori %or3A_227, %ne3A_226 : i1
          %or3A_229 = arith.constant false
          %or3A_230 = arith.ori %or3A_228, %or3A_229 : i1
          %or3A_231 = arith.ori %or3A_230, %eq3A_153 : i1
          %convert_element_type3A_232 = arith.extui %or3A_231 : i1 to i32
          %cond3A_233 = arith.constant 0 : i32
          %cond3A_234 = arith.cmpi ne, %convert_element_type3A_232, %cond3A_233 : i32
          scf.if %cond3A_234 {
          } else {
          }
          %rem3A_235 = arith.constant 2 : i32
          %rem3A_236 = arith.remui %while3A_146, %rem3A_235 : i32
          %rem3A_237 = arith.constant 2 : i32
          %rem3A_238 = arith.remui %while3A_147, %rem3A_237 : i32
          %run_scoped3A_239 = arith.constant 0 : i32
          "tpu.trace_start"() <{level = 10 : i32, message = "ep_run_kernel"}> : () -> ()
          "tpu.region"() ({
            %run_scoped3A_316 = tpu.sem_alloc : memref<!tpu.dma_semaphore, #tpu.memory_space<semaphore_mem>>
            %dma_start3A_317 = arith.constant 0 : i32
            %dma_start3A_318 = arith.constant 0 : i32
            %dma_start3A_319 = tpu.memref_slice %run_scoped3A_18[%rem3A_238, %dma_start3A_317, %dma_start3A_318] : memref<2x128x128xf32, #tpu.memory_space<vmem>> -> memref<1x128x128xf32, #tpu.memory_space<vmem>>
            %dma_start3A_320 = tpu.memref_squeeze %dma_start3A_319 : memref<1x128x128xf32, #tpu.memory_space<vmem>> -> memref<128x128xf32, #tpu.memory_space<vmem>>
            %dma_start3A_321 = arith.constant 0 : i32
            %dma_start3A_322 = arith.constant 0 : i32
            %dma_start3A_323 = tpu.memref_slice %run_scoped3A[%rem3A_236, %dma_start3A_321, %dma_start3A_322] : memref<2x1x128xi32, #tpu.memory_space<vmem>> -> memref<1x1x128xi32, #tpu.memory_space<vmem>>
            %dma_start3A_324 = tpu.memref_squeeze %dma_start3A_323 : memref<1x1x128xi32, #tpu.memory_space<vmem>> -> memref<1x128xi32, #tpu.memory_space<vmem>>
            %dma_start3A_325 = arith.constant 0 : i32
            %dma_start3A_326 = tpu.memref_slice %dma_start3A_324[%run_scoped3A_239, %dma_start3A_325] : memref<1x128xi32, #tpu.memory_space<vmem>> -> memref<1x128xi32, #tpu.memory_space<vmem>>
            %dma_start3A_327 = tpu.memref_squeeze %dma_start3A_326 : memref<1x128xi32, #tpu.memory_space<vmem>> -> memref<128xi32, #tpu.memory_space<vmem>>
            %dma_start3A_328 = arith.constant 0 : i32
            %dma_start3A_329 = arith.constant 0 : i32
            %dma_start3A_330 = tpu.memref_slice %arg2[%dma_start3A_328, %dma_start3A_329] : memref<10000x128xf32, #tpu.memory_space<hbm>> -> memref<10000x128xf32, #tpu.memory_space<hbm>>
            tpu.enqueue_indirect_dma source(%dma_start3A_330 : memref<10000x128xf32, #tpu.memory_space<hbm>>) target(%dma_start3A_320 : memref<128x128xf32, #tpu.memory_space<vmem>>) offsets(%dma_start3A_327 : memref<128xi32, #tpu.memory_space<vmem>>) semaphore(%run_scoped3A_316 : memref<!tpu.dma_semaphore, #tpu.memory_space<semaphore_mem>>)
            %dma_wait3A = arith.constant 0 : i32
            %dma_wait3A_331 = arith.constant 0 : i32
            %dma_wait3A_332 = tpu.memref_slice %run_scoped3A_18[%rem3A_238, %dma_wait3A, %dma_wait3A_331] : memref<2x128x128xf32, #tpu.memory_space<vmem>> -> memref<1x128x128xf32, #tpu.memory_space<vmem>>
            %dma_wait3A_333 = tpu.memref_squeeze %dma_wait3A_332 : memref<1x128x128xf32, #tpu.memory_space<vmem>> -> memref<128x128xf32, #tpu.memory_space<vmem>>
            %dma_wait3A_334 = arith.constant 0 : i32
            %dma_wait3A_335 = arith.constant 0 : i32
            %dma_wait3A_336 = tpu.memref_slice %run_scoped3A[%rem3A_236, %dma_wait3A_334, %dma_wait3A_335] : memref<2x1x128xi32, #tpu.memory_space<vmem>> -> memref<1x1x128xi32, #tpu.memory_space<vmem>>
            %dma_wait3A_337 = tpu.memref_squeeze %dma_wait3A_336 : memref<1x1x128xi32, #tpu.memory_space<vmem>> -> memref<1x128xi32, #tpu.memory_space<vmem>>
            %dma_wait3A_338 = arith.constant 0 : i32
            %dma_wait3A_339 = tpu.memref_slice %dma_wait3A_337[%run_scoped3A_239, %dma_wait3A_338] : memref<1x128xi32, #tpu.memory_space<vmem>> -> memref<1x128xi32, #tpu.memory_space<vmem>>
            %dma_wait3A_340 = tpu.memref_squeeze %dma_wait3A_339 : memref<1x128xi32, #tpu.memory_space<vmem>> -> memref<128xi32, #tpu.memory_space<vmem>>
            %dma_wait3A_341 = arith.constant 0 : i32
            %dma_wait3A_342 = arith.constant 0 : i32
            %dma_wait3A_343 = tpu.memref_slice %arg2[%dma_wait3A_341, %dma_wait3A_342] : memref<10000x128xf32, #tpu.memory_space<hbm>> -> memref<10000x128xf32, #tpu.memory_space<hbm>>
            tpu.wait_indirect_dma semaphore(%run_scoped3A_316 : memref<!tpu.dma_semaphore, #tpu.memory_space<semaphore_mem>>) src(%dma_wait3A_343 : memref<10000x128xf32, #tpu.memory_space<hbm>>) dst(%dma_wait3A_333 : memref<128x128xf32, #tpu.memory_space<vmem>>)
            tpu.yield
          }) : () -> ()
          "tpu.trace_stop"() : () -> ()
          %add3A_240 = arith.constant 0 : i32
          %add3A_241 = arith.addi %add3A_157, %add3A_240 : i32
          %add3A_242 = arith.constant 0 : i32
          %add3A_243 = arith.addi %add3A_175, %add3A_242 : i32
          %ne3A_244 = arith.cmpi ne, %add3A_241, %add3A_243 : i32
          %or3A_245 = arith.constant false
          %or3A_246 = arith.ori %or3A_245, %ne3A_244 : i1
          %or3A_247 = arith.ori %or3A_246, %eq3A_156 : i1
          %convert_element_type3A_248 = arith.extui %or3A_247 : i1 to i32
          %cond3A_249 = arith.constant 0 : i32
          %cond3A_250 = arith.cmpi ne, %convert_element_type3A_248, %cond3A_249 : i32
          scf.if %cond3A_250 {
          } else {
          }
          %and3A_251 = arith.constant false
          %and3A_252 = arith.andi %or3A_247, %and3A_251 : i1
          %ne3A_253 = arith.cmpi ne, %add3A_157, %add3A_175 : i32
          %or3A_254 = arith.constant false
          %or3A_255 = arith.ori %or3A_254, %ne3A_253 : i1
          %or3A_256 = arith.constant false
          %or3A_257 = arith.ori %or3A_255, %or3A_256 : i1
          %or3A_258 = arith.ori %or3A_257, %eq3A_156 : i1
          %convert_element_type3A_259 = arith.extui %or3A_258 : i1 to i32
          %cond3A_260 = arith.constant 0 : i32
          %cond3A_261 = arith.cmpi ne, %convert_element_type3A_259, %cond3A_260 : i32
          scf.if %cond3A_261 {
            "tpu.trace_start"() <{level = 10 : i32, message = "ep_copy_out"}> : () -> ()
            %rem3A_316 = arith.constant 2 : i32
            %rem3A_317 = arith.remui %while3A_147, %rem3A_316 : i32
            %mul3A_318 = arith.constant 128 : i32
            %mul3A_319 = arith.muli %mul3A_318, %add3A_157 : i32
            %dma_start3A_320 = arith.constant 0 : i32
            %dma_start3A_321 = arith.constant 0 : i32
            %dma_start3A_322 = tpu.memref_slice %run_scoped3A_18[%rem3A_317, %dma_start3A_320, %dma_start3A_321] : memref<2x128x128xf32, #tpu.memory_space<vmem>> -> memref<1x128x128xf32, #tpu.memory_space<vmem>>
            %dma_start3A_323 = tpu.memref_squeeze %dma_start3A_322 : memref<1x128x128xf32, #tpu.memory_space<vmem>> -> memref<128x128xf32, #tpu.memory_space<vmem>>
            %dma_start3A_324 = arith.constant 0 : i32
            %dma_start3A_325 = tpu.memref_slice %arg4[%mul3A_319, %dma_start3A_324] : memref<160000x128xf32, #tpu.memory_space<hbm>> -> memref<128x128xf32, #tpu.memory_space<hbm>>
            %dma_start3A_326 = tpu.memref_slice %run_scoped3A_19[%rem3A_317] : memref<2x!tpu.dma_semaphore, #tpu.memory_space<semaphore_mem>> -> memref<1x!tpu.dma_semaphore, #tpu.memory_space<semaphore_mem>>
            %dma_start3A_327 = tpu.memref_squeeze %dma_start3A_326 : memref<1x!tpu.dma_semaphore, #tpu.memory_space<semaphore_mem>> -> memref<!tpu.dma_semaphore, #tpu.memory_space<semaphore_mem>>
            %dma_start3A_328 = arith.constant 0 : i32
            %dma_start3A_329 = tpu.memref_slice %arg4[%mul3A_319, %dma_start3A_328] : memref<160000x128xf32, #tpu.memory_space<hbm>> -> memref<128x128xf32, #tpu.memory_space<hbm>>
            %dma_start3A_330 = arith.constant 0 : i32
            %dma_start3A_331 = arith.constant 0 : i32
            %dma_start3A_332 = tpu.memref_slice %run_scoped3A_18[%rem3A_317, %dma_start3A_330, %dma_start3A_331] : memref<2x128x128xf32, #tpu.memory_space<vmem>> -> memref<1x128x128xf32, #tpu.memory_space<vmem>>
            %dma_start3A_333 = tpu.memref_squeeze %dma_start3A_332 : memref<1x128x128xf32, #tpu.memory_space<vmem>> -> memref<128x128xf32, #tpu.memory_space<vmem>>
            tpu.enqueue_dma source(%dma_start3A_333 : memref<128x128xf32, #tpu.memory_space<vmem>>) target(%dma_start3A_329 : memref<128x128xf32, #tpu.memory_space<hbm>>) target_semaphore(%dma_start3A_327 : memref<!tpu.dma_semaphore, #tpu.memory_space<semaphore_mem>>)
            "tpu.trace_stop"() : () -> ()
          } else {
          }
          %and3A_262 = arith.constant true
          %and3A_263 = arith.andi %or3A_258, %and3A_262 : i1
          %add3A_264 = arith.constant 1 : i32
          %add3A_265 = arith.addi %while3A_147, %add3A_264 : i32
          %select_n3A_266 = arith.select %and3A_263, %add3A_265, %while3A_147 : i32
          %add3A_267 = arith.constant 0 : i32
          %add3A_268 = arith.addi %add3A_157, %add3A_267 : i32
          %add3A_269 = arith.constant 0 : i32
          %add3A_270 = arith.addi %add3A_167, %add3A_269 : i32
          %ne3A_271 = arith.cmpi ne, %add3A_268, %add3A_270 : i32
          %or3A_272 = arith.constant false
          %or3A_273 = arith.ori %or3A_272, %ne3A_271 : i1
          %not3A_274 = arith.constant true
          %not3A_275 = arith.xori %eq3A_153, %not3A_274 : i1
          %and3A_276 = arith.andi %or3A_273, %not3A_275 : i1
          %convert_element_type3A_277 = arith.extui %and3A_276 : i1 to i32
          %cond3A_278 = arith.constant 0 : i32
          %cond3A_279 = arith.cmpi ne, %convert_element_type3A_277, %cond3A_278 : i32
          scf.if %cond3A_279 {
          } else {
          }
          %and3A_280 = arith.constant false
          %and3A_281 = arith.andi %and3A_276, %and3A_280 : i1
          %ne3A_282 = arith.cmpi ne, %add3A_157, %add3A_167 : i32
          %or3A_283 = arith.constant false
          %or3A_284 = arith.ori %or3A_283, %ne3A_282 : i1
          %or3A_285 = arith.constant false
          %or3A_286 = arith.ori %or3A_284, %or3A_285 : i1
          %not3A_287 = arith.constant true
          %not3A_288 = arith.xori %eq3A_153, %not3A_287 : i1
          %and3A_289 = arith.andi %or3A_286, %not3A_288 : i1
          %convert_element_type3A_290 = arith.extui %and3A_289 : i1 to i32
          %cond3A_291 = arith.constant 0 : i32
          %cond3A_292 = arith.cmpi ne, %convert_element_type3A_290, %cond3A_291 : i32
          scf.if %cond3A_292 {
            "tpu.trace_start"() <{level = 10 : i32, message = "ep_wait_out"}> : () -> ()
            %rem3A_316 = arith.constant 2 : i32
            %rem3A_317 = arith.remui %while3A_148, %rem3A_316 : i32
            %mul3A_318 = arith.constant 128 : i32
            %mul3A_319 = arith.muli %mul3A_318, %add3A_167 : i32
            %dma_wait3A = arith.constant 0 : i32
            %dma_wait3A_320 = arith.constant 0 : i32
            %dma_wait3A_321 = tpu.memref_slice %run_scoped3A_18[%rem3A_317, %dma_wait3A, %dma_wait3A_320] : memref<2x128x128xf32, #tpu.memory_space<vmem>> -> memref<1x128x128xf32, #tpu.memory_space<vmem>>
            %dma_wait3A_322 = tpu.memref_squeeze %dma_wait3A_321 : memref<1x128x128xf32, #tpu.memory_space<vmem>> -> memref<128x128xf32, #tpu.memory_space<vmem>>
            %dma_wait3A_323 = arith.constant 0 : i32
            %dma_wait3A_324 = tpu.memref_slice %arg4[%mul3A_319, %dma_wait3A_323] : memref<160000x128xf32, #tpu.memory_space<hbm>> -> memref<128x128xf32, #tpu.memory_space<hbm>>
            %dma_wait3A_325 = tpu.memref_slice %run_scoped3A_19[%rem3A_317] : memref<2x!tpu.dma_semaphore, #tpu.memory_space<semaphore_mem>> -> memref<1x!tpu.dma_semaphore, #tpu.memory_space<semaphore_mem>>
            %dma_wait3A_326 = tpu.memref_squeeze %dma_wait3A_325 : memref<1x!tpu.dma_semaphore, #tpu.memory_space<semaphore_mem>> -> memref<!tpu.dma_semaphore, #tpu.memory_space<semaphore_mem>>
            %dma_wait3A_327 = arith.constant 0 : i32
            %dma_wait3A_328 = tpu.memref_slice %arg4[%mul3A_319, %dma_wait3A_327] : memref<160000x128xf32, #tpu.memory_space<hbm>> -> memref<128x128xf32, #tpu.memory_space<hbm>>
            %dma_wait3A_329 = arith.constant 0 : i32
            %dma_wait3A_330 = arith.constant 0 : i32
            %dma_wait3A_331 = tpu.memref_slice %run_scoped3A_18[%rem3A_317, %dma_wait3A_329, %dma_wait3A_330] : memref<2x128x128xf32, #tpu.memory_space<vmem>> -> memref<1x128x128xf32, #tpu.memory_space<vmem>>
            %dma_wait3A_332 = tpu.memref_squeeze %dma_wait3A_331 : memref<1x128x128xf32, #tpu.memory_space<vmem>> -> memref<128x128xf32, #tpu.memory_space<vmem>>
            tpu.wait_dma2 semaphore(%dma_wait3A_326 : memref<!tpu.dma_semaphore, #tpu.memory_space<semaphore_mem>>) src(%dma_wait3A_332 : memref<128x128xf32, #tpu.memory_space<vmem>>) dst(%dma_wait3A_328 : memref<128x128xf32, #tpu.memory_space<hbm>>)
            "tpu.trace_stop"() : () -> ()
          } else {
          }
          %and3A_293 = arith.constant true
          %and3A_294 = arith.andi %and3A_289, %and3A_293 : i1
          %add3A_295 = arith.constant 1 : i32
          %add3A_296 = arith.addi %while3A_148, %add3A_295 : i32
          %select_n3A_297 = arith.select %and3A_294, %add3A_296, %while3A_148 : i32
          %add3A_298 = arith.constant 0 : i32
          %add3A_299 = arith.addi %add3A_157, %add3A_298 : i32
          %add3A_300 = arith.constant 0 : i32
          %add3A_301 = arith.addi %add3A_175, %add3A_300 : i32
          %ne3A_302 = arith.cmpi ne, %add3A_299, %add3A_301 : i32
          %or3A_303 = arith.constant false
          %or3A_304 = arith.ori %or3A_303, %ne3A_302 : i1
          %or3A_305 = arith.ori %or3A_304, %eq3A_156 : i1
          %add3A_306 = arith.constant 1 : i32
          %add3A_307 = arith.addi %while3A_146, %add3A_306 : i32
          %select_n3A_308 = arith.select %or3A_305, %add3A_307, %while3A_146 : i32
          %add3A_309 = arith.constant 1 : i32
          %add3A_310 = arith.addi %while3A_149, %add3A_309 : i32
          %select_n3A_311 = arith.constant true
          %select_n3A_312 = arith.select %select_n3A_311, %add3A_310, %while3A_149 : i32
          %eq3A_313 = arith.cmpi eq, %select_n3A_312, %select_n3A : i32
          %select_n3A_314 = arith.constant 0 : i32
          %select_n3A_315 = arith.select %eq3A_313, %select_n3A_314, %select_n3A_312 : i32
          scf.yield %select_n3A_201, %select_n3A_308, %select_n3A_266, %select_n3A_297, %select_n3A_315 : i32, i32, i32, i32, i32
        }
        %while3A_91 = arith.constant 1 : i32
        %while3A_92:5 = scf.for %while3A_144 = %while3A_88 to %while3A_84 step %while3A_91 iter_args(%while3A_145 = %while3A_90#0, %while3A_146 = %while3A_90#1, %while3A_147 = %while3A_90#2, %while3A_148 = %while3A_90#3, %while3A_149 = %while3A_90#4) -> (i32, i32, i32, i32, i32)  : i32 {
          %mul3A_150 = arith.constant 1 : i32
          %mul3A_151 = arith.muli %mul3A_150, %select_n3A : i32
          %eq3A_152 = arith.constant 0 : i32
          %eq3A_153 = arith.cmpi eq, %while3A_144, %eq3A_152 : i32
          %sub3A_154 = arith.constant 1 : i32
          %sub3A_155 = arith.subi %mul3A_151, %sub3A_154 : i32
          %eq3A_156 = arith.cmpi eq, %while3A_144, %sub3A_155 : i32
          %add3A_157 = arith.addi %while3A_149, %select_n3A_14 : i32
          %sub3A_158 = arith.constant 1 : i32
          %sub3A_159 = arith.subi %while3A_149, %sub3A_158 : i32
          %select_n3A_160 = arith.constant true
          %select_n3A_161 = arith.select %select_n3A_160, %sub3A_159, %while3A_149 : i32
          %eq3A_162 = arith.constant -1 : i32
          %eq3A_163 = arith.cmpi eq, %select_n3A_161, %eq3A_162 : i32
          %sub3A_164 = arith.constant 1 : i32
          %sub3A_165 = arith.subi %select_n3A, %sub3A_164 : i32
          %select_n3A_166 = arith.select %eq3A_163, %sub3A_165, %select_n3A_161 : i32
          %add3A_167 = arith.addi %select_n3A_166, %select_n3A_14 : i32
          %add3A_168 = arith.constant 1 : i32
          %add3A_169 = arith.addi %while3A_149, %add3A_168 : i32
          %select_n3A_170 = arith.constant true
          %select_n3A_171 = arith.select %select_n3A_170, %add3A_169, %while3A_149 : i32
          %eq3A_172 = arith.cmpi eq, %select_n3A_171, %select_n3A : i32
          %select_n3A_173 = arith.constant 0 : i32
          %select_n3A_174 = arith.select %eq3A_172, %select_n3A_173, %select_n3A_171 : i32
          %add3A_175 = arith.addi %select_n3A_174, %select_n3A_14 : i32
          %add3A_176 = arith.constant 1 : i32
          %add3A_177 = arith.addi %select_n3A_174, %add3A_176 : i32
          %select_n3A_178 = arith.constant true
          %select_n3A_179 = arith.select %select_n3A_178, %add3A_177, %select_n3A_174 : i32
          %eq3A_180 = arith.cmpi eq, %select_n3A_179, %select_n3A : i32
          %select_n3A_181 = arith.constant 0 : i32
          %select_n3A_182 = arith.select %eq3A_180, %select_n3A_181, %select_n3A_179 : i32
          %add3A_183 = arith.addi %select_n3A_182, %select_n3A_14 : i32
          %add3A_184 = arith.constant 0 : i32
          %add3A_185 = arith.addi %add3A_157, %add3A_184 : i32
          %add3A_186 = arith.constant 0 : i32
          %add3A_187 = arith.addi %add3A_175, %add3A_186 : i32
          %ne3A = arith.cmpi ne, %add3A_185, %add3A_187 : i32
          %or3A = arith.constant false
          %or3A_188 = arith.ori %or3A, %ne3A : i1
          %sub3A_189 = arith.constant 2 : i32
          %sub3A_190 = arith.subi %mul3A_151, %sub3A_189 : i32
          %add3A_191 = arith.constant 1 : i32
          %add3A_192 = arith.addi %sub3A_190, %add3A_191 : i32
          %ge3A = arith.cmpi sge, %while3A_144, %add3A_192 : i32
          %not3A = arith.constant true
          %not3A_193 = arith.xori %ge3A, %not3A : i1
          %and3A = arith.andi %or3A_188, %not3A_193 : i1
          %convert_element_type3A_194 = arith.extui %and3A : i1 to i32
          %cond3A_195 = arith.constant 0 : i32
          %cond3A_196 = arith.cmpi ne, %convert_element_type3A_194, %cond3A_195 : i32
          scf.if %cond3A_196 {
            "tpu.trace_start"() <{level = 10 : i32, message = "ep_copy_in"}> : () -> ()
            %rem3A_316 = arith.constant 2 : i32
            %rem3A_317 = arith.remui %while3A_145, %rem3A_316 : i32
            %add3A_318 = arith.constant 0 : i32
            %add3A_319 = arith.addi %add3A_175, %add3A_318 : i32
            %mul3A_320 = arith.constant 128 : i32
            %mul3A_321 = arith.muli %mul3A_320, %add3A_319 : i32
            %dma_start3A_322 = arith.constant 0 : i32
            %dma_start3A_323 = arith.constant 0 : i32
            %dma_start3A_324 = tpu.memref_slice %run_scoped3A[%rem3A_317, %dma_start3A_322, %dma_start3A_323] : memref<2x1x128xi32, #tpu.memory_space<vmem>> -> memref<1x1x128xi32, #tpu.memory_space<vmem>>
            %dma_start3A_325 = tpu.memref_squeeze %dma_start3A_324 : memref<1x1x128xi32, #tpu.memory_space<vmem>> -> memref<1x128xi32, #tpu.memory_space<vmem>>
            %dma_start3A_326 = arith.constant 0 : i32
            %dma_start3A_327 = tpu.memref_slice %arg3[%dma_start3A_326, %mul3A_321] : memref<2x320000xi32, #tpu.memory_space<hbm>> -> memref<1x128xi32, #tpu.memory_space<hbm>>
            %dma_start3A_328 = tpu.memref_slice %run_scoped3A_17[%rem3A_317] : memref<2x!tpu.dma_semaphore, #tpu.memory_space<semaphore_mem>> -> memref<1x!tpu.dma_semaphore, #tpu.memory_space<semaphore_mem>>
            %dma_start3A_329 = tpu.memref_squeeze %dma_start3A_328 : memref<1x!tpu.dma_semaphore, #tpu.memory_space<semaphore_mem>> -> memref<!tpu.dma_semaphore, #tpu.memory_space<semaphore_mem>>
            %dma_start3A_330 = arith.constant 0 : i32
            %dma_start3A_331 = arith.constant 0 : i32
            %dma_start3A_332 = tpu.memref_slice %run_scoped3A[%rem3A_317, %dma_start3A_330, %dma_start3A_331] : memref<2x1x128xi32, #tpu.memory_space<vmem>> -> memref<1x1x128xi32, #tpu.memory_space<vmem>>
            %dma_start3A_333 = tpu.memref_squeeze %dma_start3A_332 : memref<1x1x128xi32, #tpu.memory_space<vmem>> -> memref<1x128xi32, #tpu.memory_space<vmem>>
            %dma_start3A_334 = arith.constant 0 : i32
            %dma_start3A_335 = tpu.memref_slice %arg3[%dma_start3A_334, %mul3A_321] : memref<2x320000xi32, #tpu.memory_space<hbm>> -> memref<1x128xi32, #tpu.memory_space<hbm>>
            tpu.enqueue_dma source(%dma_start3A_335 : memref<1x128xi32, #tpu.memory_space<hbm>>) target(%dma_start3A_333 : memref<1x128xi32, #tpu.memory_space<vmem>>) target_semaphore(%dma_start3A_329 : memref<!tpu.dma_semaphore, #tpu.memory_space<semaphore_mem>>)
            "tpu.trace_stop"() : () -> ()
          } else {
          }
          %and3A_197 = arith.constant true
          %and3A_198 = arith.andi %and3A, %and3A_197 : i1
          %add3A_199 = arith.constant 1 : i32
          %add3A_200 = arith.addi %while3A_145, %add3A_199 : i32
          %select_n3A_201 = arith.select %and3A_198, %add3A_200, %while3A_145 : i32
          %ne3A_202 = arith.cmpi ne, %add3A_157, %add3A_175 : i32
          %or3A_203 = arith.constant false
          %or3A_204 = arith.ori %or3A_203, %ne3A_202 : i1
          %or3A_205 = arith.constant false
          %or3A_206 = arith.ori %or3A_204, %or3A_205 : i1
          %sub3A_207 = arith.constant 2 : i32
          %sub3A_208 = arith.subi %mul3A_151, %sub3A_207 : i32
          %add3A_209 = arith.constant 1 : i32
          %add3A_210 = arith.addi %sub3A_208, %add3A_209 : i32
          %ge3A_211 = arith.cmpi sge, %while3A_144, %add3A_210 : i32
          %not3A_212 = arith.constant true
          %not3A_213 = arith.xori %ge3A_211, %not3A_212 : i1
          %and3A_214 = arith.andi %or3A_206, %not3A_213 : i1
          %add3A_215 = arith.constant 0 : i32
          %add3A_216 = arith.addi %add3A_157, %add3A_215 : i32
          %add3A_217 = arith.constant 0 : i32
          %add3A_218 = arith.addi %add3A_167, %add3A_217 : i32
          %ne3A_219 = arith.cmpi ne, %add3A_216, %add3A_218 : i32
          %or3A_220 = arith.constant false
          %or3A_221 = arith.ori %or3A_220, %ne3A_219 : i1
          %or3A_222 = arith.ori %or3A_221, %eq3A_153 : i1
          %convert_element_type3A_223 = arith.extui %or3A_222 : i1 to i32
          %cond3A_224 = arith.constant 0 : i32
          %cond3A_225 = arith.cmpi ne, %convert_element_type3A_223, %cond3A_224 : i32
          scf.if %cond3A_225 {
            "tpu.trace_start"() <{level = 10 : i32, message = "ep_wait_in"}> : () -> ()
            %add3A_316 = arith.constant 0 : i32
            %add3A_317 = arith.addi %add3A_157, %add3A_316 : i32
            %mul3A_318 = arith.constant 128 : i32
            %mul3A_319 = arith.muli %mul3A_318, %add3A_317 : i32
            %rem3A_320 = arith.constant 2 : i32
            %rem3A_321 = arith.remui %while3A_146, %rem3A_320 : i32
            %dma_wait3A = arith.constant 0 : i32
            %dma_wait3A_322 = arith.constant 0 : i32
            %dma_wait3A_323 = tpu.memref_slice %run_scoped3A[%rem3A_321, %dma_wait3A, %dma_wait3A_322] : memref<2x1x128xi32, #tpu.memory_space<vmem>> -> memref<1x1x128xi32, #tpu.memory_space<vmem>>
            %dma_wait3A_324 = tpu.memref_squeeze %dma_wait3A_323 : memref<1x1x128xi32, #tpu.memory_space<vmem>> -> memref<1x128xi32, #tpu.memory_space<vmem>>
            %dma_wait3A_325 = arith.constant 0 : i32
            %dma_wait3A_326 = tpu.memref_slice %arg3[%dma_wait3A_325, %mul3A_319] : memref<2x320000xi32, #tpu.memory_space<hbm>> -> memref<1x128xi32, #tpu.memory_space<hbm>>
            %dma_wait3A_327 = tpu.memref_slice %run_scoped3A_17[%rem3A_321] : memref<2x!tpu.dma_semaphore, #tpu.memory_space<semaphore_mem>> -> memref<1x!tpu.dma_semaphore, #tpu.memory_space<semaphore_mem>>
            %dma_wait3A_328 = tpu.memref_squeeze %dma_wait3A_327 : memref<1x!tpu.dma_semaphore, #tpu.memory_space<semaphore_mem>> -> memref<!tpu.dma_semaphore, #tpu.memory_space<semaphore_mem>>
            %dma_wait3A_329 = arith.constant 0 : i32
            %dma_wait3A_330 = arith.constant 0 : i32
            %dma_wait3A_331 = tpu.memref_slice %run_scoped3A[%rem3A_321, %dma_wait3A_329, %dma_wait3A_330] : memref<2x1x128xi32, #tpu.memory_space<vmem>> -> memref<1x1x128xi32, #tpu.memory_space<vmem>>
            %dma_wait3A_332 = tpu.memref_squeeze %dma_wait3A_331 : memref<1x1x128xi32, #tpu.memory_space<vmem>> -> memref<1x128xi32, #tpu.memory_space<vmem>>
            %dma_wait3A_333 = arith.constant 0 : i32
            %dma_wait3A_334 = tpu.memref_slice %arg3[%dma_wait3A_333, %mul3A_319] : memref<2x320000xi32, #tpu.memory_space<hbm>> -> memref<1x128xi32, #tpu.memory_space<hbm>>
            tpu.wait_dma2 semaphore(%dma_wait3A_328 : memref<!tpu.dma_semaphore, #tpu.memory_space<semaphore_mem>>) src(%dma_wait3A_334 : memref<1x128xi32, #tpu.memory_space<hbm>>) dst(%dma_wait3A_332 : memref<1x128xi32, #tpu.memory_space<vmem>>)
            "tpu.trace_stop"() : () -> ()
          } else {
          }
          %ne3A_226 = arith.cmpi ne, %add3A_157, %add3A_167 : i32
          %or3A_227 = arith.constant false
          %or3A_228 = arith.ori %or3A_227, %ne3A_226 : i1
          %or3A_229 = arith.constant false
          %or3A_230 = arith.ori %or3A_228, %or3A_229 : i1
          %or3A_231 = arith.ori %or3A_230, %eq3A_153 : i1
          %convert_element_type3A_232 = arith.extui %or3A_231 : i1 to i32
          %cond3A_233 = arith.constant 0 : i32
          %cond3A_234 = arith.cmpi ne, %convert_element_type3A_232, %cond3A_233 : i32
          scf.if %cond3A_234 {
          } else {
          }
          %rem3A_235 = arith.constant 2 : i32
          %rem3A_236 = arith.remui %while3A_146, %rem3A_235 : i32
          %rem3A_237 = arith.constant 2 : i32
          %rem3A_238 = arith.remui %while3A_147, %rem3A_237 : i32
          %run_scoped3A_239 = arith.constant 0 : i32
          "tpu.trace_start"() <{level = 10 : i32, message = "ep_run_kernel"}> : () -> ()
          "tpu.region"() ({
            %run_scoped3A_316 = tpu.sem_alloc : memref<!tpu.dma_semaphore, #tpu.memory_space<semaphore_mem>>
            %dma_start3A_317 = arith.constant 0 : i32
            %dma_start3A_318 = arith.constant 0 : i32
            %dma_start3A_319 = tpu.memref_slice %run_scoped3A_18[%rem3A_238, %dma_start3A_317, %dma_start3A_318] : memref<2x128x128xf32, #tpu.memory_space<vmem>> -> memref<1x128x128xf32, #tpu.memory_space<vmem>>
            %dma_start3A_320 = tpu.memref_squeeze %dma_start3A_319 : memref<1x128x128xf32, #tpu.memory_space<vmem>> -> memref<128x128xf32, #tpu.memory_space<vmem>>
            %dma_start3A_321 = arith.constant 0 : i32
            %dma_start3A_322 = arith.constant 0 : i32
            %dma_start3A_323 = tpu.memref_slice %run_scoped3A[%rem3A_236, %dma_start3A_321, %dma_start3A_322] : memref<2x1x128xi32, #tpu.memory_space<vmem>> -> memref<1x1x128xi32, #tpu.memory_space<vmem>>
            %dma_start3A_324 = tpu.memref_squeeze %dma_start3A_323 : memref<1x1x128xi32, #tpu.memory_space<vmem>> -> memref<1x128xi32, #tpu.memory_space<vmem>>
            %dma_start3A_325 = arith.constant 0 : i32
            %dma_start3A_326 = tpu.memref_slice %dma_start3A_324[%run_scoped3A_239, %dma_start3A_325] : memref<1x128xi32, #tpu.memory_space<vmem>> -> memref<1x128xi32, #tpu.memory_space<vmem>>
            %dma_start3A_327 = tpu.memref_squeeze %dma_start3A_326 : memref<1x128xi32, #tpu.memory_space<vmem>> -> memref<128xi32, #tpu.memory_space<vmem>>
            %dma_start3A_328 = arith.constant 0 : i32
            %dma_start3A_329 = arith.constant 0 : i32
            %dma_start3A_330 = tpu.memref_slice %arg2[%dma_start3A_328, %dma_start3A_329] : memref<10000x128xf32, #tpu.memory_space<hbm>> -> memref<10000x128xf32, #tpu.memory_space<hbm>>
            tpu.enqueue_indirect_dma source(%dma_start3A_330 : memref<10000x128xf32, #tpu.memory_space<hbm>>) target(%dma_start3A_320 : memref<128x128xf32, #tpu.memory_space<vmem>>) offsets(%dma_start3A_327 : memref<128xi32, #tpu.memory_space<vmem>>) semaphore(%run_scoped3A_316 : memref<!tpu.dma_semaphore, #tpu.memory_space<semaphore_mem>>)
            %dma_wait3A = arith.constant 0 : i32
            %dma_wait3A_331 = arith.constant 0 : i32
            %dma_wait3A_332 = tpu.memref_slice %run_scoped3A_18[%rem3A_238, %dma_wait3A, %dma_wait3A_331] : memref<2x128x128xf32, #tpu.memory_space<vmem>> -> memref<1x128x128xf32, #tpu.memory_space<vmem>>
            %dma_wait3A_333 = tpu.memref_squeeze %dma_wait3A_332 : memref<1x128x128xf32, #tpu.memory_space<vmem>> -> memref<128x128xf32, #tpu.memory_space<vmem>>
            %dma_wait3A_334 = arith.constant 0 : i32
            %dma_wait3A_335 = arith.constant 0 : i32
            %dma_wait3A_336 = tpu.memref_slice %run_scoped3A[%rem3A_236, %dma_wait3A_334, %dma_wait3A_335] : memref<2x1x128xi32, #tpu.memory_space<vmem>> -> memref<1x1x128xi32, #tpu.memory_space<vmem>>
            %dma_wait3A_337 = tpu.memref_squeeze %dma_wait3A_336 : memref<1x1x128xi32, #tpu.memory_space<vmem>> -> memref<1x128xi32, #tpu.memory_space<vmem>>
            %dma_wait3A_338 = arith.constant 0 : i32
            %dma_wait3A_339 = tpu.memref_slice %dma_wait3A_337[%run_scoped3A_239, %dma_wait3A_338] : memref<1x128xi32, #tpu.memory_space<vmem>> -> memref<1x128xi32, #tpu.memory_space<vmem>>
            %dma_wait3A_340 = tpu.memref_squeeze %dma_wait3A_339 : memref<1x128xi32, #tpu.memory_space<vmem>> -> memref<128xi32, #tpu.memory_space<vmem>>
            %dma_wait3A_341 = arith.constant 0 : i32
            %dma_wait3A_342 = arith.constant 0 : i32
            %dma_wait3A_343 = tpu.memref_slice %arg2[%dma_wait3A_341, %dma_wait3A_342] : memref<10000x128xf32, #tpu.memory_space<hbm>> -> memref<10000x128xf32, #tpu.memory_space<hbm>>
            tpu.wait_indirect_dma semaphore(%run_scoped3A_316 : memref<!tpu.dma_semaphore, #tpu.memory_space<semaphore_mem>>) src(%dma_wait3A_343 : memref<10000x128xf32, #tpu.memory_space<hbm>>) dst(%dma_wait3A_333 : memref<128x128xf32, #tpu.memory_space<vmem>>)
            tpu.yield
          }) : () -> ()
          "tpu.trace_stop"() : () -> ()
          %add3A_240 = arith.constant 0 : i32
          %add3A_241 = arith.addi %add3A_157, %add3A_240 : i32
          %add3A_242 = arith.constant 0 : i32
          %add3A_243 = arith.addi %add3A_175, %add3A_242 : i32
          %ne3A_244 = arith.cmpi ne, %add3A_241, %add3A_243 : i32
          %or3A_245 = arith.constant false
          %or3A_246 = arith.ori %or3A_245, %ne3A_244 : i1
          %or3A_247 = arith.ori %or3A_246, %eq3A_156 : i1
          %convert_element_type3A_248 = arith.extui %or3A_247 : i1 to i32
          %cond3A_249 = arith.constant 0 : i32
          %cond3A_250 = arith.cmpi ne, %convert_element_type3A_248, %cond3A_249 : i32
          scf.if %cond3A_250 {
          } else {
          }
          %and3A_251 = arith.constant false
          %and3A_252 = arith.andi %or3A_247, %and3A_251 : i1
          %ne3A_253 = arith.cmpi ne, %add3A_157, %add3A_175 : i32
          %or3A_254 = arith.constant false
          %or3A_255 = arith.ori %or3A_254, %ne3A_253 : i1
          %or3A_256 = arith.constant false
          %or3A_257 = arith.ori %or3A_255, %or3A_256 : i1
          %or3A_258 = arith.ori %or3A_257, %eq3A_156 : i1
          %convert_element_type3A_259 = arith.extui %or3A_258 : i1 to i32
          %cond3A_260 = arith.constant 0 : i32
          %cond3A_261 = arith.cmpi ne, %convert_element_type3A_259, %cond3A_260 : i32
          scf.if %cond3A_261 {
            "tpu.trace_start"() <{level = 10 : i32, message = "ep_copy_out"}> : () -> ()
            %rem3A_316 = arith.constant 2 : i32
            %rem3A_317 = arith.remui %while3A_147, %rem3A_316 : i32
            %mul3A_318 = arith.constant 128 : i32
            %mul3A_319 = arith.muli %mul3A_318, %add3A_157 : i32
            %dma_start3A_320 = arith.constant 0 : i32
            %dma_start3A_321 = arith.constant 0 : i32
            %dma_start3A_322 = tpu.memref_slice %run_scoped3A_18[%rem3A_317, %dma_start3A_320, %dma_start3A_321] : memref<2x128x128xf32, #tpu.memory_space<vmem>> -> memref<1x128x128xf32, #tpu.memory_space<vmem>>
            %dma_start3A_323 = tpu.memref_squeeze %dma_start3A_322 : memref<1x128x128xf32, #tpu.memory_space<vmem>> -> memref<128x128xf32, #tpu.memory_space<vmem>>
            %dma_start3A_324 = arith.constant 0 : i32
            %dma_start3A_325 = tpu.memref_slice %arg4[%mul3A_319, %dma_start3A_324] : memref<160000x128xf32, #tpu.memory_space<hbm>> -> memref<128x128xf32, #tpu.memory_space<hbm>>
            %dma_start3A_326 = tpu.memref_slice %run_scoped3A_19[%rem3A_317] : memref<2x!tpu.dma_semaphore, #tpu.memory_space<semaphore_mem>> -> memref<1x!tpu.dma_semaphore, #tpu.memory_space<semaphore_mem>>
            %dma_start3A_327 = tpu.memref_squeeze %dma_start3A_326 : memref<1x!tpu.dma_semaphore, #tpu.memory_space<semaphore_mem>> -> memref<!tpu.dma_semaphore, #tpu.memory_space<semaphore_mem>>
            %dma_start3A_328 = arith.constant 0 : i32
            %dma_start3A_329 = tpu.memref_slice %arg4[%mul3A_319, %dma_start3A_328] : memref<160000x128xf32, #tpu.memory_space<hbm>> -> memref<128x128xf32, #tpu.memory_space<hbm>>
            %dma_start3A_330 = arith.constant 0 : i32
            %dma_start3A_331 = arith.constant 0 : i32
            %dma_start3A_332 = tpu.memref_slice %run_scoped3A_18[%rem3A_317, %dma_start3A_330, %dma_start3A_331] : memref<2x128x128xf32, #tpu.memory_space<vmem>> -> memref<1x128x128xf32, #tpu.memory_space<vmem>>
            %dma_start3A_333 = tpu.memref_squeeze %dma_start3A_332 : memref<1x128x128xf32, #tpu.memory_space<vmem>> -> memref<128x128xf32, #tpu.memory_space<vmem>>
            tpu.enqueue_dma source(%dma_start3A_333 : memref<128x128xf32, #tpu.memory_space<vmem>>) target(%dma_start3A_329 : memref<128x128xf32, #tpu.memory_space<hbm>>) target_semaphore(%dma_start3A_327 : memref<!tpu.dma_semaphore, #tpu.memory_space<semaphore_mem>>)
            "tpu.trace_stop"() : () -> ()
          } else {
          }
          %and3A_262 = arith.constant true
          %and3A_263 = arith.andi %or3A_258, %and3A_262 : i1
          %add3A_264 = arith.constant 1 : i32
          %add3A_265 = arith.addi %while3A_147, %add3A_264 : i32
          %select_n3A_266 = arith.select %and3A_263, %add3A_265, %while3A_147 : i32
          %add3A_267 = arith.constant 0 : i32
          %add3A_268 = arith.addi %add3A_157, %add3A_267 : i32
          %add3A_269 = arith.constant 0 : i32
          %add3A_270 = arith.addi %add3A_167, %add3A_269 : i32
          %ne3A_271 = arith.cmpi ne, %add3A_268, %add3A_270 : i32
          %or3A_272 = arith.constant false
          %or3A_273 = arith.ori %or3A_272, %ne3A_271 : i1
          %not3A_274 = arith.constant true
          %not3A_275 = arith.xori %eq3A_153, %not3A_274 : i1
          %and3A_276 = arith.andi %or3A_273, %not3A_275 : i1
          %convert_element_type3A_277 = arith.extui %and3A_276 : i1 to i32
          %cond3A_278 = arith.constant 0 : i32
          %cond3A_279 = arith.cmpi ne, %convert_element_type3A_277, %cond3A_278 : i32
          scf.if %cond3A_279 {
          } else {
          }
          %and3A_280 = arith.constant false
          %and3A_281 = arith.andi %and3A_276, %and3A_280 : i1
          %ne3A_282 = arith.cmpi ne, %add3A_157, %add3A_167 : i32
          %or3A_283 = arith.constant false
          %or3A_284 = arith.ori %or3A_283, %ne3A_282 : i1
          %or3A_285 = arith.constant false
          %or3A_286 = arith.ori %or3A_284, %or3A_285 : i1
          %not3A_287 = arith.constant true
          %not3A_288 = arith.xori %eq3A_153, %not3A_287 : i1
          %and3A_289 = arith.andi %or3A_286, %not3A_288 : i1
          %convert_element_type3A_290 = arith.extui %and3A_289 : i1 to i32
          %cond3A_291 = arith.constant 0 : i32
          %cond3A_292 = arith.cmpi ne, %convert_element_type3A_290, %cond3A_291 : i32
          scf.if %cond3A_292 {
            "tpu.trace_start"() <{level = 10 : i32, message = "ep_wait_out"}> : () -> ()
            %rem3A_316 = arith.constant 2 : i32
            %rem3A_317 = arith.remui %while3A_148, %rem3A_316 : i32
            %mul3A_318 = arith.constant 128 : i32
            %mul3A_319 = arith.muli %mul3A_318, %add3A_167 : i32
            %dma_wait3A = arith.constant 0 : i32
            %dma_wait3A_320 = arith.constant 0 : i32
            %dma_wait3A_321 = tpu.memref_slice %run_scoped3A_18[%rem3A_317, %dma_wait3A, %dma_wait3A_320] : memref<2x128x128xf32, #tpu.memory_space<vmem>> -> memref<1x128x128xf32, #tpu.memory_space<vmem>>
            %dma_wait3A_322 = tpu.memref_squeeze %dma_wait3A_321 : memref<1x128x128xf32, #tpu.memory_space<vmem>> -> memref<128x128xf32, #tpu.memory_space<vmem>>
            %dma_wait3A_323 = arith.constant 0 : i32
            %dma_wait3A_324 = tpu.memref_slice %arg4[%mul3A_319, %dma_wait3A_323] : memref<160000x128xf32, #tpu.memory_space<hbm>> -> memref<128x128xf32, #tpu.memory_space<hbm>>
            %dma_wait3A_325 = tpu.memref_slice %run_scoped3A_19[%rem3A_317] : memref<2x!tpu.dma_semaphore, #tpu.memory_space<semaphore_mem>> -> memref<1x!tpu.dma_semaphore, #tpu.memory_space<semaphore_mem>>
            %dma_wait3A_326 = tpu.memref_squeeze %dma_wait3A_325 : memref<1x!tpu.dma_semaphore, #tpu.memory_space<semaphore_mem>> -> memref<!tpu.dma_semaphore, #tpu.memory_space<semaphore_mem>>
            %dma_wait3A_327 = arith.constant 0 : i32
            %dma_wait3A_328 = tpu.memref_slice %arg4[%mul3A_319, %dma_wait3A_327] : memref<160000x128xf32, #tpu.memory_space<hbm>> -> memref<128x128xf32, #tpu.memory_space<hbm>>
            %dma_wait3A_329 = arith.constant 0 : i32
            %dma_wait3A_330 = arith.constant 0 : i32
            %dma_wait3A_331 = tpu.memref_slice %run_scoped3A_18[%rem3A_317, %dma_wait3A_329, %dma_wait3A_330] : memref<2x128x128xf32, #tpu.memory_space<vmem>> -> memref<1x128x128xf32, #tpu.memory_space<vmem>>
            %dma_wait3A_332 = tpu.memref_squeeze %dma_wait3A_331 : memref<1x128x128xf32, #tpu.memory_space<vmem>> -> memref<128x128xf32, #tpu.memory_space<vmem>>
            tpu.wait_dma2 semaphore(%dma_wait3A_326 : memref<!tpu.dma_semaphore, #tpu.memory_space<semaphore_mem>>) src(%dma_wait3A_332 : memref<128x128xf32, #tpu.memory_space<vmem>>) dst(%dma_wait3A_328 : memref<128x128xf32, #tpu.memory_space<hbm>>)
            "tpu.trace_stop"() : () -> ()
          } else {
          }
          %and3A_293 = arith.constant true
          %and3A_294 = arith.andi %and3A_289, %and3A_293 : i1
          %add3A_295 = arith.constant 1 : i32
          %add3A_296 = arith.addi %while3A_148, %add3A_295 : i32
          %select_n3A_297 = arith.select %and3A_294, %add3A_296, %while3A_148 : i32
          %add3A_298 = arith.constant 0 : i32
          %add3A_299 = arith.addi %add3A_157, %add3A_298 : i32
          %add3A_300 = arith.constant 0 : i32
          %add3A_301 = arith.addi %add3A_175, %add3A_300 : i32
          %ne3A_302 = arith.cmpi ne, %add3A_299, %add3A_301 : i32
          %or3A_303 = arith.constant false
          %or3A_304 = arith.ori %or3A_303, %ne3A_302 : i1
          %or3A_305 = arith.ori %or3A_304, %eq3A_156 : i1
          %add3A_306 = arith.constant 1 : i32
          %add3A_307 = arith.addi %while3A_146, %add3A_306 : i32
          %select_n3A_308 = arith.select %or3A_305, %add3A_307, %while3A_146 : i32
          %add3A_309 = arith.constant 1 : i32
          %add3A_310 = arith.addi %while3A_149, %add3A_309 : i32
          %select_n3A_311 = arith.constant true
          %select_n3A_312 = arith.select %select_n3A_311, %add3A_310, %while3A_149 : i32
          %eq3A_313 = arith.cmpi eq, %select_n3A_312, %select_n3A : i32
          %select_n3A_314 = arith.constant 0 : i32
          %select_n3A_315 = arith.select %eq3A_313, %select_n3A_314, %select_n3A_312 : i32
          scf.yield %select_n3A_201, %select_n3A_308, %select_n3A_266, %select_n3A_297, %select_n3A_315 : i32, i32, i32, i32, i32
        }
        %sub3A_93 = arith.constant 1 : i32
        %sub3A_94 = arith.subi %while3A_92#4, %sub3A_93 : i32
        %select_n3A_95 = arith.constant true
        %select_n3A_96 = arith.select %select_n3A_95, %sub3A_94, %while3A_92#4 : i32
        %eq3A_97 = arith.constant -1 : i32
        %eq3A_98 = arith.cmpi eq, %select_n3A_96, %eq3A_97 : i32
        %sub3A_99 = arith.constant 1 : i32
        %sub3A_100 = arith.subi %select_n3A, %sub3A_99 : i32
        %select_n3A_101 = arith.select %eq3A_98, %sub3A_100, %select_n3A_96 : i32
        %sub3A_102 = arith.constant 1 : i32
        %sub3A_103 = arith.subi %mul3A_16, %sub3A_102 : i32
        %mul3A_104 = arith.constant 1 : i32
        %mul3A_105 = arith.muli %mul3A_104, %select_n3A : i32
        %eq3A_106 = arith.constant 0 : i32
        %eq3A_107 = arith.cmpi eq, %sub3A_103, %eq3A_106 : i32
        %sub3A_108 = arith.constant 1 : i32
        %sub3A_109 = arith.subi %mul3A_105, %sub3A_108 : i32
        %eq3A_110 = arith.cmpi eq, %sub3A_103, %sub3A_109 : i32
        %add3A_111 = arith.addi %select_n3A_101, %select_n3A_14 : i32
        %sub3A_112 = arith.constant 1 : i32
        %sub3A_113 = arith.subi %select_n3A_101, %sub3A_112 : i32
        %select_n3A_114 = arith.constant true
        %select_n3A_115 = arith.select %select_n3A_114, %sub3A_113, %select_n3A_101 : i32
        %eq3A_116 = arith.constant -1 : i32
        %eq3A_117 = arith.cmpi eq, %select_n3A_115, %eq3A_116 : i32
        %sub3A_118 = arith.constant 1 : i32
        %sub3A_119 = arith.subi %select_n3A, %sub3A_118 : i32
        %select_n3A_120 = arith.select %eq3A_117, %sub3A_119, %select_n3A_115 : i32
        %add3A_121 = arith.addi %select_n3A_120, %select_n3A_14 : i32
        %add3A_122 = arith.constant 1 : i32
        %add3A_123 = arith.addi %select_n3A_101, %add3A_122 : i32
        %select_n3A_124 = arith.constant true
        %select_n3A_125 = arith.select %select_n3A_124, %add3A_123, %select_n3A_101 : i32
        %eq3A_126 = arith.cmpi eq, %select_n3A_125, %select_n3A : i32
        %select_n3A_127 = arith.constant 0 : i32
        %select_n3A_128 = arith.select %eq3A_126, %select_n3A_127, %select_n3A_125 : i32
        %add3A_129 = arith.addi %select_n3A_128, %select_n3A_14 : i32
        %add3A_130 = arith.constant 1 : i32
        %add3A_131 = arith.addi %select_n3A_128, %add3A_130 : i32
        %select_n3A_132 = arith.constant true
        %select_n3A_133 = arith.select %select_n3A_132, %add3A_131, %select_n3A_128 : i32
        %eq3A_134 = arith.cmpi eq, %select_n3A_133, %select_n3A : i32
        %select_n3A_135 = arith.constant 0 : i32
        %select_n3A_136 = arith.select %eq3A_134, %select_n3A_135, %select_n3A_133 : i32
        %add3A_137 = arith.addi %select_n3A_136, %select_n3A_14 : i32
        %convert_element_type3A_138 = arith.extui %eq3A_110 : i1 to i32
        %cond3A_139 = arith.constant 0 : i32
        %cond3A_140 = arith.cmpi ne, %convert_element_type3A_138, %cond3A_139 : i32
        scf.if %cond3A_140 {
        } else {
        }
        %convert_element_type3A_141 = arith.extui %eq3A_110 : i1 to i32
        %cond3A_142 = arith.constant 0 : i32
        %cond3A_143 = arith.cmpi ne, %convert_element_type3A_141, %cond3A_142 : i32
        scf.if %cond3A_143 {
          "tpu.trace_start"() <{level = 10 : i32, message = "ep_finalize"}> : () -> ()
          %rem3A_144 = arith.constant 2 : i32
          %rem3A_145 = arith.remui %while3A_92#3, %rem3A_144 : i32
          %mul3A_146 = arith.constant 128 : i32
          %mul3A_147 = arith.muli %mul3A_146, %add3A_111 : i32
          %dma_wait3A = arith.constant 0 : i32
          %dma_wait3A_148 = arith.constant 0 : i32
          %dma_wait3A_149 = tpu.memref_slice %run_scoped3A_18[%rem3A_145, %dma_wait3A, %dma_wait3A_148] : memref<2x128x128xf32, #tpu.memory_space<vmem>> -> memref<1x128x128xf32, #tpu.memory_space<vmem>>
          %dma_wait3A_150 = tpu.memref_squeeze %dma_wait3A_149 : memref<1x128x128xf32, #tpu.memory_space<vmem>> -> memref<128x128xf32, #tpu.memory_space<vmem>>
          %dma_wait3A_151 = arith.constant 0 : i32
          %dma_wait3A_152 = tpu.memref_slice %arg4[%mul3A_147, %dma_wait3A_151] : memref<160000x128xf32, #tpu.memory_space<hbm>> -> memref<128x128xf32, #tpu.memory_space<hbm>>
          %dma_wait3A_153 = tpu.memref_slice %run_scoped3A_19[%rem3A_145] : memref<2x!tpu.dma_semaphore, #tpu.memory_space<semaphore_mem>> -> memref<1x!tpu.dma_semaphore, #tpu.memory_space<semaphore_mem>>
          %dma_wait3A_154 = tpu.memref_squeeze %dma_wait3A_153 : memref<1x!tpu.dma_semaphore, #tpu.memory_space<semaphore_mem>> -> memref<!tpu.dma_semaphore, #tpu.memory_space<semaphore_mem>>
          %dma_wait3A_155 = arith.constant 0 : i32
          %dma_wait3A_156 = tpu.memref_slice %arg4[%mul3A_147, %dma_wait3A_155] : memref<160000x128xf32, #tpu.memory_space<hbm>> -> memref<128x128xf32, #tpu.memory_space<hbm>>
          %dma_wait3A_157 = arith.constant 0 : i32
          %dma_wait3A_158 = arith.constant 0 : i32
          %dma_wait3A_159 = tpu.memref_slice %run_scoped3A_18[%rem3A_145, %dma_wait3A_157, %dma_wait3A_158] : memref<2x128x128xf32, #tpu.memory_space<vmem>> -> memref<1x128x128xf32, #tpu.memory_space<vmem>>
          %dma_wait3A_160 = tpu.memref_squeeze %dma_wait3A_159 : memref<1x128x128xf32, #tpu.memory_space<vmem>> -> memref<128x128xf32, #tpu.memory_space<vmem>>
          tpu.wait_dma2 semaphore(%dma_wait3A_154 : memref<!tpu.dma_semaphore, #tpu.memory_space<semaphore_mem>>) src(%dma_wait3A_160 : memref<128x128xf32, #tpu.memory_space<vmem>>) dst(%dma_wait3A_156 : memref<128x128xf32, #tpu.memory_space<hbm>>)
          "tpu.trace_stop"() : () -> ()
        } else {
        }
      } else {
      }
      tpu.yield
    }) : () -> ()
    return
  }
}

#map = affine_map<(d0, d1) -> (0, 0)>
#map1 = affine_map<(d0, d1) -> (0, 0, 0)>
module attributes {stable_mosaic.version = 14 : i64} {
  func.func @k(%arg0: i32, %arg1: i32, %arg2: memref<160000x128xf32, #tpu.memory_space<hbm>>, %arg3: memref<2500x128xi32, #tpu.memory_space<hbm>>, %arg4: memref<2x10240x128xf32, #tpu.memory_space<hbm>>, %arg5: memref<10240x128xf32, #tpu.memory_space<vmem_shared>>, %arg6: memref<64x128xf32, #tpu.memory_space<vmem>>) attributes {dimension_semantics = [#tpu.dimension_semantics<core_parallel>, #tpu.dimension_semantics<subcore_parallel>], iteration_bounds = array<i64: 2, 16>, scalar_prefetch = 0 : i64, scratch_operands = 2 : i64, tpu.core_type = #tpu.core_type<sc_vector_subcore>, window_params = [{transform_indices = #map}, {transform_indices = #map}, {transform_indices = #map1}]} {
    %mul3A = arith.constant 640 : i32
    %mul3A_0 = arith.muli %arg1, %mul3A : i32
    %scan3A = arith.constant 0 : i32
    %scan3A_1 = arith.constant 64 : i32
    %scan3A_2 = arith.addi %scan3A, %scan3A_1 : i32
    %scan3A_3 = arith.constant 1 : i32
    scf.for %scan3A_29 = %scan3A to %scan3A_2 step %scan3A_3  : i32 {
      %mul3A_30 = arith.constant 1 : i32
      %mul3A_31 = arith.muli %scan3A_29, %mul3A_30 : i32
      %add3A_32 = arith.constant 0 : i32
      %add3A_33 = arith.addi %add3A_32, %mul3A_31 : i32
      %scan3A_34 = arith.constant 0 : i32
      %scan3A_35 = arith.constant 8 : i32
      %scan3A_36 = arith.addi %scan3A_34, %scan3A_35 : i32
      %scan3A_37 = arith.constant 1 : i32
      scf.for %scan3A_39 = %scan3A_34 to %scan3A_36 step %scan3A_37  : i32 {
        %mul3A_40 = arith.constant 16 : i32
        %mul3A_41 = arith.muli %scan3A_39, %mul3A_40 : i32
        %add3A_42 = arith.constant 0 : i32
        %add3A_43 = arith.addi %add3A_42, %mul3A_41 : i32
        %broadcast_in_dim3A = arith.constant 0.000000e+00 : f32
        %broadcast_in_dim3A_44 = vector.broadcast %broadcast_in_dim3A : f32 to vector<16xf32>
        %swap3A = arith.index_cast %add3A_33 : i32 to index
        %swap3A_45 = arith.index_cast %add3A_43 : i32 to index
        %swap3A_46 = tpu.vector_load %arg6[%swap3A, %swap3A_45] {strides = array<i32>} : memref<64x128xf32, #tpu.memory_space<vmem>>, vector<1x16xf32>,
        %swap3A_47 = vector.shape_cast %swap3A_46 : vector<1x16xf32> to vector<16xf32>
        %swap3A_48 = vector.shape_cast %broadcast_in_dim3A_44 : vector<16xf32> to vector<1x16xf32>
        tpu.vector_store %arg6[%swap3A, %swap3A_45], %swap3A_48 {strides = array<i32>} : memref<64x128xf32, #tpu.memory_space<vmem>>, vector<1x16xf32>,
      }
      %scan3A_38 = arith.constant 8 : i32
    }
    %scan3A_4 = arith.constant 64 : i32
    %scan3A_5 = arith.constant 0 : i32
    %scan3A_6 = arith.constant 10 : i32
    %scan3A_7 = arith.addi %scan3A_5, %scan3A_6 : i32
    %scan3A_8 = arith.constant 1 : i32
    scf.for %scan3A_29 = %scan3A_5 to %scan3A_7 step %scan3A_8  : i32 {
      %mul3A_30 = arith.constant 64 : i32
      %mul3A_31 = arith.muli %scan3A_29, %mul3A_30 : i32
      %add3A_32 = arith.constant 0 : i32
      %add3A_33 = arith.addi %add3A_32, %mul3A_31 : i32
      %add3A_34 = arith.addi %mul3A_0, %add3A_33 : i32
      "tpu.region"() ({
        %run_scoped3A = tpu.sem_alloc : memref<!tpu.dma_semaphore, #tpu.memory_space<semaphore_mem>>
        %dma_start3A = arith.constant 0 : i32
        %dma_start3A_35 = tpu.memref_slice %arg5[%add3A_34, %dma_start3A] : memref<10240x128xf32, #tpu.memory_space<vmem_shared>> -> memref<64x128xf32, #tpu.memory_space<vmem_shared>>
        %dma_start3A_36 = arith.constant 0 : i32
        %dma_start3A_37 = tpu.memref_slice %arg5[%add3A_34, %dma_start3A_36] : memref<10240x128xf32, #tpu.memory_space<vmem_shared>> -> memref<64x128xf32, #tpu.memory_space<vmem_shared>>
        tpu.enqueue_dma source(%arg6 : memref<64x128xf32, #tpu.memory_space<vmem>>) target(%dma_start3A_37 : memref<64x128xf32, #tpu.memory_space<vmem_shared>>) target_semaphore(%run_scoped3A : memref<!tpu.dma_semaphore, #tpu.memory_space<semaphore_mem>>)
        %dma_wait3A = arith.constant 0 : i32
        %dma_wait3A_38 = tpu.memref_slice %arg5[%add3A_34, %dma_wait3A] : memref<10240x128xf32, #tpu.memory_space<vmem_shared>> -> memref<64x128xf32, #tpu.memory_space<vmem_shared>>
        %dma_wait3A_39 = arith.constant 0 : i32
        %dma_wait3A_40 = tpu.memref_slice %arg5[%add3A_34, %dma_wait3A_39] : memref<10240x128xf32, #tpu.memory_space<vmem_shared>> -> memref<64x128xf32, #tpu.memory_space<vmem_shared>>
        tpu.wait_dma2 semaphore(%run_scoped3A : memref<!tpu.dma_semaphore, #tpu.memory_space<semaphore_mem>>) src(%arg6 : memref<64x128xf32, #tpu.memory_space<vmem>>) dst(%dma_wait3A_40 : memref<64x128xf32, #tpu.memory_space<vmem_shared>>)
        tpu.yield
      }) : () -> ()
    }
    %scan3A_9 = arith.constant 10 : i32
    %barrier3A = arith.constant 0 : index
    tpu.barrier barrier_id(%barrier3A)
    %mul3A_10 = arith.constant 1 : i32
    %mul3A_11 = arith.muli %arg1, %mul3A_10 : i32
    %add3A = arith.constant 0 : i32
    %add3A_12 = arith.addi %add3A, %mul3A_11 : i32
    %mul3A_13 = arith.constant 16 : i32
    %mul3A_14 = arith.muli %arg0, %mul3A_13 : i32
    %add3A_15 = arith.addi %add3A_12, %mul3A_14 : i32
    %lt3A = arith.constant 2 : i32
    %lt3A_16 = arith.cmpi slt, %add3A_15, %lt3A : i32
    %jit3A = arith.constant 40 : i32
    %jit3A_17 = arith.constant 39 : i32
    %select_n3A = arith.select %lt3A_16, %jit3A, %jit3A_17 : i32
    %lt3A_18 = arith.constant 2 : i32
    %lt3A_19 = arith.cmpi slt, %add3A_15, %lt3A_18 : i32
    %mul3A_20 = arith.muli %add3A_15, %select_n3A : i32
    %mul3A_21 = arith.constant 39 : i32
    %mul3A_22 = arith.muli %add3A_15, %mul3A_21 : i32
    %add3A_23 = arith.constant 2 : i32
    %add3A_24 = arith.addi %mul3A_22, %add3A_23 : i32
    %select_n3A_25 = arith.select %lt3A_19, %mul3A_20, %add3A_24 : i32
    %mul3A_26 = arith.constant 1 : i32
    %mul3A_27 = arith.muli %mul3A_26, %select_n3A : i32
    "tpu.region"() ({
      %run_scoped3A = memref.alloca() : memref<2x128x128xf32, #tpu.memory_space<vmem>>
      %run_scoped3A_29 = tpu.sem_alloc : memref<2x!tpu.dma_semaphore, #tpu.memory_space<semaphore_mem>>
      %run_scoped3A_30 = memref.alloca() : memref<2x1x128xi32, #tpu.memory_space<vmem>>
      %run_scoped3A_31 = tpu.sem_alloc : memref<2x!tpu.dma_semaphore, #tpu.memory_space<semaphore_mem>>
      %gt3A = arith.constant 0 : i32
      %gt3A_32 = arith.cmpi sgt, %mul3A_27, %gt3A : i32
      %convert_element_type3A = arith.extui %gt3A_32 : i1 to i32
      %cond3A = arith.constant 0 : i32
      %cond3A_33 = arith.cmpi ne, %convert_element_type3A, %cond3A : i32
      scf.if %cond3A_33 {
        %mul3A_34 = arith.constant 1 : i32
        %mul3A_35 = arith.muli %mul3A_34, %select_n3A : i32
        %sub3A = arith.constant 1 : i32
        %sub3A_36 = arith.subi %mul3A_35, %sub3A : i32
        %eq3A = arith.constant 0 : i32
        %eq3A_37 = arith.cmpi eq, %sub3A_36, %eq3A : i32
        %add3A_38 = arith.constant 0 : i32
        %add3A_39 = arith.addi %add3A_38, %select_n3A_25 : i32
        %select_n3A_40 = arith.constant true
        %select_n3A_41 = arith.constant 0 : i32
        %select_n3A_42 = arith.constant -1 : i32
        %select_n3A_43 = arith.select %select_n3A_40, %select_n3A_42, %select_n3A_41 : i32
        %eq3A_44 = arith.constant -1 : i32
        %eq3A_45 = arith.cmpi eq, %select_n3A_43, %eq3A_44 : i32
        %sub3A_46 = arith.constant 1 : i32
        %sub3A_47 = arith.subi %select_n3A, %sub3A_46 : i32
        %select_n3A_48 = arith.select %eq3A_45, %sub3A_47, %select_n3A_43 : i32
        %add3A_49 = arith.addi %select_n3A_48, %select_n3A_25 : i32
        %select_n3A_50 = arith.constant true
        %select_n3A_51 = arith.constant 0 : i32
        %select_n3A_52 = arith.constant 1 : i32
        %select_n3A_53 = arith.select %select_n3A_50, %select_n3A_52, %select_n3A_51 : i32
        %eq3A_54 = arith.cmpi eq, %select_n3A_53, %select_n3A : i32
        %select_n3A_55 = arith.constant 0 : i32
        %select_n3A_56 = arith.select %eq3A_54, %select_n3A_55, %select_n3A_53 : i32
        %add3A_57 = arith.addi %select_n3A_56, %select_n3A_25 : i32
        %add3A_58 = arith.constant 1 : i32
        %add3A_59 = arith.addi %select_n3A_56, %add3A_58 : i32
        %select_n3A_60 = arith.constant true
        %select_n3A_61 = arith.select %select_n3A_60, %add3A_59, %select_n3A_56 : i32
        %eq3A_62 = arith.cmpi eq, %select_n3A_61, %select_n3A : i32
        %select_n3A_63 = arith.constant 0 : i32
        %select_n3A_64 = arith.select %eq3A_62, %select_n3A_63, %select_n3A_61 : i32
        %add3A_65 = arith.addi %select_n3A_64, %select_n3A_25 : i32
        "tpu.trace_start"() <{level = 10 : i32, message = "ep_initialize_0"}> : () -> ()
        %rem3A = arith.constant 0 : i32
        %rem3A_66 = arith.constant 2 : i32
        %rem3A_67 = arith.remui %rem3A, %rem3A_66 : i32
        %mul3A_68 = arith.constant 128 : i32
        %mul3A_69 = arith.muli %mul3A_68, %add3A_39 : i32
        %dma_start3A = arith.constant 0 : i32
        %dma_start3A_70 = arith.constant 0 : i32
        %dma_start3A_71 = tpu.memref_slice %run_scoped3A[%rem3A_67, %dma_start3A, %dma_start3A_70] : memref<2x128x128xf32, #tpu.memory_space<vmem>> -> memref<1x128x128xf32, #tpu.memory_space<vmem>>
        %dma_start3A_72 = tpu.memref_squeeze %dma_start3A_71 : memref<1x128x128xf32, #tpu.memory_space<vmem>> -> memref<128x128xf32, #tpu.memory_space<vmem>>
        %dma_start3A_73 = arith.constant 0 : i32
        %dma_start3A_74 = tpu.memref_slice %arg2[%mul3A_69, %dma_start3A_73] : memref<160000x128xf32, #tpu.memory_space<hbm>> -> memref<128x128xf32, #tpu.memory_space<hbm>>
        %dma_start3A_75 = tpu.memref_slice %run_scoped3A_29[%rem3A_67] : memref<2x!tpu.dma_semaphore, #tpu.memory_space<semaphore_mem>> -> memref<1x!tpu.dma_semaphore, #tpu.memory_space<semaphore_mem>>
        %dma_start3A_76 = tpu.memref_squeeze %dma_start3A_75 : memref<1x!tpu.dma_semaphore, #tpu.memory_space<semaphore_mem>> -> memref<!tpu.dma_semaphore, #tpu.memory_space<semaphore_mem>>
        %dma_start3A_77 = arith.constant 0 : i32
        %dma_start3A_78 = arith.constant 0 : i32
        %dma_start3A_79 = tpu.memref_slice %run_scoped3A[%rem3A_67, %dma_start3A_77, %dma_start3A_78] : memref<2x128x128xf32, #tpu.memory_space<vmem>> -> memref<1x128x128xf32, #tpu.memory_space<vmem>>
        %dma_start3A_80 = tpu.memref_squeeze %dma_start3A_79 : memref<1x128x128xf32, #tpu.memory_space<vmem>> -> memref<128x128xf32, #tpu.memory_space<vmem>>
        %dma_start3A_81 = arith.constant 0 : i32
        %dma_start3A_82 = tpu.memref_slice %arg2[%mul3A_69, %dma_start3A_81] : memref<160000x128xf32, #tpu.memory_space<hbm>> -> memref<128x128xf32, #tpu.memory_space<hbm>>
        tpu.enqueue_dma source(%dma_start3A_82 : memref<128x128xf32, #tpu.memory_space<hbm>>) target(%dma_start3A_80 : memref<128x128xf32, #tpu.memory_space<vmem>>) target_semaphore(%dma_start3A_76 : memref<!tpu.dma_semaphore, #tpu.memory_space<semaphore_mem>>)
        %add3A_83 = arith.constant 0 : i32
        %add3A_84 = arith.constant 1 : i32
        %add3A_85 = arith.addi %add3A_83, %add3A_84 : i32
        %select_n3A_86 = arith.constant true
        %select_n3A_87 = arith.constant 0 : i32
        %select_n3A_88 = arith.select %select_n3A_86, %add3A_85, %select_n3A_87 : i32
        %rem3A_89 = arith.constant 0 : i32
        %rem3A_90 = arith.constant 2 : i32
        %rem3A_91 = arith.remui %rem3A_89, %rem3A_90 : i32
        %add3A_92 = arith.constant 0 : i32
        %add3A_93 = arith.addi %add3A_39, %add3A_92 : i32
        %mul3A_94 = arith.constant 1 : i32
        %mul3A_95 = arith.muli %mul3A_94, %add3A_93 : i32
        %dma_start3A_96 = arith.constant 0 : i32
        %dma_start3A_97 = arith.constant 0 : i32
        %dma_start3A_98 = tpu.memref_slice %run_scoped3A_30[%rem3A_91, %dma_start3A_96, %dma_start3A_97] : memref<2x1x128xi32, #tpu.memory_space<vmem>> -> memref<1x1x128xi32, #tpu.memory_space<vmem>>
        %dma_start3A_99 = tpu.memref_squeeze %dma_start3A_98 : memref<1x1x128xi32, #tpu.memory_space<vmem>> -> memref<1x128xi32, #tpu.memory_space<vmem>>
        %dma_start3A_100 = arith.constant 0 : i32
        %dma_start3A_101 = tpu.memref_slice %arg3[%mul3A_95, %dma_start3A_100] : memref<2500x128xi32, #tpu.memory_space<hbm>> -> memref<1x128xi32, #tpu.memory_space<hbm>>
        %dma_start3A_102 = tpu.memref_slice %run_scoped3A_31[%rem3A_91] : memref<2x!tpu.dma_semaphore, #tpu.memory_space<semaphore_mem>> -> memref<1x!tpu.dma_semaphore, #tpu.memory_space<semaphore_mem>>
        %dma_start3A_103 = tpu.memref_squeeze %dma_start3A_102 : memref<1x!tpu.dma_semaphore, #tpu.memory_space<semaphore_mem>> -> memref<!tpu.dma_semaphore, #tpu.memory_space<semaphore_mem>>
        %dma_start3A_104 = arith.constant 0 : i32
        %dma_start3A_105 = arith.constant 0 : i32
        %dma_start3A_106 = tpu.memref_slice %run_scoped3A_30[%rem3A_91, %dma_start3A_104, %dma_start3A_105] : memref<2x1x128xi32, #tpu.memory_space<vmem>> -> memref<1x1x128xi32, #tpu.memory_space<vmem>>
        %dma_start3A_107 = tpu.memref_squeeze %dma_start3A_106 : memref<1x1x128xi32, #tpu.memory_space<vmem>> -> memref<1x128xi32, #tpu.memory_space<vmem>>
        %dma_start3A_108 = arith.constant 0 : i32
        %dma_start3A_109 = tpu.memref_slice %arg3[%mul3A_95, %dma_start3A_108] : memref<2500x128xi32, #tpu.memory_space<hbm>> -> memref<1x128xi32, #tpu.memory_space<hbm>>
        tpu.enqueue_dma source(%dma_start3A_109 : memref<1x128xi32, #tpu.memory_space<hbm>>) target(%dma_start3A_107 : memref<1x128xi32, #tpu.memory_space<vmem>>) target_semaphore(%dma_start3A_103 : memref<!tpu.dma_semaphore, #tpu.memory_space<semaphore_mem>>)
        %add3A_110 = arith.constant 0 : i32
        %add3A_111 = arith.constant 1 : i32
        %add3A_112 = arith.addi %add3A_110, %add3A_111 : i32
        %select_n3A_113 = arith.constant true
        %select_n3A_114 = arith.constant 0 : i32
        %select_n3A_115 = arith.select %select_n3A_113, %add3A_112, %select_n3A_114 : i32
        %while3A = arith.constant 0 : i32
        %while3A_116 = arith.constant 0 : i32
        %while3A_117 = arith.constant 0 : i32
        %while3A_118 = arith.constant 0 : i32
        "tpu.trace_stop"() : () -> ()
        %while3A_119 = arith.subi %mul3A_27, %while3A : i32
        %while3A_120 = arith.addi %while3A, %while3A_119 : i32
        %while3A_121 = arith.constant 1 : i32
        %while3A_122 = arith.divsi %while3A_119, %while3A_121 : i32
        %while3A_123 = arith.muli %while3A_122, %while3A_121 : i32
        %while3A_124 = arith.addi %while3A, %while3A_123 : i32
        %while3A_125 = arith.constant 1 : i32
        %while3A_126:5 = scf.for %while3A_180 = %while3A to %while3A_124 step %while3A_125 iter_args(%while3A_181 = %select_n3A_88, %while3A_182 = %while3A_116, %while3A_183 = %select_n3A_115, %while3A_184 = %while3A_117, %while3A_185 = %while3A_118) -> (i32, i32, i32, i32, i32)  : i32 {
          %mul3A_186 = arith.constant 1 : i32
          %mul3A_187 = arith.muli %mul3A_186, %select_n3A : i32
          %eq3A_188 = arith.constant 0 : i32
          %eq3A_189 = arith.cmpi eq, %while3A_180, %eq3A_188 : i32
          %sub3A_190 = arith.constant 1 : i32
          %sub3A_191 = arith.subi %mul3A_187, %sub3A_190 : i32
          %eq3A_192 = arith.cmpi eq, %while3A_180, %sub3A_191 : i32
          %add3A_193 = arith.addi %while3A_185, %select_n3A_25 : i32
          %sub3A_194 = arith.constant 1 : i32
          %sub3A_195 = arith.subi %while3A_185, %sub3A_194 : i32
          %select_n3A_196 = arith.constant true
          %select_n3A_197 = arith.select %select_n3A_196, %sub3A_195, %while3A_185 : i32
          %eq3A_198 = arith.constant -1 : i32
          %eq3A_199 = arith.cmpi eq, %select_n3A_197, %eq3A_198 : i32
          %sub3A_200 = arith.constant 1 : i32
          %sub3A_201 = arith.subi %select_n3A, %sub3A_200 : i32
          %select_n3A_202 = arith.select %eq3A_199, %sub3A_201, %select_n3A_197 : i32
          %add3A_203 = arith.addi %select_n3A_202, %select_n3A_25 : i32
          %add3A_204 = arith.constant 1 : i32
          %add3A_205 = arith.addi %while3A_185, %add3A_204 : i32
          %select_n3A_206 = arith.constant true
          %select_n3A_207 = arith.select %select_n3A_206, %add3A_205, %while3A_185 : i32
          %eq3A_208 = arith.cmpi eq, %select_n3A_207, %select_n3A : i32
          %select_n3A_209 = arith.constant 0 : i32
          %select_n3A_210 = arith.select %eq3A_208, %select_n3A_209, %select_n3A_207 : i32
          %add3A_211 = arith.addi %select_n3A_210, %select_n3A_25 : i32
          %add3A_212 = arith.constant 1 : i32
          %add3A_213 = arith.addi %select_n3A_210, %add3A_212 : i32
          %select_n3A_214 = arith.constant true
          %select_n3A_215 = arith.select %select_n3A_214, %add3A_213, %select_n3A_210 : i32
          %eq3A_216 = arith.cmpi eq, %select_n3A_215, %select_n3A : i32
          %select_n3A_217 = arith.constant 0 : i32
          %select_n3A_218 = arith.select %eq3A_216, %select_n3A_217, %select_n3A_215 : i32
          %add3A_219 = arith.addi %select_n3A_218, %select_n3A_25 : i32
          %ne3A = arith.cmpi ne, %add3A_193, %add3A_211 : i32
          %or3A = arith.constant false
          %or3A_220 = arith.ori %or3A, %ne3A : i1
          %or3A_221 = arith.constant false
          %or3A_222 = arith.ori %or3A_220, %or3A_221 : i1
          %sub3A_223 = arith.constant 2 : i32
          %sub3A_224 = arith.subi %mul3A_187, %sub3A_223 : i32
          %add3A_225 = arith.constant 1 : i32
          %add3A_226 = arith.addi %sub3A_224, %add3A_225 : i32
          %ge3A = arith.cmpi sge, %while3A_180, %add3A_226 : i32
          %not3A = arith.constant true
          %not3A_227 = arith.xori %ge3A, %not3A : i1
          %and3A = arith.andi %or3A_222, %not3A_227 : i1
          %convert_element_type3A_228 = arith.extui %and3A : i1 to i32
          %cond3A_229 = arith.constant 0 : i32
          %cond3A_230 = arith.cmpi ne, %convert_element_type3A_228, %cond3A_229 : i32
          scf.if %cond3A_230 {
            "tpu.trace_start"() <{level = 10 : i32, message = "ep_copy_in"}> : () -> ()
            %rem3A_373 = arith.constant 2 : i32
            %rem3A_374 = arith.remui %while3A_181, %rem3A_373 : i32
            %mul3A_375 = arith.constant 128 : i32
            %mul3A_376 = arith.muli %mul3A_375, %add3A_211 : i32
            %dma_start3A_377 = arith.constant 0 : i32
            %dma_start3A_378 = arith.constant 0 : i32
            %dma_start3A_379 = tpu.memref_slice %run_scoped3A[%rem3A_374, %dma_start3A_377, %dma_start3A_378] : memref<2x128x128xf32, #tpu.memory_space<vmem>> -> memref<1x128x128xf32, #tpu.memory_space<vmem>>
            %dma_start3A_380 = tpu.memref_squeeze %dma_start3A_379 : memref<1x128x128xf32, #tpu.memory_space<vmem>> -> memref<128x128xf32, #tpu.memory_space<vmem>>
            %dma_start3A_381 = arith.constant 0 : i32
            %dma_start3A_382 = tpu.memref_slice %arg2[%mul3A_376, %dma_start3A_381] : memref<160000x128xf32, #tpu.memory_space<hbm>> -> memref<128x128xf32, #tpu.memory_space<hbm>>
            %dma_start3A_383 = tpu.memref_slice %run_scoped3A_29[%rem3A_374] : memref<2x!tpu.dma_semaphore, #tpu.memory_space<semaphore_mem>> -> memref<1x!tpu.dma_semaphore, #tpu.memory_space<semaphore_mem>>
            %dma_start3A_384 = tpu.memref_squeeze %dma_start3A_383 : memref<1x!tpu.dma_semaphore, #tpu.memory_space<semaphore_mem>> -> memref<!tpu.dma_semaphore, #tpu.memory_space<semaphore_mem>>
            %dma_start3A_385 = arith.constant 0 : i32
            %dma_start3A_386 = arith.constant 0 : i32
            %dma_start3A_387 = tpu.memref_slice %run_scoped3A[%rem3A_374, %dma_start3A_385, %dma_start3A_386] : memref<2x128x128xf32, #tpu.memory_space<vmem>> -> memref<1x128x128xf32, #tpu.memory_space<vmem>>
            %dma_start3A_388 = tpu.memref_squeeze %dma_start3A_387 : memref<1x128x128xf32, #tpu.memory_space<vmem>> -> memref<128x128xf32, #tpu.memory_space<vmem>>
            %dma_start3A_389 = arith.constant 0 : i32
            %dma_start3A_390 = tpu.memref_slice %arg2[%mul3A_376, %dma_start3A_389] : memref<160000x128xf32, #tpu.memory_space<hbm>> -> memref<128x128xf32, #tpu.memory_space<hbm>>
            tpu.enqueue_dma source(%dma_start3A_390 : memref<128x128xf32, #tpu.memory_space<hbm>>) target(%dma_start3A_388 : memref<128x128xf32, #tpu.memory_space<vmem>>) target_semaphore(%dma_start3A_384 : memref<!tpu.dma_semaphore, #tpu.memory_space<semaphore_mem>>)
            "tpu.trace_stop"() : () -> ()
          } else {
          }
          %and3A_231 = arith.constant true
          %and3A_232 = arith.andi %and3A, %and3A_231 : i1
          %add3A_233 = arith.constant 1 : i32
          %add3A_234 = arith.addi %while3A_181, %add3A_233 : i32
          %select_n3A_235 = arith.select %and3A_232, %add3A_234, %while3A_181 : i32
          %add3A_236 = arith.constant 0 : i32
          %add3A_237 = arith.addi %add3A_193, %add3A_236 : i32
          %add3A_238 = arith.constant 0 : i32
          %add3A_239 = arith.addi %add3A_211, %add3A_238 : i32
          %ne3A_240 = arith.cmpi ne, %add3A_237, %add3A_239 : i32
          %or3A_241 = arith.constant false
          %or3A_242 = arith.ori %or3A_241, %ne3A_240 : i1
          %or3A_243 = arith.constant false
          %or3A_244 = arith.ori %or3A_242, %or3A_243 : i1
          %sub3A_245 = arith.constant 2 : i32
          %sub3A_246 = arith.subi %mul3A_187, %sub3A_245 : i32
          %add3A_247 = arith.constant 1 : i32
          %add3A_248 = arith.addi %sub3A_246, %add3A_247 : i32
          %ge3A_249 = arith.cmpi sge, %while3A_180, %add3A_248 : i32
          %not3A_250 = arith.constant true
          %not3A_251 = arith.xori %ge3A_249, %not3A_250 : i1
          %and3A_252 = arith.andi %or3A_244, %not3A_251 : i1
          %convert_element_type3A_253 = arith.extui %and3A_252 : i1 to i32
          %cond3A_254 = arith.constant 0 : i32
          %cond3A_255 = arith.cmpi ne, %convert_element_type3A_253, %cond3A_254 : i32
          scf.if %cond3A_255 {
            "tpu.trace_start"() <{level = 10 : i32, message = "ep_copy_in"}> : () -> ()
            %rem3A_373 = arith.constant 2 : i32
            %rem3A_374 = arith.remui %while3A_183, %rem3A_373 : i32
            %add3A_375 = arith.constant 0 : i32
            %add3A_376 = arith.addi %add3A_211, %add3A_375 : i32
            %mul3A_377 = arith.constant 1 : i32
            %mul3A_378 = arith.muli %mul3A_377, %add3A_376 : i32
            %dma_start3A_379 = arith.constant 0 : i32
            %dma_start3A_380 = arith.constant 0 : i32
            %dma_start3A_381 = tpu.memref_slice %run_scoped3A_30[%rem3A_374, %dma_start3A_379, %dma_start3A_380] : memref<2x1x128xi32, #tpu.memory_space<vmem>> -> memref<1x1x128xi32, #tpu.memory_space<vmem>>
            %dma_start3A_382 = tpu.memref_squeeze %dma_start3A_381 : memref<1x1x128xi32, #tpu.memory_space<vmem>> -> memref<1x128xi32, #tpu.memory_space<vmem>>
            %dma_start3A_383 = arith.constant 0 : i32
            %dma_start3A_384 = tpu.memref_slice %arg3[%mul3A_378, %dma_start3A_383] : memref<2500x128xi32, #tpu.memory_space<hbm>> -> memref<1x128xi32, #tpu.memory_space<hbm>>
            %dma_start3A_385 = tpu.memref_slice %run_scoped3A_31[%rem3A_374] : memref<2x!tpu.dma_semaphore, #tpu.memory_space<semaphore_mem>> -> memref<1x!tpu.dma_semaphore, #tpu.memory_space<semaphore_mem>>
            %dma_start3A_386 = tpu.memref_squeeze %dma_start3A_385 : memref<1x!tpu.dma_semaphore, #tpu.memory_space<semaphore_mem>> -> memref<!tpu.dma_semaphore, #tpu.memory_space<semaphore_mem>>
            %dma_start3A_387 = arith.constant 0 : i32
            %dma_start3A_388 = arith.constant 0 : i32
            %dma_start3A_389 = tpu.memref_slice %run_scoped3A_30[%rem3A_374, %dma_start3A_387, %dma_start3A_388] : memref<2x1x128xi32, #tpu.memory_space<vmem>> -> memref<1x1x128xi32, #tpu.memory_space<vmem>>
            %dma_start3A_390 = tpu.memref_squeeze %dma_start3A_389 : memref<1x1x128xi32, #tpu.memory_space<vmem>> -> memref<1x128xi32, #tpu.memory_space<vmem>>
            %dma_start3A_391 = arith.constant 0 : i32
            %dma_start3A_392 = tpu.memref_slice %arg3[%mul3A_378, %dma_start3A_391] : memref<2500x128xi32, #tpu.memory_space<hbm>> -> memref<1x128xi32, #tpu.memory_space<hbm>>
            tpu.enqueue_dma source(%dma_start3A_392 : memref<1x128xi32, #tpu.memory_space<hbm>>) target(%dma_start3A_390 : memref<1x128xi32, #tpu.memory_space<vmem>>) target_semaphore(%dma_start3A_386 : memref<!tpu.dma_semaphore, #tpu.memory_space<semaphore_mem>>)
            "tpu.trace_stop"() : () -> ()
          } else {
          }
          %and3A_256 = arith.constant true
          %and3A_257 = arith.andi %and3A_252, %and3A_256 : i1
          %add3A_258 = arith.constant 1 : i32
          %add3A_259 = arith.addi %while3A_183, %add3A_258 : i32
          %select_n3A_260 = arith.select %and3A_257, %add3A_259, %while3A_183 : i32
          %ne3A_261 = arith.cmpi ne, %add3A_193, %add3A_203 : i32
          %or3A_262 = arith.constant false
          %or3A_263 = arith.ori %or3A_262, %ne3A_261 : i1
          %or3A_264 = arith.constant false
          %or3A_265 = arith.ori %or3A_263, %or3A_264 : i1
          %or3A_266 = arith.ori %or3A_265, %eq3A_189 : i1
          %convert_element_type3A_267 = arith.extui %or3A_266 : i1 to i32
          %cond3A_268 = arith.constant 0 : i32
          %cond3A_269 = arith.cmpi ne, %convert_element_type3A_267, %cond3A_268 : i32
          scf.if %cond3A_269 {
            "tpu.trace_start"() <{level = 10 : i32, message = "ep_wait_in"}> : () -> ()
            %mul3A_373 = arith.constant 128 : i32
            %mul3A_374 = arith.muli %mul3A_373, %add3A_193 : i32
            %rem3A_375 = arith.constant 2 : i32
            %rem3A_376 = arith.remui %while3A_182, %rem3A_375 : i32
            %dma_wait3A = arith.constant 0 : i32
            %dma_wait3A_377 = arith.constant 0 : i32
            %dma_wait3A_378 = tpu.memref_slice %run_scoped3A[%rem3A_376, %dma_wait3A, %dma_wait3A_377] : memref<2x128x128xf32, #tpu.memory_space<vmem>> -> memref<1x128x128xf32, #tpu.memory_space<vmem>>
            %dma_wait3A_379 = tpu.memref_squeeze %dma_wait3A_378 : memref<1x128x128xf32, #tpu.memory_space<vmem>> -> memref<128x128xf32, #tpu.memory_space<vmem>>
            %dma_wait3A_380 = arith.constant 0 : i32
            %dma_wait3A_381 = tpu.memref_slice %arg2[%mul3A_374, %dma_wait3A_380] : memref<160000x128xf32, #tpu.memory_space<hbm>> -> memref<128x128xf32, #tpu.memory_space<hbm>>
            %dma_wait3A_382 = tpu.memref_slice %run_scoped3A_29[%rem3A_376] : memref<2x!tpu.dma_semaphore, #tpu.memory_space<semaphore_mem>> -> memref<1x!tpu.dma_semaphore, #tpu.memory_space<semaphore_mem>>
            %dma_wait3A_383 = tpu.memref_squeeze %dma_wait3A_382 : memref<1x!tpu.dma_semaphore, #tpu.memory_space<semaphore_mem>> -> memref<!tpu.dma_semaphore, #tpu.memory_space<semaphore_mem>>
            %dma_wait3A_384 = arith.constant 0 : i32
            %dma_wait3A_385 = arith.constant 0 : i32
            %dma_wait3A_386 = tpu.memref_slice %run_scoped3A[%rem3A_376, %dma_wait3A_384, %dma_wait3A_385] : memref<2x128x128xf32, #tpu.memory_space<vmem>> -> memref<1x128x128xf32, #tpu.memory_space<vmem>>
            %dma_wait3A_387 = tpu.memref_squeeze %dma_wait3A_386 : memref<1x128x128xf32, #tpu.memory_space<vmem>> -> memref<128x128xf32, #tpu.memory_space<vmem>>
            %dma_wait3A_388 = arith.constant 0 : i32
            %dma_wait3A_389 = tpu.memref_slice %arg2[%mul3A_374, %dma_wait3A_388] : memref<160000x128xf32, #tpu.memory_space<hbm>> -> memref<128x128xf32, #tpu.memory_space<hbm>>
            tpu.wait_dma2 semaphore(%dma_wait3A_383 : memref<!tpu.dma_semaphore, #tpu.memory_space<semaphore_mem>>) src(%dma_wait3A_389 : memref<128x128xf32, #tpu.memory_space<hbm>>) dst(%dma_wait3A_387 : memref<128x128xf32, #tpu.memory_space<vmem>>)
            "tpu.trace_stop"() : () -> ()
          } else {
          }
          %add3A_270 = arith.constant 0 : i32
          %add3A_271 = arith.addi %add3A_193, %add3A_270 : i32
          %add3A_272 = arith.constant 0 : i32
          %add3A_273 = arith.addi %add3A_203, %add3A_272 : i32
          %ne3A_274 = arith.cmpi ne, %add3A_271, %add3A_273 : i32
          %or3A_275 = arith.constant false
          %or3A_276 = arith.ori %or3A_275, %ne3A_274 : i1
          %or3A_277 = arith.constant false
          %or3A_278 = arith.ori %or3A_276, %or3A_277 : i1
          %or3A_279 = arith.ori %or3A_278, %eq3A_189 : i1
          %convert_element_type3A_280 = arith.extui %or3A_279 : i1 to i32
          %cond3A_281 = arith.constant 0 : i32
          %cond3A_282 = arith.cmpi ne, %convert_element_type3A_280, %cond3A_281 : i32
          scf.if %cond3A_282 {
            "tpu.trace_start"() <{level = 10 : i32, message = "ep_wait_in"}> : () -> ()
            %add3A_373 = arith.constant 0 : i32
            %add3A_374 = arith.addi %add3A_193, %add3A_373 : i32
            %mul3A_375 = arith.constant 1 : i32
            %mul3A_376 = arith.muli %mul3A_375, %add3A_374 : i32
            %rem3A_377 = arith.constant 2 : i32
            %rem3A_378 = arith.remui %while3A_184, %rem3A_377 : i32
            %dma_wait3A = arith.constant 0 : i32
            %dma_wait3A_379 = arith.constant 0 : i32
            %dma_wait3A_380 = tpu.memref_slice %run_scoped3A_30[%rem3A_378, %dma_wait3A, %dma_wait3A_379] : memref<2x1x128xi32, #tpu.memory_space<vmem>> -> memref<1x1x128xi32, #tpu.memory_space<vmem>>
            %dma_wait3A_381 = tpu.memref_squeeze %dma_wait3A_380 : memref<1x1x128xi32, #tpu.memory_space<vmem>> -> memref<1x128xi32, #tpu.memory_space<vmem>>
            %dma_wait3A_382 = arith.constant 0 : i32
            %dma_wait3A_383 = tpu.memref_slice %arg3[%mul3A_376, %dma_wait3A_382] : memref<2500x128xi32, #tpu.memory_space<hbm>> -> memref<1x128xi32, #tpu.memory_space<hbm>>
            %dma_wait3A_384 = tpu.memref_slice %run_scoped3A_31[%rem3A_378] : memref<2x!tpu.dma_semaphore, #tpu.memory_space<semaphore_mem>> -> memref<1x!tpu.dma_semaphore, #tpu.memory_space<semaphore_mem>>
            %dma_wait3A_385 = tpu.memref_squeeze %dma_wait3A_384 : memref<1x!tpu.dma_semaphore, #tpu.memory_space<semaphore_mem>> -> memref<!tpu.dma_semaphore, #tpu.memory_space<semaphore_mem>>
            %dma_wait3A_386 = arith.constant 0 : i32
            %dma_wait3A_387 = arith.constant 0 : i32
            %dma_wait3A_388 = tpu.memref_slice %run_scoped3A_30[%rem3A_378, %dma_wait3A_386, %dma_wait3A_387] : memref<2x1x128xi32, #tpu.memory_space<vmem>> -> memref<1x1x128xi32, #tpu.memory_space<vmem>>
            %dma_wait3A_389 = tpu.memref_squeeze %dma_wait3A_388 : memref<1x1x128xi32, #tpu.memory_space<vmem>> -> memref<1x128xi32, #tpu.memory_space<vmem>>
            %dma_wait3A_390 = arith.constant 0 : i32
            %dma_wait3A_391 = tpu.memref_slice %arg3[%mul3A_376, %dma_wait3A_390] : memref<2500x128xi32, #tpu.memory_space<hbm>> -> memref<1x128xi32, #tpu.memory_space<hbm>>
            tpu.wait_dma2 semaphore(%dma_wait3A_385 : memref<!tpu.dma_semaphore, #tpu.memory_space<semaphore_mem>>) src(%dma_wait3A_391 : memref<1x128xi32, #tpu.memory_space<hbm>>) dst(%dma_wait3A_389 : memref<1x128xi32, #tpu.memory_space<vmem>>)
            "tpu.trace_stop"() : () -> ()
          } else {
          }
          %rem3A_283 = arith.constant 2 : i32
          %rem3A_284 = arith.remui %while3A_182, %rem3A_283 : i32
          %rem3A_285 = arith.constant 2 : i32
          %rem3A_286 = arith.remui %while3A_184, %rem3A_285 : i32
          %run_scoped3A_287 = arith.constant 0 : i32
          "tpu.trace_start"() <{level = 10 : i32, message = "ep_run_kernel"}> : () -> ()
          "tpu.region"() ({
            %run_scoped3A_373 = tpu.sem_alloc : memref<!tpu.dma_semaphore, #tpu.memory_space<semaphore_mem>>
            %dma_start3A_374 = arith.constant 0 : i32
            %dma_start3A_375 = arith.constant 0 : i32
            %dma_start3A_376 = tpu.memref_slice %run_scoped3A[%rem3A_284, %dma_start3A_374, %dma_start3A_375] : memref<2x128x128xf32, #tpu.memory_space<vmem>> -> memref<1x128x128xf32, #tpu.memory_space<vmem>>
            %dma_start3A_377 = tpu.memref_squeeze %dma_start3A_376 : memref<1x128x128xf32, #tpu.memory_space<vmem>> -> memref<128x128xf32, #tpu.memory_space<vmem>>
            %dma_start3A_378 = arith.constant 0 : i32
            %dma_start3A_379 = arith.constant 0 : i32
            %dma_start3A_380 = tpu.memref_slice %run_scoped3A_30[%rem3A_286, %dma_start3A_378, %dma_start3A_379] : memref<2x1x128xi32, #tpu.memory_space<vmem>> -> memref<1x1x128xi32, #tpu.memory_space<vmem>>
            %dma_start3A_381 = tpu.memref_squeeze %dma_start3A_380 : memref<1x1x128xi32, #tpu.memory_space<vmem>> -> memref<1x128xi32, #tpu.memory_space<vmem>>
            %dma_start3A_382 = arith.constant 0 : i32
            %dma_start3A_383 = tpu.memref_slice %dma_start3A_381[%run_scoped3A_287, %dma_start3A_382] : memref<1x128xi32, #tpu.memory_space<vmem>> -> memref<1x128xi32, #tpu.memory_space<vmem>>
            %dma_start3A_384 = tpu.memref_squeeze %dma_start3A_383 : memref<1x128xi32, #tpu.memory_space<vmem>> -> memref<128xi32, #tpu.memory_space<vmem>>
            %dma_start3A_385 = arith.constant 0 : i32
            %dma_start3A_386 = arith.constant 0 : i32
            %dma_start3A_387 = tpu.memref_slice %arg5[%dma_start3A_385, %dma_start3A_386] : memref<10240x128xf32, #tpu.memory_space<vmem_shared>> -> memref<10240x128xf32, #tpu.memory_space<vmem_shared>>
            tpu.enqueue_indirect_dma source(%dma_start3A_377 : memref<128x128xf32, #tpu.memory_space<vmem>>) target(%dma_start3A_387 : memref<10240x128xf32, #tpu.memory_space<vmem_shared>>) offsets(%dma_start3A_384 : memref<128xi32, #tpu.memory_space<vmem>>) semaphore(%run_scoped3A_373 : memref<!tpu.dma_semaphore, #tpu.memory_space<semaphore_mem>>) {add = true}
            %dma_wait3A = arith.constant 0 : i32
            %dma_wait3A_388 = arith.constant 0 : i32
            %dma_wait3A_389 = tpu.memref_slice %run_scoped3A[%rem3A_284, %dma_wait3A, %dma_wait3A_388] : memref<2x128x128xf32, #tpu.memory_space<vmem>> -> memref<1x128x128xf32, #tpu.memory_space<vmem>>
            %dma_wait3A_390 = tpu.memref_squeeze %dma_wait3A_389 : memref<1x128x128xf32, #tpu.memory_space<vmem>> -> memref<128x128xf32, #tpu.memory_space<vmem>>
            %dma_wait3A_391 = arith.constant 0 : i32
            %dma_wait3A_392 = arith.constant 0 : i32
            %dma_wait3A_393 = tpu.memref_slice %run_scoped3A_30[%rem3A_286, %dma_wait3A_391, %dma_wait3A_392] : memref<2x1x128xi32, #tpu.memory_space<vmem>> -> memref<1x1x128xi32, #tpu.memory_space<vmem>>
            %dma_wait3A_394 = tpu.memref_squeeze %dma_wait3A_393 : memref<1x1x128xi32, #tpu.memory_space<vmem>> -> memref<1x128xi32, #tpu.memory_space<vmem>>
            %dma_wait3A_395 = arith.constant 0 : i32
            %dma_wait3A_396 = tpu.memref_slice %dma_wait3A_394[%run_scoped3A_287, %dma_wait3A_395] : memref<1x128xi32, #tpu.memory_space<vmem>> -> memref<1x128xi32, #tpu.memory_space<vmem>>
            %dma_wait3A_397 = tpu.memref_squeeze %dma_wait3A_396 : memref<1x128xi32, #tpu.memory_space<vmem>> -> memref<128xi32, #tpu.memory_space<vmem>>
            %dma_wait3A_398 = arith.constant 0 : i32
            %dma_wait3A_399 = arith.constant 0 : i32
            %dma_wait3A_400 = tpu.memref_slice %arg5[%dma_wait3A_398, %dma_wait3A_399] : memref<10240x128xf32, #tpu.memory_space<vmem_shared>> -> memref<10240x128xf32, #tpu.memory_space<vmem_shared>>
            tpu.wait_indirect_dma semaphore(%run_scoped3A_373 : memref<!tpu.dma_semaphore, #tpu.memory_space<semaphore_mem>>) src(%dma_wait3A_390 : memref<128x128xf32, #tpu.memory_space<vmem>>) dst(%dma_wait3A_400 : memref<10240x128xf32, #tpu.memory_space<vmem_shared>>)
            tpu.yield
          }) : () -> ()
          "tpu.trace_stop"() : () -> ()
          %ne3A_288 = arith.cmpi ne, %add3A_193, %add3A_211 : i32
          %or3A_289 = arith.constant false
          %or3A_290 = arith.ori %or3A_289, %ne3A_288 : i1
          %or3A_291 = arith.constant false
          %or3A_292 = arith.ori %or3A_290, %or3A_291 : i1
          %or3A_293 = arith.ori %or3A_292, %eq3A_192 : i1
          %convert_element_type3A_294 = arith.extui %or3A_293 : i1 to i32
          %cond3A_295 = arith.constant 0 : i32
          %cond3A_296 = arith.cmpi ne, %convert_element_type3A_294, %cond3A_295 : i32
          scf.if %cond3A_296 {
          } else {
          }
          %and3A_297 = arith.constant false
          %and3A_298 = arith.andi %or3A_293, %and3A_297 : i1
          %add3A_299 = arith.constant 0 : i32
          %add3A_300 = arith.addi %add3A_193, %add3A_299 : i32
          %add3A_301 = arith.constant 0 : i32
          %add3A_302 = arith.addi %add3A_211, %add3A_301 : i32
          %ne3A_303 = arith.cmpi ne, %add3A_300, %add3A_302 : i32
          %or3A_304 = arith.constant false
          %or3A_305 = arith.ori %or3A_304, %ne3A_303 : i1
          %or3A_306 = arith.constant false
          %or3A_307 = arith.ori %or3A_305, %or3A_306 : i1
          %or3A_308 = arith.ori %or3A_307, %eq3A_192 : i1
          %convert_element_type3A_309 = arith.extui %or3A_308 : i1 to i32
          %cond3A_310 = arith.constant 0 : i32
          %cond3A_311 = arith.cmpi ne, %convert_element_type3A_309, %cond3A_310 : i32
          scf.if %cond3A_311 {
          } else {
          }
          %and3A_312 = arith.constant false
          %and3A_313 = arith.andi %or3A_308, %and3A_312 : i1
          %ne3A_314 = arith.cmpi ne, %add3A_193, %add3A_203 : i32
          %or3A_315 = arith.constant false
          %or3A_316 = arith.ori %or3A_315, %ne3A_314 : i1
          %or3A_317 = arith.constant false
          %or3A_318 = arith.ori %or3A_316, %or3A_317 : i1
          %not3A_319 = arith.constant true
          %not3A_320 = arith.xori %eq3A_189, %not3A_319 : i1
          %and3A_321 = arith.andi %or3A_318, %not3A_320 : i1
          %convert_element_type3A_322 = arith.extui %and3A_321 : i1 to i32
          %cond3A_323 = arith.constant 0 : i32
          %cond3A_324 = arith.cmpi ne, %convert_element_type3A_322, %cond3A_323 : i32
          scf.if %cond3A_324 {
          } else {
          }
          %and3A_325 = arith.constant false
          %and3A_326 = arith.andi %and3A_321, %and3A_325 : i1
          %add3A_327 = arith.constant 0 : i32
          %add3A_328 = arith.addi %add3A_193, %add3A_327 : i32
          %add3A_329 = arith.constant 0 : i32
          %add3A_330 = arith.addi %add3A_203, %add3A_329 : i32
          %ne3A_331 = arith.cmpi ne, %add3A_328, %add3A_330 : i32
          %or3A_332 = arith.constant false
          %or3A_333 = arith.ori %or3A_332, %ne3A_331 : i1
          %or3A_334 = arith.constant false
          %or3A_335 = arith.ori %or3A_333, %or3A_334 : i1
          %not3A_336 = arith.constant true
          %not3A_337 = arith.xori %eq3A_189, %not3A_336 : i1
          %and3A_338 = arith.andi %or3A_335, %not3A_337 : i1
          %convert_element_type3A_339 = arith.extui %and3A_338 : i1 to i32
          %cond3A_340 = arith.constant 0 : i32
          %cond3A_341 = arith.cmpi ne, %convert_element_type3A_339, %cond3A_340 : i32
          scf.if %cond3A_341 {
          } else {
          }
          %and3A_342 = arith.constant false
          %and3A_343 = arith.andi %and3A_338, %and3A_342 : i1
          %ne3A_344 = arith.cmpi ne, %add3A_193, %add3A_211 : i32
          %or3A_345 = arith.constant false
          %or3A_346 = arith.ori %or3A_345, %ne3A_344 : i1
          %or3A_347 = arith.constant false
          %or3A_348 = arith.ori %or3A_346, %or3A_347 : i1
          %or3A_349 = arith.ori %or3A_348, %eq3A_192 : i1
          %add3A_350 = arith.constant 1 : i32
          %add3A_351 = arith.addi %while3A_182, %add3A_350 : i32
          %select_n3A_352 = arith.select %or3A_349, %add3A_351, %while3A_182 : i32
          %add3A_353 = arith.constant 0 : i32
          %add3A_354 = arith.addi %add3A_193, %add3A_353 : i32
          %add3A_355 = arith.constant 0 : i32
          %add3A_356 = arith.addi %add3A_211, %add3A_355 : i32
          %ne3A_357 = arith.cmpi ne, %add3A_354, %add3A_356 : i32
          %or3A_358 = arith.constant false
          %or3A_359 = arith.ori %or3A_358, %ne3A_357 : i1
          %or3A_360 = arith.constant false
          %or3A_361 = arith.ori %or3A_359, %or3A_360 : i1
          %or3A_362 = arith.ori %or3A_361, %eq3A_192 : i1
          %add3A_363 = arith.constant 1 : i32
          %add3A_364 = arith.addi %while3A_184, %add3A_363 : i32
          %select_n3A_365 = arith.select %or3A_362, %add3A_364, %while3A_184 : i32
          %add3A_366 = arith.constant 1 : i32
          %add3A_367 = arith.addi %while3A_185, %add3A_366 : i32
          %select_n3A_368 = arith.constant true
          %select_n3A_369 = arith.select %select_n3A_368, %add3A_367, %while3A_185 : i32
          %eq3A_370 = arith.cmpi eq, %select_n3A_369, %select_n3A : i32
          %select_n3A_371 = arith.constant 0 : i32
          %select_n3A_372 = arith.select %eq3A_370, %select_n3A_371, %select_n3A_369 : i32
          scf.yield %select_n3A_235, %select_n3A_352, %select_n3A_260, %select_n3A_365, %select_n3A_372 : i32, i32, i32, i32, i32
        }
        %while3A_127 = arith.constant 1 : i32
        %while3A_128:5 = scf.for %while3A_180 = %while3A_124 to %while3A_120 step %while3A_127 iter_args(%while3A_181 = %while3A_126#0, %while3A_182 = %while3A_126#1, %while3A_183 = %while3A_126#2, %while3A_184 = %while3A_126#3, %while3A_185 = %while3A_126#4) -> (i32, i32, i32, i32, i32)  : i32 {
          %mul3A_186 = arith.constant 1 : i32
          %mul3A_187 = arith.muli %mul3A_186, %select_n3A : i32
          %eq3A_188 = arith.constant 0 : i32
          %eq3A_189 = arith.cmpi eq, %while3A_180, %eq3A_188 : i32
          %sub3A_190 = arith.constant 1 : i32
          %sub3A_191 = arith.subi %mul3A_187, %sub3A_190 : i32
          %eq3A_192 = arith.cmpi eq, %while3A_180, %sub3A_191 : i32
          %add3A_193 = arith.addi %while3A_185, %select_n3A_25 : i32
          %sub3A_194 = arith.constant 1 : i32
          %sub3A_195 = arith.subi %while3A_185, %sub3A_194 : i32
          %select_n3A_196 = arith.constant true
          %select_n3A_197 = arith.select %select_n3A_196, %sub3A_195, %while3A_185 : i32
          %eq3A_198 = arith.constant -1 : i32
          %eq3A_199 = arith.cmpi eq, %select_n3A_197, %eq3A_198 : i32
          %sub3A_200 = arith.constant 1 : i32
          %sub3A_201 = arith.subi %select_n3A, %sub3A_200 : i32
          %select_n3A_202 = arith.select %eq3A_199, %sub3A_201, %select_n3A_197 : i32
          %add3A_203 = arith.addi %select_n3A_202, %select_n3A_25 : i32
          %add3A_204 = arith.constant 1 : i32
          %add3A_205 = arith.addi %while3A_185, %add3A_204 : i32
          %select_n3A_206 = arith.constant true
          %select_n3A_207 = arith.select %select_n3A_206, %add3A_205, %while3A_185 : i32
          %eq3A_208 = arith.cmpi eq, %select_n3A_207, %select_n3A : i32
          %select_n3A_209 = arith.constant 0 : i32
          %select_n3A_210 = arith.select %eq3A_208, %select_n3A_209, %select_n3A_207 : i32
          %add3A_211 = arith.addi %select_n3A_210, %select_n3A_25 : i32
          %add3A_212 = arith.constant 1 : i32
          %add3A_213 = arith.addi %select_n3A_210, %add3A_212 : i32
          %select_n3A_214 = arith.constant true
          %select_n3A_215 = arith.select %select_n3A_214, %add3A_213, %select_n3A_210 : i32
          %eq3A_216 = arith.cmpi eq, %select_n3A_215, %select_n3A : i32
          %select_n3A_217 = arith.constant 0 : i32
          %select_n3A_218 = arith.select %eq3A_216, %select_n3A_217, %select_n3A_215 : i32
          %add3A_219 = arith.addi %select_n3A_218, %select_n3A_25 : i32
          %ne3A = arith.cmpi ne, %add3A_193, %add3A_211 : i32
          %or3A = arith.constant false
          %or3A_220 = arith.ori %or3A, %ne3A : i1
          %or3A_221 = arith.constant false
          %or3A_222 = arith.ori %or3A_220, %or3A_221 : i1
          %sub3A_223 = arith.constant 2 : i32
          %sub3A_224 = arith.subi %mul3A_187, %sub3A_223 : i32
          %add3A_225 = arith.constant 1 : i32
          %add3A_226 = arith.addi %sub3A_224, %add3A_225 : i32
          %ge3A = arith.cmpi sge, %while3A_180, %add3A_226 : i32
          %not3A = arith.constant true
          %not3A_227 = arith.xori %ge3A, %not3A : i1
          %and3A = arith.andi %or3A_222, %not3A_227 : i1
          %convert_element_type3A_228 = arith.extui %and3A : i1 to i32
          %cond3A_229 = arith.constant 0 : i32
          %cond3A_230 = arith.cmpi ne, %convert_element_type3A_228, %cond3A_229 : i32
          scf.if %cond3A_230 {
            "tpu.trace_start"() <{level = 10 : i32, message = "ep_copy_in"}> : () -> ()
            %rem3A_373 = arith.constant 2 : i32
            %rem3A_374 = arith.remui %while3A_181, %rem3A_373 : i32
            %mul3A_375 = arith.constant 128 : i32
            %mul3A_376 = arith.muli %mul3A_375, %add3A_211 : i32
            %dma_start3A_377 = arith.constant 0 : i32
            %dma_start3A_378 = arith.constant 0 : i32
            %dma_start3A_379 = tpu.memref_slice %run_scoped3A[%rem3A_374, %dma_start3A_377, %dma_start3A_378] : memref<2x128x128xf32, #tpu.memory_space<vmem>> -> memref<1x128x128xf32, #tpu.memory_space<vmem>>
            %dma_start3A_380 = tpu.memref_squeeze %dma_start3A_379 : memref<1x128x128xf32, #tpu.memory_space<vmem>> -> memref<128x128xf32, #tpu.memory_space<vmem>>
            %dma_start3A_381 = arith.constant 0 : i32
            %dma_start3A_382 = tpu.memref_slice %arg2[%mul3A_376, %dma_start3A_381] : memref<160000x128xf32, #tpu.memory_space<hbm>> -> memref<128x128xf32, #tpu.memory_space<hbm>>
            %dma_start3A_383 = tpu.memref_slice %run_scoped3A_29[%rem3A_374] : memref<2x!tpu.dma_semaphore, #tpu.memory_space<semaphore_mem>> -> memref<1x!tpu.dma_semaphore, #tpu.memory_space<semaphore_mem>>
            %dma_start3A_384 = tpu.memref_squeeze %dma_start3A_383 : memref<1x!tpu.dma_semaphore, #tpu.memory_space<semaphore_mem>> -> memref<!tpu.dma_semaphore, #tpu.memory_space<semaphore_mem>>
            %dma_start3A_385 = arith.constant 0 : i32
            %dma_start3A_386 = arith.constant 0 : i32
            %dma_start3A_387 = tpu.memref_slice %run_scoped3A[%rem3A_374, %dma_start3A_385, %dma_start3A_386] : memref<2x128x128xf32, #tpu.memory_space<vmem>> -> memref<1x128x128xf32, #tpu.memory_space<vmem>>
            %dma_start3A_388 = tpu.memref_squeeze %dma_start3A_387 : memref<1x128x128xf32, #tpu.memory_space<vmem>> -> memref<128x128xf32, #tpu.memory_space<vmem>>
            %dma_start3A_389 = arith.constant 0 : i32
            %dma_start3A_390 = tpu.memref_slice %arg2[%mul3A_376, %dma_start3A_389] : memref<160000x128xf32, #tpu.memory_space<hbm>> -> memref<128x128xf32, #tpu.memory_space<hbm>>
            tpu.enqueue_dma source(%dma_start3A_390 : memref<128x128xf32, #tpu.memory_space<hbm>>) target(%dma_start3A_388 : memref<128x128xf32, #tpu.memory_space<vmem>>) target_semaphore(%dma_start3A_384 : memref<!tpu.dma_semaphore, #tpu.memory_space<semaphore_mem>>)
            "tpu.trace_stop"() : () -> ()
          } else {
          }
          %and3A_231 = arith.constant true
          %and3A_232 = arith.andi %and3A, %and3A_231 : i1
          %add3A_233 = arith.constant 1 : i32
          %add3A_234 = arith.addi %while3A_181, %add3A_233 : i32
          %select_n3A_235 = arith.select %and3A_232, %add3A_234, %while3A_181 : i32
          %add3A_236 = arith.constant 0 : i32
          %add3A_237 = arith.addi %add3A_193, %add3A_236 : i32
          %add3A_238 = arith.constant 0 : i32
          %add3A_239 = arith.addi %add3A_211, %add3A_238 : i32
          %ne3A_240 = arith.cmpi ne, %add3A_237, %add3A_239 : i32
          %or3A_241 = arith.constant false
          %or3A_242 = arith.ori %or3A_241, %ne3A_240 : i1
          %or3A_243 = arith.constant false
          %or3A_244 = arith.ori %or3A_242, %or3A_243 : i1
          %sub3A_245 = arith.constant 2 : i32
          %sub3A_246 = arith.subi %mul3A_187, %sub3A_245 : i32
          %add3A_247 = arith.constant 1 : i32
          %add3A_248 = arith.addi %sub3A_246, %add3A_247 : i32
          %ge3A_249 = arith.cmpi sge, %while3A_180, %add3A_248 : i32
          %not3A_250 = arith.constant true
          %not3A_251 = arith.xori %ge3A_249, %not3A_250 : i1
          %and3A_252 = arith.andi %or3A_244, %not3A_251 : i1
          %convert_element_type3A_253 = arith.extui %and3A_252 : i1 to i32
          %cond3A_254 = arith.constant 0 : i32
          %cond3A_255 = arith.cmpi ne, %convert_element_type3A_253, %cond3A_254 : i32
          scf.if %cond3A_255 {
            "tpu.trace_start"() <{level = 10 : i32, message = "ep_copy_in"}> : () -> ()
            %rem3A_373 = arith.constant 2 : i32
            %rem3A_374 = arith.remui %while3A_183, %rem3A_373 : i32
            %add3A_375 = arith.constant 0 : i32
            %add3A_376 = arith.addi %add3A_211, %add3A_375 : i32
            %mul3A_377 = arith.constant 1 : i32
            %mul3A_378 = arith.muli %mul3A_377, %add3A_376 : i32
            %dma_start3A_379 = arith.constant 0 : i32
            %dma_start3A_380 = arith.constant 0 : i32
            %dma_start3A_381 = tpu.memref_slice %run_scoped3A_30[%rem3A_374, %dma_start3A_379, %dma_start3A_380] : memref<2x1x128xi32, #tpu.memory_space<vmem>> -> memref<1x1x128xi32, #tpu.memory_space<vmem>>
            %dma_start3A_382 = tpu.memref_squeeze %dma_start3A_381 : memref<1x1x128xi32, #tpu.memory_space<vmem>> -> memref<1x128xi32, #tpu.memory_space<vmem>>
            %dma_start3A_383 = arith.constant 0 : i32
            %dma_start3A_384 = tpu.memref_slice %arg3[%mul3A_378, %dma_start3A_383] : memref<2500x128xi32, #tpu.memory_space<hbm>> -> memref<1x128xi32, #tpu.memory_space<hbm>>
            %dma_start3A_385 = tpu.memref_slice %run_scoped3A_31[%rem3A_374] : memref<2x!tpu.dma_semaphore, #tpu.memory_space<semaphore_mem>> -> memref<1x!tpu.dma_semaphore, #tpu.memory_space<semaphore_mem>>
            %dma_start3A_386 = tpu.memref_squeeze %dma_start3A_385 : memref<1x!tpu.dma_semaphore, #tpu.memory_space<semaphore_mem>> -> memref<!tpu.dma_semaphore, #tpu.memory_space<semaphore_mem>>
            %dma_start3A_387 = arith.constant 0 : i32
            %dma_start3A_388 = arith.constant 0 : i32
            %dma_start3A_389 = tpu.memref_slice %run_scoped3A_30[%rem3A_374, %dma_start3A_387, %dma_start3A_388] : memref<2x1x128xi32, #tpu.memory_space<vmem>> -> memref<1x1x128xi32, #tpu.memory_space<vmem>>
            %dma_start3A_390 = tpu.memref_squeeze %dma_start3A_389 : memref<1x1x128xi32, #tpu.memory_space<vmem>> -> memref<1x128xi32, #tpu.memory_space<vmem>>
            %dma_start3A_391 = arith.constant 0 : i32
            %dma_start3A_392 = tpu.memref_slice %arg3[%mul3A_378, %dma_start3A_391] : memref<2500x128xi32, #tpu.memory_space<hbm>> -> memref<1x128xi32, #tpu.memory_space<hbm>>
            tpu.enqueue_dma source(%dma_start3A_392 : memref<1x128xi32, #tpu.memory_space<hbm>>) target(%dma_start3A_390 : memref<1x128xi32, #tpu.memory_space<vmem>>) target_semaphore(%dma_start3A_386 : memref<!tpu.dma_semaphore, #tpu.memory_space<semaphore_mem>>)
            "tpu.trace_stop"() : () -> ()
          } else {
          }
          %and3A_256 = arith.constant true
          %and3A_257 = arith.andi %and3A_252, %and3A_256 : i1
          %add3A_258 = arith.constant 1 : i32
          %add3A_259 = arith.addi %while3A_183, %add3A_258 : i32
          %select_n3A_260 = arith.select %and3A_257, %add3A_259, %while3A_183 : i32
          %ne3A_261 = arith.cmpi ne, %add3A_193, %add3A_203 : i32
          %or3A_262 = arith.constant false
          %or3A_263 = arith.ori %or3A_262, %ne3A_261 : i1
          %or3A_264 = arith.constant false
          %or3A_265 = arith.ori %or3A_263, %or3A_264 : i1
          %or3A_266 = arith.ori %or3A_265, %eq3A_189 : i1
          %convert_element_type3A_267 = arith.extui %or3A_266 : i1 to i32
          %cond3A_268 = arith.constant 0 : i32
          %cond3A_269 = arith.cmpi ne, %convert_element_type3A_267, %cond3A_268 : i32
          scf.if %cond3A_269 {
            "tpu.trace_start"() <{level = 10 : i32, message = "ep_wait_in"}> : () -> ()
            %mul3A_373 = arith.constant 128 : i32
            %mul3A_374 = arith.muli %mul3A_373, %add3A_193 : i32
            %rem3A_375 = arith.constant 2 : i32
            %rem3A_376 = arith.remui %while3A_182, %rem3A_375 : i32
            %dma_wait3A = arith.constant 0 : i32
            %dma_wait3A_377 = arith.constant 0 : i32
            %dma_wait3A_378 = tpu.memref_slice %run_scoped3A[%rem3A_376, %dma_wait3A, %dma_wait3A_377] : memref<2x128x128xf32, #tpu.memory_space<vmem>> -> memref<1x128x128xf32, #tpu.memory_space<vmem>>
            %dma_wait3A_379 = tpu.memref_squeeze %dma_wait3A_378 : memref<1x128x128xf32, #tpu.memory_space<vmem>> -> memref<128x128xf32, #tpu.memory_space<vmem>>
            %dma_wait3A_380 = arith.constant 0 : i32
            %dma_wait3A_381 = tpu.memref_slice %arg2[%mul3A_374, %dma_wait3A_380] : memref<160000x128xf32, #tpu.memory_space<hbm>> -> memref<128x128xf32, #tpu.memory_space<hbm>>
            %dma_wait3A_382 = tpu.memref_slice %run_scoped3A_29[%rem3A_376] : memref<2x!tpu.dma_semaphore, #tpu.memory_space<semaphore_mem>> -> memref<1x!tpu.dma_semaphore, #tpu.memory_space<semaphore_mem>>
            %dma_wait3A_383 = tpu.memref_squeeze %dma_wait3A_382 : memref<1x!tpu.dma_semaphore, #tpu.memory_space<semaphore_mem>> -> memref<!tpu.dma_semaphore, #tpu.memory_space<semaphore_mem>>
            %dma_wait3A_384 = arith.constant 0 : i32
            %dma_wait3A_385 = arith.constant 0 : i32
            %dma_wait3A_386 = tpu.memref_slice %run_scoped3A[%rem3A_376, %dma_wait3A_384, %dma_wait3A_385] : memref<2x128x128xf32, #tpu.memory_space<vmem>> -> memref<1x128x128xf32, #tpu.memory_space<vmem>>
            %dma_wait3A_387 = tpu.memref_squeeze %dma_wait3A_386 : memref<1x128x128xf32, #tpu.memory_space<vmem>> -> memref<128x128xf32, #tpu.memory_space<vmem>>
            %dma_wait3A_388 = arith.constant 0 : i32
            %dma_wait3A_389 = tpu.memref_slice %arg2[%mul3A_374, %dma_wait3A_388] : memref<160000x128xf32, #tpu.memory_space<hbm>> -> memref<128x128xf32, #tpu.memory_space<hbm>>
            tpu.wait_dma2 semaphore(%dma_wait3A_383 : memref<!tpu.dma_semaphore, #tpu.memory_space<semaphore_mem>>) src(%dma_wait3A_389 : memref<128x128xf32, #tpu.memory_space<hbm>>) dst(%dma_wait3A_387 : memref<128x128xf32, #tpu.memory_space<vmem>>)
            "tpu.trace_stop"() : () -> ()
          } else {
          }
          %add3A_270 = arith.constant 0 : i32
          %add3A_271 = arith.addi %add3A_193, %add3A_270 : i32
          %add3A_272 = arith.constant 0 : i32
          %add3A_273 = arith.addi %add3A_203, %add3A_272 : i32
          %ne3A_274 = arith.cmpi ne, %add3A_271, %add3A_273 : i32
          %or3A_275 = arith.constant false
          %or3A_276 = arith.ori %or3A_275, %ne3A_274 : i1
          %or3A_277 = arith.constant false
          %or3A_278 = arith.ori %or3A_276, %or3A_277 : i1
          %or3A_279 = arith.ori %or3A_278, %eq3A_189 : i1
          %convert_element_type3A_280 = arith.extui %or3A_279 : i1 to i32
          %cond3A_281 = arith.constant 0 : i32
          %cond3A_282 = arith.cmpi ne, %convert_element_type3A_280, %cond3A_281 : i32
          scf.if %cond3A_282 {
            "tpu.trace_start"() <{level = 10 : i32, message = "ep_wait_in"}> : () -> ()
            %add3A_373 = arith.constant 0 : i32
            %add3A_374 = arith.addi %add3A_193, %add3A_373 : i32
            %mul3A_375 = arith.constant 1 : i32
            %mul3A_376 = arith.muli %mul3A_375, %add3A_374 : i32
            %rem3A_377 = arith.constant 2 : i32
            %rem3A_378 = arith.remui %while3A_184, %rem3A_377 : i32
            %dma_wait3A = arith.constant 0 : i32
            %dma_wait3A_379 = arith.constant 0 : i32
            %dma_wait3A_380 = tpu.memref_slice %run_scoped3A_30[%rem3A_378, %dma_wait3A, %dma_wait3A_379] : memref<2x1x128xi32, #tpu.memory_space<vmem>> -> memref<1x1x128xi32, #tpu.memory_space<vmem>>
            %dma_wait3A_381 = tpu.memref_squeeze %dma_wait3A_380 : memref<1x1x128xi32, #tpu.memory_space<vmem>> -> memref<1x128xi32, #tpu.memory_space<vmem>>
            %dma_wait3A_382 = arith.constant 0 : i32
            %dma_wait3A_383 = tpu.memref_slice %arg3[%mul3A_376, %dma_wait3A_382] : memref<2500x128xi32, #tpu.memory_space<hbm>> -> memref<1x128xi32, #tpu.memory_space<hbm>>
            %dma_wait3A_384 = tpu.memref_slice %run_scoped3A_31[%rem3A_378] : memref<2x!tpu.dma_semaphore, #tpu.memory_space<semaphore_mem>> -> memref<1x!tpu.dma_semaphore, #tpu.memory_space<semaphore_mem>>
            %dma_wait3A_385 = tpu.memref_squeeze %dma_wait3A_384 : memref<1x!tpu.dma_semaphore, #tpu.memory_space<semaphore_mem>> -> memref<!tpu.dma_semaphore, #tpu.memory_space<semaphore_mem>>
            %dma_wait3A_386 = arith.constant 0 : i32
            %dma_wait3A_387 = arith.constant 0 : i32
            %dma_wait3A_388 = tpu.memref_slice %run_scoped3A_30[%rem3A_378, %dma_wait3A_386, %dma_wait3A_387] : memref<2x1x128xi32, #tpu.memory_space<vmem>> -> memref<1x1x128xi32, #tpu.memory_space<vmem>>
            %dma_wait3A_389 = tpu.memref_squeeze %dma_wait3A_388 : memref<1x1x128xi32, #tpu.memory_space<vmem>> -> memref<1x128xi32, #tpu.memory_space<vmem>>
            %dma_wait3A_390 = arith.constant 0 : i32
            %dma_wait3A_391 = tpu.memref_slice %arg3[%mul3A_376, %dma_wait3A_390] : memref<2500x128xi32, #tpu.memory_space<hbm>> -> memref<1x128xi32, #tpu.memory_space<hbm>>
            tpu.wait_dma2 semaphore(%dma_wait3A_385 : memref<!tpu.dma_semaphore, #tpu.memory_space<semaphore_mem>>) src(%dma_wait3A_391 : memref<1x128xi32, #tpu.memory_space<hbm>>) dst(%dma_wait3A_389 : memref<1x128xi32, #tpu.memory_space<vmem>>)
            "tpu.trace_stop"() : () -> ()
          } else {
          }
          %rem3A_283 = arith.constant 2 : i32
          %rem3A_284 = arith.remui %while3A_182, %rem3A_283 : i32
          %rem3A_285 = arith.constant 2 : i32
          %rem3A_286 = arith.remui %while3A_184, %rem3A_285 : i32
          %run_scoped3A_287 = arith.constant 0 : i32
          "tpu.trace_start"() <{level = 10 : i32, message = "ep_run_kernel"}> : () -> ()
          "tpu.region"() ({
            %run_scoped3A_373 = tpu.sem_alloc : memref<!tpu.dma_semaphore, #tpu.memory_space<semaphore_mem>>
            %dma_start3A_374 = arith.constant 0 : i32
            %dma_start3A_375 = arith.constant 0 : i32
            %dma_start3A_376 = tpu.memref_slice %run_scoped3A[%rem3A_284, %dma_start3A_374, %dma_start3A_375] : memref<2x128x128xf32, #tpu.memory_space<vmem>> -> memref<1x128x128xf32, #tpu.memory_space<vmem>>
            %dma_start3A_377 = tpu.memref_squeeze %dma_start3A_376 : memref<1x128x128xf32, #tpu.memory_space<vmem>> -> memref<128x128xf32, #tpu.memory_space<vmem>>
            %dma_start3A_378 = arith.constant 0 : i32
            %dma_start3A_379 = arith.constant 0 : i32
            %dma_start3A_380 = tpu.memref_slice %run_scoped3A_30[%rem3A_286, %dma_start3A_378, %dma_start3A_379] : memref<2x1x128xi32, #tpu.memory_space<vmem>> -> memref<1x1x128xi32, #tpu.memory_space<vmem>>
            %dma_start3A_381 = tpu.memref_squeeze %dma_start3A_380 : memref<1x1x128xi32, #tpu.memory_space<vmem>> -> memref<1x128xi32, #tpu.memory_space<vmem>>
            %dma_start3A_382 = arith.constant 0 : i32
            %dma_start3A_383 = tpu.memref_slice %dma_start3A_381[%run_scoped3A_287, %dma_start3A_382] : memref<1x128xi32, #tpu.memory_space<vmem>> -> memref<1x128xi32, #tpu.memory_space<vmem>>
            %dma_start3A_384 = tpu.memref_squeeze %dma_start3A_383 : memref<1x128xi32, #tpu.memory_space<vmem>> -> memref<128xi32, #tpu.memory_space<vmem>>
            %dma_start3A_385 = arith.constant 0 : i32
            %dma_start3A_386 = arith.constant 0 : i32
            %dma_start3A_387 = tpu.memref_slice %arg5[%dma_start3A_385, %dma_start3A_386] : memref<10240x128xf32, #tpu.memory_space<vmem_shared>> -> memref<10240x128xf32, #tpu.memory_space<vmem_shared>>
            tpu.enqueue_indirect_dma source(%dma_start3A_377 : memref<128x128xf32, #tpu.memory_space<vmem>>) target(%dma_start3A_387 : memref<10240x128xf32, #tpu.memory_space<vmem_shared>>) offsets(%dma_start3A_384 : memref<128xi32, #tpu.memory_space<vmem>>) semaphore(%run_scoped3A_373 : memref<!tpu.dma_semaphore, #tpu.memory_space<semaphore_mem>>) {add = true}
            %dma_wait3A = arith.constant 0 : i32
            %dma_wait3A_388 = arith.constant 0 : i32
            %dma_wait3A_389 = tpu.memref_slice %run_scoped3A[%rem3A_284, %dma_wait3A, %dma_wait3A_388] : memref<2x128x128xf32, #tpu.memory_space<vmem>> -> memref<1x128x128xf32, #tpu.memory_space<vmem>>
            %dma_wait3A_390 = tpu.memref_squeeze %dma_wait3A_389 : memref<1x128x128xf32, #tpu.memory_space<vmem>> -> memref<128x128xf32, #tpu.memory_space<vmem>>
            %dma_wait3A_391 = arith.constant 0 : i32
            %dma_wait3A_392 = arith.constant 0 : i32
            %dma_wait3A_393 = tpu.memref_slice %run_scoped3A_30[%rem3A_286, %dma_wait3A_391, %dma_wait3A_392] : memref<2x1x128xi32, #tpu.memory_space<vmem>> -> memref<1x1x128xi32, #tpu.memory_space<vmem>>
            %dma_wait3A_394 = tpu.memref_squeeze %dma_wait3A_393 : memref<1x1x128xi32, #tpu.memory_space<vmem>> -> memref<1x128xi32, #tpu.memory_space<vmem>>
            %dma_wait3A_395 = arith.constant 0 : i32
            %dma_wait3A_396 = tpu.memref_slice %dma_wait3A_394[%run_scoped3A_287, %dma_wait3A_395] : memref<1x128xi32, #tpu.memory_space<vmem>> -> memref<1x128xi32, #tpu.memory_space<vmem>>
            %dma_wait3A_397 = tpu.memref_squeeze %dma_wait3A_396 : memref<1x128xi32, #tpu.memory_space<vmem>> -> memref<128xi32, #tpu.memory_space<vmem>>
            %dma_wait3A_398 = arith.constant 0 : i32
            %dma_wait3A_399 = arith.constant 0 : i32
            %dma_wait3A_400 = tpu.memref_slice %arg5[%dma_wait3A_398, %dma_wait3A_399] : memref<10240x128xf32, #tpu.memory_space<vmem_shared>> -> memref<10240x128xf32, #tpu.memory_space<vmem_shared>>
            tpu.wait_indirect_dma semaphore(%run_scoped3A_373 : memref<!tpu.dma_semaphore, #tpu.memory_space<semaphore_mem>>) src(%dma_wait3A_390 : memref<128x128xf32, #tpu.memory_space<vmem>>) dst(%dma_wait3A_400 : memref<10240x128xf32, #tpu.memory_space<vmem_shared>>)
            tpu.yield
          }) : () -> ()
          "tpu.trace_stop"() : () -> ()
          %ne3A_288 = arith.cmpi ne, %add3A_193, %add3A_211 : i32
          %or3A_289 = arith.constant false
          %or3A_290 = arith.ori %or3A_289, %ne3A_288 : i1
          %or3A_291 = arith.constant false
          %or3A_292 = arith.ori %or3A_290, %or3A_291 : i1
          %or3A_293 = arith.ori %or3A_292, %eq3A_192 : i1
          %convert_element_type3A_294 = arith.extui %or3A_293 : i1 to i32
          %cond3A_295 = arith.constant 0 : i32
          %cond3A_296 = arith.cmpi ne, %convert_element_type3A_294, %cond3A_295 : i32
          scf.if %cond3A_296 {
          } else {
          }
          %and3A_297 = arith.constant false
          %and3A_298 = arith.andi %or3A_293, %and3A_297 : i1
          %add3A_299 = arith.constant 0 : i32
          %add3A_300 = arith.addi %add3A_193, %add3A_299 : i32
          %add3A_301 = arith.constant 0 : i32
          %add3A_302 = arith.addi %add3A_211, %add3A_301 : i32
          %ne3A_303 = arith.cmpi ne, %add3A_300, %add3A_302 : i32
          %or3A_304 = arith.constant false
          %or3A_305 = arith.ori %or3A_304, %ne3A_303 : i1
          %or3A_306 = arith.constant false
          %or3A_307 = arith.ori %or3A_305, %or3A_306 : i1
          %or3A_308 = arith.ori %or3A_307, %eq3A_192 : i1
          %convert_element_type3A_309 = arith.extui %or3A_308 : i1 to i32
          %cond3A_310 = arith.constant 0 : i32
          %cond3A_311 = arith.cmpi ne, %convert_element_type3A_309, %cond3A_310 : i32
          scf.if %cond3A_311 {
          } else {
          }
          %and3A_312 = arith.constant false
          %and3A_313 = arith.andi %or3A_308, %and3A_312 : i1
          %ne3A_314 = arith.cmpi ne, %add3A_193, %add3A_203 : i32
          %or3A_315 = arith.constant false
          %or3A_316 = arith.ori %or3A_315, %ne3A_314 : i1
          %or3A_317 = arith.constant false
          %or3A_318 = arith.ori %or3A_316, %or3A_317 : i1
          %not3A_319 = arith.constant true
          %not3A_320 = arith.xori %eq3A_189, %not3A_319 : i1
          %and3A_321 = arith.andi %or3A_318, %not3A_320 : i1
          %convert_element_type3A_322 = arith.extui %and3A_321 : i1 to i32
          %cond3A_323 = arith.constant 0 : i32
          %cond3A_324 = arith.cmpi ne, %convert_element_type3A_322, %cond3A_323 : i32
          scf.if %cond3A_324 {
          } else {
          }
          %and3A_325 = arith.constant false
          %and3A_326 = arith.andi %and3A_321, %and3A_325 : i1
          %add3A_327 = arith.constant 0 : i32
          %add3A_328 = arith.addi %add3A_193, %add3A_327 : i32
          %add3A_329 = arith.constant 0 : i32
          %add3A_330 = arith.addi %add3A_203, %add3A_329 : i32
          %ne3A_331 = arith.cmpi ne, %add3A_328, %add3A_330 : i32
          %or3A_332 = arith.constant false
          %or3A_333 = arith.ori %or3A_332, %ne3A_331 : i1
          %or3A_334 = arith.constant false
          %or3A_335 = arith.ori %or3A_333, %or3A_334 : i1
          %not3A_336 = arith.constant true
          %not3A_337 = arith.xori %eq3A_189, %not3A_336 : i1
          %and3A_338 = arith.andi %or3A_335, %not3A_337 : i1
          %convert_element_type3A_339 = arith.extui %and3A_338 : i1 to i32
          %cond3A_340 = arith.constant 0 : i32
          %cond3A_341 = arith.cmpi ne, %convert_element_type3A_339, %cond3A_340 : i32
          scf.if %cond3A_341 {
          } else {
          }
          %and3A_342 = arith.constant false
          %and3A_343 = arith.andi %and3A_338, %and3A_342 : i1
          %ne3A_344 = arith.cmpi ne, %add3A_193, %add3A_211 : i32
          %or3A_345 = arith.constant false
          %or3A_346 = arith.ori %or3A_345, %ne3A_344 : i1
          %or3A_347 = arith.constant false
          %or3A_348 = arith.ori %or3A_346, %or3A_347 : i1
          %or3A_349 = arith.ori %or3A_348, %eq3A_192 : i1
          %add3A_350 = arith.constant 1 : i32
          %add3A_351 = arith.addi %while3A_182, %add3A_350 : i32
          %select_n3A_352 = arith.select %or3A_349, %add3A_351, %while3A_182 : i32
          %add3A_353 = arith.constant 0 : i32
          %add3A_354 = arith.addi %add3A_193, %add3A_353 : i32
          %add3A_355 = arith.constant 0 : i32
          %add3A_356 = arith.addi %add3A_211, %add3A_355 : i32
          %ne3A_357 = arith.cmpi ne, %add3A_354, %add3A_356 : i32
          %or3A_358 = arith.constant false
          %or3A_359 = arith.ori %or3A_358, %ne3A_357 : i1
          %or3A_360 = arith.constant false
          %or3A_361 = arith.ori %or3A_359, %or3A_360 : i1
          %or3A_362 = arith.ori %or3A_361, %eq3A_192 : i1
          %add3A_363 = arith.constant 1 : i32
          %add3A_364 = arith.addi %while3A_184, %add3A_363 : i32
          %select_n3A_365 = arith.select %or3A_362, %add3A_364, %while3A_184 : i32
          %add3A_366 = arith.constant 1 : i32
          %add3A_367 = arith.addi %while3A_185, %add3A_366 : i32
          %select_n3A_368 = arith.constant true
          %select_n3A_369 = arith.select %select_n3A_368, %add3A_367, %while3A_185 : i32
          %eq3A_370 = arith.cmpi eq, %select_n3A_369, %select_n3A : i32
          %select_n3A_371 = arith.constant 0 : i32
          %select_n3A_372 = arith.select %eq3A_370, %select_n3A_371, %select_n3A_369 : i32
          scf.yield %select_n3A_235, %select_n3A_352, %select_n3A_260, %select_n3A_365, %select_n3A_372 : i32, i32, i32, i32, i32
        }
        %sub3A_129 = arith.constant 1 : i32
        %sub3A_130 = arith.subi %while3A_128#4, %sub3A_129 : i32
        %select_n3A_131 = arith.constant true
        %select_n3A_132 = arith.select %select_n3A_131, %sub3A_130, %while3A_128#4 : i32
        %eq3A_133 = arith.constant -1 : i32
        %eq3A_134 = arith.cmpi eq, %select_n3A_132, %eq3A_133 : i32
        %sub3A_135 = arith.constant 1 : i32
        %sub3A_136 = arith.subi %select_n3A, %sub3A_135 : i32
        %select_n3A_137 = arith.select %eq3A_134, %sub3A_136, %select_n3A_132 : i32
        %sub3A_138 = arith.constant 1 : i32
        %sub3A_139 = arith.subi %mul3A_27, %sub3A_138 : i32
        %mul3A_140 = arith.constant 1 : i32
        %mul3A_141 = arith.muli %mul3A_140, %select_n3A : i32
        %eq3A_142 = arith.constant 0 : i32
        %eq3A_143 = arith.cmpi eq, %sub3A_139, %eq3A_142 : i32
        %sub3A_144 = arith.constant 1 : i32
        %sub3A_145 = arith.subi %mul3A_141, %sub3A_144 : i32
        %eq3A_146 = arith.cmpi eq, %sub3A_139, %sub3A_145 : i32
        %add3A_147 = arith.addi %select_n3A_137, %select_n3A_25 : i32
        %sub3A_148 = arith.constant 1 : i32
        %sub3A_149 = arith.subi %select_n3A_137, %sub3A_148 : i32
        %select_n3A_150 = arith.constant true
        %select_n3A_151 = arith.select %select_n3A_150, %sub3A_149, %select_n3A_137 : i32
        %eq3A_152 = arith.constant -1 : i32
        %eq3A_153 = arith.cmpi eq, %select_n3A_151, %eq3A_152 : i32
        %sub3A_154 = arith.constant 1 : i32
        %sub3A_155 = arith.subi %select_n3A, %sub3A_154 : i32
        %select_n3A_156 = arith.select %eq3A_153, %sub3A_155, %select_n3A_151 : i32
        %add3A_157 = arith.addi %select_n3A_156, %select_n3A_25 : i32
        %add3A_158 = arith.constant 1 : i32
        %add3A_159 = arith.addi %select_n3A_137, %add3A_158 : i32
        %select_n3A_160 = arith.constant true
        %select_n3A_161 = arith.select %select_n3A_160, %add3A_159, %select_n3A_137 : i32
        %eq3A_162 = arith.cmpi eq, %select_n3A_161, %select_n3A : i32
        %select_n3A_163 = arith.constant 0 : i32
        %select_n3A_164 = arith.select %eq3A_162, %select_n3A_163, %select_n3A_161 : i32
        %add3A_165 = arith.addi %select_n3A_164, %select_n3A_25 : i32
        %add3A_166 = arith.constant 1 : i32
        %add3A_167 = arith.addi %select_n3A_164, %add3A_166 : i32
        %select_n3A_168 = arith.constant true
        %select_n3A_169 = arith.select %select_n3A_168, %add3A_167, %select_n3A_164 : i32
        %eq3A_170 = arith.cmpi eq, %select_n3A_169, %select_n3A : i32
        %select_n3A_171 = arith.constant 0 : i32
        %select_n3A_172 = arith.select %eq3A_170, %select_n3A_171, %select_n3A_169 : i32
        %add3A_173 = arith.addi %select_n3A_172, %select_n3A_25 : i32
        %convert_element_type3A_174 = arith.extui %eq3A_146 : i1 to i32
        %cond3A_175 = arith.constant 0 : i32
        %cond3A_176 = arith.cmpi ne, %convert_element_type3A_174, %cond3A_175 : i32
        scf.if %cond3A_176 {
        } else {
        }
        %convert_element_type3A_177 = arith.extui %eq3A_146 : i1 to i32
        %cond3A_178 = arith.constant 0 : i32
        %cond3A_179 = arith.cmpi ne, %convert_element_type3A_177, %cond3A_178 : i32
        scf.if %cond3A_179 {
        } else {
        }
      } else {
      }
      tpu.yield
    }) : () -> ()
    %barrier3A_28 = arith.constant 0 : index
    tpu.barrier barrier_id(%barrier3A_28)
    "tpu.region"() ({
      %run_scoped3A = tpu.sem_alloc : memref<!tpu.dma_semaphore, #tpu.memory_space<semaphore_mem>>
      %dma_start3A = arith.constant 0 : i32
      %dma_start3A_29 = tpu.memref_slice %arg4[%arg0, %mul3A_0, %dma_start3A] : memref<2x10240x128xf32, #tpu.memory_space<hbm>> -> memref<1x640x128xf32, #tpu.memory_space<hbm>>
      %dma_start3A_30 = tpu.memref_squeeze %dma_start3A_29 : memref<1x640x128xf32, #tpu.memory_space<hbm>> -> memref<640x128xf32, #tpu.memory_space<hbm>>
      %dma_start3A_31 = arith.constant 0 : i32
      %dma_start3A_32 = tpu.memref_slice %arg5[%mul3A_0, %dma_start3A_31] : memref<10240x128xf32, #tpu.memory_space<vmem_shared>> -> memref<640x128xf32, #tpu.memory_space<vmem_shared>>
      tpu.enqueue_dma source(%dma_start3A_32 : memref<640x128xf32, #tpu.memory_space<vmem_shared>>) target(%dma_start3A_30 : memref<640x128xf32, #tpu.memory_space<hbm>>) target_semaphore(%run_scoped3A : memref<!tpu.dma_semaphore, #tpu.memory_space<semaphore_mem>>)
      %dma_wait3A = arith.constant 0 : i32
      %dma_wait3A_33 = tpu.memref_slice %arg4[%arg0, %mul3A_0, %dma_wait3A] : memref<2x10240x128xf32, #tpu.memory_space<hbm>> -> memref<1x640x128xf32, #tpu.memory_space<hbm>>
      %dma_wait3A_34 = tpu.memref_squeeze %dma_wait3A_33 : memref<1x640x128xf32, #tpu.memory_space<hbm>> -> memref<640x128xf32, #tpu.memory_space<hbm>>
      %dma_wait3A_35 = arith.constant 0 : i32
      %dma_wait3A_36 = tpu.memref_slice %arg5[%mul3A_0, %dma_wait3A_35] : memref<10240x128xf32, #tpu.memory_space<vmem_shared>> -> memref<640x128xf32, #tpu.memory_space<vmem_shared>>
      tpu.wait_dma2 semaphore(%run_scoped3A : memref<!tpu.dma_semaphore, #tpu.memory_space<semaphore_mem>>) src(%dma_wait3A_36 : memref<640x128xf32, #tpu.memory_space<vmem_shared>>) dst(%dma_wait3A_34 : memref<640x128xf32, #tpu.memory_space<hbm>>)
      tpu.yield
    }) : () -> ()
    return
  }
}

module attributes {stable_mosaic.version = 14 : i64} {
  func.func @_mlp_body(%arg0: i32, %arg1: memref<6400x128xf32, #tpu.memory_space<vmem>>, %arg2: memref<16x6400xf32, #tpu.memory_space<vmem>>, %arg3: memref<128x128xbf16, #tpu.memory_space<vmem>>, %arg4: memref<16x128xbf16, #tpu.memory_space<vmem>>, %arg5: memref<1x128xf32, #tpu.memory_space<vmem>>, %arg6: memref<128x128xbf16, #tpu.memory_space<vmem>>, %arg7: memref<1x128xf32, #tpu.memory_space<vmem>>, %arg8: memref<6400x128xf32, #tpu.memory_space<vmem>>) attributes {dimension_semantics = [#tpu.dimension_semantics<arbitrary>], iteration_bounds = array<i64: 25>, scalar_prefetch = 0 : i64, scratch_operands = 0 : i64, tpu.core_type = #tpu.core_type<tc>, window_params = [{transform_indices = @transform_0, window_bounds = array<i64: 6400, 128>}, {transform_indices = @transform_1, window_bounds = array<i64: 16, 6400>}, {pipeline_mode = #tpu.pipeline_mode<synchronous>, transform_indices = @transform_2, window_bounds = array<i64: 128, 128>}, {pipeline_mode = #tpu.pipeline_mode<synchronous>, transform_indices = @transform_3, window_bounds = array<i64: 16, 128>}, {pipeline_mode = #tpu.pipeline_mode<synchronous>, transform_indices = @transform_4, window_bounds = array<i64: 1, 128>}, {pipeline_mode = #tpu.pipeline_mode<synchronous>, transform_indices = @transform_5, window_bounds = array<i64: 128, 128>}, {pipeline_mode = #tpu.pipeline_mode<synchronous>, transform_indices = @transform_6, window_bounds = array<i64: 1, 128>}, {transform_indices = @transform_7, window_bounds = array<i64: 6400, 128>}]} {
    %get3A = arith.constant 0 : index
    %get3A_0 = arith.constant 0 : index
    %get3A_1 = vector.load %arg1[%get3A, %get3A_0] : memref<6400x128xf32, #tpu.memory_space<vmem>>, vector<6400x128xf32>
    %convert_element_type3A = arith.truncf %get3A_1 : vector<6400x128xf32> to vector<6400x128xbf16>
    %get3A_2 = arith.constant 0 : index
    %get3A_3 = arith.constant 0 : index
    %get3A_4 = vector.load %arg3[%get3A_2, %get3A_3] : memref<128x128xbf16, #tpu.memory_space<vmem>>, vector<128x128xbf16>
    %dot_general3A = arith.constant dense<0.000000e+00> : vector<6400x128xf32>
    %dot_general3A_5 = tpu.matmul %convert_element_type3A, %get3A_4, %dot_general3A {dimension_numbers = #tpu.dot_dimension_numbers<[1], [0], [0], [1], [0, 0, 1, 1], [], []>, transpose_lhs_hint = false} : vector<6400x128xbf16>, vector<128x128xbf16>, vector<6400x128xf32> -> vector<6400x128xf32>
    %get3A_6 = arith.constant 0 : index
    %get3A_7 = arith.constant 0 : index
    %get3A_8 = vector.load %arg2[%get3A_6, %get3A_7] : memref<16x6400xf32, #tpu.memory_space<vmem>>, vector<16x6400xf32>
    %convert_element_type3A_9 = arith.truncf %get3A_8 : vector<16x6400xf32> to vector<16x6400xbf16>
    %get3A_10 = arith.constant 0 : index
    %get3A_11 = arith.constant 0 : index
    %get3A_12 = vector.load %arg4[%get3A_10, %get3A_11] : memref<16x128xbf16, #tpu.memory_space<vmem>>, vector<16x128xbf16>
    %dot_general3A_13 = arith.constant dense<0.000000e+00> : vector<6400x128xf32>
    %dot_general3A_14 = tpu.matmul %convert_element_type3A_9, %get3A_12, %dot_general3A_13 {dimension_numbers = #tpu.dot_dimension_numbers<[0], [0], [1], [1], [0, 1, 1, 1], [], []>, transpose_lhs_hint = false} : vector<16x6400xbf16>, vector<16x128xbf16>, vector<6400x128xf32> -> vector<6400x128xf32>
    %add3A = arith.addf %dot_general3A_5, %dot_general3A_14 : vector<6400x128xf32>
    %get3A_15 = arith.constant 0 : index
    %get3A_16 = arith.constant 0 : index
    %get3A_17 = vector.load %arg5[%get3A_15, %get3A_16] : memref<1x128xf32, #tpu.memory_space<vmem>>, vector<1x128xf32>
    %add3A_18 = vector.broadcast %get3A_17 : vector<1x128xf32> to vector<6400x128xf32>
    %add3A_19 = arith.addf %add3A, %add3A_18 : vector<6400x128xf32>
    %max3A = arith.constant 0.000000e+00 : f32
    %max3A_20 = vector.broadcast %max3A : f32 to vector<6400x128xf32>
    %max3A_21 = arith.maximumf %add3A_19, %max3A_20 : vector<6400x128xf32>
    %convert_element_type3A_22 = arith.truncf %max3A_21 : vector<6400x128xf32> to vector<6400x128xbf16>
    %get3A_23 = arith.constant 0 : index
    %get3A_24 = arith.constant 0 : index
    %get3A_25 = vector.load %arg6[%get3A_23, %get3A_24] : memref<128x128xbf16, #tpu.memory_space<vmem>>, vector<128x128xbf16>
    %dot_general3A_26 = arith.constant dense<0.000000e+00> : vector<6400x128xf32>
    %dot_general3A_27 = tpu.matmul %convert_element_type3A_22, %get3A_25, %dot_general3A_26 {dimension_numbers = #tpu.dot_dimension_numbers<[1], [0], [0], [1], [0, 0, 1, 1], [], []>, transpose_lhs_hint = false} : vector<6400x128xbf16>, vector<128x128xbf16>, vector<6400x128xf32> -> vector<6400x128xf32>
    %get3A_28 = arith.constant 0 : index
    %get3A_29 = arith.constant 0 : index
    %get3A_30 = vector.load %arg7[%get3A_28, %get3A_29] : memref<1x128xf32, #tpu.memory_space<vmem>>, vector<1x128xf32>
    %add3A_31 = vector.broadcast %get3A_30 : vector<1x128xf32> to vector<6400x128xf32>
    %add3A_32 = arith.addf %dot_general3A_27, %add3A_31 : vector<6400x128xf32>
    %max3A_33 = arith.constant 0.000000e+00 : f32
    %max3A_34 = vector.broadcast %max3A_33 : f32 to vector<6400x128xf32>
    %max3A_35 = arith.maximumf %add3A_32, %max3A_34 : vector<6400x128xf32>
    %swap3A = arith.constant 0 : index
    %swap3A_36 = arith.constant 0 : index
    %swap3A_37 = vector.load %arg8[%swap3A, %swap3A_36] : memref<6400x128xf32, #tpu.memory_space<vmem>>, vector<6400x128xf32>
    tpu.vector_store %arg8[%swap3A, %swap3A_36], %max3A_35 {strides = array<i32>} : memref<6400x128xf32, #tpu.memory_space<vmem>>, vector<6400x128xf32>,
    return
  }
  func.func @transform_0(%arg0: i32) -> (i32, i32) {
    %c0_i32 = arith.constant 0 : i32
    %c0_i32_0 = arith.constant 0 : i32
    return %arg0, %c0_i32 : i32, i32
  }
  func.func @transform_1(%arg0: i32) -> (i32, i32) {
    %add3A = arith.constant 0 : i32
    %add3A_0 = arith.addi %arg0, %add3A : i32
    %c0_i32 = arith.constant 0 : i32
    %c0_i32_1 = arith.constant 0 : i32
    return %c0_i32, %add3A_0 : i32, i32
  }
  func.func @transform_2(%arg0: i32) -> (i32, i32) {
    %c0_i32 = arith.constant 0 : i32
    %c0_i32_0 = arith.constant 0 : i32
    %c0_i32_1 = arith.constant 0 : i32
    return %c0_i32, %c0_i32_0 : i32, i32
  }
  func.func @transform_3(%arg0: i32) -> (i32, i32) {
    %c0_i32 = arith.constant 0 : i32
    %c0_i32_0 = arith.constant 0 : i32
    %c0_i32_1 = arith.constant 0 : i32
    return %c0_i32, %c0_i32_0 : i32, i32
  }
  func.func @transform_4(%arg0: i32) -> (i32, i32) {
    %c0_i32 = arith.constant 0 : i32
    %c0_i32_0 = arith.constant 0 : i32
    %c0_i32_1 = arith.constant 0 : i32
    return %c0_i32, %c0_i32_0 : i32, i32
  }
  func.func @transform_5(%arg0: i32) -> (i32, i32) {
    %c0_i32 = arith.constant 0 : i32
    %c0_i32_0 = arith.constant 0 : i32
    %c0_i32_1 = arith.constant 0 : i32
    return %c0_i32, %c0_i32_0 : i32, i32
  }
  func.func @transform_6(%arg0: i32) -> (i32, i32) {
    %c0_i32 = arith.constant 0 : i32
    %c0_i32_0 = arith.constant 0 : i32
    %c0_i32_1 = arith.constant 0 : i32
    return %c0_i32, %c0_i32_0 : i32, i32
  }
  func.func @transform_7(%arg0: i32) -> (i32, i32) {
    %c0_i32 = arith.constant 0 : i32
    %c0_i32_0 = arith.constant 0 : i32
    return %arg0, %c0_i32 : i32, i32
  }
}

module attributes {stable_mosaic.version = 14 : i64} {
  func.func @_mlp_body(%arg0: i32, %arg1: memref<6400x128xf32, #tpu.memory_space<vmem>>, %arg2: memref<16x6400xf32, #tpu.memory_space<vmem>>, %arg3: memref<128x128xbf16, #tpu.memory_space<vmem>>, %arg4: memref<16x128xbf16, #tpu.memory_space<vmem>>, %arg5: memref<1x128xf32, #tpu.memory_space<vmem>>, %arg6: memref<128x128xbf16, #tpu.memory_space<vmem>>, %arg7: memref<1x128xf32, #tpu.memory_space<vmem>>, %arg8: memref<6400x128xf32, #tpu.memory_space<vmem>>) attributes {dimension_semantics = [#tpu.dimension_semantics<arbitrary>], iteration_bounds = array<i64: 25>, scalar_prefetch = 0 : i64, scratch_operands = 0 : i64, tpu.core_type = #tpu.core_type<tc>, window_params = [{transform_indices = @transform_0, window_bounds = array<i64: 6400, 128>}, {transform_indices = @transform_1, window_bounds = array<i64: 16, 6400>}, {pipeline_mode = #tpu.pipeline_mode<synchronous>, transform_indices = @transform_2, window_bounds = array<i64: 128, 128>}, {pipeline_mode = #tpu.pipeline_mode<synchronous>, transform_indices = @transform_3, window_bounds = array<i64: 16, 128>}, {pipeline_mode = #tpu.pipeline_mode<synchronous>, transform_indices = @transform_4, window_bounds = array<i64: 1, 128>}, {pipeline_mode = #tpu.pipeline_mode<synchronous>, transform_indices = @transform_5, window_bounds = array<i64: 128, 128>}, {pipeline_mode = #tpu.pipeline_mode<synchronous>, transform_indices = @transform_6, window_bounds = array<i64: 1, 128>}, {transform_indices = @transform_7, window_bounds = array<i64: 6400, 128>}]} {
    %get3A = arith.constant 0 : index
    %get3A_0 = arith.constant 0 : index
    %get3A_1 = vector.load %arg1[%get3A, %get3A_0] : memref<6400x128xf32, #tpu.memory_space<vmem>>, vector<6400x128xf32>
    %convert_element_type3A = arith.truncf %get3A_1 : vector<6400x128xf32> to vector<6400x128xbf16>
    %get3A_2 = arith.constant 0 : index
    %get3A_3 = arith.constant 0 : index
    %get3A_4 = vector.load %arg3[%get3A_2, %get3A_3] : memref<128x128xbf16, #tpu.memory_space<vmem>>, vector<128x128xbf16>
    %dot_general3A = arith.constant dense<0.000000e+00> : vector<6400x128xf32>
    %dot_general3A_5 = tpu.matmul %convert_element_type3A, %get3A_4, %dot_general3A {dimension_numbers = #tpu.dot_dimension_numbers<[1], [0], [0], [1], [0, 0, 1, 1], [], []>, transpose_lhs_hint = false} : vector<6400x128xbf16>, vector<128x128xbf16>, vector<6400x128xf32> -> vector<6400x128xf32>
    %get3A_6 = arith.constant 0 : index
    %get3A_7 = arith.constant 0 : index
    %get3A_8 = vector.load %arg2[%get3A_6, %get3A_7] : memref<16x6400xf32, #tpu.memory_space<vmem>>, vector<16x6400xf32>
    %convert_element_type3A_9 = arith.truncf %get3A_8 : vector<16x6400xf32> to vector<16x6400xbf16>
    %get3A_10 = arith.constant 0 : index
    %get3A_11 = arith.constant 0 : index
    %get3A_12 = vector.load %arg4[%get3A_10, %get3A_11] : memref<16x128xbf16, #tpu.memory_space<vmem>>, vector<16x128xbf16>
    %dot_general3A_13 = arith.constant dense<0.000000e+00> : vector<6400x128xf32>
    %dot_general3A_14 = tpu.matmul %convert_element_type3A_9, %get3A_12, %dot_general3A_13 {dimension_numbers = #tpu.dot_dimension_numbers<[0], [0], [1], [1], [0, 1, 1, 1], [], []>, transpose_lhs_hint = false} : vector<16x6400xbf16>, vector<16x128xbf16>, vector<6400x128xf32> -> vector<6400x128xf32>
    %add3A = arith.addf %dot_general3A_5, %dot_general3A_14 : vector<6400x128xf32>
    %get3A_15 = arith.constant 0 : index
    %get3A_16 = arith.constant 0 : index
    %get3A_17 = vector.load %arg5[%get3A_15, %get3A_16] : memref<1x128xf32, #tpu.memory_space<vmem>>, vector<1x128xf32>
    %add3A_18 = vector.broadcast %get3A_17 : vector<1x128xf32> to vector<6400x128xf32>
    %add3A_19 = arith.addf %add3A, %add3A_18 : vector<6400x128xf32>
    %max3A = arith.constant 0.000000e+00 : f32
    %max3A_20 = vector.broadcast %max3A : f32 to vector<6400x128xf32>
    %max3A_21 = arith.maximumf %add3A_19, %max3A_20 : vector<6400x128xf32>
    %convert_element_type3A_22 = arith.truncf %max3A_21 : vector<6400x128xf32> to vector<6400x128xbf16>
    %get3A_23 = arith.constant 0 : index
    %get3A_24 = arith.constant 0 : index
    %get3A_25 = vector.load %arg6[%get3A_23, %get3A_24] : memref<128x128xbf16, #tpu.memory_space<vmem>>, vector<128x128xbf16>
    %dot_general3A_26 = arith.constant dense<0.000000e+00> : vector<6400x128xf32>
    %dot_general3A_27 = tpu.matmul %convert_element_type3A_22, %get3A_25, %dot_general3A_26 {dimension_numbers = #tpu.dot_dimension_numbers<[1], [0], [0], [1], [0, 0, 1, 1], [], []>, transpose_lhs_hint = false} : vector<6400x128xbf16>, vector<128x128xbf16>, vector<6400x128xf32> -> vector<6400x128xf32>
    %get3A_28 = arith.constant 0 : index
    %get3A_29 = arith.constant 0 : index
    %get3A_30 = vector.load %arg7[%get3A_28, %get3A_29] : memref<1x128xf32, #tpu.memory_space<vmem>>, vector<1x128xf32>
    %add3A_31 = vector.broadcast %get3A_30 : vector<1x128xf32> to vector<6400x128xf32>
    %add3A_32 = arith.addf %dot_general3A_27, %add3A_31 : vector<6400x128xf32>
    %max3A_33 = arith.constant 0.000000e+00 : f32
    %max3A_34 = vector.broadcast %max3A_33 : f32 to vector<6400x128xf32>
    %max3A_35 = arith.maximumf %add3A_32, %max3A_34 : vector<6400x128xf32>
    %swap3A = arith.constant 0 : index
    %swap3A_36 = arith.constant 0 : index
    %swap3A_37 = vector.load %arg8[%swap3A, %swap3A_36] : memref<6400x128xf32, #tpu.memory_space<vmem>>, vector<6400x128xf32>
    tpu.vector_store %arg8[%swap3A, %swap3A_36], %max3A_35 {strides = array<i32>} : memref<6400x128xf32, #tpu.memory_space<vmem>>, vector<6400x128xf32>,
    return
  }
  func.func @transform_0(%arg0: i32) -> (i32, i32) {
    %c0_i32 = arith.constant 0 : i32
    %c0_i32_0 = arith.constant 0 : i32
    return %arg0, %c0_i32 : i32, i32
  }
  func.func @transform_1(%arg0: i32) -> (i32, i32) {
    %add3A = arith.constant 25 : i32
    %add3A_0 = arith.addi %arg0, %add3A : i32
    %c0_i32 = arith.constant 0 : i32
    %c0_i32_1 = arith.constant 0 : i32
    return %c0_i32, %add3A_0 : i32, i32
  }
  func.func @transform_2(%arg0: i32) -> (i32, i32) {
    %c0_i32 = arith.constant 0 : i32
    %c0_i32_0 = arith.constant 0 : i32
    %c0_i32_1 = arith.constant 0 : i32
    return %c0_i32, %c0_i32_0 : i32, i32
  }
  func.func @transform_3(%arg0: i32) -> (i32, i32) {
    %c0_i32 = arith.constant 0 : i32
    %c0_i32_0 = arith.constant 0 : i32
    %c0_i32_1 = arith.constant 0 : i32
    return %c0_i32, %c0_i32_0 : i32, i32
  }
  func.func @transform_4(%arg0: i32) -> (i32, i32) {
    %c0_i32 = arith.constant 0 : i32
    %c0_i32_0 = arith.constant 0 : i32
    %c0_i32_1 = arith.constant 0 : i32
    return %c0_i32, %c0_i32_0 : i32, i32
  }
  func.func @transform_5(%arg0: i32) -> (i32, i32) {
    %c0_i32 = arith.constant 0 : i32
    %c0_i32_0 = arith.constant 0 : i32
    %c0_i32_1 = arith.constant 0 : i32
    return %c0_i32, %c0_i32_0 : i32, i32
  }
  func.func @transform_6(%arg0: i32) -> (i32, i32) {
    %c0_i32 = arith.constant 0 : i32
    %c0_i32_0 = arith.constant 0 : i32
    %c0_i32_1 = arith.constant 0 : i32
    return %c0_i32, %c0_i32_0 : i32, i32
  }
  func.func @transform_7(%arg0: i32) -> (i32, i32) {
    %c0_i32 = arith.constant 0 : i32
    %c0_i32_0 = arith.constant 0 : i32
    return %arg0, %c0_i32 : i32, i32
  }
}

module attributes {stable_mosaic.version = 14 : i64} {
  func.func @_upd_body(%arg0: i32, %arg1: memref<1000x128xf32, #tpu.memory_space<vmem>>, %arg2: memref<2x1000x128xf32, #tpu.memory_space<vmem>>, %arg3: memref<2x1000x128xf32, #tpu.memory_space<vmem>>, %arg4: memref<1x128xf32, #tpu.memory_space<vmem>>, %arg5: memref<1x128xf32, #tpu.memory_space<vmem>>, %arg6: memref<128x128xf32, #tpu.memory_space<vmem>>, %arg7: memref<1x128xf32, #tpu.memory_space<vmem>>, %arg8: memref<1000x128xf32, #tpu.memory_space<vmem>>) attributes {dimension_semantics = [#tpu.dimension_semantics<arbitrary>], iteration_bounds = array<i64: 10>, scalar_prefetch = 0 : i64, scratch_operands = 0 : i64, tpu.core_type = #tpu.core_type<tc>, window_params = [{transform_indices = @transform_0, window_bounds = array<i64: 1000, 128>}, {transform_indices = @transform_1, window_bounds = array<i64: 2, 1000, 128>}, {transform_indices = @transform_2, window_bounds = array<i64: 2, 1000, 128>}, {pipeline_mode = #tpu.pipeline_mode<synchronous>, transform_indices = @transform_3, window_bounds = array<i64: 1, 128>}, {pipeline_mode = #tpu.pipeline_mode<synchronous>, transform_indices = @transform_4, window_bounds = array<i64: 1, 128>}, {pipeline_mode = #tpu.pipeline_mode<synchronous>, transform_indices = @transform_5, window_bounds = array<i64: 128, 128>}, {pipeline_mode = #tpu.pipeline_mode<synchronous>, transform_indices = @transform_6, window_bounds = array<i64: 1, 128>}, {transform_indices = @transform_7, window_bounds = array<i64: 1000, 128>}]} {
    %get3A = arith.constant 0 : index
    %get3A_0 = arith.constant 0 : index
    %get3A_1 = vector.load %arg1[%get3A, %get3A_0] : memref<1000x128xf32, #tpu.memory_space<vmem>>, vector<1000x128xf32>
    %get3A_2 = arith.constant 0 : index
    %get3A_3 = arith.constant 0 : index
    %get3A_4 = arith.constant 0 : index
    %get3A_5 = vector.load %arg2[%get3A_2, %get3A_3, %get3A_4] : memref<2x1000x128xf32, #tpu.memory_space<vmem>>, vector<1x1000x128xf32>
    %get3A_6 = vector.shape_cast %get3A_5 : vector<1x1000x128xf32> to vector<1000x128xf32>
    %get3A_7 = arith.constant 1 : index
    %get3A_8 = arith.constant 0 : index
    %get3A_9 = arith.constant 0 : index
    %get3A_10 = vector.load %arg2[%get3A_7, %get3A_8, %get3A_9] : memref<2x1000x128xf32, #tpu.memory_space<vmem>>, vector<1x1000x128xf32>
    %get3A_11 = vector.shape_cast %get3A_10 : vector<1x1000x128xf32> to vector<1000x128xf32>
    %add3A = arith.addf %get3A_6, %get3A_11 : vector<1000x128xf32>
    %add3A_12 = arith.addf %get3A_1, %add3A : vector<1000x128xf32>
    %get3A_13 = arith.constant 0 : index
    %get3A_14 = arith.constant 0 : index
    %get3A_15 = arith.constant 0 : index
    %get3A_16 = vector.load %arg3[%get3A_13, %get3A_14, %get3A_15] : memref<2x1000x128xf32, #tpu.memory_space<vmem>>, vector<1x1000x128xf32>
    %get3A_17 = vector.shape_cast %get3A_16 : vector<1x1000x128xf32> to vector<1000x128xf32>
    %get3A_18 = arith.constant 1 : index
    %get3A_19 = arith.constant 0 : index
    %get3A_20 = arith.constant 0 : index
    %get3A_21 = vector.load %arg3[%get3A_18, %get3A_19, %get3A_20] : memref<2x1000x128xf32, #tpu.memory_space<vmem>>, vector<1x1000x128xf32>
    %get3A_22 = vector.shape_cast %get3A_21 : vector<1x1000x128xf32> to vector<1000x128xf32>
    %add3A_23 = arith.addf %get3A_17, %get3A_22 : vector<1000x128xf32>
    %add3A_24 = arith.addf %add3A_12, %add3A_23 : vector<1000x128xf32>
    %reduce_sum3A = arith.constant dense<0.000000e+00> : vector<1000xf32>
    %reduce_sum3A_25 = vector.multi_reduction <add>, %add3A_24, %reduce_sum3A [1] : vector<1000x128xf32> to vector<1000xf32>
    %broadcast_in_dim3A = vector.shape_cast %reduce_sum3A_25 : vector<1000xf32> to vector<1000x1xf32>
    %div3A = arith.constant 1.280000e+02 : f32
    %div3A_26 = vector.broadcast %div3A : f32 to vector<1000x1xf32>
    %div3A_27 = arith.divf %broadcast_in_dim3A, %div3A_26 : vector<1000x1xf32>
    %sub3A = vector.broadcast %div3A_27 : vector<1000x1xf32> to vector<1000x128xf32>
    %sub3A_28 = arith.subf %add3A_24, %sub3A : vector<1000x128xf32>
    %mul3A = arith.mulf %sub3A_28, %sub3A_28 : vector<1000x128xf32>
    %reduce_sum3A_29 = arith.constant dense<0.000000e+00> : vector<1000xf32>
    %reduce_sum3A_30 = vector.multi_reduction <add>, %mul3A, %reduce_sum3A_29 [1] : vector<1000x128xf32> to vector<1000xf32>
    %broadcast_in_dim3A_31 = vector.shape_cast %reduce_sum3A_30 : vector<1000xf32> to vector<1000x1xf32>
    %div3A_32 = arith.constant 1.280000e+02 : f32
    %div3A_33 = vector.broadcast %div3A_32 : f32 to vector<1000x1xf32>
    %div3A_34 = arith.divf %broadcast_in_dim3A_31, %div3A_33 : vector<1000x1xf32>
    %add3A_35 = arith.constant 9.99999974E-6 : f32
    %add3A_36 = vector.broadcast %add3A_35 : f32 to vector<1000x1xf32>
    %add3A_37 = arith.addf %div3A_34, %add3A_36 : vector<1000x1xf32>
    %rsqrt3A = math.rsqrt %add3A_37 : vector<1000x1xf32>
    %mul3A_38 = vector.broadcast %rsqrt3A : vector<1000x1xf32> to vector<1000x128xf32>
    %mul3A_39 = arith.mulf %sub3A_28, %mul3A_38 : vector<1000x128xf32>
    %get3A_40 = arith.constant 0 : index
    %get3A_41 = arith.constant 0 : index
    %get3A_42 = vector.load %arg4[%get3A_40, %get3A_41] : memref<1x128xf32, #tpu.memory_space<vmem>>, vector<1x128xf32>
    %mul3A_43 = vector.broadcast %get3A_42 : vector<1x128xf32> to vector<1000x128xf32>
    %mul3A_44 = arith.mulf %mul3A_39, %mul3A_43 : vector<1000x128xf32>
    %get3A_45 = arith.constant 0 : index
    %get3A_46 = arith.constant 0 : index
    %get3A_47 = vector.load %arg5[%get3A_45, %get3A_46] : memref<1x128xf32, #tpu.memory_space<vmem>>, vector<1x128xf32>
    %add3A_48 = vector.broadcast %get3A_47 : vector<1x128xf32> to vector<1000x128xf32>
    %add3A_49 = arith.addf %mul3A_44, %add3A_48 : vector<1000x128xf32>
    %max3A = arith.constant 0.000000e+00 : f32
    %max3A_50 = vector.broadcast %max3A : f32 to vector<1000x128xf32>
    %max3A_51 = arith.maximumf %add3A_49, %max3A_50 : vector<1000x128xf32>
    %get3A_52 = arith.constant 0 : index
    %get3A_53 = arith.constant 0 : index
    %get3A_54 = vector.load %arg6[%get3A_52, %get3A_53] : memref<128x128xf32, #tpu.memory_space<vmem>>, vector<128x128xf32>
    %dot_general3A = arith.constant dense<0.000000e+00> : vector<1000x128xf32>
    %dot_general3A_55 = tpu.matmul %max3A_51, %get3A_54, %dot_general3A {dimension_numbers = #tpu.dot_dimension_numbers<[1], [0], [0], [1], [0, 0, 1, 1], [], []>, transpose_lhs_hint = false} : vector<1000x128xf32>, vector<128x128xf32>, vector<1000x128xf32> -> vector<1000x128xf32>
    %get3A_56 = arith.constant 0 : index
    %get3A_57 = arith.constant 0 : index
    %get3A_58 = vector.load %arg7[%get3A_56, %get3A_57] : memref<1x128xf32, #tpu.memory_space<vmem>>, vector<1x128xf32>
    %add3A_59 = vector.broadcast %get3A_58 : vector<1x128xf32> to vector<1000x128xf32>
    %add3A_60 = arith.addf %dot_general3A_55, %add3A_59 : vector<1000x128xf32>
    %swap3A = arith.constant 0 : index
    %swap3A_61 = arith.constant 0 : index
    %swap3A_62 = vector.load %arg8[%swap3A, %swap3A_61] : memref<1000x128xf32, #tpu.memory_space<vmem>>, vector<1000x128xf32>
    tpu.vector_store %arg8[%swap3A, %swap3A_61], %add3A_60 {strides = array<i32>} : memref<1000x128xf32, #tpu.memory_space<vmem>>, vector<1000x128xf32>,
    return
  }
  func.func @transform_0(%arg0: i32) -> (i32, i32) {
    %c0_i32 = arith.constant 0 : i32
    %c0_i32_0 = arith.constant 0 : i32
    return %arg0, %c0_i32 : i32, i32
  }
  func.func @transform_1(%arg0: i32) -> (i32, i32, i32) {
    %c0_i32 = arith.constant 0 : i32
    %c0_i32_0 = arith.constant 0 : i32
    %c0_i32_1 = arith.constant 0 : i32
    return %c0_i32, %arg0, %c0_i32_0 : i32, i32, i32
  }
  func.func @transform_2(%arg0: i32) -> (i32, i32, i32) {
    %c0_i32 = arith.constant 0 : i32
    %c0_i32_0 = arith.constant 0 : i32
    %c0_i32_1 = arith.constant 0 : i32
    return %c0_i32, %arg0, %c0_i32_0 : i32, i32, i32
  }
  func.func @transform_3(%arg0: i32) -> (i32, i32) {
    %c0_i32 = arith.constant 0 : i32
    %c0_i32_0 = arith.constant 0 : i32
    %c0_i32_1 = arith.constant 0 : i32
    return %c0_i32, %c0_i32_0 : i32, i32
  }
  func.func @transform_4(%arg0: i32) -> (i32, i32) {
    %c0_i32 = arith.constant 0 : i32
    %c0_i32_0 = arith.constant 0 : i32
    %c0_i32_1 = arith.constant 0 : i32
    return %c0_i32, %c0_i32_0 : i32, i32
  }
  func.func @transform_5(%arg0: i32) -> (i32, i32) {
    %c0_i32 = arith.constant 0 : i32
    %c0_i32_0 = arith.constant 0 : i32
    %c0_i32_1 = arith.constant 0 : i32
    return %c0_i32, %c0_i32_0 : i32, i32
  }
  func.func @transform_6(%arg0: i32) -> (i32, i32) {
    %c0_i32 = arith.constant 0 : i32
    %c0_i32_0 = arith.constant 0 : i32
    %c0_i32_1 = arith.constant 0 : i32
    return %c0_i32, %c0_i32_0 : i32, i32
  }
  func.func @transform_7(%arg0: i32) -> (i32, i32) {
    %c0_i32 = arith.constant 0 : i32
    %c0_i32_0 = arith.constant 0 : i32
    return %arg0, %c0_i32 : i32, i32
  }
}

</mosaic_0001>

<sc_bundles>
// kernel: kernel.12.cloned.1.call-start
scs
__scs_entry_jumppad:
0x0: {  	(pc) =	sbr.rel $0x88, $3  }
0x1: {  	(tag) =	ssettag $0x0;
	lr =	simm.s32 $0x1  }
0x2: {  	[smem:$0x3F96] =	sst lr;
	_ =	strace $0xD0000000  }
0x3: {  	_ = 	snop  }
0x4: {  	_ = 	snop  }
0x5: {  	_ = 	snop  }
0x6: {  	_ = 	snop  }
0x7: {  	_ = 	snop  }
__scs_overlays_trampoline_lowered:
0x8: {  	[smem:$0x3FA5] =	sst s0  }
0x9: {  	[smem:$0x3FA6] =	sst s1  }
0xa: {  	[smem:$0x3FA7] =	sst s2  }
0xb: {  	[smem:$0x3FA8] =	sst s3  }
0xc: {  	[smem:$0x3FA9] =	sst s4  }
0xd: {  	[smem:$0x3FAA] =	sst s5  }
0xe: {  	[smem:$0x3FAB] =	sst s6  }
0xf: {  	[smem:$0x3FAC] =	sst s7  }
0x10: {  	[smem:$0x3FAD] =	sst s8  }
0x11: {  	[smem:$0x3FAE] =	sst s9;
	s0 =	simm.s32 @!p0 $0x0  }
0x12: {  	s1 =	sld [smem:$0x3F94];
	s0 =	simm.s32 @p0 $0x1  }
0x13: {  	[smem:$0x3FAF] =	sst s0;
	s0 =	simm.s32 @!p1 $0x0  }
0x14: {  	s2 =	sld [smem:$0x3F93];
	s0 =	simm.s32 @p1 $0x1  }
0x15: {  	[smem:$0x3FB0] =	sst s0;
	s0 =	simm.s32 @!p2 $0x0  }
0x16: {  	s3 =	sld [smem:$0x3FDB];
	s0 =	simm.s32 @p2 $0x1  }
0x17: {  	s4 =	simm.s32 $0x1BF5;
	[smem:$0x3FB2] =	sst s0  }
0x18: {  	s0 =	sld [smem:$0x3F95];
	_ =	swait.ge [sflag:s4], $0x0  }
0x19: {  	s7 =	sld [smem:$0x3F96]  }
0x1a: {  	s8 =	sadd.s32 $0xFFFFE003, lr  }
0x1b: {  	s9 =	sadd.s32 $0xFFFFFEF7, lr;
	s5 =	simm.s32 $0xFFFFFFFF;
	p2 =	slt.u32 s8, $0xFFFFF086  }
0x1c: {  	p1 =	slt.u32 s9, $0xF7A;
	s5 =	simm.s32 @!p2 $0x0  }
0x1d: {  	s5 =	simm.s32 @p1 $0x1;
	p0 =	seq.s32 s7, s2  }
0x1e: {  	s7 =	smul.u32 @!p0 $0xF7A, s2;
	p2 =	seq.s32 @!p0 s5, $0x0  }
0x1f: {  	s9 =	smul.u32 $0xF7A, s1;
	s8 =	simm.s32 @!p0 $0x1BF5;
	p2 =	por !p2, p0  }
0x20: {  	[sflag:s8] =	ssyncset.s32 @!p0 $0xFFFFF086;
	s6 =	sadd.s32 @!p0 s3, s7;
	s7 =	simm.s32 @!p0 $0x108  }
0x21: {  	s3 =	sadd.s32 s3, s9;
	s6 =	sadd.s32 @!p0 $0x88, s6;
	s7 =	simm.s32 @p2 $0x1082  }
0x22: {  	[simem:s7], [sflag:s8] =	dma.local @!p0 [hbm:s6], $0xF7A  }
0x23: {  	s9 =	sor.u32 $0xD0000000, s2;
	s6 =	simm.s32 $0x108;
	_ =	swait.ge @!p0 [sflag:s8], $0x0  }
0x24: {  	s3 =	sadd.s32 $0x88, s3;
	s6 =	simm.s32 @!p1 $0x1082;
	[sflag:s4] =	ssyncset.s32 $0xFFFFF086  }
0x25: {  	[simem:s6], [sflag:s4] =	dma.local [hbm:s3], $0xF7A  }
0x26: {  	[smem:$0x3F96] =	sst s1;
	(tag) =	ssettag s2;
	_ =	strace s9  }
0x27: {  	s1 =	sld [smem:$0x3FA6]  }
0x28: {  	s2 =	sld [smem:$0x3FA7]  }
0x29: {  	s4 =	sld [smem:$0x3FA9]  }
0x2a: {  	p0 =	seq.s32 s5, $0x0;
	s5 =	sld [smem:$0x3FAA]  }
0x2b: {  	s6 =	sld [smem:$0x3FAB]  }
0x2c: {  	s7 =	sld [smem:$0x3FAC]  }
0x2d: {  	s3 =	simm.s32 $0x108;
	s8 =	sld [smem:$0x3FAD]  }
0x2e: {  	s3 =	simm.s32 @!p0 $0x1082;
	s9 =	sld [smem:$0x3FAE]  }
0x2f: {  	lr =	sadd.s32 s0, s3;
	s0 =	sld [smem:$0x3FA5]  }
0x30: {  	s3 =	sld [smem:$0x3FA8]  }
0x31: {  	[smem:$0x3FB1] =	sst s10  }
0x32: {  	s10 =	sld [smem:$0x3FAF];
	_ =	sdelay $0x3  }
0x33: {  	p0 =	seq.s32 s10, $0x1;
	s10 =	sld [smem:$0x3FB1];
	_ =	sdelay $0x3  }
0x34: {  	[smem:$0x3FB1] =	sst s10  }
0x35: {  	s10 =	sld [smem:$0x3FB0];
	_ =	sdelay $0x3  }
0x36: {  	p1 =	seq.s32 s10, $0x1;
	s10 =	sld [smem:$0x3FB1];
	_ =	sdelay $0x3  }
0x37: {  	[smem:$0x3FB1] =	sst s10  }
0x38: {  	s10 =	sld [smem:$0x3FB2]  }
0x39: {  	_ = 	snop;
	(pc) =	sbr.ind lr, $3  }
0x3a: {  	_ = 	snop  }
0x3b: {  	_ = 	snop  }
0x3c: {  	p2 =	seq.s32 s10, $0x1;
	s10 =	sld [smem:$0x3FB1]  }
0x3d: {  	_ =	shalt  }
0x3e: {  	_ =	shalt  }
0x3f: {  	_ =	shalt  }
0x40: {  	_ =	shalt  }
0x41: {  	_ =	shalt  }
0x42: {  	_ =	shalt  }
0x43: {  	_ =	shalt  }
0x44: {  	_ =	shalt  }
0x45: {  	_ =	shalt  }
0x46: {  	_ =	shalt  }
0x47: {  	_ =	shalt  }
0x48: {  	_ =	shalt  }
0x49: {  	_ =	shalt  }
0x4a: {  	_ =	shalt  }
0x4b: {  	_ =	shalt  }
0x4c: {  	_ =	shalt  }
0x4d: {  	_ =	shalt  }
0x4e: {  	_ =	shalt  }
0x4f: {  	_ =	shalt  }
0x50: {  	_ =	shalt  }
0x51: {  	_ =	shalt  }
0x52: {  	_ =	shalt  }
0x53: {  	_ =	shalt  }
0x54: {  	_ =	shalt  }
0x55: {  	_ =	shalt  }
0x56: {  	_ =	shalt  }
0x57: {  	_ =	shalt  }
0x58: {  	_ =	shalt  }
0x59: {  	_ =	shalt  }
0x5a: {  	_ =	shalt  }
0x5b: {  	_ =	shalt  }
0x5c: {  	_ =	shalt  }
0x5d: {  	_ =	shalt  }
0x5e: {  	_ =	shalt  }
0x5f: {  	_ =	shalt  }
0x60: {  	_ =	shalt  }
0x61: {  	_ =	shalt  }
0x62: {  	_ =	shalt  }
0x63: {  	_ =	shalt  }
0x64: {  	_ =	shalt  }
0x65: {  	_ =	shalt  }
0x66: {  	_ =	shalt  }
0x67: {  	_ =	shalt  }
0x68: {  	_ =	shalt  }
0x69: {  	_ =	shalt  }
0x6a: {  	_ =	shalt  }
0x6b: {  	_ =	shalt  }
0x6c: {  	_ =	shalt  }
0x6d: {  	_ =	shalt  }
0x6e: {  	_ =	shalt  }
0x6f: {  	_ =	shalt  }
0x70: {  	_ =	shalt  }
0x71: {  	_ =	shalt  }
0x72: {  	_ =	shalt  }
0x73: {  	_ =	shalt  }
0x74: {  	_ =	shalt  }
0x75: {  	_ =	shalt  }
0x76: {  	_ =	shalt  }
0x77: {  	_ =	shalt  }
0x78: {  	_ =	shalt  }
0x79: {  	_ =	shalt  }
0x7a: {  	_ =	shalt  }
0x7b: {  	_ =	shalt  }
0x7c: {  	_ =	shalt  }
0x7d: {  	_ =	shalt  }
0x7e: {  	_ =	shalt  }
0x7f: {  	_ =	shalt  }
0x80: {  	_ =	shalt  }
0x81: {  	_ =	shalt  }
0x82: {  	_ =	shalt  }
0x83: {  	_ =	shalt  }
0x84: {  	_ =	shalt  }
0x85: {  	_ =	shalt  }
0x86: {  	_ =	shalt  }
0x87: {  	_ =	shalt  }
.Lfunc_end0:
.L_simem_size_0:
called_computation.1_lowered:
.L_overlay_start_0:
0x88: {  	s2 =	sld [smem:$0x3FD9]  }
0x89: {  	s3 =	sld [smem:$0x3FFE];
	_ =	sdelay $0x1  }
0x8a: {  	s1 =	srdreg.scid  }
0x8b: {  	s0 =	sand.u32 $0x1, s1  }
0x8c: {  	s17 =	sshll.u32 s0, $0xA;
	s2 =	sadd.s32 s3, s2  }
0x8d: {  	s2 =	sadd.s32 s2, s17  }
0x8e: {  	[smem:$0x3FBD] =	sst s2  }
0x8f: {  	_ = 	snop  }
0x90: {  	s2 =	sld [smem:$0x3FC9]  }
0x91: {  	s18 =	sld [smem:$0x3FC8];
	(tm) =	ssettm $0x1  }
0x92: {  	s4 =	sld [smem:$0x3FFB];
	_ =	sdelay $0x3  }
0x93: {  	_ =	strace s4  }
0x94: {  	s4 =	sld [smem:$0x3FFC];
	_ =	sdelay $0x3  }
0x95: {  	_ =	strace s4  }
0x96: {  	s4 =	sld [smem:$0x3FFD];
	_ =	sdelay $0x3  }
0x97: {  	_ =	strace s4  }
0x98: {  	_ =	strace $0x8FFFFFFF  }
0x99: {  	s19 =	sld [smem:$0x3FDB];
	_ =	sdelay $0x1  }
0x9a: {  	s5 =	simm.s32 $_scs_section_size  }
0x9b: {  	s6 =	simm.s32 $_size__tile_overlayer_lowered;
	s7 =	simm.s32 $_tile_overlayer_lowered  }
0x9c: {  	s22 =	simm.s32 $0x1BFF;
	s21 =	sshll.u32 s7, $0x1;
	s4 =	sadd.s32 s5, s19  }
0x9d: {  	s8 =	simm.s32 $0x0;
	s20 =	sshll.u32 s6, $0x1;
	s6 =	sadd.s32 s21, s4  }
0x9e: {  	[timem:s8], [sflag:s22] =	dma.local [hbm:s6], s20  }
0x9f: {  	_ =	swait.ge [sflag:s22], s20  }
0xa0: {  	s5 =	ssub.s32 $0x0, s20;
	[sflag:s22] =	ssyncset.done $0x0  }
0xa1: {  	[sflag:s22] =	ssyncadd.s32 s5;
	_ =	sdelay $0x1  }
0xa2: {  	s23 =	simm.s32 $0x1B8B  }
0xa3: {  	_ =	swait.ge [sflag:s23], $0x1  }
0xa4: {  	[sflag:s23] =	ssyncset.done $0x0  }
0xa5: {  	s25 =	simm.s32 $0x1B8E;
	s24 =	sld [smem:$0x3FFE];
	[sflag:s23] =	ssyncadd.s32 $0xFFFFFFFF  }
0xa6: {  	s26 =	simm.s32 $execute0_lowered;
	[smem:$0x3FD2] =	sst s25  }
0xa7: {  	s6 =	sshll.u32 s26, $0x1;
	_ =	strace $0x80000046;
	[dreg:$0x1] =	wrdreg $0xFFFFFFFF  }
0xa8: {  	s28 =	simm.s32 $_size_execute0_lowered;
	s4 =	sadd.s32 s4, s6;
	[dreg:$0x0] =	wrdreg $0x0  }
0xa9: {  	s6 =	sshll.u32 s28, $0x1;
	[dreg:$0x2] =	wrdreg s4  }
0xaa: {  	[dreg:$0x3] =	wrdreg s6  }
0xab: {  	[dreg:$0x4] =	wrdreg $0xC0  }
0xac: {  	_ =	task [dreg:s8], $0x5FFFF  }
0xad: {  	[dreg:$0x1] =	wrdreg $0xFFFFFFFF  }
0xae: {  	[dreg:$0x0] =	wrdreg $0x60  }
0xaf: {  	[dreg:$0x2] =	wrdreg s2  }
0xb0: {  	[dreg:$0x3] =	wrdreg s18  }
0xb1: {  	[dreg:$0x4] =	wrdreg s24  }
0xb2: {  	[dreg:$0x5] =	wrdreg $0xA  }
0xb3: {  	_ =	task.clear_ibuf [dreg:s8], $0x6FFFF;
	_ =	strace $0x90000046  }
0xb4: {  	s29 =	simm.s32 $0xA;
	_ =	strace $0x8000004F  }
0xb5: {  	_ =	swait.ge [sflag:s29], $0x1  }
0xb6: {  	[sflag:s29] =	ssyncadd.s32 $0xFFFFFFFF  }
0xb7: {  	_ =	strace $0x9000004F  }
0xb8: {  	_ =	sfence  }
0xb9: {  	s30 =	sld [smem:$0x0];
	_ =	sdelay $0x2  }
0xba: {  	s31 =	sshll.u32 s1, $0xD;
	s1 =	sshrl.u32 s1, $0x2  }
0xbb: {  	s3 =	sand.u32 $0x4000, s31;
	s1 =	sadd.s32 s1, s30  }
0xbc: {  	s0 =	sor.u32 s3, s0;
	s1 =	sshll.u32 s1, $0x11  }
0xbd: {  	s0 =	sor.u32 s1, s0  }
0xbe: {  	s0 =	sadd.s32 $0x8F2B, s0  }
0xbf: {  	[sflag:s0] =	ssyncadd.remote.s32 $0x1  }
0xc0: {  	_ =	sfence.sel $0xFFFF  }
0xc1: {  	[dreg:$0x0] =	wrdreg $0xFFFFFFFF;
	(pc) =	sbr.abs _section_cstart, $3  }
0xc2: {  	[dreg:$0x1] =	wrdreg $0xFFFFFFFF  }
0xc3: {  	_ =	task.clear_ibuf [dreg:s8], $0x2FFFF;
	_ =	strace $0x9FFFFFFF  }
0xc4: {  	(tm) =	ssettm $0x7FFFFFFF  }
0xc5: {  	_ =	shalt  }
tec
execute0_lowered:
.L_overlay_start_1:
0x0: {  	(tag) =	ssettag $0x1  }
0x1: {  	s0 =	rddreg [dreg:$0x0]  }
0x2: {  	s2 =	rddreg [dreg:$0x1]  }
0x3: {  	s28 =	srdreg.scid;
	s4 =	rddreg [dreg:$0x2]  }
0x4: {  	s1 =	stileid.u32;
	s3 =	simm.s32 $0x0;
	s5 =	sand.u32 $0x1, s28  }
0x5: {  	s10 =	simm.s32 $0x80;
	[dreg:$0x4] =	wrdreg s0;
	s6 =	sshll.u32 s5, $0x4  }
0x6: {  	s11 =	simm.s32 $0x0;
	[smem:$0x7FF] =	sst s3;
	s6 =	sor.u32 s1, s6  }
0x7: {  	s9 =	sadd.s32 $0x3C00, s4;
	_ =	strace $0x80000047;
	s7 =	smul.u32 $0x27, s6  }
0x8: {  	[dreg:$0x6] =	wrdreg s9;
	s29 =	ssub.s32 $0x2, s5;
	s8 =	smul.u32 $0x28, s6  }
0x9: {  	s5 =	simm.s32 $0x28;
	p0 =	slt.u32 s6, $0x2;
	s4 =	sadd.s32 $0x2, s7  }
0xa: {  	s9 =	simm.s32 $0x1;
	[dreg:$0x5] =	wrdreg s10;
	s4 =	smov.u32 @p0 s8  }
0xb: {  	s10 =	simm.s32 $0x5;
	s31 =	sshrl.u32 s29, $0x1;
	s30 =	sshll.u32 s4, $0x5  }
0xc: {  	s5 =	simm.s32 @!p0 $0x27;
	s8 =	ssub.s32 s29, s31;
	s7 =	sadd.s32 s30, s2  }
0xd: {  	s8 =	smax.u32 s8, $0x1;
	s6 =	sadd.s32 $0x9C40, s7;
	s7 =	sadd.s32 $0xFFFFFFFF, s5  }
.LBB2_1:
0xe: {  	_ =	strace $0x80000048;
	p0 =	seq.s32 s5, $0x1;
	s14 =	simm.s32 $0x1  }
0xf: {  	[tilespmem:s3], [sflag:$0x1] =	stream.linear.gather [hbm4b:s6+s3], $0x80, $0x200038;
	[tilespmem:$0x8100] =	vst v63  }
0x10: {  	p1 =	sne.s32 s5, $0x1;
	s14 =	simm.s32 @p0 $0x0  }
.Ltmp0:
0x11: {  	p6 =	sgt.u32 s7, $0x0;
	p3 =	sne.s32 s14, $0x0;
	(pc) =	sbr.rel @!p1 .LBB2_2-.Ltmp0, $4  }
0x12: {  	p0 =	por !p6, !p3  }
0x13: {  	s12 =	simm.s32 $0x1;
	s13 =	sadd.s32 $0x0, s4;
	p4 =	por !p0, !p0  }
0x14: {  	p5 =	por $0x1, $0x1;
	s15 =	sadd.s32 @p4 s4, s14;
	s26 =	sand.u32 @p4 $0x1, s9  }
0x15: {  	_ =	strace $0x90000048;
	s28 =	sshll.u32 @p4 s15, $0x8;
	s23 =	sshll.u32 @p4 s26, $0x7  }
0x16: {  	s15 =	sadd.s32 @p4 $0x4E200, s28  }
0x17: {  	s16 =	sadd.s32 @p4 $0x1, s26;
	s15 =	sshrl.u32 @p4 s15, $0x3  }
0x18: {  	s17 =	simm.s32 @p4 $0x0;
	_ =	strace @p4 $0x80000049;
	s15 =	sadd.s32 @p4 s2, s15  }
0x19: {  	[tilespmem:s23], [sflag:s16] =	stream.linear.gather @p4 [hbm4b:s15+s17], $0x80, $0x200038;
	[tilespmem:$0x8100] =	vst v63  }
0x1a: {  	s22 =	sand.u32 $0x1, s3;
	_ =	strace @p4 $0x90000049  }
0x1b: {  	p0 =	sne.s32 s5, $0x2;
	s26 =	sadd.s32 $0x1, s22;
	_ =	strace $0x8000004A  }
0x1c: {  	s0 =	simm.s32 @!p0 $0x0;
	_ =	swait.ge [sflag:s26], $0x80  }
0x1d: {  	p2 =	por p5, p5;
	s0 =	simm.s32 @p0 $0x1;
	[sflag:s26] =	ssyncset.done $0x0  }
0x1e: {  	s29 =	simm.s32 $0x0;
	[smem:$0x7FC] =	sst s0;
	[sflag:s26] =	ssyncadd.s32 $0xFFFFFF80  }
0x1f: {  	s25 =	sshll.u32 s22, $0xE;
	s15 =	simm.s32 $0x1;
	_ =	strace $0x9000004A  }
0x20: {  	s25 =	sor.u32 $0x100, s25;
	s15 =	simm.s32 @!p4 $0x0;
	_ =	strace $0x8000004B  }
0x21: {  	s16 =	sadd.s32 $0x1, s15;
	s15 =	sand.u32 @!p5 $0x1, s3;
	s20 =	rddreg [dreg:$0x4]  }
0x22: {  	s19 =	sadd.s32 @!p2 $0x3, s15;
	s15 =	sand.u32 $0x80, s29;
	s30 =	rddreg [dreg:$0x5]  }
0x23: {  	[tilespmem:s25], [sflag:$0x5] =	stream.indirect.gather [hbm4b:s20+s30], $0x80, s15, s30, $0x2000b8;
	[tilespmem:$0x8100] =	vst v63  }
0x24: {  	s21 =	sadd.s32 $0x1, s14;
	_ =	swait.ge [sflag:s10], $0x4000  }
0x25: {  	p6 =	seq.s32 s21, s5;
	[sflag:s10] =	ssyncset.done $0x0  }
0x26: {  	p0 =	seq.s32 s7, $0x0;
	p4 =	por p3, p3;
	[sflag:s10] =	ssyncadd.s32 $0xFFFFC000  }
0x27: {  	s21 =	simm.s32 @p6 $0x0;
	p6 =	por p0, p4;
	_ =	strace $0x9000004B  }
0x28: {  	_ =	strace @p6 $0x8000004C  }
0x29: {  	s18 =	simm.s32 $0x2;
	s31 =	sld [smem:$0x7FC]  }
0x2a: {  	s24 =	simm.s32 $0x1;
	p3 =	por $0x0, $0x0;
	p0 =	por $0x1, $0x1  }
0x2b: {  	p1 =	sgt.u32 s7, $0x1;
	s24 =	simm.s32 @!p3 $0x0;
	s0 =	simm.s32 @!p0 $0x0  }
0x2c: {  	p3 =	sne.s32 s14, s21;
	s0 =	simm.s32 @p0 $0x1;
	p0 =	seq.s32 s31, $0x1  }
.Ltmp1:
0x2d: {  	s17 =	sadd.s32 s4, s14;
	p1 =	por !p1, !p3;
	(pc) =	sbr.rel @!p0 .LBB2_4-.Ltmp1, $4  }
0x2e: {  	s14 =	sadd.s32 $0x0, s24;
	s24 =	simm.s32 $0x1;
	p4 =	por !p1, !p1  }
0x2f: {  	p5 =	por $0x0, $0x0;
	s24 =	simm.s32 @!p6 $0x0;
	s26 =	sand.u32 @p4 $0x1, s16  }
0x30: {  	s23 =	sshll.u32 @p4 s26, $0x7;
	s15 =	sadd.s32 @p4 s4, s21;
	s20 =	simm.s32 $0x0  }
0x31: {  	s28 =	sshll.u32 @p4 s15, $0x8;
	s15 =	simm.s32 $0x0;
	[smem:$0x7FD] =	sst s0  }
.LBB2_5:
0x32: {  	s0 =	rddreg [dreg:$0x6];
	p0 =	por p3, p3  }
0x33: {  	[smem:$0x7FA] =	sst s1;
	s1 =	simm.s32 @!p0 $0x0  }
0x34: {  	s13 =	sshll.u32 @p6 s13, $0xB;
	s1 =	simm.s32 @p0 $0x1  }
0x35: {  	s22 =	sadd.s32 @p6 $0x3, s22;
	s13 =	sand.u32 @p6 $0x1FFFF800, s13;
	[smem:$0x7FB] =	sst s1  }
0x36: {  	s0 =	sadd.s32 @p6 s0, s13;
	s13 =	simm.s32 @p6 $0x0;
	s1 =	sld [smem:$0x7FA]  }
0x37: {  	[hbm4b:s0+s13] =	stream.linear.scatter @p6 [tilespmem:s25], [sflag:s22], $0x4000, $0x200038;
	[tilespmem:$0x8100] =	vst v63  }
0x38: {  	s30 =	sadd.s32 @p4 $0x4E200, s28;
	s31 =	simm.s32 $0x1;
	_ =	strace @p6 $0x9000004C  }
0x39: {  	s29 =	smov.u32 s12;
	s12 =	smov.u32 s18;
	_ =	strace @!p2 $0x8000004D  }
0x3a: {  	s28 =	smov.u32 s21;
	s15 =	sadd.s32 s24, s15;
	_ =	swait.ge @!p2 [sflag:s19], $0x4000  }
0x3b: {  	s26 =	sadd.s32 @p4 $0x1, s26;
	s20 =	sadd.s32 s24, s20;
	[sflag:s19] =	ssyncset.done @!p2 $0x0  }
0x3c: {  	s24 =	simm.s32 @p4 $0x0;
	s31 =	simm.s32 @!p4 $0x0;
	[sflag:s19] =	ssyncadd.s32 @!p2 $0xFFFFC000  }
0x3d: {  	s30 =	sshrl.u32 @p4 s30, $0x3;
	p3 =	sne.s32 s29, $0x0;
	_ =	strace @!p2 $0x9000004D  }
0x3e: {  	s30 =	sadd.s32 @p4 s2, s30;
	s16 =	sadd.s32 s31, s16;
	_ =	strace @p4 $0x80000049  }
0x3f: {  	[tilespmem:s23], [sflag:s26] =	stream.linear.gather @p4 [hbm4b:s30+s24], $0x80, $0x200038;
	[tilespmem:$0x8100] =	vst v63  }
0x40: {  	s31 =	sand.u32 $0x1, s20;
	s22 =	sand.u32 @!p5 $0x1, s14;
	_ =	strace @p4 $0x90000049  }
0x41: {  	s13 =	smov.u32 s17;
	s0 =	sadd.s32 $0x1, s31;
	_ =	strace $0x8000004A  }
0x42: {  	s17 =	sadd.s32 s4, s21;
	s25 =	simm.s32 $0x1;
	_ =	swait.ge [sflag:s0], $0x80  }
0x43: {  	s21 =	sadd.s32 $0x1, s21;
	s25 =	simm.s32 @!p3 $0x0;
	[sflag:s0] =	ssyncset.done $0x0  }
0x44: {  	p3 =	seq.s32 s21, s5;
	p2 =	por p5, p5;
	[sflag:s0] =	ssyncadd.s32 $0xFFFFFF80  }
0x45: {  	s14 =	sadd.s32 s25, s14;
	s19 =	sadd.s32 @!p2 $0x3, s22;
	_ =	strace $0x9000004A  }
0x46: {  	s22 =	sand.u32 $0x1, s15;
	s23 =	sshll.u32 s20, $0x7;
	_ =	strace $0x8000004B  }
0x47: {  	s30 =	sshll.u32 s22, $0xE;
	p4 =	seq.s32 s7, s29;
	s24 =	rddreg [dreg:$0x4]  }
0x48: {  	s25 =	sor.u32 $0x100, s30;
	s0 =	sand.u32 $0x80, s23;
	s29 =	rddreg [dreg:$0x5]  }
0x49: {  	[tilespmem:s25], [sflag:$0x5] =	stream.indirect.gather [hbm4b:s24+s29], $0x80, s0, s29, $0x2000b8;
	[tilespmem:$0x8100] =	vst v63  }
0x4a: {  	s18 =	sadd.s32 $0x1, s18;
	s21 =	simm.s32 @p3 $0x0;
	_ =	swait.ge [sflag:s10], $0x4000  }
0x4b: {  	p0 =	slt.u32 s12, s7;
	p3 =	sne.s32 s28, s21;
	s31 =	sld [smem:$0x7FB]  }
0x4c: {  	p1 =	sne.s32 s5, s18;
	p0 =	por !p0, !p3  }
.Ltmp2:
0x4d: {  	p5 =	seq.s32 s12, $0x0;
	[sflag:s10] =	ssyncset.done $0x0;
	(pc) =	sbr.rel @p1 .LBB2_5-.Ltmp2, $4  }
0x4e: {  	s24 =	simm.s32 $0x1;
	[sflag:s10] =	ssyncadd.s32 $0xFFFFC000;
	p6 =	seq.s32 s31, $0x1  }
0x4f: {  	_ =	strace $0x9000004B;
	p6 =	por p4, p6;
	p4 =	por !p0, !p0  }
0x50: {  	s24 =	simm.s32 @!p6 $0x0;
	s0 =	sadd.s32 @p4 s4, s21;
	s26 =	sand.u32 @p4 $0x1, s16  }
0x51: {  	_ =	strace @p6 $0x8000004C;
	s28 =	sshll.u32 @p4 s0, $0x8;
	s23 =	sshll.u32 @p4 s26, $0x7  }
0x52: {  	s16 =	smov.u32 s13;
	s13 =	smov.u32 s17  }
.LBB2_7:
0x53: {  	s0 =	sld [smem:$0x7FD];
	_ =	sdelay $0x2  }
0x54: {  	p1 =	seq.s32 s0, $0x1  }
0x55: {  	p0 =	por !p6, !p1  }
0x56: {  	s16 =	sshll.u32 @!p0 s16, $0xB  }
0x57: {  	s0 =	rddreg [dreg:$0x6];
	s16 =	sand.u32 @!p0 $0x1FFFF800, s16  }
0x58: {  	s17 =	sadd.s32 @!p0 $0x3, s22;
	s0 =	sadd.s32 @!p0 s0, s16;
	s16 =	simm.s32 @!p0 $0x0  }
0x59: {  	[hbm4b:s0+s16] =	stream.linear.scatter @!p0 [tilespmem:s25], [sflag:s17], $0x4000, $0x200038;
	[tilespmem:$0x8100] =	vst v63  }
0x5a: {  	_ =	strace @!p0 $0x9000004C;
	p0 =	por p2, !p1  }
0x5b: {  	_ =	strace @!p0 $0x8000004D  }
0x5c: {  	_ =	swait.ge @!p0 [sflag:s19], $0x4000  }
0x5d: {  	s18 =	simm.s32 $0x0;
	s0 =	sadd.s32 @p4 $0x4E200, s28;
	[sflag:s19] =	ssyncset.done @!p0 $0x0  }
0x5e: {  	s16 =	sadd.s32 @p4 $0x1, s26;
	s17 =	sadd.s32 @p1 s24, s20;
	[sflag:s19] =	ssyncadd.s32 @!p0 $0xFFFFC000  }
0x5f: {  	s0 =	sshrl.u32 @p4 s0, $0x3;
	s18 =	smov.u32 @p1 s17;
	_ =	strace @!p0 $0x9000004D  }
0x60: {  	s17 =	simm.s32 @p4 $0x0;
	s0 =	sadd.s32 @p4 s2, s0;
	_ =	strace @p4 $0x80000049  }
0x61: {  	[tilespmem:s23], [sflag:s16] =	stream.linear.gather @p4 [hbm4b:s0+s17], $0x80, $0x200038;
	[tilespmem:$0x8100] =	vst v63  }
0x62: {  	s25 =	sand.u32 $0x1, s18;
	_ =	strace @p4 $0x90000049  }
0x63: {  	s0 =	sadd.s32 $0x1, s25;
	_ =	strace $0x8000004A  }
0x64: {  	_ =	swait.ge [sflag:s0], $0x80  }
0x65: {  	[sflag:s0] =	ssyncset.done $0x0  }
0x66: {  	[sflag:s0] =	ssyncadd.s32 $0xFFFFFF80;
	s0 =	sadd.s32 @p1 s24, s15;
	s15 =	simm.s32 $0x0  }
0x67: {  	_ =	strace $0x9000004A;
	s15 =	smov.u32 @p1 s0  }
0x68: {  	_ =	strace $0x8000004B;
	s15 =	sand.u32 $0x1, s15  }
0x69: {  	s29 =	sshll.u32 s18, $0x7;
	s26 =	rddreg [dreg:$0x4];
	s30 =	sshll.u32 s15, $0xE  }
0x6a: {  	s17 =	sand.u32 $0x80, s29;
	s28 =	rddreg [dreg:$0x5];
	s18 =	sor.u32 $0x100, s30  }
0x6b: {  	[tilespmem:s18], [sflag:$0x5] =	stream.indirect.gather [hbm4b:s26+s28], $0x80, s17, s28, $0x2000b8;
	[tilespmem:$0x8100] =	vst v63  }
0x6c: {  	_ =	swait.ge [sflag:s10], $0x4000  }
0x6d: {  	[sflag:s10] =	ssyncset.done $0x0  }
0x6e: {  	p6 =	seq.s32 s7, s12;
	p4 =	por p3, p3;
	[sflag:s10] =	ssyncadd.s32 $0xFFFFC000  }
0x6f: {  	p0 =	por p6, p4;
	_ =	strace $0x9000004B  }
0x70: {  	s13 =	sshll.u32 @p0 s13, $0xB;
	_ =	strace @p0 $0x8000004C  }
0x71: {  	s13 =	sand.u32 @p0 $0x1FFFF800, s13;
	s0 =	rddreg [dreg:$0x6]  }
0x72: {  	s15 =	sadd.s32 @p0 $0x3, s15;
	s0 =	sadd.s32 @p0 s0, s13;
	s13 =	simm.s32 @p0 $0x0  }
0x73: {  	[hbm4b:s0+s13] =	stream.linear.scatter @p0 [tilespmem:s18], [sflag:s15], $0x4000, $0x200038;
	[tilespmem:$0x8100] =	vst v63  }
0x74: {  	p1 =	por p5, p5;
	s0 =	sand.u32 @!p5 $0x1, s14;
	_ =	strace @p0 $0x9000004C  }
0x75: {  	s0 =	sadd.s32 @!p1 $0x3, s0;
	_ =	strace @!p1 $0x8000004D  }
0x76: {  	p0 =	sne.s32 s12, $0x0;
	s12 =	simm.s32 $0x1;
	_ =	swait.ge @!p1 [sflag:s0], $0x4000  }
0x77: {  	s12 =	simm.s32 @!p0 $0x0;
	[sflag:s0] =	ssyncset.done @!p1 $0x0  }
0x78: {  	s11 =	sadd.s32 $0x1, s11;
	s12 =	sadd.s32 s12, s14;
	[sflag:s0] =	ssyncadd.s32 @!p1 $0xFFFFC000  }
0x79: {  	p0 =	sne.s32 s11, s8;
	s31 =	sand.u32 $0x1, s12;
	_ =	strace @!p1 $0x9000004D  }
.Ltmp3:
0x7a: {  	s0 =	sadd.s32 $0x3, s31;
	_ =	strace $0x8000004E;
	(pc) =	sbr.rel @p0 .LBB2_1-.Ltmp3, $4  }
.Ltmp4:
0x7b: {  	_ =	swait.ge [sflag:s0], $0x4000;
	(pc) =	sbr.rel @!p0 .LBB2_8-.Ltmp4, $4  }
0x7c: {  	[sflag:s0] =	ssyncset.done $0x0  }
0x7d: {  	[sflag:s0] =	ssyncadd.s32 $0xFFFFC000  }
0x7e: {  	_ =	strace $0x9000004E  }
0x7f: {  	_ = 	snop  }
.LBB2_2:
.Ltmp5:
0x80: {  	(pc) =	sbr.rel .LBB2_7-.Ltmp5, $4  }
0x81: {  	p0 =	por $0x0, $0x0  }
0x82: {  	s0 =	simm.s32 @!p0 $0x0  }
0x83: {  	s12 =	simm.s32 $0x0;
	s15 =	simm.s32 $0x0;
	s0 =	simm.s32 @p0 $0x1  }
0x84: {  	s20 =	simm.s32 $0x0;
	s14 =	simm.s32 $0x0;
	[smem:$0x7FD] =	sst s0  }
.LBB2_4:
.Ltmp6:
0x85: {  	(pc) =	sbr.rel .LBB2_7-.Ltmp6, $3  }
0x86: {  	_ =	sdelay $0x1  }
0x87: {  	s16 =	smov.u32 s13  }
0x88: {  	s15 =	simm.s32 $0x0;
	s20 =	simm.s32 $0x0;
	s13 =	smov.u32 s17  }
.LBB2_8:
0x89: {  	_ =	sfence.sel $0x180000  }
0x8a: {  	[bflag:$0x0] =	sbarrier.arrive $0xFFFF  }
0x8b: {  	_ =	strace $0x90000047  }
0x8c: {  	[bflag:$0x2] =	sbarrier.arrive $0xFFFF  }
0x8d: {  	p0 =	sne.s32 s1, $0x0;
	s0 =	rddreg [dreg:$0x3]  }
0x8e: {  	s0 =	sadd.s32 @!p0 $0x100000, s0  }
0x8f: {  	[sflag:s0] =	ssyncadd.tile.s32 @!p0 $0x1;
	_ =	shalt  }
.Lfunc_end2:
_tile_overlayer_lowered:
.L_overlay_start_2:
0x90: {  	(tag) =	ssettag $0x2  }
0x91: {  	s0 =	rddreg [dreg:$0x0];
	s2 =	stileid.u32  }
0x92: {  	s1 =	rddreg [dreg:$0x1];
	p0 =	sne.s32 s2, $0x0  }
0x93: {  	s3 =	rddreg [dreg:$0x2];
	[bflag:$0x3] =	sbarrier.arrive $0xFFFF;
	s2 =	simm.s32 @!p0 $0x1C01  }
0x94: {  	[timem:s3], [sflag:s2] =	dma.local @!p0 [hbm:s0], s1  }
0x95: {  	s0 =	simm.s32 @!p0 $0x1  }
0x96: {  	_ =	swait.ge @!p0 [sflag:s0], s1  }
0x97: {  	s1 =	ssub.s32 @!p0 $0x0, s1;
	[sflag:s0] =	ssyncset.done @!p0 $0x0  }
0x98: {  	[sflag:s0] =	ssyncadd.s32 @!p0 s1  }
0x99: {  	[bflag:$0x3] =	sbarrier.arrive $0xFFFF  }
0x9a: {  	_ =	shalt  }

// kernel: kernel.15.cloned.1.call-start
scs
__scs_entry_jumppad:
0x0: {  	(pc) =	sbr.rel $0x88, $3  }
0x1: {  	(tag) =	ssettag $0x0;
	lr =	simm.s32 $0x1  }
0x2: {  	[smem:$0x3F96] =	sst lr;
	_ =	strace $0xD0000000  }
0x3: {  	_ = 	snop  }
0x4: {  	_ = 	snop  }
0x5: {  	_ = 	snop  }
0x6: {  	_ = 	snop  }
0x7: {  	_ = 	snop  }
__scs_overlays_trampoline_lowered:
0x8: {  	[smem:$0x3FA5] =	sst s0  }
0x9: {  	[smem:$0x3FA6] =	sst s1  }
0xa: {  	[smem:$0x3FA7] =	sst s2  }
0xb: {  	[smem:$0x3FA8] =	sst s3  }
0xc: {  	[smem:$0x3FA9] =	sst s4  }
0xd: {  	[smem:$0x3FAA] =	sst s5  }
0xe: {  	[smem:$0x3FAB] =	sst s6  }
0xf: {  	[smem:$0x3FAC] =	sst s7  }
0x10: {  	[smem:$0x3FAD] =	sst s8  }
0x11: {  	[smem:$0x3FAE] =	sst s9;
	s0 =	simm.s32 @!p0 $0x0  }
0x12: {  	s1 =	sld [smem:$0x3F94];
	s0 =	simm.s32 @p0 $0x1  }
0x13: {  	[smem:$0x3FAF] =	sst s0;
	s0 =	simm.s32 @!p1 $0x0  }
0x14: {  	s2 =	sld [smem:$0x3F93];
	s0 =	simm.s32 @p1 $0x1  }
0x15: {  	[smem:$0x3FB0] =	sst s0;
	s0 =	simm.s32 @!p2 $0x0  }
0x16: {  	s3 =	sld [smem:$0x3FDB];
	s0 =	simm.s32 @p2 $0x1  }
0x17: {  	s4 =	simm.s32 $0x1BF5;
	[smem:$0x3FB2] =	sst s0  }
0x18: {  	s0 =	sld [smem:$0x3F95];
	_ =	swait.ge [sflag:s4], $0x0  }
0x19: {  	s7 =	sld [smem:$0x3F96]  }
0x1a: {  	s8 =	sadd.s32 $0xFFFFE003, lr  }
0x1b: {  	s9 =	sadd.s32 $0xFFFFFEF7, lr;
	s5 =	simm.s32 $0xFFFFFFFF;
	p2 =	slt.u32 s8, $0xFFFFF086  }
0x1c: {  	p1 =	slt.u32 s9, $0xF7A;
	s5 =	simm.s32 @!p2 $0x0  }
0x1d: {  	s5 =	simm.s32 @p1 $0x1;
	p0 =	seq.s32 s7, s2  }
0x1e: {  	s7 =	smul.u32 @!p0 $0xF7A, s2;
	p2 =	seq.s32 @!p0 s5, $0x0  }
0x1f: {  	s9 =	smul.u32 $0xF7A, s1;
	s8 =	simm.s32 @!p0 $0x1BF5;
	p2 =	por !p2, p0  }
0x20: {  	[sflag:s8] =	ssyncset.s32 @!p0 $0xFFFFF086;
	s6 =	sadd.s32 @!p0 s3, s7;
	s7 =	simm.s32 @!p0 $0x108  }
0x21: {  	s3 =	sadd.s32 s3, s9;
	s6 =	sadd.s32 @!p0 $0x88, s6;
	s7 =	simm.s32 @p2 $0x1082  }
0x22: {  	[simem:s7], [sflag:s8] =	dma.local @!p0 [hbm:s6], $0xF7A  }
0x23: {  	s9 =	sor.u32 $0xD0000000, s2;
	s6 =	simm.s32 $0x108;
	_ =	swait.ge @!p0 [sflag:s8], $0x0  }
0x24: {  	s3 =	sadd.s32 $0x88, s3;
	s6 =	simm.s32 @!p1 $0x1082;
	[sflag:s4] =	ssyncset.s32 $0xFFFFF086  }
0x25: {  	[simem:s6], [sflag:s4] =	dma.local [hbm:s3], $0xF7A  }
0x26: {  	[smem:$0x3F96] =	sst s1;
	(tag) =	ssettag s2;
	_ =	strace s9  }
0x27: {  	s1 =	sld [smem:$0x3FA6]  }
0x28: {  	s2 =	sld [smem:$0x3FA7]  }
0x29: {  	s4 =	sld [smem:$0x3FA9]  }
0x2a: {  	p0 =	seq.s32 s5, $0x0;
	s5 =	sld [smem:$0x3FAA]  }
0x2b: {  	s6 =	sld [smem:$0x3FAB]  }
0x2c: {  	s7 =	sld [smem:$0x3FAC]  }
0x2d: {  	s3 =	simm.s32 $0x108;
	s8 =	sld [smem:$0x3FAD]  }
0x2e: {  	s3 =	simm.s32 @!p0 $0x1082;
	s9 =	sld [smem:$0x3FAE]  }
0x2f: {  	lr =	sadd.s32 s0, s3;
	s0 =	sld [smem:$0x3FA5]  }
0x30: {  	s3 =	sld [smem:$0x3FA8]  }
0x31: {  	[smem:$0x3FB1] =	sst s10  }
0x32: {  	s10 =	sld [smem:$0x3FAF];
	_ =	sdelay $0x3  }
0x33: {  	p0 =	seq.s32 s10, $0x1;
	s10 =	sld [smem:$0x3FB1];
	_ =	sdelay $0x3  }
0x34: {  	[smem:$0x3FB1] =	sst s10  }
0x35: {  	s10 =	sld [smem:$0x3FB0];
	_ =	sdelay $0x3  }
0x36: {  	p1 =	seq.s32 s10, $0x1;
	s10 =	sld [smem:$0x3FB1];
	_ =	sdelay $0x3  }
0x37: {  	[smem:$0x3FB1] =	sst s10  }
0x38: {  	s10 =	sld [smem:$0x3FB2]  }
0x39: {  	_ = 	snop;
	(pc) =	sbr.ind lr, $3  }
0x3a: {  	_ = 	snop  }
0x3b: {  	_ = 	snop  }
0x3c: {  	p2 =	seq.s32 s10, $0x1;
	s10 =	sld [smem:$0x3FB1]  }
0x3d: {  	_ =	shalt  }
0x3e: {  	_ =	shalt  }
0x3f: {  	_ =	shalt  }
0x40: {  	_ =	shalt  }
0x41: {  	_ =	shalt  }
0x42: {  	_ =	shalt  }
0x43: {  	_ =	shalt  }
0x44: {  	_ =	shalt  }
0x45: {  	_ =	shalt  }
0x46: {  	_ =	shalt  }
0x47: {  	_ =	shalt  }
0x48: {  	_ =	shalt  }
0x49: {  	_ =	shalt  }
0x4a: {  	_ =	shalt  }
0x4b: {  	_ =	shalt  }
0x4c: {  	_ =	shalt  }
0x4d: {  	_ =	shalt  }
0x4e: {  	_ =	shalt  }
0x4f: {  	_ =	shalt  }
0x50: {  	_ =	shalt  }
0x51: {  	_ =	shalt  }
0x52: {  	_ =	shalt  }
0x53: {  	_ =	shalt  }
0x54: {  	_ =	shalt  }
0x55: {  	_ =	shalt  }
0x56: {  	_ =	shalt  }
0x57: {  	_ =	shalt  }
0x58: {  	_ =	shalt  }
0x59: {  	_ =	shalt  }
0x5a: {  	_ =	shalt  }
0x5b: {  	_ =	shalt  }
0x5c: {  	_ =	shalt  }
0x5d: {  	_ =	shalt  }
0x5e: {  	_ =	shalt  }
0x5f: {  	_ =	shalt  }
0x60: {  	_ =	shalt  }
0x61: {  	_ =	shalt  }
0x62: {  	_ =	shalt  }
0x63: {  	_ =	shalt  }
0x64: {  	_ =	shalt  }
0x65: {  	_ =	shalt  }
0x66: {  	_ =	shalt  }
0x67: {  	_ =	shalt  }
0x68: {  	_ =	shalt  }
0x69: {  	_ =	shalt  }
0x6a: {  	_ =	shalt  }
0x6b: {  	_ =	shalt  }
0x6c: {  	_ =	shalt  }
0x6d: {  	_ =	shalt  }
0x6e: {  	_ =	shalt  }
0x6f: {  	_ =	shalt  }
0x70: {  	_ =	shalt  }
0x71: {  	_ =	shalt  }
0x72: {  	_ =	shalt  }
0x73: {  	_ =	shalt  }
0x74: {  	_ =	shalt  }
0x75: {  	_ =	shalt  }
0x76: {  	_ =	shalt  }
0x77: {  	_ =	shalt  }
0x78: {  	_ =	shalt  }
0x79: {  	_ =	shalt  }
0x7a: {  	_ =	shalt  }
0x7b: {  	_ =	shalt  }
0x7c: {  	_ =	shalt  }
0x7d: {  	_ =	shalt  }
0x7e: {  	_ =	shalt  }
0x7f: {  	_ =	shalt  }
0x80: {  	_ =	shalt  }
0x81: {  	_ =	shalt  }
0x82: {  	_ =	shalt  }
0x83: {  	_ =	shalt  }
0x84: {  	_ =	shalt  }
0x85: {  	_ =	shalt  }
0x86: {  	_ =	shalt  }
0x87: {  	_ =	shalt  }
.Lfunc_end0:
.L_simem_size_0:
called_computation.2_lowered:
.L_overlay_start_0:
0x88: {  	s2 =	sld [smem:$0x3FD9]  }
0x89: {  	s3 =	sld [smem:$0x3FFE];
	_ =	sdelay $0x1  }
0x8a: {  	s1 =	srdreg.scid  }
0x8b: {  	s0 =	sand.u32 $0x1, s1  }
0x8c: {  	s17 =	sshll.u32 s0, $0xA;
	s2 =	sadd.s32 s3, s2  }
0x8d: {  	s2 =	sadd.s32 s2, s17  }
0x8e: {  	[smem:$0x3FBD] =	sst s2  }
0x8f: {  	_ = 	snop  }
0x90: {  	s18 =	sld [smem:$0x3FD0];
	(tm) =	ssettm $0x1  }
0x91: {  	s19 =	sld [smem:$0x3FFB];
	_ =	sdelay $0x3  }
0x92: {  	_ =	strace s19  }
0x93: {  	s2 =	sld [smem:$0x3FFC];
	_ =	sdelay $0x3  }
0x94: {  	_ =	strace s2  }
0x95: {  	s2 =	sld [smem:$0x3FFD];
	_ =	sdelay $0x3  }
0x96: {  	_ =	strace s2  }
0x97: {  	_ =	strace $0x8FFFFFFF  }
0x98: {  	s20 =	sld [smem:$0x3FDB];
	_ =	sdelay $0x1  }
0x99: {  	s4 =	simm.s32 $_scs_section_size  }
0x9a: {  	s5 =	simm.s32 $_size__tile_overlayer_lowered;
	s6 =	simm.s32 $_tile_overlayer_lowered  }
0x9b: {  	s7 =	simm.s32 $0x1BFF;
	s21 =	sshll.u32 s6, $0x1;
	s4 =	sadd.s32 s4, s20  }
0x9c: {  	s22 =	simm.s32 $0x0;
	s5 =	sshll.u32 s5, $0x1;
	s6 =	sadd.s32 s21, s4  }
0x9d: {  	[timem:s22], [sflag:s7] =	dma.local [hbm:s6], s5  }
0x9e: {  	_ =	swait.ge [sflag:s7], s5  }
0x9f: {  	s5 =	ssub.s32 $0x0, s5;
	[sflag:s7] =	ssyncset.done $0x0  }
0xa0: {  	[sflag:s7] =	ssyncadd.s32 s5;
	_ =	sdelay $0x1  }
0xa1: {  	s23 =	simm.s32 $0x1B8B  }
0xa2: {  	_ =	swait.ge [sflag:s23], $0x1  }
0xa3: {  	[sflag:s23] =	ssyncset.done $0x0  }
0xa4: {  	[sflag:s23] =	ssyncadd.s32 $0xFFFFFFFF  }
0xa5: {  	s5 =	sld [smem:$0x0]  }
0xa6: {  	s6 =	sand.u32 $0xFFFFFFFE, s1  }
0xa7: {  	p0 =	sne.s32 s1, s6  }
0xa8: {  	s6 =	sshll.u32 @p0 s6, $0xE  }
0xa9: {  	s6 =	sadd.s32 @p0 $0x11B8D, s6;
	s7 =	sshll.u32 @p0 s5, $0x11  }
0xaa: {  	s6 =	sor.u32 @p0 s7, s6  }
0xab: {  	[sflag:s6] =	ssyncadd.remote.s32 @p0 $0x1;
	_ =	sdelay $0x1  }
0xac: {  	s6 =	simm.s32 @p0 $0x1B8D  }
0xad: {  	_ =	swait.eq @p0 [sflag:s6], $0x1  }
0xae: {  	[sflag:s6] =	ssyncadd.s32 @p0 $0xFFFFFFFF  }
0xaf: {  	s7 =	sshll.u32 @!p0 s1, $0xE  }
0xb0: {  	s7 =	sor.u32 @!p0 $0x4000, s7;
	s6 =	simm.s32 @!p0 $0x1B8D  }
0xb1: {  	s5 =	sshll.u32 @!p0 s5, $0x11;
	s7 =	sadd.s32 @!p0 $0x11B8D, s7;
	_ =	swait.eq @!p0 [sflag:s6], $0x1  }
0xb2: {  	s5 =	sor.u32 @!p0 s5, s7;
	[sflag:s6] =	ssyncadd.s32 @!p0 $0xFFFFFFFF  }
0xb3: {  	s25 =	simm.s32 $0x1B8E;
	s24 =	sld [smem:$0x3FFE];
	[sflag:s5] =	ssyncadd.remote.s32 @!p0 $0x1  }
0xb4: {  	s26 =	simm.s32 $execute0_lowered;
	[smem:$0x3FD2] =	sst s25  }
0xb5: {  	s6 =	sshll.u32 s26, $0x1;
	_ =	strace $0x80000063;
	[dreg:$0x1] =	wrdreg $0xFFFFFFFF  }
0xb6: {  	s28 =	simm.s32 $_size_execute0_lowered;
	s4 =	sadd.s32 s4, s6;
	[dreg:$0x0] =	wrdreg $0x0  }
0xb7: {  	s6 =	sshll.u32 s28, $0x1;
	[dreg:$0x2] =	wrdreg s4  }
0xb8: {  	[dreg:$0x3] =	wrdreg s6  }
0xb9: {  	[dreg:$0x4] =	wrdreg $0xC0  }
0xba: {  	_ =	task [dreg:s22], $0x5FFFF  }
0xbb: {  	[dreg:$0x1] =	wrdreg $0xFFFFFFFF  }
0xbc: {  	[dreg:$0x0] =	wrdreg $0x60  }
0xbd: {  	[dreg:$0x2] =	wrdreg s24  }
0xbe: {  	[dreg:$0x3] =	wrdreg s18  }
0xbf: {  	[dreg:$0x4] =	wrdreg $0x0  }
0xc0: {  	[dreg:$0x5] =	wrdreg $0x9  }
0xc1: {  	_ =	task.clear_ibuf [dreg:s22], $0x6FFFF;
	_ =	strace $0x90000063  }
0xc2: {  	s29 =	simm.s32 $0x9;
	_ =	strace $0x8000006B  }
0xc3: {  	_ =	swait.ge [sflag:s29], $0x1  }
0xc4: {  	[sflag:s29] =	ssyncadd.s32 $0xFFFFFFFF  }
0xc5: {  	_ =	strace $0x9000006B  }
0xc6: {  	_ =	sfence  }
0xc7: {  	s30 =	sld [smem:$0x0];
	_ =	sdelay $0x2  }
0xc8: {  	s31 =	sshll.u32 s1, $0xD;
	s1 =	sshrl.u32 s1, $0x2  }
0xc9: {  	s4 =	sand.u32 $0x4000, s31;
	s1 =	sadd.s32 s1, s30  }
0xca: {  	s0 =	sor.u32 s4, s0;
	s1 =	sshll.u32 s1, $0x11  }
0xcb: {  	s0 =	sor.u32 s1, s0  }
0xcc: {  	s0 =	sadd.s32 $0x8F2B, s0  }
0xcd: {  	[sflag:s0] =	ssyncadd.remote.s32 $0x1  }
0xce: {  	_ =	sfence.sel $0xFFFF  }
0xcf: {  	[dreg:$0x0] =	wrdreg $0xFFFFFFFF;
	(pc) =	sbr.abs _section_cstart, $3  }
0xd0: {  	[dreg:$0x1] =	wrdreg $0xFFFFFFFF  }
0xd1: {  	_ =	task.clear_ibuf [dreg:s22], $0x2FFFF;
	_ =	strace $0x9FFFFFFF  }
0xd2: {  	(tm) =	ssettm $0x7FFFFFFF  }
0xd3: {  	_ =	shalt  }
tec
execute0_lowered:
.L_overlay_start_1:
0x0: {  	(tag) =	ssettag $0x1  }
0x1: {  	s0 =	rddreg [dreg:$0x0]  }
0x2: {  	s2 =	rddreg [dreg:$0x1]  }
0x3: {  	s1 =	srdreg.scid;
	s9 =	stileid.u32  }
0x4: {  	s3 =	rddreg [dreg:$0x2];
	s4 =	simm.s32 $0x0;
	s6 =	smul.u32 $0x14000, s9  }
0x5: {  	s1 =	sand.u32 $0x1, s1;
	[smem:$0x7FF] =	sst s4;
	s8 =	smul.u32 $0x50000, s9  }
0x6: {  	s5 =	smul.u32 $0x140000, s1;
	s7 =	sshll.u32 s1, $0x4;
	s1 =	ssub.s32 $0x2, s1  }
0x7: {  	_ =	strace $0x80000064;
	s15 =	sor.u32 s9, s7;
	s17 =	sshrl.u32 s1, $0x1  }
0x8: {  	s8 =	sshrl.u32 s8, $0x2;
	s5 =	sadd.s32 s6, s5;
	s9 =	smul.u32 $0x27, s15  }
0x9: {  	s7 =	smul.u32 $0x28, s15;
	p0 =	slt.u32 s15, $0x2;
	s1 =	ssub.s32 s1, s17  }
0xa: {  	s16 =	sshrl.u32 s5, $0x3;
	s5 =	sadd.s32 $0x756C00, s0;
	s20 =	smax.u32 s1, $0x1  }
0xb: {  	s0 =	sadd.s32 s16, s0;
	s6 =	sadd.s32 $0x2, s9;
	[dreg:$0x7] =	wrdreg s20  }
0xc: {  	s6 =	smov.u32 @p0 s7;
	s7 =	sadd.s32 s8, s3;
	s0 =	sadd.s32 $0x53C00, s0  }
0xd: {  	[dreg:$0x6] =	wrdreg s0;
	s21 =	sadd.s32 $0x2000, s7  }
0xe: {  	s28 =	simm.s32 $0x5;
	s22 =	sadd.s32 $0x4000, s7;
	[dreg:$0x8] =	wrdreg s21  }
0xf: {  	s29 =	simm.s32 $0x1;
	s23 =	sadd.s32 $0x6000, s7;
	[dreg:$0x9] =	wrdreg s22  }
0x10: {  	s8 =	simm.s32 $0x28;
	s24 =	sadd.s32 $0x8000, s7;
	[dreg:$0xa] =	wrdreg s23  }
0x11: {  	s18 =	sshll.u32 s6, $0xB;
	s25 =	sadd.s32 $0xA000, s7;
	[dreg:$0xb] =	wrdreg s24  }
0x12: {  	s10 =	sshll.u32 s6, $0x4;
	s26 =	sadd.s32 $0xC000, s7;
	[dreg:$0xc] =	wrdreg s25  }
0x13: {  	s8 =	simm.s32 @!p0 $0x27;
	s30 =	sadd.s32 $0xE000, s7;
	[dreg:$0xd] =	wrdreg s26  }
0x14: {  	s31 =	sadd.s32 $0x10000, s7;
	s9 =	sand.u32 $0x1FFFF800, s18;
	[dreg:$0xe] =	wrdreg s30  }
0x15: {  	s19 =	sadd.s32 s2, s10;
	s11 =	sadd.s32 $0xFFFFFFFF, s8;
	[dreg:$0xf] =	wrdreg s31  }
0x16: {  	s22 =	sadd.s32 $0x12000, s7;
	s9 =	sadd.s32 s5, s9;
	[dreg:$0x5] =	wrdreg s19  }
0x17: {  	v0 =	vimm.f32 $0.0e+00;
	s23 =	simm.s32 $0x14000;
	s26 =	simm.s32 $0x80;
	[dreg:$0x4] =	wrdreg s9  }
.LBB2_1:
0x18: {  	s0 =	simm.s32 $0x0;
	s1 =	simm.s32 $0x200  }
.LBB2_2:
0x19: {  	p0 =	sne.s32 s1, $0x7E00;
	[tilespmem:s0+$0x14070] =	vst v0  }
0x1a: {  	[tilespmem:s0+$0x14000] =	vst v0  }
0x1b: {  	[tilespmem:s0+$0x14010] =	vst v0  }
.Ltmp0:
0x1c: {  	[tilespmem:s0+$0x14020] =	vst v0;
	(pc) =	sbr.rel @p0 .LBB2_2-.Ltmp0, $4  }
0x1d: {  	[tilespmem:s0+$0x14030] =	vst v0  }
0x1e: {  	[tilespmem:s0+$0x14040] =	vst v0  }
0x1f: {  	[tilespmem:s0+$0x14050] =	vst v0  }
0x20: {  	[tilespmem:s0+$0x14060] =	vst v0;
	s0 =	sshra.s32 s1, $0x2;
	s1 =	sadd.s32 $0x200, s1  }
0x21: {  	[tilespmem:s0+$0x14070] =	vst v0  }
0x22: {  	[tilespmem:s0+$0x14000] =	vst v0  }
0x23: {  	[tilespmem:s0+$0x14010] =	vst v0  }
0x24: {  	[tilespmem:s0+$0x14020] =	vst v0  }
0x25: {  	[tilespmem:s0+$0x14030] =	vst v0  }
0x26: {  	[tilespmem:s0+$0x14040] =	vst v0  }
0x27: {  	[tilespmem:s0+$0x14050] =	vst v0  }
0x28: {  	[tilespmem:s0+$0x14060] =	vst v0;
	s1 =	simm.s32 $0x1  }
0x29: {  	[spmem:s7] =	stream.linear.scatter [tilespmem:s23], [sflag:$0x1], $0x2000, $0x38;
	[tilespmem:$0x1E100] =	vst v63  }
0x2a: {  	_ =	swait.ge [sflag:s1], $0x2000  }
0x2b: {  	[sflag:s1] =	ssyncset.done $0x0  }
0x2c: {  	s13 =	rddreg [dreg:$0x8];
	[sflag:s1] =	ssyncadd.s32 $0xFFFFE000  }
0x2d: {  	[spmem:s13] =	stream.linear.scatter [tilespmem:s23], [sflag:$0x1], $0x2000, $0x38;
	[tilespmem:$0x1E100] =	vst v63  }
0x2e: {  	_ =	swait.ge [sflag:s1], $0x2000  }
0x2f: {  	[sflag:s1] =	ssyncset.done $0x0  }
0x30: {  	s14 =	rddreg [dreg:$0x9];
	[sflag:s1] =	ssyncadd.s32 $0xFFFFE000  }
0x31: {  	[spmem:s14] =	stream.linear.scatter [tilespmem:s23], [sflag:$0x1], $0x2000, $0x38;
	[tilespmem:$0x1E100] =	vst v63  }
0x32: {  	_ =	swait.ge [sflag:s1], $0x2000  }
0x33: {  	[sflag:s1] =	ssyncset.done $0x0  }
0x34: {  	s15 =	rddreg [dreg:$0xa];
	[sflag:s1] =	ssyncadd.s32 $0xFFFFE000  }
0x35: {  	[spmem:s15] =	stream.linear.scatter [tilespmem:s23], [sflag:$0x1], $0x2000, $0x38;
	[tilespmem:$0x1E100] =	vst v63  }
0x36: {  	_ =	swait.ge [sflag:s1], $0x2000  }
0x37: {  	[sflag:s1] =	ssyncset.done $0x0  }
0x38: {  	s16 =	rddreg [dreg:$0xb];
	[sflag:s1] =	ssyncadd.s32 $0xFFFFE000  }
0x39: {  	[spmem:s16] =	stream.linear.scatter [tilespmem:s23], [sflag:$0x1], $0x2000, $0x38;
	[tilespmem:$0x1E100] =	vst v63  }
0x3a: {  	_ =	swait.ge [sflag:s1], $0x2000  }
0x3b: {  	[sflag:s1] =	ssyncset.done $0x0  }
0x3c: {  	s17 =	rddreg [dreg:$0xc];
	[sflag:s1] =	ssyncadd.s32 $0xFFFFE000  }
0x3d: {  	[spmem:s17] =	stream.linear.scatter [tilespmem:s23], [sflag:$0x1], $0x2000, $0x38;
	[tilespmem:$0x1E100] =	vst v63  }
0x3e: {  	_ =	swait.ge [sflag:s1], $0x2000  }
0x3f: {  	[sflag:s1] =	ssyncset.done $0x0  }
0x40: {  	s18 =	rddreg [dreg:$0xd];
	[sflag:s1] =	ssyncadd.s32 $0xFFFFE000  }
0x41: {  	[spmem:s18] =	stream.linear.scatter [tilespmem:s23], [sflag:$0x1], $0x2000, $0x38;
	[tilespmem:$0x1E100] =	vst v63  }
0x42: {  	_ =	swait.ge [sflag:s1], $0x2000  }
0x43: {  	[sflag:s1] =	ssyncset.done $0x0  }
0x44: {  	s19 =	rddreg [dreg:$0xe];
	[sflag:s1] =	ssyncadd.s32 $0xFFFFE000  }
0x45: {  	[spmem:s19] =	stream.linear.scatter [tilespmem:s23], [sflag:$0x1], $0x2000, $0x38;
	[tilespmem:$0x1E100] =	vst v63  }
0x46: {  	_ =	swait.ge [sflag:s1], $0x2000  }
0x47: {  	[sflag:s1] =	ssyncset.done $0x0  }
0x48: {  	s20 =	rddreg [dreg:$0xf];
	[sflag:s1] =	ssyncadd.s32 $0xFFFFE000  }
0x49: {  	[spmem:s20] =	stream.linear.scatter [tilespmem:s23], [sflag:$0x1], $0x2000, $0x38;
	[tilespmem:$0x1E100] =	vst v63  }
0x4a: {  	_ =	swait.ge [sflag:s1], $0x2000  }
0x4b: {  	[sflag:s1] =	ssyncset.done $0x0  }
0x4c: {  	[sflag:s1] =	ssyncadd.s32 $0xFFFFE000  }
0x4d: {  	[spmem:s22] =	stream.linear.scatter [tilespmem:s23], [sflag:$0x1], $0x2000, $0x38;
	[tilespmem:$0x1E100] =	vst v63  }
0x4e: {  	_ =	swait.ge [sflag:s1], $0x2000  }
0x4f: {  	[sflag:s1] =	ssyncset.done $0x0  }
0x50: {  	[sflag:s1] =	ssyncadd.s32 $0xFFFFE000  }
0x51: {  	s30 =	simm.s32 $0x0;
	s9 =	simm.s32 $0x16000;
	[bflag:$0x0] =	sbarrier.arrive $0xFFFF  }
0x52: {  	s25 =	simm.s32 $0x1E000;
	p1 =	sne.s32 s11, $0x1;
	_ =	strace $0x80000065  }
.Ltmp1:
0x53: {  	p0 =	seq.s32 s8, $0x1;
	s21 =	rddreg [dreg:$0x4];
	(pc) =	sbr.rel @!p1 .LBB2_4-.Ltmp1, $4  }
0x54: {  	[tilespmem:s9], [sflag:$0x1] =	stream.linear.gather [hbm4b:s21+s30], $0x4000, $0x200038;
	[tilespmem:$0x1E100] =	vst v63  }
0x55: {  	s31 =	simm.s32 $0x1;
	s0 =	simm.s32 $0x1;
	s24 =	rddreg [dreg:$0x5]  }
0x56: {  	[tilespmem:s25], [sflag:$0x3] =	stream.linear.gather [hbm4b:s24+s30], $0x80, $0x200038;
	[tilespmem:$0x1E100] =	vst v63  }
0x57: {  	s31 =	simm.s32 @p0 $0x0;
	p0 =	por $0x0, $0x0;
	_ =	strace $0x90000065  }
0x58: {  	p0 =	seq.s32 s31, $0x0;
	s0 =	simm.s32 $0x2;
	s18 =	simm.s32 $0x0  }
0x59: {  	s19 =	sand.u32 $0x1, s30;
	s20 =	simm.s32 $0x0;
	p1 =	sne.s32 s11, $0x2  }
0x5a: {  	s9 =	sadd.s32 @!p0 s6, s31;
	s10 =	sand.u32 @!p0 $0x1, s1;
	s15 =	simm.s32 @!p0 $0x0  }
0x5b: {  	s24 =	simm.s32 @!p0 $0x1;
	_ =	strace @!p0 $0x80000066;
	s21 =	sadd.s32 $0x1, s19  }
0x5c: {  	s12 =	sshll.u32 @!p0 s9, $0xB;
	s13 =	sshll.u32 @!p0 s10, $0xE;
	s14 =	sadd.s32 @!p0 $0x1, s10  }
0x5d: {  	s9 =	sshll.u32 @!p0 s9, $0x4;
	s16 =	sshll.u32 @!p0 s10, $0x7;
	s12 =	sand.u32 @!p0 $0x1FFFF800, s12  }
0x5e: {  	s10 =	sadd.s32 @!p0 $0x3, s10;
	s13 =	sadd.s32 @!p0 $0x16000, s13;
	s12 =	sadd.s32 @!p0 s5, s12  }
0x5f: {  	[tilespmem:s13], [sflag:s14] =	stream.linear.gather @!p0 [hbm4b:s12+s15], $0x4000, $0x200038;
	[tilespmem:$0x1E100] =	vst v63  }
0x60: {  	s24 =	simm.s32 @p0 $0x0;
	s9 =	sand.u32 @!p0 $0x1FFFFFF0, s9;
	_ =	strace @!p0 $0x90000066  }
0x61: {  	s16 =	sor.u32 @!p0 $0x1E000, s16;
	s9 =	sadd.s32 @!p0 s2, s9;
	_ =	strace @!p0 $0x80000067  }
0x62: {  	[tilespmem:s16], [sflag:s10] =	stream.linear.gather @!p0 [hbm4b:s9+s15], $0x80, $0x200038;
	[tilespmem:$0x1E100] =	vst v63  }
0x63: {  	s25 =	sand.u32 $0x80, s20;
	s24 =	sadd.s32 $0x1, s24;
	_ =	strace @!p0 $0x90000067  }
0x64: {  	s14 =	simm.s32 @!p0 $0x2;
	s13 =	sadd.s32 $0x3, s19;
	_ =	strace $0x80000068  }
0x65: {  	s12 =	simm.s32 $0x1;
	s14 =	smov.u32 @p0 s1;
	_ =	swait.ge [sflag:s21], $0x4000  }
0x66: {  	s1 =	sadd.s32 $0x1, s31;
	s9 =	sand.u32 $0x4000, s18;
	[sflag:s21] =	ssyncset.done $0x0  }
.Ltmp2:
0x67: {  	s16 =	sor.u32 $0x1E000, s25;
	[sflag:s21] =	ssyncadd.s32 $0xFFFFC000;
	(pc) =	sbr.rel @!p1 .LBB2_6-.Ltmp2, $4  }
0x68: {  	p0 =	sne.s32 s31, $0x0;
	s15 =	sadd.s32 $0x16000, s9;
	_ =	strace $0x90000068  }
0x69: {  	s12 =	simm.s32 @!p0 $0x0;
	p0 =	seq.s32 s1, s8;
	_ =	strace $0x80000069  }
0x6a: {  	s9 =	simm.s32 $0x0;
	s1 =	simm.s32 @p0 $0x0;
	_ =	swait.ge [sflag:s13], $0x80  }
0x6b: {  	s25 =	sadd.s32 $0x0, s12;
	p0 =	por $0x1, $0x1;
	[sflag:s13] =	ssyncset.done $0x0  }
.LBB2_7:
0x6c: {  	s10 =	smov.u32 s14  }
0x6d: {  	s0 =	sadd.s32 $0x1, s0;
	p1 =	seq.s32 s31, s1;
	s9 =	sadd.s32 s12, s9  }
0x6e: {  	s12 =	sadd.s32 @!p1 s6, s1;
	s14 =	sand.u32 @!p1 $0x1, s14;
	[sflag:s13] =	ssyncadd.s32 $0xFFFFFF80  }
0x6f: {  	s13 =	sshll.u32 @!p1 s14, $0xE;
	s17 =	sshll.u32 @!p1 s12, $0xB;
	_ =	strace $0x90000069  }
0x70: {  	s18 =	sand.u32 @!p1 $0x1, s24;
	s17 =	sand.u32 @!p1 $0x1FFFF800, s17;
	_ =	strace $0x8000006A  }
0x71: {  	[spmem:s3] =	stream.indirect.scatter.add.f32 [tilespmem:s15], [sflag:$0x5], $0x80, s16, s26, $0x2000b8;
	[tilespmem:$0x1E100] =	vst v63  }
0x72: {  	s14 =	sadd.s32 @!p1 $0x1, s14;
	s12 =	sshll.u32 @!p1 s12, $0x4;
	s15 =	simm.s32 @!p1 $0x0  }
0x73: {  	s13 =	sadd.s32 @!p1 $0x16000, s13;
	s12 =	sand.u32 @!p1 $0x1FFFFFF0, s12;
	s16 =	sshll.u32 @!p1 s18, $0x7  }
0x74: {  	s19 =	simm.s32 @!p1 $0x1;
	s16 =	sor.u32 @!p1 $0x1E000, s16;
	_ =	swait.ge [sflag:s28], $0x4000  }
0x75: {  	s17 =	sadd.s32 @!p1 s5, s17;
	s18 =	sadd.s32 @!p1 $0x3, s18;
	[sflag:s28] =	ssyncset.done $0x0  }
0x76: {  	s19 =	simm.s32 @p1 $0x0;
	s12 =	sadd.s32 @!p1 s2, s12;
	[sflag:s28] =	ssyncadd.s32 $0xFFFFC000  }
0x77: {  	s24 =	sadd.s32 s24, s19;
	s19 =	sshll.u32 s9, $0xE;
	_ =	strace $0x9000006A  }
0x78: {  	s21 =	sshll.u32 s25, $0x7;
	s20 =	sand.u32 $0x1, s9;
	_ =	strace @!p1 $0x80000066  }
0x79: {  	[tilespmem:s13], [sflag:s14] =	stream.linear.gather @!p1 [hbm4b:s17+s15], $0x4000, $0x200038;
	[tilespmem:$0x1E100] =	vst v63  }
0x7a: {  	s17 =	sadd.s32 $0x1, s20;
	s20 =	sand.u32 $0x80, s21;
	_ =	strace @!p1 $0x90000066  }
0x7b: {  	s14 =	sadd.s32 @!p1 $0x1, s10;
	s13 =	sand.u32 $0x1, s25;
	_ =	strace @!p1 $0x80000067  }
0x7c: {  	[tilespmem:s16], [sflag:s18] =	stream.linear.gather @!p1 [hbm4b:s12+s15], $0x80, $0x200038;
	[tilespmem:$0x1E100] =	vst v63  }
0x7d: {  	s14 =	smov.u32 @p1 s10;
	s13 =	sadd.s32 $0x3, s13;
	_ =	strace @!p1 $0x90000067  }
0x7e: {  	p1 =	sne.s32 s11, s0;
	_ =	strace $0x80000068  }
0x7f: {  	p2 =	sne.s32 s31, s1;
	_ =	swait.ge [sflag:s17], $0x4000  }
0x80: {  	s31 =	smov.u32 s1;
	s10 =	sand.u32 $0x4000, s19;
	[sflag:s17] =	ssyncset.done $0x0  }
.Ltmp3:
0x81: {  	s12 =	simm.s32 $0x1;
	[sflag:s17] =	ssyncadd.s32 $0xFFFFC000;
	(pc) =	sbr.rel @p1 .LBB2_7-.Ltmp3, $4  }
0x82: {  	s1 =	sadd.s32 $0x1, s1;
	s12 =	simm.s32 @!p2 $0x0;
	_ =	strace $0x90000068  }
0x83: {  	s15 =	sadd.s32 $0x16000, s10;
	p2 =	seq.s32 s1, s8;
	_ =	strace $0x80000069  }
0x84: {  	s16 =	sor.u32 $0x1E000, s20;
	s1 =	simm.s32 @p2 $0x0;
	_ =	swait.ge [sflag:s13], $0x80  }
0x85: {  	s25 =	sadd.s32 s12, s25;
	[sflag:s13] =	ssyncset.done $0x0  }
0x86: {  	s10 =	smov.u32 s31;
	s31 =	smov.u32 s1;
	s1 =	smov.u32 s14  }
.LBB2_9:
0x87: {  	[sflag:s13] =	ssyncadd.s32 @p0 $0xFFFFFF80  }
0x88: {  	_ =	strace @p0 $0x90000069  }
0x89: {  	p1 =	seq.s32 s10, s31;
	s9 =	sadd.s32 @p0 s12, s9;
	_ =	strace @p0 $0x8000006A  }
0x8a: {  	[spmem:s3] =	stream.indirect.scatter.add.f32 @p0 [tilespmem:s15], [sflag:$0x5], $0x80, s16, s26, $0x2000b8;
	[tilespmem:$0x1E100] =	vst v63  }
0x8b: {  	s13 =	sadd.s32 @!p1 s6, s31;
	s14 =	sand.u32 @!p1 $0x1, s1;
	_ =	swait.ge @p0 [sflag:s28], $0x4000  }
0x8c: {  	s17 =	simm.s32 @!p1 $0x0;
	s15 =	sshll.u32 @!p1 s13, $0xB;
	[sflag:s28] =	ssyncset.done @p0 $0x0  }
0x8d: {  	s16 =	sshll.u32 @!p1 s14, $0xE;
	s14 =	sadd.s32 @!p1 $0x1, s14;
	[sflag:s28] =	ssyncadd.s32 @p0 $0xFFFFC000  }
0x8e: {  	s13 =	sshll.u32 @!p1 s13, $0x4;
	s15 =	sand.u32 @!p1 $0x1FFFF800, s15;
	_ =	strace @p0 $0x9000006A  }
0x8f: {  	s16 =	sadd.s32 @!p1 $0x16000, s16;
	s15 =	sadd.s32 @!p1 s5, s15;
	_ =	strace @!p1 $0x80000066  }
0x90: {  	[tilespmem:s16], [sflag:s14] =	stream.linear.gather @!p1 [hbm4b:s15+s17], $0x4000, $0x200038;
	[tilespmem:$0x1E100] =	vst v63  }
0x91: {  	s30 =	smov.u32 @p0 s9;
	s13 =	sand.u32 @!p1 $0x1FFFFFF0, s13;
	s14 =	sand.u32 @!p1 $0x1, s24  }
0x92: {  	s13 =	sadd.s32 @!p1 s2, s13;
	s15 =	sshll.u32 @!p1 s14, $0x7;
	_ =	strace @!p1 $0x90000066  }
0x93: {  	s14 =	sadd.s32 @!p1 $0x3, s14;
	s15 =	sor.u32 @!p1 $0x1E000, s15;
	_ =	strace @!p1 $0x80000067  }
0x94: {  	[tilespmem:s15], [sflag:s14] =	stream.linear.gather @!p1 [hbm4b:s13+s17], $0x80, $0x200038;
	[tilespmem:$0x1E100] =	vst v63  }
0x95: {  	s9 =	sand.u32 $0x1, s30;
	_ =	strace @!p1 $0x90000067  }
0x96: {  	s9 =	sadd.s32 $0x1, s9;
	_ =	strace $0x80000068  }
0x97: {  	_ =	swait.ge [sflag:s9], $0x4000  }
0x98: {  	[sflag:s9] =	ssyncset.done $0x0  }
0x99: {  	[sflag:s9] =	ssyncadd.s32 $0xFFFFC000  }
0x9a: {  	s15 =	sand.u32 $0x1, s25;
	_ =	strace $0x90000068  }
0x9b: {  	s9 =	sadd.s32 $0x3, s15;
	_ =	strace $0x80000069  }
0x9c: {  	_ =	swait.ge [sflag:s9], $0x80  }
0x9d: {  	[sflag:s9] =	ssyncset.done $0x0  }
0x9e: {  	s16 =	sshll.u32 s30, $0xE;
	s17 =	sshll.u32 s25, $0x7;
	[sflag:s9] =	ssyncadd.s32 $0xFFFFFF80  }
0x9f: {  	s12 =	sand.u32 $0x4000, s16;
	s18 =	sand.u32 $0x80, s17;
	_ =	strace $0x90000069  }
0xa0: {  	s12 =	sadd.s32 $0x16000, s12;
	s9 =	sor.u32 $0x1E000, s18;
	_ =	strace $0x8000006A  }
0xa1: {  	[spmem:s3] =	stream.indirect.scatter.add.f32 [tilespmem:s12], [sflag:$0x5], $0x80, s9, s26, $0x2000b8;
	[tilespmem:$0x1E100] =	vst v63  }
0xa2: {  	s9 =	sadd.s32 $0x1, s31  }
0xa3: {  	p0 =	seq.s32 s9, s8  }
0xa4: {  	_ =	swait.ge [sflag:s28], $0x4000;
	s9 =	simm.s32 @p0 $0x0;
	p0 =	sge.u32 s0, s11  }
0xa5: {  	[sflag:s28] =	ssyncset.done $0x0;
	p2 =	seq.s32 @!p0 s31, s9  }
0xa6: {  	s0 =	sadd.s32 @!p1 $0x1, s1;
	[sflag:s28] =	ssyncadd.s32 $0xFFFFC000;
	p0 =	por p2, p0  }
0xa7: {  	s0 =	smov.u32 @p1 s1;
	_ =	strace $0x9000006A;
	s1 =	sadd.s32 @!p0 s6, s9  }
0xa8: {  	s0 =	sand.u32 @!p0 $0x1, s0;
	_ =	strace @!p0 $0x80000066;
	s12 =	sshll.u32 @!p0 s1, $0xB  }
0xa9: {  	s13 =	simm.s32 @!p0 $0x0;
	s9 =	sshll.u32 @!p0 s0, $0xE;
	s12 =	sand.u32 @!p0 $0x1FFFF800, s12  }
0xaa: {  	s0 =	sadd.s32 @!p0 $0x1, s0;
	s9 =	sadd.s32 @!p0 $0x16000, s9;
	s12 =	sadd.s32 @!p0 s5, s12  }
0xab: {  	[tilespmem:s9], [sflag:s0] =	stream.linear.gather @!p0 [hbm4b:s12+s13], $0x4000, $0x200038;
	[tilespmem:$0x1E100] =	vst v63  }
0xac: {  	s0 =	simm.s32 @!p1 $0x1  }
0xad: {  	s0 =	simm.s32 @p1 $0x0  }
0xae: {  	s1 =	sshll.u32 @!p0 s1, $0x4;
	s0 =	sadd.s32 s24, s0  }
0xaf: {  	s1 =	sand.u32 @!p0 $0x1FFFFFF0, s1;
	s0 =	sand.u32 @!p0 $0x1, s0  }
0xb0: {  	s1 =	sadd.s32 @!p0 s2, s1;
	_ =	strace @!p0 $0x90000066;
	s9 =	sshll.u32 @!p0 s0, $0x7  }
0xb1: {  	_ =	strace @!p0 $0x80000067;
	s0 =	sadd.s32 @!p0 $0x3, s0;
	s9 =	sor.u32 @!p0 $0x1E000, s9  }
0xb2: {  	[tilespmem:s9], [sflag:s0] =	stream.linear.gather @!p0 [hbm4b:s1+s13], $0x80, $0x200038;
	[tilespmem:$0x1E100] =	vst v63  }
0xb3: {  	p1 =	sne.s32 s10, s31;
	s0 =	simm.s32 $0x1  }
0xb4: {  	s0 =	simm.s32 @!p1 $0x0  }
0xb5: {  	s19 =	sadd.s32 s0, s30  }
0xb6: {  	_ =	strace @!p0 $0x90000067;
	s20 =	sand.u32 $0x1, s19  }
0xb7: {  	_ =	strace $0x80000068;
	s9 =	sadd.s32 $0x1, s20  }
0xb8: {  	_ =	swait.ge [sflag:s9], $0x4000  }
0xb9: {  	[sflag:s9] =	ssyncset.done $0x0  }
0xba: {  	s0 =	sadd.s32 s0, s25;
	[sflag:s9] =	ssyncadd.s32 $0xFFFFC000  }
0xbb: {  	s21 =	sand.u32 $0x1, s0;
	_ =	strace $0x90000068  }
0xbc: {  	s9 =	sadd.s32 $0x3, s21;
	_ =	strace $0x80000069  }
0xbd: {  	_ =	swait.ge [sflag:s9], $0x80  }
0xbe: {  	[sflag:s9] =	ssyncset.done $0x0  }
0xbf: {  	s1 =	sshll.u32 s19, $0xE;
	s0 =	sshll.u32 s0, $0x7;
	[sflag:s9] =	ssyncadd.s32 $0xFFFFFF80  }
0xc0: {  	s1 =	sand.u32 $0x4000, s1;
	s0 =	sand.u32 $0x80, s0;
	_ =	strace $0x90000069  }
0xc1: {  	s1 =	sadd.s32 $0x16000, s1;
	s0 =	sor.u32 $0x1E000, s0;
	_ =	strace $0x8000006A  }
0xc2: {  	[spmem:s3] =	stream.indirect.scatter.add.f32 [tilespmem:s1], [sflag:$0x5], $0x80, s0, s26, $0x2000b8;
	[tilespmem:$0x1E100] =	vst v63  }
0xc3: {  	_ =	swait.ge [sflag:s28], $0x4000  }
0xc4: {  	[sflag:s28] =	ssyncset.done $0x0  }
0xc5: {  	[sflag:s28] =	ssyncadd.s32 $0xFFFFC000  }
0xc6: {  	s24 =	stileid.u32;
	_ =	strace $0x9000006A  }
0xc7: {  	s0 =	sshll.u32 s24, $0x6;
	[bflag:$0x0] =	sbarrier.arrive $0xFFFF  }
0xc8: {  	s25 =	sshrl.u32 s7, $0x3;
	s0 =	sor.u32 $0x1C01, s0;
	s30 =	rddreg [dreg:$0x6]  }
0xc9: {  	[hbm:s30], [sflag:s0] =	dma.local [spmem:s25], $0x2800  }
0xca: {  	_ =	swait.ge [sflag:s29], $0x2800  }
0xcb: {  	s4 =	sadd.s32 $0x1, s4;
	s31 =	rddreg [dreg:$0x7]  }
0xcc: {  	p0 =	sne.s32 s4, s31  }
.Ltmp4:
0xcd: {  	_ = 	snop;
	(pc) =	sbr.rel @p0 .LBB2_1-.Ltmp4, $4  }
.Ltmp5:
0xce: {  	_ = 	snop;
	(pc) =	sbr.rel @!p0 .LBB2_10-.Ltmp5, $4  }
0xcf: {  	_ = 	snop  }
0xd0: {  	[sflag:s29] =	ssyncset.done $0x0  }
0xd1: {  	[sflag:s29] =	ssyncadd.s32 $0xFFFFD800  }
0xd2: {  	_ = 	snop  }
.LBB2_4:
.Ltmp6:
0xd3: {  	(pc) =	sbr.rel .LBB2_9-.Ltmp6, $3  }
0xd4: {  	_ =	sdelay $0x1  }
0xd5: {  	s10 =	simm.s32 $0x0  }
0xd6: {  	s9 =	simm.s32 $0x0;
	s24 =	simm.s32 $0x1;
	s25 =	simm.s32 $0x0  }
.LBB2_6:
.Ltmp7:
0xd7: {  	(pc) =	sbr.rel .LBB2_9-.Ltmp7, $3  }
0xd8: {  	_ =	sdelay $0x1  }
0xd9: {  	s10 =	smov.u32 s31  }
0xda: {  	s31 =	smov.u32 s1;
	s9 =	simm.s32 $0x0;
	s1 =	smov.u32 s14  }
.LBB2_10:
0xdb: {  	_ =	sfence.sel $0x180000  }
0xdc: {  	[bflag:$0x0] =	sbarrier.arrive $0xFFFF  }
0xdd: {  	_ =	strace $0x90000064  }
0xde: {  	s0 =	stileid.u32;
	[bflag:$0x2] =	sbarrier.arrive $0xFFFF  }
0xdf: {  	p0 =	sne.s32 s0, $0x0;
	s0 =	rddreg [dreg:$0x3]  }
0xe0: {  	s0 =	sadd.s32 @!p0 $0x100000, s0  }
0xe1: {  	[sflag:s0] =	ssyncadd.tile.s32 @!p0 $0x1;
	_ =	shalt  }
.Lfunc_end2:
_tile_overlayer_lowered:
.L_overlay_start_2:
0xe2: {  	(tag) =	ssettag $0x2  }
0xe3: {  	s0 =	rddreg [dreg:$0x0];
	s2 =	stileid.u32  }
0xe4: {  	s1 =	rddreg [dreg:$0x1];
	p0 =	sne.s32 s2, $0x0  }
0xe5: {  	s3 =	rddreg [dreg:$0x2];
	[bflag:$0x3] =	sbarrier.arrive $0xFFFF;
	s2 =	simm.s32 @!p0 $0x1C01  }
0xe6: {  	[timem:s3], [sflag:s2] =	dma.local @!p0 [hbm:s0], s1  }
0xe7: {  	s0 =	simm.s32 @!p0 $0x1  }
0xe8: {  	_ =	swait.ge @!p0 [sflag:s0], s1  }
0xe9: {  	s1 =	ssub.s32 @!p0 $0x0, s1;
	[sflag:s0] =	ssyncset.done @!p0 $0x0  }
0xea: {  	[sflag:s0] =	ssyncadd.s32 @!p0 s1  }
0xeb: {  	[bflag:$0x3] =	sbarrier.arrive $0xFFFF  }
0xec: {  	_ =	shalt  }

// kernel: kernel.18.cloned.1.call-start
scs
__scs_entry_jumppad:
0x0: {  	(pc) =	sbr.rel $0x88, $3  }
0x1: {  	(tag) =	ssettag $0x0;
	lr =	simm.s32 $0x1  }
0x2: {  	[smem:$0x3F96] =	sst lr;
	_ =	strace $0xD0000000  }
0x3: {  	_ = 	snop  }
0x4: {  	_ = 	snop  }
0x5: {  	_ = 	snop  }
0x6: {  	_ = 	snop  }
0x7: {  	_ = 	snop  }
__scs_overlays_trampoline_lowered:
0x8: {  	[smem:$0x3FA5] =	sst s0  }
0x9: {  	[smem:$0x3FA6] =	sst s1  }
0xa: {  	[smem:$0x3FA7] =	sst s2  }
0xb: {  	[smem:$0x3FA8] =	sst s3  }
0xc: {  	[smem:$0x3FA9] =	sst s4  }
0xd: {  	[smem:$0x3FAA] =	sst s5  }
0xe: {  	[smem:$0x3FAB] =	sst s6  }
0xf: {  	[smem:$0x3FAC] =	sst s7  }
0x10: {  	[smem:$0x3FAD] =	sst s8  }
0x11: {  	[smem:$0x3FAE] =	sst s9;
	s0 =	simm.s32 @!p0 $0x0  }
0x12: {  	s1 =	sld [smem:$0x3F94];
	s0 =	simm.s32 @p0 $0x1  }
0x13: {  	[smem:$0x3FAF] =	sst s0;
	s0 =	simm.s32 @!p1 $0x0  }
0x14: {  	s2 =	sld [smem:$0x3F93];
	s0 =	simm.s32 @p1 $0x1  }
0x15: {  	[smem:$0x3FB0] =	sst s0;
	s0 =	simm.s32 @!p2 $0x0  }
0x16: {  	s3 =	sld [smem:$0x3FDB];
	s0 =	simm.s32 @p2 $0x1  }
0x17: {  	s4 =	simm.s32 $0x1BF5;
	[smem:$0x3FB2] =	sst s0  }
0x18: {  	s0 =	sld [smem:$0x3F95];
	_ =	swait.ge [sflag:s4], $0x0  }
0x19: {  	s7 =	sld [smem:$0x3F96]  }
0x1a: {  	s8 =	sadd.s32 $0xFFFFE003, lr  }
0x1b: {  	s9 =	sadd.s32 $0xFFFFFEF7, lr;
	s5 =	simm.s32 $0xFFFFFFFF;
	p2 =	slt.u32 s8, $0xFFFFF086  }
0x1c: {  	p1 =	slt.u32 s9, $0xF7A;
	s5 =	simm.s32 @!p2 $0x0  }
0x1d: {  	s5 =	simm.s32 @p1 $0x1;
	p0 =	seq.s32 s7, s2  }
0x1e: {  	s7 =	smul.u32 @!p0 $0xF7A, s2;
	p2 =	seq.s32 @!p0 s5, $0x0  }
0x1f: {  	s9 =	smul.u32 $0xF7A, s1;
	s8 =	simm.s32 @!p0 $0x1BF5;
	p2 =	por !p2, p0  }
0x20: {  	[sflag:s8] =	ssyncset.s32 @!p0 $0xFFFFF086;
	s6 =	sadd.s32 @!p0 s3, s7;
	s7 =	simm.s32 @!p0 $0x108  }
0x21: {  	s3 =	sadd.s32 s3, s9;
	s6 =	sadd.s32 @!p0 $0x88, s6;
	s7 =	simm.s32 @p2 $0x1082  }
0x22: {  	[simem:s7], [sflag:s8] =	dma.local @!p0 [hbm:s6], $0xF7A  }
0x23: {  	s9 =	sor.u32 $0xD0000000, s2;
	s6 =	simm.s32 $0x108;
	_ =	swait.ge @!p0 [sflag:s8], $0x0  }
0x24: {  	s3 =	sadd.s32 $0x88, s3;
	s6 =	simm.s32 @!p1 $0x1082;
	[sflag:s4] =	ssyncset.s32 $0xFFFFF086  }
0x25: {  	[simem:s6], [sflag:s4] =	dma.local [hbm:s3], $0xF7A  }
0x26: {  	[smem:$0x3F96] =	sst s1;
	(tag) =	ssettag s2;
	_ =	strace s9  }
0x27: {  	s1 =	sld [smem:$0x3FA6]  }
0x28: {  	s2 =	sld [smem:$0x3FA7]  }
0x29: {  	s4 =	sld [smem:$0x3FA9]  }
0x2a: {  	p0 =	seq.s32 s5, $0x0;
	s5 =	sld [smem:$0x3FAA]  }
0x2b: {  	s6 =	sld [smem:$0x3FAB]  }
0x2c: {  	s7 =	sld [smem:$0x3FAC]  }
0x2d: {  	s3 =	simm.s32 $0x108;
	s8 =	sld [smem:$0x3FAD]  }
0x2e: {  	s3 =	simm.s32 @!p0 $0x1082;
	s9 =	sld [smem:$0x3FAE]  }
0x2f: {  	lr =	sadd.s32 s0, s3;
	s0 =	sld [smem:$0x3FA5]  }
0x30: {  	s3 =	sld [smem:$0x3FA8]  }
0x31: {  	[smem:$0x3FB1] =	sst s10  }
0x32: {  	s10 =	sld [smem:$0x3FAF];
	_ =	sdelay $0x3  }
0x33: {  	p0 =	seq.s32 s10, $0x1;
	s10 =	sld [smem:$0x3FB1];
	_ =	sdelay $0x3  }
0x34: {  	[smem:$0x3FB1] =	sst s10  }
0x35: {  	s10 =	sld [smem:$0x3FB0];
	_ =	sdelay $0x3  }
0x36: {  	p1 =	seq.s32 s10, $0x1;
	s10 =	sld [smem:$0x3FB1];
	_ =	sdelay $0x3  }
0x37: {  	[smem:$0x3FB1] =	sst s10  }
0x38: {  	s10 =	sld [smem:$0x3FB2]  }
0x39: {  	_ = 	snop;
	(pc) =	sbr.ind lr, $3  }
0x3a: {  	_ = 	snop  }
0x3b: {  	_ = 	snop  }
0x3c: {  	p2 =	seq.s32 s10, $0x1;
	s10 =	sld [smem:$0x3FB1]  }
0x3d: {  	_ =	shalt  }
0x3e: {  	_ =	shalt  }
0x3f: {  	_ =	shalt  }
0x40: {  	_ =	shalt  }
0x41: {  	_ =	shalt  }
0x42: {  	_ =	shalt  }
0x43: {  	_ =	shalt  }
0x44: {  	_ =	shalt  }
0x45: {  	_ =	shalt  }
0x46: {  	_ =	shalt  }
0x47: {  	_ =	shalt  }
0x48: {  	_ =	shalt  }
0x49: {  	_ =	shalt  }
0x4a: {  	_ =	shalt  }
0x4b: {  	_ =	shalt  }
0x4c: {  	_ =	shalt  }
0x4d: {  	_ =	shalt  }
0x4e: {  	_ =	shalt  }
0x4f: {  	_ =	shalt  }
0x50: {  	_ =	shalt  }
0x51: {  	_ =	shalt  }
0x52: {  	_ =	shalt  }
0x53: {  	_ =	shalt  }
0x54: {  	_ =	shalt  }
0x55: {  	_ =	shalt  }
0x56: {  	_ =	shalt  }
0x57: {  	_ =	shalt  }
0x58: {  	_ =	shalt  }
0x59: {  	_ =	shalt  }
0x5a: {  	_ =	shalt  }
0x5b: {  	_ =	shalt  }
0x5c: {  	_ =	shalt  }
0x5d: {  	_ =	shalt  }
0x5e: {  	_ =	shalt  }
0x5f: {  	_ =	shalt  }
0x60: {  	_ =	shalt  }
0x61: {  	_ =	shalt  }
0x62: {  	_ =	shalt  }
0x63: {  	_ =	shalt  }
0x64: {  	_ =	shalt  }
0x65: {  	_ =	shalt  }
0x66: {  	_ =	shalt  }
0x67: {  	_ =	shalt  }
0x68: {  	_ =	shalt  }
0x69: {  	_ =	shalt  }
0x6a: {  	_ =	shalt  }
0x6b: {  	_ =	shalt  }
0x6c: {  	_ =	shalt  }
0x6d: {  	_ =	shalt  }
0x6e: {  	_ =	shalt  }
0x6f: {  	_ =	shalt  }
0x70: {  	_ =	shalt  }
0x71: {  	_ =	shalt  }
0x72: {  	_ =	shalt  }
0x73: {  	_ =	shalt  }
0x74: {  	_ =	shalt  }
0x75: {  	_ =	shalt  }
0x76: {  	_ =	shalt  }
0x77: {  	_ =	shalt  }
0x78: {  	_ =	shalt  }
0x79: {  	_ =	shalt  }
0x7a: {  	_ =	shalt  }
0x7b: {  	_ =	shalt  }
0x7c: {  	_ =	shalt  }
0x7d: {  	_ =	shalt  }
0x7e: {  	_ =	shalt  }
0x7f: {  	_ =	shalt  }
0x80: {  	_ =	shalt  }
0x81: {  	_ =	shalt  }
0x82: {  	_ =	shalt  }
0x83: {  	_ =	shalt  }
0x84: {  	_ =	shalt  }
0x85: {  	_ =	shalt  }
0x86: {  	_ =	shalt  }
0x87: {  	_ =	shalt  }
.Lfunc_end0:
.L_simem_size_0:
called_computation.3_lowered:
.L_overlay_start_0:
0x88: {  	s2 =	sld [smem:$0x3FD9]  }
0x89: {  	s3 =	sld [smem:$0x3FFE];
	_ =	sdelay $0x1  }
0x8a: {  	s1 =	srdreg.scid  }
0x8b: {  	s0 =	sand.u32 $0x1, s1  }
0x8c: {  	s17 =	sshll.u32 s0, $0xA;
	s2 =	sadd.s32 s3, s2  }
0x8d: {  	s2 =	sadd.s32 s2, s17  }
0x8e: {  	[smem:$0x3FBD] =	sst s2  }
0x8f: {  	_ = 	snop  }
0x90: {  	s18 =	sld [smem:$0x3FD0];
	(tm) =	ssettm $0x1  }
0x91: {  	s19 =	sld [smem:$0x3FFB];
	_ =	sdelay $0x3  }
0x92: {  	_ =	strace s19  }
0x93: {  	s2 =	sld [smem:$0x3FFC];
	_ =	sdelay $0x3  }
0x94: {  	_ =	strace s2  }
0x95: {  	s2 =	sld [smem:$0x3FFD];
	_ =	sdelay $0x3  }
0x96: {  	_ =	strace s2  }
0x97: {  	_ =	strace $0x8FFFFFFF  }
0x98: {  	s20 =	sld [smem:$0x3FDB];
	_ =	sdelay $0x1  }
0x99: {  	s4 =	simm.s32 $_scs_section_size  }
0x9a: {  	s5 =	simm.s32 $_size__tile_overlayer_lowered;
	s6 =	simm.s32 $_tile_overlayer_lowered  }
0x9b: {  	s7 =	simm.s32 $0x1BFF;
	s21 =	sshll.u32 s6, $0x1;
	s4 =	sadd.s32 s4, s20  }
0x9c: {  	s22 =	simm.s32 $0x0;
	s5 =	sshll.u32 s5, $0x1;
	s6 =	sadd.s32 s21, s4  }
0x9d: {  	[timem:s22], [sflag:s7] =	dma.local [hbm:s6], s5  }
0x9e: {  	_ =	swait.ge [sflag:s7], s5  }
0x9f: {  	s5 =	ssub.s32 $0x0, s5;
	[sflag:s7] =	ssyncset.done $0x0  }
0xa0: {  	[sflag:s7] =	ssyncadd.s32 s5;
	_ =	sdelay $0x1  }
0xa1: {  	s23 =	simm.s32 $0x1B8B  }
0xa2: {  	_ =	swait.ge [sflag:s23], $0x1  }
0xa3: {  	[sflag:s23] =	ssyncset.done $0x0  }
0xa4: {  	[sflag:s23] =	ssyncadd.s32 $0xFFFFFFFF  }
0xa5: {  	s5 =	sld [smem:$0x0]  }
0xa6: {  	s6 =	sand.u32 $0xFFFFFFFE, s1  }
0xa7: {  	p0 =	sne.s32 s1, s6  }
0xa8: {  	s6 =	sshll.u32 @p0 s6, $0xE  }
0xa9: {  	s6 =	sadd.s32 @p0 $0x11B8D, s6;
	s7 =	sshll.u32 @p0 s5, $0x11  }
0xaa: {  	s6 =	sor.u32 @p0 s7, s6  }
0xab: {  	[sflag:s6] =	ssyncadd.remote.s32 @p0 $0x1;
	_ =	sdelay $0x1  }
0xac: {  	s6 =	simm.s32 @p0 $0x1B8D  }
0xad: {  	_ =	swait.eq @p0 [sflag:s6], $0x1  }
0xae: {  	[sflag:s6] =	ssyncadd.s32 @p0 $0xFFFFFFFF  }
0xaf: {  	s7 =	sshll.u32 @!p0 s1, $0xE  }
0xb0: {  	s7 =	sor.u32 @!p0 $0x4000, s7;
	s6 =	simm.s32 @!p0 $0x1B8D  }
0xb1: {  	s5 =	sshll.u32 @!p0 s5, $0x11;
	s7 =	sadd.s32 @!p0 $0x11B8D, s7;
	_ =	swait.eq @!p0 [sflag:s6], $0x1  }
0xb2: {  	s5 =	sor.u32 @!p0 s5, s7;
	[sflag:s6] =	ssyncadd.s32 @!p0 $0xFFFFFFFF  }
0xb3: {  	s25 =	simm.s32 $0x1B8E;
	s24 =	sld [smem:$0x3FFE];
	[sflag:s5] =	ssyncadd.remote.s32 @!p0 $0x1  }
0xb4: {  	s26 =	simm.s32 $execute0_lowered;
	[smem:$0x3FD2] =	sst s25  }
0xb5: {  	s6 =	sshll.u32 s26, $0x1;
	_ =	strace $0x8000005A;
	[dreg:$0x1] =	wrdreg $0xFFFFFFFF  }
0xb6: {  	s28 =	simm.s32 $_size_execute0_lowered;
	s4 =	sadd.s32 s4, s6;
	[dreg:$0x0] =	wrdreg $0x0  }
0xb7: {  	s6 =	sshll.u32 s28, $0x1;
	[dreg:$0x2] =	wrdreg s4  }
0xb8: {  	[dreg:$0x3] =	wrdreg s6  }
0xb9: {  	[dreg:$0x4] =	wrdreg $0xC0  }
0xba: {  	_ =	task [dreg:s22], $0x5FFFF  }
0xbb: {  	[dreg:$0x1] =	wrdreg $0xFFFFFFFF  }
0xbc: {  	[dreg:$0x0] =	wrdreg $0x60  }
0xbd: {  	[dreg:$0x2] =	wrdreg s24  }
0xbe: {  	[dreg:$0x3] =	wrdreg s18  }
0xbf: {  	[dreg:$0x4] =	wrdreg $0x0  }
0xc0: {  	[dreg:$0x5] =	wrdreg $0xA  }
0xc1: {  	_ =	task.clear_ibuf [dreg:s22], $0x6FFFF;
	_ =	strace $0x9000005A  }
0xc2: {  	s29 =	simm.s32 $0xA;
	_ =	strace $0x80000062  }
0xc3: {  	_ =	swait.ge [sflag:s29], $0x1  }
0xc4: {  	[sflag:s29] =	ssyncadd.s32 $0xFFFFFFFF  }
0xc5: {  	_ =	strace $0x90000062  }
0xc6: {  	_ =	sfence  }
0xc7: {  	s30 =	sld [smem:$0x0];
	_ =	sdelay $0x2  }
0xc8: {  	s31 =	sshll.u32 s1, $0xD;
	s1 =	sshrl.u32 s1, $0x2  }
0xc9: {  	s4 =	sand.u32 $0x4000, s31;
	s1 =	sadd.s32 s1, s30  }
0xca: {  	s0 =	sor.u32 s4, s0;
	s1 =	sshll.u32 s1, $0x11  }
0xcb: {  	s0 =	sor.u32 s1, s0  }
0xcc: {  	s0 =	sadd.s32 $0x8F2B, s0  }
0xcd: {  	[sflag:s0] =	ssyncadd.remote.s32 $0x1  }
0xce: {  	_ =	sfence.sel $0xFFFF  }
0xcf: {  	[dreg:$0x0] =	wrdreg $0xFFFFFFFF;
	(pc) =	sbr.abs _section_cstart, $3  }
0xd0: {  	[dreg:$0x1] =	wrdreg $0xFFFFFFFF  }
0xd1: {  	_ =	task.clear_ibuf [dreg:s22], $0x2FFFF;
	_ =	strace $0x9FFFFFFF  }
0xd2: {  	(tm) =	ssettm $0x7FFFFFFF  }
0xd3: {  	_ =	shalt  }
tec
execute0_lowered:
.L_overlay_start_1:
0x0: {  	(tag) =	ssettag $0x1  }
0x1: {  	s0 =	rddreg [dreg:$0x0]  }
0x2: {  	s1 =	rddreg [dreg:$0x1]  }
0x3: {  	s2 =	rddreg [dreg:$0x2];
	s3 =	srdreg.scid  }
0x4: {  	s4 =	simm.s32 $0x0;
	s11 =	stileid.u32;
	s28 =	simm.s32 $0x5  }
0x5: {  	s29 =	simm.s32 $0x1;
	s3 =	sand.u32 $0x1, s3;
	s7 =	smul.u32 $0x14000, s11  }
0x6: {  	[smem:$0x7FF] =	sst s4;
	s6 =	smul.u32 $0x140000, s3;
	s5 =	sshll.u32 s3, $0x4  }
0x7: {  	_ =	strace $0x8000005B;
	s8 =	sor.u32 s11, s5;
	s11 =	smul.u32 $0x50000, s11  }
0x8: {  	s3 =	ssub.s32 $0x2, s3;
	s5 =	sadd.s32 $0x4E5C00, s0;
	s17 =	smul.u32 $0x27, s8  }
0x9: {  	s18 =	sshrl.u32 s3, $0x1;
	s6 =	sadd.s32 s7, s6;
	s10 =	smul.u32 $0x28, s8  }
0xa: {  	p0 =	slt.u32 s8, $0x2;
	s3 =	ssub.s32 s3, s18;
	s7 =	simm.s32 $0x28  }
0xb: {  	s9 =	sshrl.u32 s6, $0x3;
	s19 =	sshrl.u32 s11, $0x2;
	s7 =	simm.s32 @!p0 $0x27  }
0xc: {  	s21 =	smax.u32 s3, $0x1;
	s6 =	sadd.s32 $0x2, s17;
	s0 =	sadd.s32 s9, s0  }
0xd: {  	s8 =	sadd.s32 s19, s2;
	[dreg:$0x7] =	wrdreg s21;
	s0 =	sadd.s32 $0x3C00, s0  }
0xe: {  	s11 =	sadd.s32 $0xFFFFFFFF, s7;
	s22 =	sadd.s32 $0x2000, s8;
	[dreg:$0x6] =	wrdreg s0  }
0xf: {  	s6 =	smov.u32 @p0 s10;
	s23 =	sadd.s32 $0x4000, s8;
	[dreg:$0x8] =	wrdreg s22  }
0x10: {  	s24 =	sadd.s32 $0x6000, s8;
	s25 =	sadd.s32 $0x8000, s8;
	[dreg:$0x9] =	wrdreg s23  }
0x11: {  	s26 =	sadd.s32 $0xA000, s8;
	s30 =	sadd.s32 $0xC000, s8;
	[dreg:$0xa] =	wrdreg s24  }
0x12: {  	s31 =	sadd.s32 $0xE000, s8;
	s21 =	sadd.s32 $0x10000, s8;
	[dreg:$0xb] =	wrdreg s25  }
0x13: {  	s20 =	sshll.u32 s6, $0x4;
	s10 =	sshll.u32 s6, $0xB;
	[dreg:$0xc] =	wrdreg s26  }
0x14: {  	[dreg:$0xd] =	wrdreg s30;
	s9 =	sadd.s32 $0x4E20, s20;
	s10 =	sand.u32 $0x1FFFF800, s10  }
0x15: {  	[dreg:$0xe] =	wrdreg s31;
	s9 =	sand.u32 $0xFFFFFF0, s9;
	s10 =	sadd.s32 s5, s10  }
0x16: {  	s22 =	sadd.s32 $0x12000, s8;
	[dreg:$0x4] =	wrdreg s10;
	s9 =	sadd.s32 s1, s9  }
0x17: {  	v0 =	vimm.f32 $0.0e+00;
	s23 =	simm.s32 $0x14000;
	s26 =	simm.s32 $0x80;
	[dreg:$0x5] =	wrdreg s9  }
.LBB2_1:
0x18: {  	s0 =	simm.s32 $0x0;
	s3 =	simm.s32 $0x200  }
.LBB2_2:
0x19: {  	p0 =	sne.s32 s3, $0x7E00;
	[tilespmem:s0+$0x14070] =	vst v0  }
0x1a: {  	[tilespmem:s0+$0x14000] =	vst v0  }
0x1b: {  	[tilespmem:s0+$0x14010] =	vst v0  }
.Ltmp0:
0x1c: {  	[tilespmem:s0+$0x14020] =	vst v0;
	(pc) =	sbr.rel @p0 .LBB2_2-.Ltmp0, $4  }
0x1d: {  	[tilespmem:s0+$0x14030] =	vst v0  }
0x1e: {  	[tilespmem:s0+$0x14040] =	vst v0  }
0x1f: {  	[tilespmem:s0+$0x14050] =	vst v0  }
0x20: {  	[tilespmem:s0+$0x14060] =	vst v0;
	s0 =	sshra.s32 s3, $0x2;
	s3 =	sadd.s32 $0x200, s3  }
0x21: {  	[tilespmem:s0+$0x14070] =	vst v0  }
0x22: {  	[tilespmem:s0+$0x14000] =	vst v0  }
0x23: {  	[tilespmem:s0+$0x14010] =	vst v0  }
0x24: {  	[tilespmem:s0+$0x14020] =	vst v0  }
0x25: {  	[tilespmem:s0+$0x14030] =	vst v0  }
0x26: {  	[tilespmem:s0+$0x14040] =	vst v0  }
0x27: {  	[tilespmem:s0+$0x14050] =	vst v0  }
0x28: {  	[tilespmem:s0+$0x14060] =	vst v0;
	s25 =	simm.s32 $0x1  }
0x29: {  	[spmem:s8] =	stream.linear.scatter [tilespmem:s23], [sflag:$0x1], $0x2000, $0x38;
	[tilespmem:$0x1E100] =	vst v63  }
0x2a: {  	_ =	swait.ge [sflag:s25], $0x2000  }
0x2b: {  	[sflag:s25] =	ssyncset.done $0x0  }
0x2c: {  	s12 =	rddreg [dreg:$0x8];
	[sflag:s25] =	ssyncadd.s32 $0xFFFFE000  }
0x2d: {  	[spmem:s12] =	stream.linear.scatter [tilespmem:s23], [sflag:$0x1], $0x2000, $0x38;
	[tilespmem:$0x1E100] =	vst v63  }
0x2e: {  	_ =	swait.ge [sflag:s25], $0x2000  }
0x2f: {  	[sflag:s25] =	ssyncset.done $0x0  }
0x30: {  	s13 =	rddreg [dreg:$0x9];
	[sflag:s25] =	ssyncadd.s32 $0xFFFFE000  }
0x31: {  	[spmem:s13] =	stream.linear.scatter [tilespmem:s23], [sflag:$0x1], $0x2000, $0x38;
	[tilespmem:$0x1E100] =	vst v63  }
0x32: {  	_ =	swait.ge [sflag:s25], $0x2000  }
0x33: {  	[sflag:s25] =	ssyncset.done $0x0  }
0x34: {  	s14 =	rddreg [dreg:$0xa];
	[sflag:s25] =	ssyncadd.s32 $0xFFFFE000  }
0x35: {  	[spmem:s14] =	stream.linear.scatter [tilespmem:s23], [sflag:$0x1], $0x2000, $0x38;
	[tilespmem:$0x1E100] =	vst v63  }
0x36: {  	_ =	swait.ge [sflag:s25], $0x2000  }
0x37: {  	[sflag:s25] =	ssyncset.done $0x0  }
0x38: {  	s15 =	rddreg [dreg:$0xb];
	[sflag:s25] =	ssyncadd.s32 $0xFFFFE000  }
0x39: {  	[spmem:s15] =	stream.linear.scatter [tilespmem:s23], [sflag:$0x1], $0x2000, $0x38;
	[tilespmem:$0x1E100] =	vst v63  }
0x3a: {  	_ =	swait.ge [sflag:s25], $0x2000  }
0x3b: {  	[sflag:s25] =	ssyncset.done $0x0  }
0x3c: {  	s16 =	rddreg [dreg:$0xc];
	[sflag:s25] =	ssyncadd.s32 $0xFFFFE000  }
0x3d: {  	[spmem:s16] =	stream.linear.scatter [tilespmem:s23], [sflag:$0x1], $0x2000, $0x38;
	[tilespmem:$0x1E100] =	vst v63  }
0x3e: {  	_ =	swait.ge [sflag:s25], $0x2000  }
0x3f: {  	[sflag:s25] =	ssyncset.done $0x0  }
0x40: {  	s17 =	rddreg [dreg:$0xd];
	[sflag:s25] =	ssyncadd.s32 $0xFFFFE000  }
0x41: {  	[spmem:s17] =	stream.linear.scatter [tilespmem:s23], [sflag:$0x1], $0x2000, $0x38;
	[tilespmem:$0x1E100] =	vst v63  }
0x42: {  	_ =	swait.ge [sflag:s25], $0x2000  }
0x43: {  	[sflag:s25] =	ssyncset.done $0x0  }
0x44: {  	s18 =	rddreg [dreg:$0xe];
	[sflag:s25] =	ssyncadd.s32 $0xFFFFE000  }
0x45: {  	[spmem:s18] =	stream.linear.scatter [tilespmem:s23], [sflag:$0x1], $0x2000, $0x38;
	[tilespmem:$0x1E100] =	vst v63  }
0x46: {  	_ =	swait.ge [sflag:s25], $0x2000  }
0x47: {  	[sflag:s25] =	ssyncset.done $0x0  }
0x48: {  	[sflag:s25] =	ssyncadd.s32 $0xFFFFE000  }
0x49: {  	[spmem:s21] =	stream.linear.scatter [tilespmem:s23], [sflag:$0x1], $0x2000, $0x38;
	[tilespmem:$0x1E100] =	vst v63  }
0x4a: {  	_ =	swait.ge [sflag:s25], $0x2000  }
0x4b: {  	[sflag:s25] =	ssyncset.done $0x0  }
0x4c: {  	[sflag:s25] =	ssyncadd.s32 $0xFFFFE000  }
0x4d: {  	[spmem:s22] =	stream.linear.scatter [tilespmem:s23], [sflag:$0x1], $0x2000, $0x38;
	[tilespmem:$0x1E100] =	vst v63  }
0x4e: {  	_ =	swait.ge [sflag:s25], $0x2000  }
0x4f: {  	[sflag:s25] =	ssyncset.done $0x0  }
0x50: {  	[sflag:s25] =	ssyncadd.s32 $0xFFFFE000  }
0x51: {  	s30 =	simm.s32 $0x0;
	s3 =	simm.s32 $0x16000;
	[bflag:$0x0] =	sbarrier.arrive $0xFFFF  }
0x52: {  	p1 =	sne.s32 s11, $0x1;
	p0 =	seq.s32 s7, $0x1;
	_ =	strace $0x8000005C  }
.Ltmp1:
0x53: {  	s31 =	simm.s32 $0x1;
	s19 =	rddreg [dreg:$0x4];
	(pc) =	sbr.rel @!p1 .LBB2_4-.Ltmp1, $4  }
0x54: {  	[tilespmem:s3], [sflag:$0x1] =	stream.linear.gather [hbm4b:s19+s30], $0x4000, $0x200038;
	[tilespmem:$0x1E100] =	vst v63  }
0x55: {  	s24 =	simm.s32 $0x1E000;
	s31 =	simm.s32 @p0 $0x0;
	s20 =	rddreg [dreg:$0x5]  }
0x56: {  	[tilespmem:s24], [sflag:$0x3] =	stream.linear.gather [hbm4b:s20+s30], $0x80, $0x200038;
	[tilespmem:$0x1E100] =	vst v63  }
0x57: {  	p0 =	por $0x0, $0x0;
	s24 =	simm.s32 $0x1;
	_ =	strace $0x9000005C  }
0x58: {  	p0 =	seq.s32 s31, $0x0;
	s18 =	sand.u32 $0x1, s30;
	s20 =	simm.s32 $0x0  }
0x59: {  	s24 =	simm.s32 $0x0;
	p1 =	sne.s32 s11, $0x2;
	s0 =	sadd.s32 @!p0 s6, s31  }
0x5a: {  	s3 =	sand.u32 @!p0 $0x1, s25;
	_ =	strace @!p0 $0x8000005D;
	s14 =	simm.s32 @!p0 $0x0  }
0x5b: {  	s9 =	sshll.u32 @!p0 s3, $0xE;
	s10 =	sshll.u32 @!p0 s0, $0xB;
	s0 =	sshll.u32 @!p0 s0, $0x7  }
0x5c: {  	s12 =	sadd.s32 @!p0 $0x1, s3;
	s13 =	sshll.u32 @!p0 s3, $0x7;
	s10 =	sand.u32 @!p0 $0x1FFFF800, s10  }
0x5d: {  	s9 =	sadd.s32 @!p0 $0x16000, s9;
	s0 =	sadd.s32 @!p0 $0x27100, s0;
	s10 =	sadd.s32 @!p0 s5, s10  }
0x5e: {  	[tilespmem:s9], [sflag:s12] =	stream.linear.gather @!p0 [hbm4b:s10+s14], $0x4000, $0x200038;
	[tilespmem:$0x1E100] =	vst v63  }
0x5f: {  	s3 =	sadd.s32 @!p0 $0x3, s3;
	s0 =	sshrl.u32 @!p0 s0, $0x3;
	_ =	strace @!p0 $0x9000005D  }
0x60: {  	s9 =	sor.u32 @!p0 $0x1E000, s13;
	s0 =	sadd.s32 @!p0 s1, s0;
	_ =	strace @!p0 $0x8000005E  }
0x61: {  	[tilespmem:s9], [sflag:s3] =	stream.linear.gather @!p0 [hbm4b:s0+s14], $0x80, $0x200038;
	[tilespmem:$0x1E100] =	vst v63  }
0x62: {  	p2 =	sne.s32 s31, $0x0;
	s19 =	sadd.s32 $0x1, s18;
	_ =	strace @!p0 $0x9000005E  }
0x63: {  	s12 =	simm.s32 @!p0 $0x2;
	s10 =	sand.u32 $0x4000, s20;
	_ =	strace $0x8000005F  }
0x64: {  	s13 =	simm.s32 $0x1;
	s12 =	smov.u32 @p0 s25;
	_ =	swait.ge [sflag:s19], $0x4000  }
0x65: {  	s25 =	sand.u32 $0x80, s24;
	s24 =	simm.s32 $0x2;
	[sflag:s19] =	ssyncset.done $0x0  }
0x66: {  	s15 =	sadd.s32 $0x16000, s10;
	s13 =	simm.s32 @!p2 $0x0;
	[sflag:s19] =	ssyncadd.s32 $0xFFFFC000  }
0x67: {  	s0 =	simm.s32 @!p0 $0x1;
	s3 =	sadd.s32 $0x3, s18;
	_ =	strace $0x9000005F  }
.Ltmp2:
0x68: {  	s14 =	sor.u32 $0x1E000, s25;
	_ =	strace $0x80000060;
	(pc) =	sbr.rel @!p1 .LBB2_6-.Ltmp2, $4  }
0x69: {  	s25 =	sadd.s32 $0x1, s31;
	s9 =	simm.s32 $0x0;
	_ =	swait.ge [sflag:s3], $0x80  }
0x6a: {  	s0 =	simm.s32 @p0 $0x0;
	p0 =	seq.s32 s25, s7;
	[sflag:s3] =	ssyncset.done $0x0  }
0x6b: {  	s0 =	sadd.s32 $0x1, s0;
	s25 =	simm.s32 @p0 $0x0;
	[sflag:s3] =	ssyncadd.s32 $0xFFFFFF80  }
0x6c: {  	p0 =	por $0x1, $0x1;
	s3 =	simm.s32 $0x0;
	_ =	strace $0x90000060  }
.LBB2_7:
0x6d: {  	s10 =	smov.u32 s12  }
0x6e: {  	p1 =	seq.s32 s31, s25;
	s9 =	sadd.s32 s13, s9;
	s3 =	sadd.s32 s13, s3  }
0x6f: {  	s12 =	sadd.s32 @!p1 s6, s25;
	s13 =	sand.u32 @!p1 $0x1, s10;
	_ =	strace $0x80000061  }
0x70: {  	s16 =	sshll.u32 @!p1 s13, $0xE;
	s17 =	sshll.u32 @!p1 s12, $0xB;
	s12 =	sshll.u32 @!p1 s12, $0x7  }
0x71: {  	s13 =	sadd.s32 @!p1 $0x1, s13;
	s16 =	sadd.s32 @!p1 $0x16000, s16;
	s17 =	sand.u32 @!p1 $0x1FFFF800, s17  }
0x72: {  	[spmem:s2] =	stream.indirect.scatter.add.f32 [tilespmem:s15], [sflag:$0x5], $0x80, s14, s26, $0x2000b8;
	[tilespmem:$0x1E100] =	vst v63  }
0x73: {  	s12 =	sadd.s32 @!p1 $0x27100, s12;
	s14 =	sand.u32 @!p1 $0x1, s0;
	_ =	swait.ge [sflag:s28], $0x4000  }
0x74: {  	s12 =	sshrl.u32 @!p1 s12, $0x3;
	s15 =	sshll.u32 @!p1 s14, $0x7;
	[sflag:s28] =	ssyncset.done $0x0  }
0x75: {  	s18 =	simm.s32 @!p1 $0x1;
	s17 =	sadd.s32 @!p1 s5, s17;
	[sflag:s28] =	ssyncadd.s32 $0xFFFFC000  }
0x76: {  	s19 =	sadd.s32 @!p1 s1, s12;
	s15 =	sor.u32 @!p1 $0x1E000, s15;
	_ =	strace $0x90000061  }
0x77: {  	s20 =	simm.s32 @!p1 $0x0;
	s14 =	sadd.s32 @!p1 $0x3, s14;
	_ =	strace @!p1 $0x8000005D  }
0x78: {  	[tilespmem:s16], [sflag:s13] =	stream.linear.gather @!p1 [hbm4b:s17+s20], $0x4000, $0x200038;
	[tilespmem:$0x1E100] =	vst v63  }
0x79: {  	s18 =	simm.s32 @p1 $0x0;
	s13 =	sand.u32 $0x1, s9;
	_ =	strace @!p1 $0x9000005D  }
0x7a: {  	s12 =	sadd.s32 @!p1 $0x1, s10;
	s0 =	sadd.s32 s0, s18;
	_ =	strace @!p1 $0x8000005E  }
0x7b: {  	[tilespmem:s15], [sflag:s14] =	stream.linear.gather @!p1 [hbm4b:s19+s20], $0x80, $0x200038;
	[tilespmem:$0x1E100] =	vst v63  }
0x7c: {  	s12 =	smov.u32 @p1 s10;
	s10 =	sshll.u32 s9, $0xE;
	_ =	strace @!p1 $0x9000005E  }
0x7d: {  	s13 =	sadd.s32 $0x1, s13;
	s14 =	sshll.u32 s3, $0x7;
	_ =	strace $0x8000005F  }
0x7e: {  	s10 =	sand.u32 $0x4000, s10;
	s14 =	sand.u32 $0x80, s14;
	_ =	swait.ge [sflag:s13], $0x4000  }
0x7f: {  	s24 =	sadd.s32 $0x1, s24;
	s16 =	smov.u32 s31;
	[sflag:s13] =	ssyncset.done $0x0  }
0x80: {  	s31 =	smov.u32 s25;
	p1 =	sne.s32 s11, s24;
	[sflag:s13] =	ssyncadd.s32 $0xFFFFC000  }
0x81: {  	s17 =	sadd.s32 $0x1, s25;
	s13 =	sand.u32 $0x1, s3;
	_ =	strace $0x9000005F  }
.Ltmp3:
0x82: {  	s13 =	sadd.s32 $0x3, s13;
	_ =	strace $0x80000060;
	(pc) =	sbr.rel @p1 .LBB2_7-.Ltmp3, $4  }
0x83: {  	p2 =	seq.s32 s17, s7;
	s14 =	sor.u32 $0x1E000, s14;
	_ =	swait.ge [sflag:s13], $0x80  }
0x84: {  	p3 =	sne.s32 s16, s25;
	s15 =	sadd.s32 $0x16000, s10;
	[sflag:s13] =	ssyncset.done $0x0  }
0x85: {  	s25 =	smov.u32 s17;
	[sflag:s13] =	ssyncadd.s32 $0xFFFFFF80;
	s13 =	simm.s32 $0x1  }
0x86: {  	s25 =	simm.s32 @p2 $0x0;
	_ =	strace $0x90000060;
	s13 =	simm.s32 @!p3 $0x0  }
0x87: {  	s10 =	smov.u32 s31;
	s31 =	smov.u32 s25;
	s25 =	smov.u32 s12  }
.LBB2_9:
0x88: {  	p1 =	seq.s32 s10, s31;
	_ =	strace @p0 $0x80000061  }
0x89: {  	[spmem:s2] =	stream.indirect.scatter.add.f32 @p0 [tilespmem:s15], [sflag:$0x5], $0x80, s14, s26, $0x2000b8;
	[tilespmem:$0x1E100] =	vst v63  }
0x8a: {  	s12 =	sand.u32 @!p1 $0x1, s25;
	_ =	swait.ge @p0 [sflag:s28], $0x4000  }
0x8b: {  	s14 =	sadd.s32 @!p1 s6, s31;
	s17 =	simm.s32 @!p1 $0x0;
	[sflag:s28] =	ssyncset.done @p0 $0x0  }
0x8c: {  	s15 =	sshll.u32 @!p1 s12, $0xE;
	s16 =	sshll.u32 @!p1 s14, $0xB;
	[sflag:s28] =	ssyncadd.s32 @p0 $0xFFFFC000  }
0x8d: {  	s12 =	sadd.s32 @!p1 $0x1, s12;
	s16 =	sand.u32 @!p1 $0x1FFFF800, s16;
	_ =	strace @p0 $0x90000061  }
0x8e: {  	s15 =	sadd.s32 @!p1 $0x16000, s15;
	s16 =	sadd.s32 @!p1 s5, s16;
	_ =	strace @!p1 $0x8000005D  }
0x8f: {  	[tilespmem:s15], [sflag:s12] =	stream.linear.gather @!p1 [hbm4b:s16+s17], $0x4000, $0x200038;
	[tilespmem:$0x1E100] =	vst v63  }
0x90: {  	s12 =	sshll.u32 @!p1 s14, $0x7;
	s14 =	sand.u32 @!p1 $0x1, s0  }
0x91: {  	s12 =	sadd.s32 @!p1 $0x27100, s12;
	s15 =	sshll.u32 @!p1 s14, $0x7  }
0x92: {  	_ =	strace @!p1 $0x9000005D;
	s14 =	sadd.s32 @!p1 $0x3, s14;
	s12 =	sshrl.u32 @!p1 s12, $0x3  }
0x93: {  	s15 =	sor.u32 @!p1 $0x1E000, s15;
	_ =	strace @!p1 $0x8000005E;
	s12 =	sadd.s32 @!p1 s1, s12  }
0x94: {  	[tilespmem:s15], [sflag:s14] =	stream.linear.gather @!p1 [hbm4b:s12+s17], $0x80, $0x200038;
	[tilespmem:$0x1E100] =	vst v63  }
0x95: {  	s12 =	sadd.s32 @p0 s13, s9;
	s9 =	simm.s32 $0x0  }
0x96: {  	s9 =	smov.u32 @p0 s12  }
0x97: {  	_ =	strace @!p1 $0x9000005E;
	s12 =	sand.u32 $0x1, s9  }
0x98: {  	_ =	strace $0x8000005F;
	s12 =	sadd.s32 $0x1, s12  }
0x99: {  	_ =	swait.ge [sflag:s12], $0x4000  }
0x9a: {  	s3 =	sadd.s32 @p0 s13, s3;
	[sflag:s12] =	ssyncset.done $0x0  }
0x9b: {  	s30 =	smov.u32 @p0 s3;
	[sflag:s12] =	ssyncadd.s32 $0xFFFFC000  }
0x9c: {  	s3 =	sand.u32 $0x1, s30;
	_ =	strace $0x9000005F  }
0x9d: {  	s3 =	sadd.s32 $0x3, s3;
	_ =	strace $0x80000060  }
0x9e: {  	_ =	swait.ge [sflag:s3], $0x80  }
0x9f: {  	[sflag:s3] =	ssyncset.done $0x0  }
0xa0: {  	s16 =	sshll.u32 s30, $0x7;
	s15 =	sshll.u32 s9, $0xE;
	[sflag:s3] =	ssyncadd.s32 $0xFFFFFF80  }
0xa1: {  	s18 =	sand.u32 $0x80, s16;
	s17 =	sand.u32 $0x4000, s15;
	_ =	strace $0x90000060  }
0xa2: {  	s12 =	sor.u32 $0x1E000, s18;
	s3 =	sadd.s32 $0x16000, s17;
	_ =	strace $0x80000061  }
0xa3: {  	[spmem:s2] =	stream.indirect.scatter.add.f32 [tilespmem:s3], [sflag:$0x5], $0x80, s12, s26, $0x2000b8;
	[tilespmem:$0x1E100] =	vst v63  }
0xa4: {  	s3 =	sadd.s32 $0x1, s31  }
0xa5: {  	p0 =	seq.s32 s3, s7  }
0xa6: {  	_ =	swait.ge [sflag:s28], $0x4000;
	s3 =	simm.s32 @p0 $0x0;
	p0 =	sge.u32 s24, s11  }
0xa7: {  	[sflag:s28] =	ssyncset.done $0x0;
	p2 =	seq.s32 @!p0 s31, s3  }
0xa8: {  	s12 =	sadd.s32 @!p1 $0x1, s25;
	[sflag:s28] =	ssyncadd.s32 $0xFFFFC000;
	p0 =	por p2, p0  }
0xa9: {  	s12 =	smov.u32 @p1 s25;
	_ =	strace $0x90000061;
	s3 =	sadd.s32 @!p0 s6, s3  }
0xaa: {  	s12 =	sand.u32 @!p0 $0x1, s12;
	_ =	strace @!p0 $0x8000005D;
	s14 =	sshll.u32 @!p0 s3, $0xB  }
0xab: {  	s15 =	simm.s32 @!p0 $0x0;
	s13 =	sshll.u32 @!p0 s12, $0xE;
	s14 =	sand.u32 @!p0 $0x1FFFF800, s14  }
0xac: {  	s12 =	sadd.s32 @!p0 $0x1, s12;
	s13 =	sadd.s32 @!p0 $0x16000, s13;
	s14 =	sadd.s32 @!p0 s5, s14  }
0xad: {  	[tilespmem:s13], [sflag:s12] =	stream.linear.gather @!p0 [hbm4b:s14+s15], $0x4000, $0x200038;
	[tilespmem:$0x1E100] =	vst v63  }
0xae: {  	s12 =	simm.s32 @!p1 $0x1  }
0xaf: {  	s3 =	sshll.u32 @!p0 s3, $0x7;
	s12 =	simm.s32 @p1 $0x0  }
0xb0: {  	s3 =	sadd.s32 @!p0 $0x27100, s3;
	s0 =	sadd.s32 s0, s12  }
0xb1: {  	s3 =	sshrl.u32 @!p0 s3, $0x3;
	s0 =	sand.u32 @!p0 $0x1, s0  }
0xb2: {  	s3 =	sadd.s32 @!p0 s1, s3;
	_ =	strace @!p0 $0x9000005D;
	s12 =	sshll.u32 @!p0 s0, $0x7  }
0xb3: {  	_ =	strace @!p0 $0x8000005E;
	s0 =	sadd.s32 @!p0 $0x3, s0;
	s12 =	sor.u32 @!p0 $0x1E000, s12  }
0xb4: {  	[tilespmem:s12], [sflag:s0] =	stream.linear.gather @!p0 [hbm4b:s3+s15], $0x80, $0x200038;
	[tilespmem:$0x1E100] =	vst v63  }
0xb5: {  	p1 =	sne.s32 s10, s31;
	s0 =	simm.s32 $0x1  }
0xb6: {  	s0 =	simm.s32 @!p1 $0x0  }
0xb7: {  	s19 =	sadd.s32 s0, s9  }
0xb8: {  	_ =	strace @!p0 $0x9000005E;
	s9 =	sand.u32 $0x1, s19  }
0xb9: {  	_ =	strace $0x8000005F;
	s9 =	sadd.s32 $0x1, s9  }
0xba: {  	_ =	swait.ge [sflag:s9], $0x4000  }
0xbb: {  	[sflag:s9] =	ssyncset.done $0x0  }
0xbc: {  	s0 =	sadd.s32 s0, s30;
	[sflag:s9] =	ssyncadd.s32 $0xFFFFC000  }
0xbd: {  	s20 =	sand.u32 $0x1, s0;
	_ =	strace $0x9000005F  }
0xbe: {  	s9 =	sadd.s32 $0x3, s20;
	_ =	strace $0x80000060  }
0xbf: {  	_ =	swait.ge [sflag:s9], $0x80  }
0xc0: {  	[sflag:s9] =	ssyncset.done $0x0  }
0xc1: {  	s3 =	sshll.u32 s19, $0xE;
	s0 =	sshll.u32 s0, $0x7;
	[sflag:s9] =	ssyncadd.s32 $0xFFFFFF80  }
0xc2: {  	s3 =	sand.u32 $0x4000, s3;
	s0 =	sand.u32 $0x80, s0;
	_ =	strace $0x90000060  }
0xc3: {  	s3 =	sadd.s32 $0x16000, s3;
	s0 =	sor.u32 $0x1E000, s0;
	_ =	strace $0x80000061  }
0xc4: {  	[spmem:s2] =	stream.indirect.scatter.add.f32 [tilespmem:s3], [sflag:$0x5], $0x80, s0, s26, $0x2000b8;
	[tilespmem:$0x1E100] =	vst v63  }
0xc5: {  	_ =	swait.ge [sflag:s28], $0x4000  }
0xc6: {  	[sflag:s28] =	ssyncset.done $0x0  }
0xc7: {  	[sflag:s28] =	ssyncadd.s32 $0xFFFFC000  }
0xc8: {  	s24 =	stileid.u32;
	_ =	strace $0x90000061  }
0xc9: {  	s0 =	sshll.u32 s24, $0x6;
	[bflag:$0x0] =	sbarrier.arrive $0xFFFF  }
0xca: {  	s25 =	sshrl.u32 s8, $0x3;
	s0 =	sor.u32 $0x1C01, s0;
	s30 =	rddreg [dreg:$0x6]  }
0xcb: {  	[hbm:s30], [sflag:s0] =	dma.local [spmem:s25], $0x2800  }
0xcc: {  	_ =	swait.ge [sflag:s29], $0x2800  }
0xcd: {  	s4 =	sadd.s32 $0x1, s4;
	s31 =	rddreg [dreg:$0x7]  }
0xce: {  	p0 =	sne.s32 s4, s31  }
.Ltmp4:
0xcf: {  	_ = 	snop;
	(pc) =	sbr.rel @p0 .LBB2_1-.Ltmp4, $4  }
.Ltmp5:
0xd0: {  	_ = 	snop;
	(pc) =	sbr.rel @!p0 .LBB2_10-.Ltmp5, $4  }
0xd1: {  	_ = 	snop  }
0xd2: {  	[sflag:s29] =	ssyncset.done $0x0  }
0xd3: {  	[sflag:s29] =	ssyncadd.s32 $0xFFFFD800  }
0xd4: {  	_ = 	snop  }
.LBB2_4:
.Ltmp6:
0xd5: {  	(pc) =	sbr.rel .LBB2_9-.Ltmp6, $3  }
0xd6: {  	_ =	sdelay $0x1  }
0xd7: {  	s10 =	simm.s32 $0x0  }
0xd8: {  	s9 =	simm.s32 $0x0;
	s3 =	simm.s32 $0x0;
	s0 =	simm.s32 $0x1  }
.LBB2_6:
.Ltmp7:
0xd9: {  	(pc) =	sbr.rel .LBB2_9-.Ltmp7, $3  }
0xda: {  	_ =	sdelay $0x1  }
0xdb: {  	s10 =	smov.u32 s31;
	s31 =	smov.u32 s25  }
0xdc: {  	s9 =	simm.s32 $0x0;
	s3 =	simm.s32 $0x0;
	s25 =	smov.u32 s12  }
.LBB2_10:
0xdd: {  	_ =	sfence.sel $0x180000  }
0xde: {  	[bflag:$0x0] =	sbarrier.arrive $0xFFFF  }
0xdf: {  	_ =	strace $0x9000005B  }
0xe0: {  	s0 =	stileid.u32;
	[bflag:$0x2] =	sbarrier.arrive $0xFFFF  }
0xe1: {  	p0 =	sne.s32 s0, $0x0;
	s0 =	rddreg [dreg:$0x3]  }
0xe2: {  	s0 =	sadd.s32 @!p0 $0x100000, s0  }
0xe3: {  	[sflag:s0] =	ssyncadd.tile.s32 @!p0 $0x1;
	_ =	shalt  }
.Lfunc_end2:
_tile_overlayer_lowered:
.L_overlay_start_2:
0xe4: {  	(tag) =	ssettag $0x2  }
0xe5: {  	s0 =	rddreg [dreg:$0x0];
	s2 =	stileid.u32  }
0xe6: {  	s1 =	rddreg [dreg:$0x1];
	p0 =	sne.s32 s2, $0x0  }
0xe7: {  	s3 =	rddreg [dreg:$0x2];
	[bflag:$0x3] =	sbarrier.arrive $0xFFFF;
	s2 =	simm.s32 @!p0 $0x1C01  }
0xe8: {  	[timem:s3], [sflag:s2] =	dma.local @!p0 [hbm:s0], s1  }
0xe9: {  	s0 =	simm.s32 @!p0 $0x1  }
0xea: {  	_ =	swait.ge @!p0 [sflag:s0], s1  }
0xeb: {  	s1 =	ssub.s32 @!p0 $0x0, s1;
	[sflag:s0] =	ssyncset.done @!p0 $0x0  }
0xec: {  	[sflag:s0] =	ssyncadd.s32 @!p0 s1  }
0xed: {  	[bflag:$0x3] =	sbarrier.arrive $0xFFFF  }
0xee: {  	_ =	shalt  }

// kernel: kernel.9.cloned.1.call-start
scs
__scs_entry_jumppad:
0x0: {  	(pc) =	sbr.rel $0x88, $3  }
0x1: {  	(tag) =	ssettag $0x0;
	lr =	simm.s32 $0x1  }
0x2: {  	[smem:$0x3F96] =	sst lr;
	_ =	strace $0xD0000000  }
0x3: {  	_ = 	snop  }
0x4: {  	_ = 	snop  }
0x5: {  	_ = 	snop  }
0x6: {  	_ = 	snop  }
0x7: {  	_ = 	snop  }
__scs_overlays_trampoline_lowered:
0x8: {  	[smem:$0x3FA5] =	sst s0  }
0x9: {  	[smem:$0x3FA6] =	sst s1  }
0xa: {  	[smem:$0x3FA7] =	sst s2  }
0xb: {  	[smem:$0x3FA8] =	sst s3  }
0xc: {  	[smem:$0x3FA9] =	sst s4  }
0xd: {  	[smem:$0x3FAA] =	sst s5  }
0xe: {  	[smem:$0x3FAB] =	sst s6  }
0xf: {  	[smem:$0x3FAC] =	sst s7  }
0x10: {  	[smem:$0x3FAD] =	sst s8  }
0x11: {  	[smem:$0x3FAE] =	sst s9;
	s0 =	simm.s32 @!p0 $0x0  }
0x12: {  	s1 =	sld [smem:$0x3F94];
	s0 =	simm.s32 @p0 $0x1  }
0x13: {  	[smem:$0x3FAF] =	sst s0;
	s0 =	simm.s32 @!p1 $0x0  }
0x14: {  	s2 =	sld [smem:$0x3F93];
	s0 =	simm.s32 @p1 $0x1  }
0x15: {  	[smem:$0x3FB0] =	sst s0;
	s0 =	simm.s32 @!p2 $0x0  }
0x16: {  	s3 =	sld [smem:$0x3FDB];
	s0 =	simm.s32 @p2 $0x1  }
0x17: {  	s4 =	simm.s32 $0x1BF5;
	[smem:$0x3FB2] =	sst s0  }
0x18: {  	s0 =	sld [smem:$0x3F95];
	_ =	swait.ge [sflag:s4], $0x0  }
0x19: {  	s7 =	sld [smem:$0x3F96]  }
0x1a: {  	s8 =	sadd.s32 $0xFFFFE003, lr  }
0x1b: {  	s9 =	sadd.s32 $0xFFFFFEF7, lr;
	s5 =	simm.s32 $0xFFFFFFFF;
	p2 =	slt.u32 s8, $0xFFFFF086  }
0x1c: {  	p1 =	slt.u32 s9, $0xF7A;
	s5 =	simm.s32 @!p2 $0x0  }
0x1d: {  	s5 =	simm.s32 @p1 $0x1;
	p0 =	seq.s32 s7, s2  }
0x1e: {  	s7 =	smul.u32 @!p0 $0xF7A, s2;
	p2 =	seq.s32 @!p0 s5, $0x0  }
0x1f: {  	s9 =	smul.u32 $0xF7A, s1;
	s8 =	simm.s32 @!p0 $0x1BF5;
	p2 =	por !p2, p0  }
0x20: {  	[sflag:s8] =	ssyncset.s32 @!p0 $0xFFFFF086;
	s6 =	sadd.s32 @!p0 s3, s7;
	s7 =	simm.s32 @!p0 $0x108  }
0x21: {  	s3 =	sadd.s32 s3, s9;
	s6 =	sadd.s32 @!p0 $0x88, s6;
	s7 =	simm.s32 @p2 $0x1082  }
0x22: {  	[simem:s7], [sflag:s8] =	dma.local @!p0 [hbm:s6], $0xF7A  }
0x23: {  	s9 =	sor.u32 $0xD0000000, s2;
	s6 =	simm.s32 $0x108;
	_ =	swait.ge @!p0 [sflag:s8], $0x0  }
0x24: {  	s3 =	sadd.s32 $0x88, s3;
	s6 =	simm.s32 @!p1 $0x1082;
	[sflag:s4] =	ssyncset.s32 $0xFFFFF086  }
0x25: {  	[simem:s6], [sflag:s4] =	dma.local [hbm:s3], $0xF7A  }
0x26: {  	[smem:$0x3F96] =	sst s1;
	(tag) =	ssettag s2;
	_ =	strace s9  }
0x27: {  	s1 =	sld [smem:$0x3FA6]  }
0x28: {  	s2 =	sld [smem:$0x3FA7]  }
0x29: {  	s4 =	sld [smem:$0x3FA9]  }
0x2a: {  	p0 =	seq.s32 s5, $0x0;
	s5 =	sld [smem:$0x3FAA]  }
0x2b: {  	s6 =	sld [smem:$0x3FAB]  }
0x2c: {  	s7 =	sld [smem:$0x3FAC]  }
0x2d: {  	s3 =	simm.s32 $0x108;
	s8 =	sld [smem:$0x3FAD]  }
0x2e: {  	s3 =	simm.s32 @!p0 $0x1082;
	s9 =	sld [smem:$0x3FAE]  }
0x2f: {  	lr =	sadd.s32 s0, s3;
	s0 =	sld [smem:$0x3FA5]  }
0x30: {  	s3 =	sld [smem:$0x3FA8]  }
0x31: {  	[smem:$0x3FB1] =	sst s10  }
0x32: {  	s10 =	sld [smem:$0x3FAF];
	_ =	sdelay $0x3  }
0x33: {  	p0 =	seq.s32 s10, $0x1;
	s10 =	sld [smem:$0x3FB1];
	_ =	sdelay $0x3  }
0x34: {  	[smem:$0x3FB1] =	sst s10  }
0x35: {  	s10 =	sld [smem:$0x3FB0];
	_ =	sdelay $0x3  }
0x36: {  	p1 =	seq.s32 s10, $0x1;
	s10 =	sld [smem:$0x3FB1];
	_ =	sdelay $0x3  }
0x37: {  	[smem:$0x3FB1] =	sst s10  }
0x38: {  	s10 =	sld [smem:$0x3FB2]  }
0x39: {  	_ = 	snop;
	(pc) =	sbr.ind lr, $3  }
0x3a: {  	_ = 	snop  }
0x3b: {  	_ = 	snop  }
0x3c: {  	p2 =	seq.s32 s10, $0x1;
	s10 =	sld [smem:$0x3FB1]  }
0x3d: {  	_ =	shalt  }
0x3e: {  	_ =	shalt  }
0x3f: {  	_ =	shalt  }
0x40: {  	_ =	shalt  }
0x41: {  	_ =	shalt  }
0x42: {  	_ =	shalt  }
0x43: {  	_ =	shalt  }
0x44: {  	_ =	shalt  }
0x45: {  	_ =	shalt  }
0x46: {  	_ =	shalt  }
0x47: {  	_ =	shalt  }
0x48: {  	_ =	shalt  }
0x49: {  	_ =	shalt  }
0x4a: {  	_ =	shalt  }
0x4b: {  	_ =	shalt  }
0x4c: {  	_ =	shalt  }
0x4d: {  	_ =	shalt  }
0x4e: {  	_ =	shalt  }
0x4f: {  	_ =	shalt  }
0x50: {  	_ =	shalt  }
0x51: {  	_ =	shalt  }
0x52: {  	_ =	shalt  }
0x53: {  	_ =	shalt  }
0x54: {  	_ =	shalt  }
0x55: {  	_ =	shalt  }
0x56: {  	_ =	shalt  }
0x57: {  	_ =	shalt  }
0x58: {  	_ =	shalt  }
0x59: {  	_ =	shalt  }
0x5a: {  	_ =	shalt  }
0x5b: {  	_ =	shalt  }
0x5c: {  	_ =	shalt  }
0x5d: {  	_ =	shalt  }
0x5e: {  	_ =	shalt  }
0x5f: {  	_ =	shalt  }
0x60: {  	_ =	shalt  }
0x61: {  	_ =	shalt  }
0x62: {  	_ =	shalt  }
0x63: {  	_ =	shalt  }
0x64: {  	_ =	shalt  }
0x65: {  	_ =	shalt  }
0x66: {  	_ =	shalt  }
0x67: {  	_ =	shalt  }
0x68: {  	_ =	shalt  }
0x69: {  	_ =	shalt  }
0x6a: {  	_ =	shalt  }
0x6b: {  	_ =	shalt  }
0x6c: {  	_ =	shalt  }
0x6d: {  	_ =	shalt  }
0x6e: {  	_ =	shalt  }
0x6f: {  	_ =	shalt  }
0x70: {  	_ =	shalt  }
0x71: {  	_ =	shalt  }
0x72: {  	_ =	shalt  }
0x73: {  	_ =	shalt  }
0x74: {  	_ =	shalt  }
0x75: {  	_ =	shalt  }
0x76: {  	_ =	shalt  }
0x77: {  	_ =	shalt  }
0x78: {  	_ =	shalt  }
0x79: {  	_ =	shalt  }
0x7a: {  	_ =	shalt  }
0x7b: {  	_ =	shalt  }
0x7c: {  	_ =	shalt  }
0x7d: {  	_ =	shalt  }
0x7e: {  	_ =	shalt  }
0x7f: {  	_ =	shalt  }
0x80: {  	_ =	shalt  }
0x81: {  	_ =	shalt  }
0x82: {  	_ =	shalt  }
0x83: {  	_ =	shalt  }
0x84: {  	_ =	shalt  }
0x85: {  	_ =	shalt  }
0x86: {  	_ =	shalt  }
0x87: {  	_ =	shalt  }
.Lfunc_end0:
.L_simem_size_0:
called_computation_lowered:
.L_overlay_start_0:
0x88: {  	s2 =	sld [smem:$0x3FD9]  }
0x89: {  	s3 =	sld [smem:$0x3FFE];
	_ =	sdelay $0x1  }
0x8a: {  	s1 =	srdreg.scid  }
0x8b: {  	s0 =	sand.u32 $0x1, s1  }
0x8c: {  	s17 =	sshll.u32 s0, $0xA;
	s2 =	sadd.s32 s3, s2  }
0x8d: {  	s2 =	sadd.s32 s2, s17  }
0x8e: {  	[smem:$0x3FBD] =	sst s2  }
0x8f: {  	_ = 	snop  }
0x90: {  	s18 =	sld [smem:$0x3FC9]  }
0x91: {  	s4 =	sld [smem:$0x3FC8];
	(tm) =	ssettm $0x1  }
0x92: {  	s19 =	sld [smem:$0x3FFB];
	_ =	sdelay $0x3  }
0x93: {  	_ =	strace s19  }
0x94: {  	s2 =	sld [smem:$0x3FFC];
	_ =	sdelay $0x3  }
0x95: {  	_ =	strace s2  }
0x96: {  	s2 =	sld [smem:$0x3FFD];
	_ =	sdelay $0x3  }
0x97: {  	_ =	strace s2  }
0x98: {  	_ =	strace $0x8FFFFFFF  }
0x99: {  	s20 =	sld [smem:$0x3FDB];
	_ =	sdelay $0x1  }
0x9a: {  	s5 =	simm.s32 $_scs_section_size  }
0x9b: {  	s6 =	simm.s32 $_size__tile_overlayer_lowered;
	s7 =	simm.s32 $_tile_overlayer_lowered  }
0x9c: {  	s8 =	simm.s32 $0x1BFF;
	s21 =	sshll.u32 s7, $0x1;
	s5 =	sadd.s32 s5, s20  }
0x9d: {  	s22 =	simm.s32 $0x0;
	s6 =	sshll.u32 s6, $0x1;
	s7 =	sadd.s32 s21, s5  }
0x9e: {  	[timem:s22], [sflag:s8] =	dma.local [hbm:s7], s6  }
0x9f: {  	_ =	swait.ge [sflag:s8], s6  }
0xa0: {  	s6 =	ssub.s32 $0x0, s6;
	[sflag:s8] =	ssyncset.done $0x0  }
0xa1: {  	[sflag:s8] =	ssyncadd.s32 s6;
	_ =	sdelay $0x1  }
0xa2: {  	s23 =	simm.s32 $0x1B8B  }
0xa3: {  	_ =	swait.ge [sflag:s23], $0x1  }
0xa4: {  	[sflag:s23] =	ssyncset.done $0x0  }
0xa5: {  	[sflag:s23] =	ssyncadd.s32 $0xFFFFFFFF  }
0xa6: {  	s6 =	sld [smem:$0x0]  }
0xa7: {  	s7 =	sand.u32 $0xFFFFFFFE, s1  }
0xa8: {  	p0 =	sne.s32 s1, s7  }
0xa9: {  	s7 =	sshll.u32 @p0 s7, $0xE  }
0xaa: {  	s7 =	sadd.s32 @p0 $0x11B8D, s7;
	s8 =	sshll.u32 @p0 s6, $0x11  }
0xab: {  	s7 =	sor.u32 @p0 s8, s7  }
0xac: {  	[sflag:s7] =	ssyncadd.remote.s32 @p0 $0x1;
	_ =	sdelay $0x1  }
0xad: {  	s7 =	simm.s32 @p0 $0x1B8D  }
0xae: {  	_ =	swait.eq @p0 [sflag:s7], $0x1  }
0xaf: {  	[sflag:s7] =	ssyncadd.s32 @p0 $0xFFFFFFFF  }
0xb0: {  	s8 =	sshll.u32 @!p0 s1, $0xE  }
0xb1: {  	s8 =	sor.u32 @!p0 $0x4000, s8;
	s7 =	simm.s32 @!p0 $0x1B8D  }
0xb2: {  	s6 =	sshll.u32 @!p0 s6, $0x11;
	s8 =	sadd.s32 @!p0 $0x11B8D, s8;
	_ =	swait.eq @!p0 [sflag:s7], $0x1  }
0xb3: {  	s6 =	sor.u32 @!p0 s6, s8;
	[sflag:s7] =	ssyncadd.s32 @!p0 $0xFFFFFFFF  }
0xb4: {  	s25 =	simm.s32 $0x1B8E;
	s24 =	sld [smem:$0x3FFE];
	[sflag:s6] =	ssyncadd.remote.s32 @!p0 $0x1  }
0xb5: {  	s26 =	simm.s32 $execute0_lowered;
	[smem:$0x3FD2] =	sst s25  }
0xb6: {  	s7 =	sshll.u32 s26, $0x1;
	_ =	strace $0x80000050;
	[dreg:$0x1] =	wrdreg $0xFFFFFFFF  }
0xb7: {  	s28 =	simm.s32 $_size_execute0_lowered;
	s5 =	sadd.s32 s5, s7;
	[dreg:$0x0] =	wrdreg $0x0  }
0xb8: {  	s7 =	sshll.u32 s28, $0x1;
	[dreg:$0x2] =	wrdreg s5  }
0xb9: {  	[dreg:$0x3] =	wrdreg s7  }
0xba: {  	[dreg:$0x4] =	wrdreg $0xC0  }
0xbb: {  	_ =	task [dreg:s22], $0x5FFFF  }
0xbc: {  	[dreg:$0x1] =	wrdreg $0xFFFFFFFF  }
0xbd: {  	[dreg:$0x0] =	wrdreg $0x60  }
0xbe: {  	[dreg:$0x2] =	wrdreg s18  }
0xbf: {  	[dreg:$0x3] =	wrdreg s4  }
0xc0: {  	[dreg:$0x4] =	wrdreg s24  }
0xc1: {  	[dreg:$0x5] =	wrdreg $0x9  }
0xc2: {  	_ =	task.clear_ibuf [dreg:s22], $0x6FFFF;
	_ =	strace $0x90000050  }
0xc3: {  	s29 =	simm.s32 $0x9;
	_ =	strace $0x80000059  }
0xc4: {  	_ =	swait.ge [sflag:s29], $0x1  }
0xc5: {  	[sflag:s29] =	ssyncadd.s32 $0xFFFFFFFF  }
0xc6: {  	_ =	strace $0x90000059  }
0xc7: {  	_ =	sfence  }
0xc8: {  	s30 =	sld [smem:$0x0];
	_ =	sdelay $0x2  }
0xc9: {  	s31 =	sshll.u32 s1, $0xD;
	s1 =	sshrl.u32 s1, $0x2  }
0xca: {  	s4 =	sand.u32 $0x4000, s31;
	s1 =	sadd.s32 s1, s30  }
0xcb: {  	s0 =	sor.u32 s4, s0;
	s1 =	sshll.u32 s1, $0x11  }
0xcc: {  	s0 =	sor.u32 s1, s0  }
0xcd: {  	s0 =	sadd.s32 $0x8F2B, s0  }
0xce: {  	[sflag:s0] =	ssyncadd.remote.s32 $0x1  }
0xcf: {  	_ =	sfence.sel $0xFFFF  }
0xd0: {  	[dreg:$0x0] =	wrdreg $0xFFFFFFFF;
	(pc) =	sbr.abs _section_cstart, $3  }
0xd1: {  	[dreg:$0x1] =	wrdreg $0xFFFFFFFF  }
0xd2: {  	_ =	task.clear_ibuf [dreg:s22], $0x2FFFF;
	_ =	strace $0x9FFFFFFF  }
0xd3: {  	(tm) =	ssettm $0x7FFFFFFF  }
tec
execute0_lowered:
.L_overlay_start_1:
0x0: {  	(tag) =	ssettag $0x1  }
0x1: {  	s0 =	rddreg [dreg:$0x0]  }
0x2: {  	s28 =	srdreg.scid;
	s2 =	rddreg [dreg:$0x1]  }
0x3: {  	s4 =	rddreg [dreg:$0x2];
	s1 =	stileid.u32  }
0x4: {  	s3 =	simm.s32 $0x0;
	s10 =	simm.s32 $0x80;
	s5 =	sand.u32 $0x1, s28  }
0x5: {  	s11 =	simm.s32 $0x0;
	[dreg:$0x4] =	wrdreg s0;
	s6 =	sshll.u32 s5, $0x4  }
0x6: {  	[smem:$0x7FF] =	sst s3;
	s9 =	sadd.s32 $0x274C00, s4;
	s6 =	sor.u32 s1, s6  }
0x7: {  	s0 =	rddreg [dreg:$0x3];
	_ =	strace $0x80000051;
	s7 =	smul.u32 $0x27, s6  }
0x8: {  	[dreg:$0x6] =	wrdreg s9;
	s29 =	ssub.s32 $0x2, s5;
	s8 =	smul.u32 $0x28, s6  }
0x9: {  	s5 =	simm.s32 $0x28;
	p0 =	slt.u32 s6, $0x2;
	s4 =	sadd.s32 $0x2, s7  }
0xa: {  	s9 =	simm.s32 $0x1;
	[dreg:$0x5] =	wrdreg s10;
	s4 =	smov.u32 @p0 s8  }
0xb: {  	s10 =	simm.s32 $0x5;
	s31 =	sshrl.u32 s29, $0x1;
	s30 =	sshll.u32 s4, $0x5  }
0xc: {  	s5 =	simm.s32 @!p0 $0x27;
	s8 =	ssub.s32 s29, s31;
	s7 =	sand.u32 $0x1FFFFFE0, s30  }
0xd: {  	s8 =	smax.u32 s8, $0x1;
	s6 =	sadd.s32 s2, s7;
	s7 =	sadd.s32 $0xFFFFFFFF, s5  }
.LBB2_1:
0xe: {  	_ =	strace $0x80000052;
	p2 =	sne.s32 s5, $0x1  }
.Ltmp0:
0xf: {  	p0 =	seq.s32 s5, $0x1;
	s13 =	simm.s32 $0x1;
	(pc) =	sbr.rel @!p2 .LBB2_2-.Ltmp0, $4  }
0x10: {  	[tilespmem:s3], [sflag:$0x1] =	stream.linear.gather [hbm4b:s6+s3], $0x80, $0x200038;
	[tilespmem:$0x8100] =	vst v63  }
0x11: {  	s12 =	simm.s32 $0x1;
	p1 =	por $0x1, $0x1;
	s13 =	simm.s32 @p0 $0x0  }
0x12: {  	p6 =	sgt.u32 s7, $0x0;
	p4 =	por p1, p1;
	p3 =	sne.s32 s13, $0x0  }
0x13: {  	_ =	strace $0x90000052;
	p5 =	por !p6, !p3;
	p6 =	por $0x0, $0x0  }
0x14: {  	p2 =	por !p5, !p5  }
0x15: {  	s21 =	sand.u32 $0x1, s3;
	s19 =	simm.s32 $0x2;
	s14 =	sadd.s32 @p2 s4, s13  }
0x16: {  	p1 =	por p3, p3;
	s15 =	sand.u32 @p2 $0x1, s9;
	s14 =	sshll.u32 @p2 s14, $0x5  }
0x17: {  	_ =	strace @p2 $0x80000053;
	s17 =	simm.s32 @p2 $0x0;
	s14 =	sand.u32 @p2 $0x1FFFFFE0, s14  }
0x18: {  	s16 =	sshll.u32 @p2 s15, $0x7;
	s15 =	sadd.s32 @p2 $0x1, s15;
	s14 =	sadd.s32 @p2 s2, s14  }
0x19: {  	[tilespmem:s16], [sflag:s15] =	stream.linear.gather @p2 [hbm4b:s14+s17], $0x80, $0x200038;
	[tilespmem:$0x8100] =	vst v63  }
0x1a: {  	s30 =	simm.s32 $0x0;
	p6 =	por $0x0, $0x0;
	_ =	strace @p2 $0x90000053  }
0x1b: {  	p0 =	sne.s32 s5, $0x2;
	s29 =	sadd.s32 $0x1, s21;
	_ =	strace $0x80000054  }
0x1c: {  	s24 =	sadd.s32 $0x0, s4;
	p5 =	sgt.u32 s7, $0x1;
	_ =	swait.ge [sflag:s29], $0x80  }
0x1d: {  	s23 =	simm.s32 $0x1;
	s22 =	sshll.u32 s21, $0xE;
	[sflag:s29] =	ssyncset.done $0x0  }
0x1e: {  	s22 =	sor.u32 $0x100, s22;
	s16 =	sand.u32 @!p4 $0x1, s3;
	[sflag:s29] =	ssyncadd.s32 $0xFFFFFF80  }
0x1f: {  	s15 =	simm.s32 $0x1;
	s17 =	sadd.s32 $0x1, s13;
	_ =	strace $0x90000054  }
0x20: {  	s14 =	sand.u32 $0x80, s30;
	s15 =	simm.s32 @!p2 $0x0;
	_ =	strace $0x80000055  }
0x21: {  	p2 =	por p4, p4;
	p4 =	por p6, p6;
	s20 =	rddreg [dreg:$0x5]  }
0x22: {  	p3 =	seq.s32 s17, s5;
	p6 =	seq.s32 s7, $0x0;
	s31 =	rddreg [dreg:$0x4]  }
0x23: {  	[tilespmem:s22], [sflag:$0x5] =	stream.indirect.gather [hbm4b:s31+s20], $0x80, s14, s20, $0x2000b8;
	[tilespmem:$0x8100] =	vst v63  }
.Ltmp1:
0x24: {  	s18 =	sadd.s32 $0x1, s15;
	s17 =	simm.s32 @p3 $0x0;
	(pc) =	sbr.rel @!p0 .LBB2_4-.Ltmp1, $4  }
0x25: {  	p1 =	por p6, p1;
	p6 =	por $0x0, $0x0;
	_ =	swait.ge [sflag:s10], $0x4000  }
0x26: {  	s15 =	simm.s32 $0x0;
	p3 =	sne.s32 s13, s17;
	[sflag:s10] =	ssyncset.done $0x0  }
0x27: {  	s23 =	simm.s32 @!p6 $0x0;
	p5 =	por !p5, !p3;
	[sflag:s10] =	ssyncadd.s32 $0xFFFFC000  }
0x28: {  	s14 =	simm.s32 $0x0;
	s20 =	simm.s32 $0x0;
	_ =	strace $0x90000055  }
.LBB2_5:
0x29: {  	_ =	strace @p1 $0x80000056;
	s14 =	sadd.s32 s23, s14;
	s23 =	smov.u32 s12  }
0x2a: {  	s12 =	smov.u32 s19;
	s19 =	sadd.s32 $0x1, s19;
	p0 =	por p3, p3  }
0x2b: {  	s29 =	sshll.u32 @p1 s24, $0xB;
	s21 =	sadd.s32 @p1 $0x3, s21;
	s25 =	simm.s32 @!p0 $0x0  }
0x2c: {  	s26 =	rddreg [dreg:$0x6];
	s29 =	sand.u32 @p1 $0x1FFFF800, s29;
	s25 =	simm.s32 @p0 $0x1  }
0x2d: {  	s26 =	sadd.s32 @p1 s26, s29;
	s29 =	simm.s32 @p1 $0x0;
	p0 =	sne.s32 s5, s19  }
0x2e: {  	[hbm4b:s26+s29] =	stream.linear.scatter @p1 [tilespmem:s22], [sflag:s21], $0x4000, $0x200038;
	[tilespmem:$0x8100] =	vst v63  }
0x2f: {  	s21 =	sadd.s32 @!p2 $0x3, s16;
	s16 =	simm.s32 @!p0 $0x0  }
0x30: {  	s28 =	simm.s32 $0x1;
	[smem:$0x7FC] =	sst s25;
	s16 =	simm.s32 @p0 $0x1  }
0x31: {  	s28 =	simm.s32 @!p1 $0x0;
	_ =	strace @p1 $0x90000056;
	[smem:$0x7FD] =	sst s16  }
0x32: {  	s20 =	sadd.s32 s28, s20;
	s25 =	sand.u32 @!p4 $0x1, s14;
	_ =	strace @!p2 $0x80000057  }
0x33: {  	p1 =	por !p5, !p5;
	s16 =	smov.u32 s25;
	_ =	swait.ge @!p2 [sflag:s21], $0x4000  }
0x34: {  	s22 =	sand.u32 @p1 $0x1, s18;
	s25 =	sadd.s32 @p1 s4, s17;
	[sflag:s21] =	ssyncset.done @!p2 $0x0  }
0x35: {  	s26 =	sshll.u32 @p1 s22, $0x7;
	s25 =	sshll.u32 @p1 s25, $0x5;
	[sflag:s21] =	ssyncadd.s32 @!p2 $0xFFFFC000  }
0x36: {  	s21 =	sadd.s32 @p1 $0x1, s22;
	s22 =	sand.u32 @p1 $0x1FFFFFE0, s25;
	_ =	strace @!p2 $0x90000057  }
0x37: {  	s25 =	simm.s32 @p1 $0x0;
	s22 =	sadd.s32 @p1 s2, s22;
	_ =	strace @p1 $0x80000053  }
0x38: {  	[tilespmem:s26], [sflag:s21] =	stream.linear.gather @p1 [hbm4b:s22+s25], $0x80, $0x200038;
	[tilespmem:$0x8100] =	vst v63  }
0x39: {  	s15 =	sadd.s32 s28, s15;
	s28 =	sand.u32 $0x1, s20;
	_ =	strace @p1 $0x90000053  }
0x3a: {  	s28 =	sadd.s32 $0x1, s28;
	_ =	strace $0x80000054  }
0x3b: {  	_ =	swait.ge [sflag:s28], $0x80  }
0x3c: {  	[sflag:s28] =	ssyncset.done $0x0  }
0x3d: {  	s21 =	simm.s32 $0x1;
	[sflag:s28] =	ssyncadd.s32 $0xFFFFFF80  }
0x3e: {  	s21 =	simm.s32 @!p1 $0x0;
	_ =	strace $0x90000054  }
0x3f: {  	s18 =	sadd.s32 s21, s18;
	s21 =	sand.u32 $0x1, s15;
	_ =	strace $0x80000055  }
0x40: {  	s31 =	sshll.u32 s20, $0x7;
	s29 =	sshll.u32 s21, $0xE;
	s25 =	rddreg [dreg:$0x5]  }
0x41: {  	s31 =	sand.u32 $0x80, s31;
	s22 =	sor.u32 $0x100, s29;
	s26 =	rddreg [dreg:$0x4]  }
0x42: {  	[tilespmem:s22], [sflag:$0x5] =	stream.indirect.gather [hbm4b:s26+s25], $0x80, s31, s25, $0x2000b8;
	[tilespmem:$0x8100] =	vst v63  }
0x43: {  	_ =	swait.ge [sflag:s10], $0x4000  }
0x44: {  	[sflag:s10] =	ssyncset.done $0x0  }
0x45: {  	[sflag:s10] =	ssyncadd.s32 $0xFFFFC000  }
0x46: {  	s30 =	sadd.s32 $0x1, s17;
	_ =	strace $0x90000055  }
0x47: {  	s24 =	sadd.s32 s4, s13;
	s13 =	smov.u32 s17;
	s31 =	sld [smem:$0x7FD]  }
0x48: {  	p0 =	sne.s32 s23, $0x0;
	s17 =	smov.u32 s30;
	p1 =	seq.s32 s30, s5  }
0x49: {  	s17 =	simm.s32 @p1 $0x0;
	p1 =	seq.s32 s7, s23;
	s23 =	simm.s32 $0x1  }
0x4a: {  	s23 =	simm.s32 @!p0 $0x0;
	p0 =	seq.s32 s31, $0x1  }
.Ltmp2:
0x4b: {  	s30 =	sld [smem:$0x7FC];
	(pc) =	sbr.rel @p0 .LBB2_5-.Ltmp2, $4  }
0x4c: {  	p3 =	seq.s32 s12, $0x0  }
0x4d: {  	p6 =	por p3, p3;
	p5 =	slt.u32 s12, s7  }
0x4e: {  	p2 =	por p4, p4;
	p3 =	sne.s32 s13, s17;
	p4 =	seq.s32 s30, $0x1  }
0x4f: {  	p5 =	por !p5, !p3;
	p1 =	por p1, p4;
	p4 =	por p6, p6  }
0x50: {  	p6 =	por $0x1, $0x1  }
.LBB2_7:
0x51: {  	p0 =	por !p1, !p6  }
0x52: {  	s25 =	simm.s32 $0x1;
	_ =	strace @!p0 $0x80000056;
	s24 =	sshll.u32 @!p0 s24, $0xB  }
0x53: {  	p2 =	por p2, !p6;
	s19 =	rddreg [dreg:$0x6];
	s24 =	sand.u32 @!p0 $0x1FFFF800, s24  }
0x54: {  	s21 =	sadd.s32 @!p0 $0x3, s21;
	s19 =	sadd.s32 @!p0 s19, s24;
	s24 =	simm.s32 @!p0 $0x0  }
0x55: {  	[hbm4b:s19+s24] =	stream.linear.scatter @!p0 [tilespmem:s22], [sflag:s21], $0x4000, $0x200038;
	[tilespmem:$0x8100] =	vst v63  }
0x56: {  	p1 =	por !p5, !p5;
	s25 =	simm.s32 @p0 $0x0;
	_ =	strace @!p0 $0x90000056  }
0x57: {  	s16 =	sadd.s32 @!p2 $0x3, s16;
	s17 =	sadd.s32 @p1 s4, s17;
	_ =	strace @!p2 $0x80000057  }
0x58: {  	s18 =	sand.u32 @p1 $0x1, s18;
	s17 =	sshll.u32 @p1 s17, $0x5;
	_ =	swait.ge @!p2 [sflag:s16], $0x4000  }
0x59: {  	s17 =	sand.u32 @p1 $0x1FFFFFE0, s17;
	s19 =	sadd.s32 @p6 s25, s20;
	[sflag:s16] =	ssyncset.done @!p2 $0x0  }
0x5a: {  	s20 =	simm.s32 $0x0;
	s17 =	sadd.s32 @p1 s2, s17;
	[sflag:s16] =	ssyncadd.s32 @!p2 $0xFFFFC000  }
0x5b: {  	s20 =	smov.u32 @p6 s19;
	s19 =	sshll.u32 @p1 s18, $0x7;
	_ =	strace @!p2 $0x90000057  }
0x5c: {  	s16 =	sadd.s32 @p1 $0x1, s18;
	s18 =	simm.s32 @p1 $0x0;
	_ =	strace @p1 $0x80000053  }
0x5d: {  	[tilespmem:s19], [sflag:s16] =	stream.linear.gather @p1 [hbm4b:s17+s18], $0x80, $0x200038;
	[tilespmem:$0x8100] =	vst v63  }
0x5e: {  	s26 =	sand.u32 $0x1, s20;
	_ =	strace @p1 $0x90000053  }
0x5f: {  	s16 =	sadd.s32 $0x1, s26;
	_ =	strace $0x80000054  }
0x60: {  	_ =	swait.ge [sflag:s16], $0x80  }
0x61: {  	[sflag:s16] =	ssyncset.done $0x0  }
0x62: {  	s15 =	sadd.s32 @p6 s25, s15;
	[sflag:s16] =	ssyncadd.s32 $0xFFFFFF80;
	s16 =	simm.s32 $0x0  }
0x63: {  	_ =	strace $0x90000054;
	s16 =	smov.u32 @p6 s15  }
0x64: {  	_ =	strace $0x80000055;
	s16 =	sand.u32 $0x1, s16  }
0x65: {  	s30 =	sshll.u32 s20, $0x7;
	s28 =	rddreg [dreg:$0x5];
	s31 =	sshll.u32 s16, $0xE  }
0x66: {  	s18 =	sand.u32 $0x80, s30;
	s29 =	rddreg [dreg:$0x4];
	s19 =	sor.u32 $0x100, s31  }
0x67: {  	[tilespmem:s19], [sflag:$0x5] =	stream.indirect.gather [hbm4b:s29+s28], $0x80, s18, s28, $0x2000b8;
	[tilespmem:$0x8100] =	vst v63  }
0x68: {  	_ =	swait.ge [sflag:s10], $0x4000  }
0x69: {  	p3 =	por p3, p3;
	[sflag:s10] =	ssyncset.done $0x0  }
0x6a: {  	p5 =	seq.s32 s7, s12;
	s13 =	sadd.s32 s4, s13;
	[sflag:s10] =	ssyncadd.s32 $0xFFFFC000  }
0x6b: {  	s14 =	sadd.s32 @p6 s23, s14;
	p1 =	por p5, p3;
	_ =	strace $0x90000055  }
0x6c: {  	s17 =	simm.s32 $0x0;
	s13 =	sshll.u32 @p1 s13, $0xB;
	_ =	strace @p1 $0x80000056  }
0x6d: {  	s17 =	smov.u32 @p6 s14;
	s13 =	sand.u32 @p1 $0x1FFFF800, s13;
	s15 =	rddreg [dreg:$0x6]  }
0x6e: {  	s14 =	sadd.s32 @p1 $0x3, s16;
	s13 =	sadd.s32 @p1 s15, s13;
	s15 =	simm.s32 @p1 $0x0  }
0x6f: {  	[hbm4b:s13+s15] =	stream.linear.scatter @p1 [tilespmem:s19], [sflag:s14], $0x4000, $0x200038;
	[tilespmem:$0x8100] =	vst v63  }
0x70: {  	p0 =	por p4, p4;
	s13 =	sand.u32 @!p4 $0x1, s17;
	_ =	strace @p1 $0x90000056  }
0x71: {  	s13 =	sadd.s32 @!p0 $0x3, s13;
	_ =	strace @!p0 $0x80000057  }
0x72: {  	p1 =	sne.s32 s12, $0x0;
	s12 =	simm.s32 $0x1;
	_ =	swait.ge @!p0 [sflag:s13], $0x4000  }
0x73: {  	s12 =	simm.s32 @!p1 $0x0;
	[sflag:s13] =	ssyncset.done @!p0 $0x0  }
0x74: {  	s11 =	sadd.s32 $0x1, s11;
	s12 =	sadd.s32 s12, s17;
	[sflag:s13] =	ssyncadd.s32 @!p0 $0xFFFFC000  }
0x75: {  	s12 =	sand.u32 $0x1, s12;
	_ =	strace @!p0 $0x90000057;
	p0 =	sne.s32 s11, s8  }
.Ltmp3:
0x76: {  	s12 =	sadd.s32 $0x3, s12;
	_ =	strace $0x80000058;
	(pc) =	sbr.rel @p0 .LBB2_1-.Ltmp3, $4  }
.Ltmp4:
0x77: {  	_ =	swait.ge [sflag:s12], $0x4000;
	(pc) =	sbr.rel @!p0 .LBB2_8-.Ltmp4, $4  }
0x78: {  	[sflag:s12] =	ssyncset.done $0x0  }
0x79: {  	[sflag:s12] =	ssyncadd.s32 $0xFFFFC000  }
0x7a: {  	_ =	strace $0x90000058  }
0x7b: {  	_ = 	snop  }
.LBB2_2:
.Ltmp5:
0x7c: {  	(pc) =	sbr.rel .LBB2_7-.Ltmp5, $4  }
0x7d: {  	_ = 	snop  }
0x7e: {  	s14 =	simm.s32 $0x0  }
0x7f: {  	s12 =	simm.s32 $0x0;
	s15 =	simm.s32 $0x0;
	s17 =	smov.u32 s13  }
0x80: {  	s20 =	simm.s32 $0x0;
	s18 =	simm.s32 $0x1;
	s13 =	simm.s32 $0x0  }
.LBB2_4:
.Ltmp6:
0x81: {  	(pc) =	sbr.rel .LBB2_7-.Ltmp6, $3  }
0x82: {  	_ =	sdelay $0x1  }
0x83: {  	s14 =	simm.s32 $0x0  }
0x84: {  	s15 =	simm.s32 $0x0;
	s20 =	simm.s32 $0x0;
	p6 =	por $0x1, $0x1  }
.LBB2_8:
0x85: {  	_ =	sfence.sel $0x180000  }
0x86: {  	[bflag:$0x0] =	sbarrier.arrive $0xFFFF  }
0x87: {  	p0 =	sne.s32 s1, $0x0;
	_ =	strace $0x90000051  }
0x88: {  	s0 =	sadd.s32 @!p0 $0x100000, s0;
	[bflag:$0x2] =	sbarrier.arrive $0xFFFF  }
0x89: {  	[sflag:s0] =	ssyncadd.tile.s32 @!p0 $0x1;
	_ =	shalt  }
.Lfunc_end2:
_tile_overlayer_lowered:
.L_overlay_start_2:
0x8a: {  	(tag) =	ssettag $0x2  }
0x8b: {  	s0 =	rddreg [dreg:$0x0];
	s2 =	stileid.u32  }
0x8c: {  	s1 =	rddreg [dreg:$0x1];
	p0 =	sne.s32 s2, $0x0  }
0x8d: {  	s3 =	rddreg [dreg:$0x2];
	[bflag:$0x3] =	sbarrier.arrive $0xFFFF;
	s2 =	simm.s32 @!p0 $0x1C01  }
0x8e: {  	[timem:s3], [sflag:s2] =	dma.local @!p0 [hbm:s0], s1  }
0x8f: {  	s0 =	simm.s32 @!p0 $0x1  }
0x90: {  	_ =	swait.ge @!p0 [sflag:s0], s1  }
0x91: {  	s1 =	ssub.s32 @!p0 $0x0, s1;
	[sflag:s0] =	ssyncset.done @!p0 $0x0  }
0x92: {  	[sflag:s0] =	ssyncadd.s32 @!p0 s1  }
0x93: {  	[bflag:$0x3] =	sbarrier.arrive $0xFFFF  }
0x94: {  	_ =	shalt  }

</sc_bundles>
